<compile_context>
chip_gen: v7x
topology: tpu7x:2x2x1
jax: 0.10.2.dev20260603
libtpu: 0.0.44.dev20260713+nightly
codegen_flags: <defaults>
</compile_context>

<pallas_src>
import functools

import jax
import jax.numpy as jnp
from jax import lax
from jax.experimental import pallas as pl
from jax.experimental.pallas import tpu as pltpu
from jax.experimental.pallas import tpu_sc as plsc


NC = 2
NS = 16
L = 16
NW = NC * NS


def _sc_mesh():
  return plsc.VectorSubcoreMesh(core_axis_name="c", subcore_axis_name="s")


def _sc_degree_histogram(e_total, n_nodes):
  ec = 10240
  ec_last = e_total - (NW - 1) * ec
  assert ec_last > 0 and ec_last % 512 == 0
  npad = ((n_nodes + NS * L - 1) // (NS * L)) * (NS * L)
  rs = npad // NS

  @functools.partial(
      pl.kernel,
      out_type=jax.ShapeDtypeStruct((NW * npad,), jnp.int32),
      mesh=_sc_mesh(),
      compiler_params=pltpu.CompilerParams(needs_layout_passes=False),
      scratch_types=[
          pltpu.VMEM((2, ec), jnp.int32),
          pltpu.VMEM((npad,), jnp.int32),
          pltpu.SemaphoreType.DMA,
      ],
  )
  def hist_kernel(ei_hbm, deg_hbm, idx_v, hist_v, sem):
    cid = lax.axis_index("c")
    sid = lax.axis_index("s")
    wid = cid * NS + sid

    zeros = jnp.zeros((L,), jnp.int32)
    ones = jnp.ones((L,), jnp.int32)
    hu = 16

    def do_hist(csz):
      half = csz // 2
      assert half % (L * hu) == 0
      off = wid * ec
      cp0 = pltpu.async_copy(
          ei_hbm.at[:, pl.ds(off, half)], idx_v.at[:, pl.ds(0, half)], sem)
      cp1 = pltpu.async_copy(
          ei_hbm.at[:, pl.ds(off + half, half)],
          idx_v.at[:, pl.ds(half, half)], sem)

      zu = 8
      assert npad % (L * zu) == 0

      def zbody(i, _):
        for u in range(zu):
          hist_v[pl.ds((i * zu + u) * L, L)] = zeros
        return 0

      lax.fori_loop(0, npad // (L * zu), zbody, 0)

      def hbody(e, _):
        idxs = [idx_v[1, pl.ds((e * hu + u) * L, L)] for u in range(hu)]
        for u in range(hu):
          plsc.addupdate_scatter(hist_v, [idxs[u]], ones)
        return 0

      cp0.wait()
      lax.fori_loop(0, half // (L * hu), hbody, 0)
      cp1.wait()
      lax.fori_loop(half // (L * hu), csz // (L * hu), hbody, 0)

    @pl.when(wid < NW - 1)
    def _():
      do_hist(ec)

    @pl.when(wid == NW - 1)
    def _():
      do_hist(ec_last)

    pltpu.sync_copy(hist_v, deg_hbm.at[pl.ds(wid * npad, npad)])

  return hist_kernel, npad


def _tc_matmul(x, W, b2, block_rows):
  n, dfeat = x.shape
  emb = W.shape[0]
  assert n % block_rows == 0

  def body(x_ref, w_ref, b_ref, o_ref):
    o_ref[...] = lax.dot_general(
        x_ref[...], w_ref[...],
        dimension_numbers=(((1,), (1,)), ((), ())),
        preferred_element_type=jnp.float32) + b_ref[...]

  return pl.pallas_call(
      body,
      grid=(n // block_rows,),
      in_specs=[
          pl.BlockSpec((block_rows, dfeat), lambda i: (i, 0)),
          pl.BlockSpec((emb, dfeat), lambda i: (0, 0)),
          pl.BlockSpec((1, emb), lambda i: (0, 0)),
      ],
      out_specs=pl.BlockSpec((block_rows, emb), lambda i: (i, 0)),
      out_shape=jax.ShapeDtypeStruct((n, emb), jnp.float32),
  )(x, W, b2)


def _sc_combine(deg2, degree_table, feat, n_nodes):
  npad = deg2.shape[0] // NW
  vocab, emb = degree_table.shape
  rs = npad // NW
  last = n_nodes - (NW - 1) * rs
  nch = 8
  gc = rs // nch
  lch = last // gc
  assert rs % nch == 0 and rs % L == 0 and gc <= 128 and gc % 8 == 0
  assert last % gc == 0 and 0 < lch < nch

  @functools.partial(
      pl.kernel,
      out_type=jax.ShapeDtypeStruct((n_nodes, emb), jnp.float32),
      mesh=_sc_mesh(),
      compiler_params=pltpu.CompilerParams(needs_layout_passes=False),
      scratch_types=[
          pltpu.VMEM((NW * rs,), jnp.int32),
          pltpu.VMEM((rs,), jnp.int32),
          pltpu.VMEM((rs, emb), jnp.float32),
          pltpu.VMEM_SHARED((vocab, emb), jnp.float32),
          pltpu.SemaphoreType.DMA,
          pltpu.SemaphoreType.DMA,
      ] + [pltpu.SemaphoreType.DMA] * 8,
  )
  def combine_kernel(deg_hbm, tab_hbm, feat_hbm, out_hbm,
                     pc_v, ii_v, acc_v, tab_sp, sem_d, sem_o, *scs):
    cid = lax.axis_index("c")
    sid = lax.axis_index("s")
    wid = cid * NS + sid
    base = wid * rs
    is_last = wid == NW - 1

    pc_cp = []
    for w in range(NW):
      pc_cp.append(pltpu.async_copy(
          deg_hbm.at[pl.ds(w * npad + base, rs)],
          pc_v.at[pl.ds(w * rs, rs)], sem_d))

    def fire_feat(k):
      return pltpu.async_copy(feat_hbm.at[pl.ds(base + k * gc, gc)],
                              acc_v.at[pl.ds(k * gc, gc)], scs[k])

    cps = [fire_feat(k) for k in range(lch)]

    @pl.when(~is_last)
    def _():
      for k in range(lch, nch):
        fire_feat(k)

    tslice = vocab // NS
    pltpu.sync_copy(tab_hbm.at[pl.ds(sid * tslice, tslice)],
                    tab_sp.at[pl.ds(sid * tslice, tslice)])

    for cp in pc_cp:
      cp.wait()

    def ibody(j, _):
      vals = [pc_v[pl.ds(w * rs + j * L, L)] for w in range(NW)]
      while len(vals) > 1:
        vals = [a + b for a, b in zip(vals[::2], vals[1::2])]
      ii_v[pl.ds(j * L, L)] = jnp.minimum(vals[0], vocab - 1)
      return 0

    lax.fori_loop(0, rs // L, ibody, 0)

    plsc.subcore_barrier()

    def fire_gather(k):
      return pltpu.async_copy(tab_sp.at[ii_v.at[pl.ds(k * gc, gc)]],
                              acc_v.at[pl.ds(k * gc, gc)], scs[k], add=True)

    def fire_out(k):
      pltpu.async_copy(acc_v.at[pl.ds(k * gc, gc)],
                       out_hbm.at[pl.ds(base + k * gc, gc)], sem_o)

    g = [None] * nch
    cps[0].wait()
    g[0] = fire_gather(0)
    for k in range(1, lch):
      cps[k].wait()
      g[k] = fire_gather(k)
      g[k - 1].wait()
      fire_out(k - 1)

    @pl.when(~is_last)
    def _():
      gprev = g[lch - 1]
      for k in range(lch, nch):
        pltpu.make_async_copy(feat_hbm.at[pl.ds(base + k * gc, gc)],
                              acc_v.at[pl.ds(k * gc, gc)], scs[k]).wait()
        gk = fire_gather(k)
        gprev.wait()
        fire_out(k - 1)
        gprev = gk
      gprev.wait()
      fire_out(nch - 1)
      for k in range(nch):
        pltpu.make_async_copy(acc_v.at[pl.ds(k * gc, gc)],
                              out_hbm.at[pl.ds(base + k * gc, gc)],
                              sem_o).wait()

    @pl.when(is_last)
    def _():
      g[lch - 1].wait()
      fire_out(lch - 1)
      for k in range(lch):
        pltpu.make_async_copy(acc_v.at[pl.ds(k * gc, gc)],
                              out_hbm.at[pl.ds(base + k * gc, gc)],
                              sem_o).wait()

  return combine_kernel(deg2, degree_table, feat)


def kernel(x, edge_index, W, b, degree_table):
  n = x.shape[0]
  e_total = edge_index.shape[1]
  hist_kernel, _ = _sc_degree_histogram(e_total, n)
  deg2 = hist_kernel(edge_index)
  feat = _tc_matmul(x, W, b.reshape(1, -1), block_rows=2000)
  return _sc_combine(deg2, degree_table, feat, n)

# --- scband reference (transcript-rebuilt; emitter-appended) ---
"""Pipeline reference for scband-node-features-10977936408863 (READ-ONLY COPY).

The authoritative reference and input builder live on the scoring server;
editing this copy changes nothing except your own understanding.
"""

import jax, jax.numpy as jnp
import numpy as np

N_NODES = 10000
N_EDGES = 320000
D_FEAT = 128
EMB_DIM = 128
DEG_VOCAB = 512


def setup_inputs(seed: int = 0) -> dict:
    key = jax.random.key(seed)
    k1, k2, k3, k4 = jax.random.split(key, 4)
    x = jax.random.normal(k1, (N_NODES, D_FEAT), dtype=jnp.float32)
    edge_index = jax.random.randint(k2, (2, N_EDGES), 0, N_NODES)
    # node_encoder: nn.Linear(feature_num, embedding_dim), init_params -> std=0.02/sqrt(layer=2), bias zero
    W = jax.random.normal(k3, (EMB_DIM, D_FEAT), dtype=jnp.float32) * (0.02 / np.sqrt(2.0))
    b = jnp.zeros((EMB_DIM,), dtype=jnp.float32)
    # degree_encoder: nn.Embedding(degree, embedding_dim, padding_idx=0); init_params overwrites ALL rows with std=0.02 normal
    degree_table = jax.random.normal(k4, (DEG_VOCAB, EMB_DIM), dtype=jnp.float32) * 0.02
    return {"x": x, "edge_index": edge_index, "W": W, "b": b, "degree_table": degree_table}


def reference(x, edge_index, W, b, degree_table):
    # row, col = data.edge_index
    col = edge_index[1]
    # x_degree = degree(col, num_nodes, dtype=x.dtype)  -> scatter-add of ones
    deg = jnp.zeros((x.shape[0],), dtype=x.dtype).at[col].add(1.0)
    # node_feature = self.node_encoder(data.x)  (Linear)
    node_feature = x @ W.T + b
    # node_feature += self.degree_encoder(x_degree.long())  (embedding gather)
    deg_idx = deg.astype(jnp.int32)
    node_feature = node_feature + jnp.take(degree_table, deg_idx, axis=0)
    return node_feature

if __name__ == "__main__":
    import jax
    _d = setup_inputs()
    print(jax.jit(kernel)(*tuple(_d.values())))

</pallas_src>

<mosaic_0001>
#map = affine_map<(d0, d1) -> (0, 0)>
#map1 = affine_map<(d0, d1) -> (0)>
module attributes {stable_mosaic.version = 14 : i64} {
  func.func @hist_kernel(%arg0: i32, %arg1: i32, %arg2: memref<2x320000xi32, #tpu.memory_space<hbm>>, %arg3: memref<327680xi32, #tpu.memory_space<hbm>>, %arg4: memref<2x10240xi32, #tpu.memory_space<vmem>>, %arg5: memref<10240xi32, #tpu.memory_space<vmem>>, %arg6: memref<!tpu.dma_semaphore, #tpu.memory_space<semaphore_mem>>) attributes {dimension_semantics = [#tpu.dimension_semantics<core_parallel>, #tpu.dimension_semantics<subcore_parallel>], iteration_bounds = array<i64: 2, 16>, scalar_prefetch = 0 : i64, scratch_operands = 3 : i64, tpu.core_type = #tpu.core_type<sc_vector_subcore>, window_params = [{transform_indices = #map}, {transform_indices = #map1}]} {
    %mul3A = arith.constant 16 : i32
    %mul3A_0 = arith.muli %arg0, %mul3A : i32
    %add3A = arith.addi %mul3A_0, %arg1 : i32
    %broadcast_in_dim3A = arith.constant 0 : i32
    %broadcast_in_dim3A_1 = vector.broadcast %broadcast_in_dim3A : i32 to vector<16xi32>
    %broadcast_in_dim3A_2 = arith.constant 1 : i32
    %broadcast_in_dim3A_3 = vector.broadcast %broadcast_in_dim3A_2 : i32 to vector<16xi32>
    %lt3A = arith.constant 31 : i32
    %lt3A_4 = arith.cmpi slt, %add3A, %lt3A : i32
    %convert_element_type3A = arith.extui %lt3A_4 : i1 to i32
    %cond3A = arith.constant 0 : i32
    %cond3A_5 = arith.cmpi ne, %convert_element_type3A, %cond3A : i32
    scf.if %cond3A_5 {
      %mul3A_12 = arith.constant 10240 : i32
      %mul3A_13 = arith.muli %add3A, %mul3A_12 : i32
      %dma_start3A = arith.constant 0 : i32
      %dma_start3A_14 = arith.constant 0 : i32
      %dma_start3A_15 = tpu.memref_slice %arg4[%dma_start3A, %dma_start3A_14] : memref<2x10240xi32, #tpu.memory_space<vmem>> -> memref<2x5120xi32, #tpu.memory_space<vmem>>
      %dma_start3A_16 = arith.constant 0 : i32
      %dma_start3A_17 = tpu.memref_slice %arg2[%dma_start3A_16, %mul3A_13] : memref<2x320000xi32, #tpu.memory_space<hbm>> -> memref<2x5120xi32, #tpu.memory_space<hbm>>
      %dma_start3A_18 = arith.constant 0 : i32
      %dma_start3A_19 = arith.constant 0 : i32
      %dma_start3A_20 = tpu.memref_slice %arg4[%dma_start3A_18, %dma_start3A_19] : memref<2x10240xi32, #tpu.memory_space<vmem>> -> memref<2x5120xi32, #tpu.memory_space<vmem>>
      %dma_start3A_21 = arith.constant 0 : i32
      %dma_start3A_22 = tpu.memref_slice %arg2[%dma_start3A_21, %mul3A_13] : memref<2x320000xi32, #tpu.memory_space<hbm>> -> memref<2x5120xi32, #tpu.memory_space<hbm>>
      tpu.enqueue_dma source(%dma_start3A_22 : memref<2x5120xi32, #tpu.memory_space<hbm>>) target(%dma_start3A_20 : memref<2x5120xi32, #tpu.memory_space<vmem>>) target_semaphore(%arg6 : memref<!tpu.dma_semaphore, #tpu.memory_space<semaphore_mem>>)
      %add3A_23 = arith.constant 5120 : i32
      %add3A_24 = arith.addi %mul3A_13, %add3A_23 : i32
      %dma_start3A_25 = arith.constant 0 : i32
      %dma_start3A_26 = arith.constant 5120 : i32
      %dma_start3A_27 = tpu.memref_slice %arg4[%dma_start3A_25, %dma_start3A_26] : memref<2x10240xi32, #tpu.memory_space<vmem>> -> memref<2x5120xi32, #tpu.memory_space<vmem>>
      %dma_start3A_28 = arith.constant 0 : i32
      %dma_start3A_29 = tpu.memref_slice %arg2[%dma_start3A_28, %add3A_24] : memref<2x320000xi32, #tpu.memory_space<hbm>> -> memref<2x5120xi32, #tpu.memory_space<hbm>>
      %dma_start3A_30 = arith.constant 0 : i32
      %dma_start3A_31 = arith.constant 5120 : i32
      %dma_start3A_32 = tpu.memref_slice %arg4[%dma_start3A_30, %dma_start3A_31] : memref<2x10240xi32, #tpu.memory_space<vmem>> -> memref<2x5120xi32, #tpu.memory_space<vmem>>
      %dma_start3A_33 = arith.constant 0 : i32
      %dma_start3A_34 = tpu.memref_slice %arg2[%dma_start3A_33, %add3A_24] : memref<2x320000xi32, #tpu.memory_space<hbm>> -> memref<2x5120xi32, #tpu.memory_space<hbm>>
      tpu.enqueue_dma source(%dma_start3A_34 : memref<2x5120xi32, #tpu.memory_space<hbm>>) target(%dma_start3A_32 : memref<2x5120xi32, #tpu.memory_space<vmem>>) target_semaphore(%arg6 : memref<!tpu.dma_semaphore, #tpu.memory_space<semaphore_mem>>)
      %scan3A = arith.constant 0 : i32
      %scan3A_35 = arith.constant 0 : i32
      %scan3A_36 = arith.constant 80 : i32
      %scan3A_37 = arith.addi %scan3A_35, %scan3A_36 : i32
      %scan3A_38 = arith.constant 1 : i32
      %scan3A_39 = scf.for %scan3A_74 = %scan3A_35 to %scan3A_37 step %scan3A_38 iter_args(%scan3A_75 = %scan3A) -> (i32)  : i32 {
        %mul3A_76 = arith.constant 8 : i32
        %mul3A_77 = arith.muli %scan3A_74, %mul3A_76 : i32
        %add3A_78 = arith.constant 0 : i32
        %add3A_79 = arith.addi %mul3A_77, %add3A_78 : i32
        %mul3A_80 = arith.constant 16 : i32
        %mul3A_81 = arith.muli %add3A_79, %mul3A_80 : i32
        %swap3A = arith.index_cast %mul3A_81 : i32 to index
        %swap3A_82 = tpu.vector_load %arg5[%swap3A] {strides = array<i32>} : memref<10240xi32, #tpu.memory_space<vmem>>, vector<16xi32>,
        tpu.vector_store %arg5[%swap3A], %broadcast_in_dim3A_1 {strides = array<i32>} : memref<10240xi32, #tpu.memory_space<vmem>>, vector<16xi32>,
        %mul3A_83 = arith.constant 8 : i32
        %mul3A_84 = arith.muli %scan3A_74, %mul3A_83 : i32
        %add3A_85 = arith.constant 1 : i32
        %add3A_86 = arith.addi %mul3A_84, %add3A_85 : i32
        %mul3A_87 = arith.constant 16 : i32
        %mul3A_88 = arith.muli %add3A_86, %mul3A_87 : i32
        %swap3A_89 = arith.index_cast %mul3A_88 : i32 to index
        %swap3A_90 = tpu.vector_load %arg5[%swap3A_89] {strides = array<i32>} : memref<10240xi32, #tpu.memory_space<vmem>>, vector<16xi32>,
        tpu.vector_store %arg5[%swap3A_89], %broadcast_in_dim3A_1 {strides = array<i32>} : memref<10240xi32, #tpu.memory_space<vmem>>, vector<16xi32>,
        %mul3A_91 = arith.constant 8 : i32
        %mul3A_92 = arith.muli %scan3A_74, %mul3A_91 : i32
        %add3A_93 = arith.constant 2 : i32
        %add3A_94 = arith.addi %mul3A_92, %add3A_93 : i32
        %mul3A_95 = arith.constant 16 : i32
        %mul3A_96 = arith.muli %add3A_94, %mul3A_95 : i32
        %swap3A_97 = arith.index_cast %mul3A_96 : i32 to index
        %swap3A_98 = tpu.vector_load %arg5[%swap3A_97] {strides = array<i32>} : memref<10240xi32, #tpu.memory_space<vmem>>, vector<16xi32>,
        tpu.vector_store %arg5[%swap3A_97], %broadcast_in_dim3A_1 {strides = array<i32>} : memref<10240xi32, #tpu.memory_space<vmem>>, vector<16xi32>,
        %mul3A_99 = arith.constant 8 : i32
        %mul3A_100 = arith.muli %scan3A_74, %mul3A_99 : i32
        %add3A_101 = arith.constant 3 : i32
        %add3A_102 = arith.addi %mul3A_100, %add3A_101 : i32
        %mul3A_103 = arith.constant 16 : i32
        %mul3A_104 = arith.muli %add3A_102, %mul3A_103 : i32
        %swap3A_105 = arith.index_cast %mul3A_104 : i32 to index
        %swap3A_106 = tpu.vector_load %arg5[%swap3A_105] {strides = array<i32>} : memref<10240xi32, #tpu.memory_space<vmem>>, vector<16xi32>,
        tpu.vector_store %arg5[%swap3A_105], %broadcast_in_dim3A_1 {strides = array<i32>} : memref<10240xi32, #tpu.memory_space<vmem>>, vector<16xi32>,
        %mul3A_107 = arith.constant 8 : i32
        %mul3A_108 = arith.muli %scan3A_74, %mul3A_107 : i32
        %add3A_109 = arith.constant 4 : i32
        %add3A_110 = arith.addi %mul3A_108, %add3A_109 : i32
        %mul3A_111 = arith.constant 16 : i32
        %mul3A_112 = arith.muli %add3A_110, %mul3A_111 : i32
        %swap3A_113 = arith.index_cast %mul3A_112 : i32 to index
        %swap3A_114 = tpu.vector_load %arg5[%swap3A_113] {strides = array<i32>} : memref<10240xi32, #tpu.memory_space<vmem>>, vector<16xi32>,
        tpu.vector_store %arg5[%swap3A_113], %broadcast_in_dim3A_1 {strides = array<i32>} : memref<10240xi32, #tpu.memory_space<vmem>>, vector<16xi32>,
        %mul3A_115 = arith.constant 8 : i32
        %mul3A_116 = arith.muli %scan3A_74, %mul3A_115 : i32
        %add3A_117 = arith.constant 5 : i32
        %add3A_118 = arith.addi %mul3A_116, %add3A_117 : i32
        %mul3A_119 = arith.constant 16 : i32
        %mul3A_120 = arith.muli %add3A_118, %mul3A_119 : i32
        %swap3A_121 = arith.index_cast %mul3A_120 : i32 to index
        %swap3A_122 = tpu.vector_load %arg5[%swap3A_121] {strides = array<i32>} : memref<10240xi32, #tpu.memory_space<vmem>>, vector<16xi32>,
        tpu.vector_store %arg5[%swap3A_121], %broadcast_in_dim3A_1 {strides = array<i32>} : memref<10240xi32, #tpu.memory_space<vmem>>, vector<16xi32>,
        %mul3A_123 = arith.constant 8 : i32
        %mul3A_124 = arith.muli %scan3A_74, %mul3A_123 : i32
        %add3A_125 = arith.constant 6 : i32
        %add3A_126 = arith.addi %mul3A_124, %add3A_125 : i32
        %mul3A_127 = arith.constant 16 : i32
        %mul3A_128 = arith.muli %add3A_126, %mul3A_127 : i32
        %swap3A_129 = arith.index_cast %mul3A_128 : i32 to index
        %swap3A_130 = tpu.vector_load %arg5[%swap3A_129] {strides = array<i32>} : memref<10240xi32, #tpu.memory_space<vmem>>, vector<16xi32>,
        tpu.vector_store %arg5[%swap3A_129], %broadcast_in_dim3A_1 {strides = array<i32>} : memref<10240xi32, #tpu.memory_space<vmem>>, vector<16xi32>,
        %mul3A_131 = arith.constant 8 : i32
        %mul3A_132 = arith.muli %scan3A_74, %mul3A_131 : i32
        %add3A_133 = arith.constant 7 : i32
        %add3A_134 = arith.addi %mul3A_132, %add3A_133 : i32
        %mul3A_135 = arith.constant 16 : i32
        %mul3A_136 = arith.muli %add3A_134, %mul3A_135 : i32
        %swap3A_137 = arith.index_cast %mul3A_136 : i32 to index
        %swap3A_138 = tpu.vector_load %arg5[%swap3A_137] {strides = array<i32>} : memref<10240xi32, #tpu.memory_space<vmem>>, vector<16xi32>,
        tpu.vector_store %arg5[%swap3A_137], %broadcast_in_dim3A_1 {strides = array<i32>} : memref<10240xi32, #tpu.memory_space<vmem>>, vector<16xi32>,
        %scan3A_139 = arith.constant 0 : i32
        scf.yield %scan3A_139 : i32
      }
      %scan3A_40 = arith.constant 80 : i32
      %dma_wait3A = arith.constant 0 : i32
      %dma_wait3A_41 = arith.constant 0 : i32
      %dma_wait3A_42 = tpu.memref_slice %arg4[%dma_wait3A, %dma_wait3A_41] : memref<2x10240xi32, #tpu.memory_space<vmem>> -> memref<2x5120xi32, #tpu.memory_space<vmem>>
      %dma_wait3A_43 = arith.constant 0 : i32
      %dma_wait3A_44 = tpu.memref_slice %arg2[%dma_wait3A_43, %mul3A_13] : memref<2x320000xi32, #tpu.memory_space<hbm>> -> memref<2x5120xi32, #tpu.memory_space<hbm>>
      %dma_wait3A_45 = arith.constant 0 : i32
      %dma_wait3A_46 = arith.constant 0 : i32
      %dma_wait3A_47 = tpu.memref_slice %arg4[%dma_wait3A_45, %dma_wait3A_46] : memref<2x10240xi32, #tpu.memory_space<vmem>> -> memref<2x5120xi32, #tpu.memory_space<vmem>>
      %dma_wait3A_48 = arith.constant 0 : i32
      %dma_wait3A_49 = tpu.memref_slice %arg2[%dma_wait3A_48, %mul3A_13] : memref<2x320000xi32, #tpu.memory_space<hbm>> -> memref<2x5120xi32, #tpu.memory_space<hbm>>
      tpu.wait_dma2 semaphore(%arg6 : memref<!tpu.dma_semaphore, #tpu.memory_space<semaphore_mem>>) src(%dma_wait3A_49 : memref<2x5120xi32, #tpu.memory_space<hbm>>) dst(%dma_wait3A_47 : memref<2x5120xi32, #tpu.memory_space<vmem>>)
      %scan3A_50 = arith.constant 0 : i32
      %scan3A_51 = arith.constant 0 : i32
      %scan3A_52 = arith.constant 20 : i32
      %scan3A_53 = arith.addi %scan3A_51, %scan3A_52 : i32
      %scan3A_54 = arith.constant 1 : i32
      %scan3A_55 = scf.for %scan3A_74 = %scan3A_51 to %scan3A_53 step %scan3A_54 iter_args(%scan3A_75 = %scan3A_50) -> (i32)  : i32 {
        %mul3A_76 = arith.constant 16 : i32
        %mul3A_77 = arith.muli %scan3A_74, %mul3A_76 : i32
        %add3A_78 = arith.constant 0 : i32
        %add3A_79 = arith.addi %mul3A_77, %add3A_78 : i32
        %mul3A_80 = arith.constant 16 : i32
        %mul3A_81 = arith.muli %add3A_79, %mul3A_80 : i32
        %get3A = arith.constant 1 : i32
        %get3A_82 = arith.index_cast %get3A : i32 to index
        %get3A_83 = arith.index_cast %mul3A_81 : i32 to index
        %get3A_84 = tpu.vector_load %arg4[%get3A_82, %get3A_83] {strides = array<i32>} : memref<2x10240xi32, #tpu.memory_space<vmem>>, vector<16xi32>,
        %mul3A_85 = arith.constant 16 : i32
        %mul3A_86 = arith.muli %scan3A_74, %mul3A_85 : i32
        %add3A_87 = arith.constant 1 : i32
        %add3A_88 = arith.addi %mul3A_86, %add3A_87 : i32
        %mul3A_89 = arith.constant 16 : i32
        %mul3A_90 = arith.muli %add3A_88, %mul3A_89 : i32
        %get3A_91 = arith.constant 1 : i32
        %get3A_92 = arith.index_cast %get3A_91 : i32 to index
        %get3A_93 = arith.index_cast %mul3A_90 : i32 to index
        %get3A_94 = tpu.vector_load %arg4[%get3A_92, %get3A_93] {strides = array<i32>} : memref<2x10240xi32, #tpu.memory_space<vmem>>, vector<16xi32>,
        %mul3A_95 = arith.constant 16 : i32
        %mul3A_96 = arith.muli %scan3A_74, %mul3A_95 : i32
        %add3A_97 = arith.constant 2 : i32
        %add3A_98 = arith.addi %mul3A_96, %add3A_97 : i32
        %mul3A_99 = arith.constant 16 : i32
        %mul3A_100 = arith.muli %add3A_98, %mul3A_99 : i32
        %get3A_101 = arith.constant 1 : i32
        %get3A_102 = arith.index_cast %get3A_101 : i32 to index
        %get3A_103 = arith.index_cast %mul3A_100 : i32 to index
        %get3A_104 = tpu.vector_load %arg4[%get3A_102, %get3A_103] {strides = array<i32>} : memref<2x10240xi32, #tpu.memory_space<vmem>>, vector<16xi32>,
        %mul3A_105 = arith.constant 16 : i32
        %mul3A_106 = arith.muli %scan3A_74, %mul3A_105 : i32
        %add3A_107 = arith.constant 3 : i32
        %add3A_108 = arith.addi %mul3A_106, %add3A_107 : i32
        %mul3A_109 = arith.constant 16 : i32
        %mul3A_110 = arith.muli %add3A_108, %mul3A_109 : i32
        %get3A_111 = arith.constant 1 : i32
        %get3A_112 = arith.index_cast %get3A_111 : i32 to index
        %get3A_113 = arith.index_cast %mul3A_110 : i32 to index
        %get3A_114 = tpu.vector_load %arg4[%get3A_112, %get3A_113] {strides = array<i32>} : memref<2x10240xi32, #tpu.memory_space<vmem>>, vector<16xi32>,
        %mul3A_115 = arith.constant 16 : i32
        %mul3A_116 = arith.muli %scan3A_74, %mul3A_115 : i32
        %add3A_117 = arith.constant 4 : i32
        %add3A_118 = arith.addi %mul3A_116, %add3A_117 : i32
        %mul3A_119 = arith.constant 16 : i32
        %mul3A_120 = arith.muli %add3A_118, %mul3A_119 : i32
        %get3A_121 = arith.constant 1 : i32
        %get3A_122 = arith.index_cast %get3A_121 : i32 to index
        %get3A_123 = arith.index_cast %mul3A_120 : i32 to index
        %get3A_124 = tpu.vector_load %arg4[%get3A_122, %get3A_123] {strides = array<i32>} : memref<2x10240xi32, #tpu.memory_space<vmem>>, vector<16xi32>,
        %mul3A_125 = arith.constant 16 : i32
        %mul3A_126 = arith.muli %scan3A_74, %mul3A_125 : i32
        %add3A_127 = arith.constant 5 : i32
        %add3A_128 = arith.addi %mul3A_126, %add3A_127 : i32
        %mul3A_129 = arith.constant 16 : i32
        %mul3A_130 = arith.muli %add3A_128, %mul3A_129 : i32
        %get3A_131 = arith.constant 1 : i32
        %get3A_132 = arith.index_cast %get3A_131 : i32 to index
        %get3A_133 = arith.index_cast %mul3A_130 : i32 to index
        %get3A_134 = tpu.vector_load %arg4[%get3A_132, %get3A_133] {strides = array<i32>} : memref<2x10240xi32, #tpu.memory_space<vmem>>, vector<16xi32>,
        %mul3A_135 = arith.constant 16 : i32
        %mul3A_136 = arith.muli %scan3A_74, %mul3A_135 : i32
        %add3A_137 = arith.constant 6 : i32
        %add3A_138 = arith.addi %mul3A_136, %add3A_137 : i32
        %mul3A_139 = arith.constant 16 : i32
        %mul3A_140 = arith.muli %add3A_138, %mul3A_139 : i32
        %get3A_141 = arith.constant 1 : i32
        %get3A_142 = arith.index_cast %get3A_141 : i32 to index
        %get3A_143 = arith.index_cast %mul3A_140 : i32 to index
        %get3A_144 = tpu.vector_load %arg4[%get3A_142, %get3A_143] {strides = array<i32>} : memref<2x10240xi32, #tpu.memory_space<vmem>>, vector<16xi32>,
        %mul3A_145 = arith.constant 16 : i32
        %mul3A_146 = arith.muli %scan3A_74, %mul3A_145 : i32
        %add3A_147 = arith.constant 7 : i32
        %add3A_148 = arith.addi %mul3A_146, %add3A_147 : i32
        %mul3A_149 = arith.constant 16 : i32
        %mul3A_150 = arith.muli %add3A_148, %mul3A_149 : i32
        %get3A_151 = arith.constant 1 : i32
        %get3A_152 = arith.index_cast %get3A_151 : i32 to index
        %get3A_153 = arith.index_cast %mul3A_150 : i32 to index
        %get3A_154 = tpu.vector_load %arg4[%get3A_152, %get3A_153] {strides = array<i32>} : memref<2x10240xi32, #tpu.memory_space<vmem>>, vector<16xi32>,
        %mul3A_155 = arith.constant 16 : i32
        %mul3A_156 = arith.muli %scan3A_74, %mul3A_155 : i32
        %add3A_157 = arith.constant 8 : i32
        %add3A_158 = arith.addi %mul3A_156, %add3A_157 : i32
        %mul3A_159 = arith.constant 16 : i32
        %mul3A_160 = arith.muli %add3A_158, %mul3A_159 : i32
        %get3A_161 = arith.constant 1 : i32
        %get3A_162 = arith.index_cast %get3A_161 : i32 to index
        %get3A_163 = arith.index_cast %mul3A_160 : i32 to index
        %get3A_164 = tpu.vector_load %arg4[%get3A_162, %get3A_163] {strides = array<i32>} : memref<2x10240xi32, #tpu.memory_space<vmem>>, vector<16xi32>,
        %mul3A_165 = arith.constant 16 : i32
        %mul3A_166 = arith.muli %scan3A_74, %mul3A_165 : i32
        %add3A_167 = arith.constant 9 : i32
        %add3A_168 = arith.addi %mul3A_166, %add3A_167 : i32
        %mul3A_169 = arith.constant 16 : i32
        %mul3A_170 = arith.muli %add3A_168, %mul3A_169 : i32
        %get3A_171 = arith.constant 1 : i32
        %get3A_172 = arith.index_cast %get3A_171 : i32 to index
        %get3A_173 = arith.index_cast %mul3A_170 : i32 to index
        %get3A_174 = tpu.vector_load %arg4[%get3A_172, %get3A_173] {strides = array<i32>} : memref<2x10240xi32, #tpu.memory_space<vmem>>, vector<16xi32>,
        %mul3A_175 = arith.constant 16 : i32
        %mul3A_176 = arith.muli %scan3A_74, %mul3A_175 : i32
        %add3A_177 = arith.constant 10 : i32
        %add3A_178 = arith.addi %mul3A_176, %add3A_177 : i32
        %mul3A_179 = arith.constant 16 : i32
        %mul3A_180 = arith.muli %add3A_178, %mul3A_179 : i32
        %get3A_181 = arith.constant 1 : i32
        %get3A_182 = arith.index_cast %get3A_181 : i32 to index
        %get3A_183 = arith.index_cast %mul3A_180 : i32 to index
        %get3A_184 = tpu.vector_load %arg4[%get3A_182, %get3A_183] {strides = array<i32>} : memref<2x10240xi32, #tpu.memory_space<vmem>>, vector<16xi32>,
        %mul3A_185 = arith.constant 16 : i32
        %mul3A_186 = arith.muli %scan3A_74, %mul3A_185 : i32
        %add3A_187 = arith.constant 11 : i32
        %add3A_188 = arith.addi %mul3A_186, %add3A_187 : i32
        %mul3A_189 = arith.constant 16 : i32
        %mul3A_190 = arith.muli %add3A_188, %mul3A_189 : i32
        %get3A_191 = arith.constant 1 : i32
        %get3A_192 = arith.index_cast %get3A_191 : i32 to index
        %get3A_193 = arith.index_cast %mul3A_190 : i32 to index
        %get3A_194 = tpu.vector_load %arg4[%get3A_192, %get3A_193] {strides = array<i32>} : memref<2x10240xi32, #tpu.memory_space<vmem>>, vector<16xi32>,
        %mul3A_195 = arith.constant 16 : i32
        %mul3A_196 = arith.muli %scan3A_74, %mul3A_195 : i32
        %add3A_197 = arith.constant 12 : i32
        %add3A_198 = arith.addi %mul3A_196, %add3A_197 : i32
        %mul3A_199 = arith.constant 16 : i32
        %mul3A_200 = arith.muli %add3A_198, %mul3A_199 : i32
        %get3A_201 = arith.constant 1 : i32
        %get3A_202 = arith.index_cast %get3A_201 : i32 to index
        %get3A_203 = arith.index_cast %mul3A_200 : i32 to index
        %get3A_204 = tpu.vector_load %arg4[%get3A_202, %get3A_203] {strides = array<i32>} : memref<2x10240xi32, #tpu.memory_space<vmem>>, vector<16xi32>,
        %mul3A_205 = arith.constant 16 : i32
        %mul3A_206 = arith.muli %scan3A_74, %mul3A_205 : i32
        %add3A_207 = arith.constant 13 : i32
        %add3A_208 = arith.addi %mul3A_206, %add3A_207 : i32
        %mul3A_209 = arith.constant 16 : i32
        %mul3A_210 = arith.muli %add3A_208, %mul3A_209 : i32
        %get3A_211 = arith.constant 1 : i32
        %get3A_212 = arith.index_cast %get3A_211 : i32 to index
        %get3A_213 = arith.index_cast %mul3A_210 : i32 to index
        %get3A_214 = tpu.vector_load %arg4[%get3A_212, %get3A_213] {strides = array<i32>} : memref<2x10240xi32, #tpu.memory_space<vmem>>, vector<16xi32>,
        %mul3A_215 = arith.constant 16 : i32
        %mul3A_216 = arith.muli %scan3A_74, %mul3A_215 : i32
        %add3A_217 = arith.constant 14 : i32
        %add3A_218 = arith.addi %mul3A_216, %add3A_217 : i32
        %mul3A_219 = arith.constant 16 : i32
        %mul3A_220 = arith.muli %add3A_218, %mul3A_219 : i32
        %get3A_221 = arith.constant 1 : i32
        %get3A_222 = arith.index_cast %get3A_221 : i32 to index
        %get3A_223 = arith.index_cast %mul3A_220 : i32 to index
        %get3A_224 = tpu.vector_load %arg4[%get3A_222, %get3A_223] {strides = array<i32>} : memref<2x10240xi32, #tpu.memory_space<vmem>>, vector<16xi32>,
        %mul3A_225 = arith.constant 16 : i32
        %mul3A_226 = arith.muli %scan3A_74, %mul3A_225 : i32
        %add3A_227 = arith.constant 15 : i32
        %add3A_228 = arith.addi %mul3A_226, %add3A_227 : i32
        %mul3A_229 = arith.constant 16 : i32
        %mul3A_230 = arith.muli %add3A_228, %mul3A_229 : i32
        %get3A_231 = arith.constant 1 : i32
        %get3A_232 = arith.index_cast %get3A_231 : i32 to index
        %get3A_233 = arith.index_cast %mul3A_230 : i32 to index
        %get3A_234 = tpu.vector_load %arg4[%get3A_232, %get3A_233] {strides = array<i32>} : memref<2x10240xi32, #tpu.memory_space<vmem>>, vector<16xi32>,
        tpu.vector_store_idx %arg5[%get3A_84], %broadcast_in_dim3A_3 {add = true} : memref<10240xi32, #tpu.memory_space<vmem>>[vector<16xi32>], vector<16xi32>,
        tpu.vector_store_idx %arg5[%get3A_94], %broadcast_in_dim3A_3 {add = true} : memref<10240xi32, #tpu.memory_space<vmem>>[vector<16xi32>], vector<16xi32>,
        tpu.vector_store_idx %arg5[%get3A_104], %broadcast_in_dim3A_3 {add = true} : memref<10240xi32, #tpu.memory_space<vmem>>[vector<16xi32>], vector<16xi32>,
        tpu.vector_store_idx %arg5[%get3A_114], %broadcast_in_dim3A_3 {add = true} : memref<10240xi32, #tpu.memory_space<vmem>>[vector<16xi32>], vector<16xi32>,
        tpu.vector_store_idx %arg5[%get3A_124], %broadcast_in_dim3A_3 {add = true} : memref<10240xi32, #tpu.memory_space<vmem>>[vector<16xi32>], vector<16xi32>,
        tpu.vector_store_idx %arg5[%get3A_134], %broadcast_in_dim3A_3 {add = true} : memref<10240xi32, #tpu.memory_space<vmem>>[vector<16xi32>], vector<16xi32>,
        tpu.vector_store_idx %arg5[%get3A_144], %broadcast_in_dim3A_3 {add = true} : memref<10240xi32, #tpu.memory_space<vmem>>[vector<16xi32>], vector<16xi32>,
        tpu.vector_store_idx %arg5[%get3A_154], %broadcast_in_dim3A_3 {add = true} : memref<10240xi32, #tpu.memory_space<vmem>>[vector<16xi32>], vector<16xi32>,
        tpu.vector_store_idx %arg5[%get3A_164], %broadcast_in_dim3A_3 {add = true} : memref<10240xi32, #tpu.memory_space<vmem>>[vector<16xi32>], vector<16xi32>,
        tpu.vector_store_idx %arg5[%get3A_174], %broadcast_in_dim3A_3 {add = true} : memref<10240xi32, #tpu.memory_space<vmem>>[vector<16xi32>], vector<16xi32>,
        tpu.vector_store_idx %arg5[%get3A_184], %broadcast_in_dim3A_3 {add = true} : memref<10240xi32, #tpu.memory_space<vmem>>[vector<16xi32>], vector<16xi32>,
        tpu.vector_store_idx %arg5[%get3A_194], %broadcast_in_dim3A_3 {add = true} : memref<10240xi32, #tpu.memory_space<vmem>>[vector<16xi32>], vector<16xi32>,
        tpu.vector_store_idx %arg5[%get3A_204], %broadcast_in_dim3A_3 {add = true} : memref<10240xi32, #tpu.memory_space<vmem>>[vector<16xi32>], vector<16xi32>,
        tpu.vector_store_idx %arg5[%get3A_214], %broadcast_in_dim3A_3 {add = true} : memref<10240xi32, #tpu.memory_space<vmem>>[vector<16xi32>], vector<16xi32>,
        tpu.vector_store_idx %arg5[%get3A_224], %broadcast_in_dim3A_3 {add = true} : memref<10240xi32, #tpu.memory_space<vmem>>[vector<16xi32>], vector<16xi32>,
        tpu.vector_store_idx %arg5[%get3A_234], %broadcast_in_dim3A_3 {add = true} : memref<10240xi32, #tpu.memory_space<vmem>>[vector<16xi32>], vector<16xi32>,
        %scan3A_235 = arith.constant 0 : i32
        scf.yield %scan3A_235 : i32
      }
      %scan3A_56 = arith.constant 20 : i32
      %dma_wait3A_57 = arith.constant 0 : i32
      %dma_wait3A_58 = arith.constant 5120 : i32
      %dma_wait3A_59 = tpu.memref_slice %arg4[%dma_wait3A_57, %dma_wait3A_58] : memref<2x10240xi32, #tpu.memory_space<vmem>> -> memref<2x5120xi32, #tpu.memory_space<vmem>>
      %dma_wait3A_60 = arith.constant 0 : i32
      %dma_wait3A_61 = tpu.memref_slice %arg2[%dma_wait3A_60, %add3A_24] : memref<2x320000xi32, #tpu.memory_space<hbm>> -> memref<2x5120xi32, #tpu.memory_space<hbm>>
      %dma_wait3A_62 = arith.constant 0 : i32
      %dma_wait3A_63 = arith.constant 5120 : i32
      %dma_wait3A_64 = tpu.memref_slice %arg4[%dma_wait3A_62, %dma_wait3A_63] : memref<2x10240xi32, #tpu.memory_space<vmem>> -> memref<2x5120xi32, #tpu.memory_space<vmem>>
      %dma_wait3A_65 = arith.constant 0 : i32
      %dma_wait3A_66 = tpu.memref_slice %arg2[%dma_wait3A_65, %add3A_24] : memref<2x320000xi32, #tpu.memory_space<hbm>> -> memref<2x5120xi32, #tpu.memory_space<hbm>>
      tpu.wait_dma2 semaphore(%arg6 : memref<!tpu.dma_semaphore, #tpu.memory_space<semaphore_mem>>) src(%dma_wait3A_66 : memref<2x5120xi32, #tpu.memory_space<hbm>>) dst(%dma_wait3A_64 : memref<2x5120xi32, #tpu.memory_space<vmem>>)
      %scan3A_67 = arith.constant 0 : i32
      %scan3A_68 = arith.constant 20 : i32
      %scan3A_69 = arith.constant 20 : i32
      %scan3A_70 = arith.addi %scan3A_68, %scan3A_69 : i32
      %scan3A_71 = arith.constant 1 : i32
      %scan3A_72 = scf.for %scan3A_74 = %scan3A_68 to %scan3A_70 step %scan3A_71 iter_args(%scan3A_75 = %scan3A_67) -> (i32)  : i32 {
        %mul3A_76 = arith.constant 16 : i32
        %mul3A_77 = arith.muli %scan3A_74, %mul3A_76 : i32
        %add3A_78 = arith.constant 0 : i32
        %add3A_79 = arith.addi %mul3A_77, %add3A_78 : i32
        %mul3A_80 = arith.constant 16 : i32
        %mul3A_81 = arith.muli %add3A_79, %mul3A_80 : i32
        %get3A = arith.constant 1 : i32
        %get3A_82 = arith.index_cast %get3A : i32 to index
        %get3A_83 = arith.index_cast %mul3A_81 : i32 to index
        %get3A_84 = tpu.vector_load %arg4[%get3A_82, %get3A_83] {strides = array<i32>} : memref<2x10240xi32, #tpu.memory_space<vmem>>, vector<16xi32>,
        %mul3A_85 = arith.constant 16 : i32
        %mul3A_86 = arith.muli %scan3A_74, %mul3A_85 : i32
        %add3A_87 = arith.constant 1 : i32
        %add3A_88 = arith.addi %mul3A_86, %add3A_87 : i32
        %mul3A_89 = arith.constant 16 : i32
        %mul3A_90 = arith.muli %add3A_88, %mul3A_89 : i32
        %get3A_91 = arith.constant 1 : i32
        %get3A_92 = arith.index_cast %get3A_91 : i32 to index
        %get3A_93 = arith.index_cast %mul3A_90 : i32 to index
        %get3A_94 = tpu.vector_load %arg4[%get3A_92, %get3A_93] {strides = array<i32>} : memref<2x10240xi32, #tpu.memory_space<vmem>>, vector<16xi32>,
        %mul3A_95 = arith.constant 16 : i32
        %mul3A_96 = arith.muli %scan3A_74, %mul3A_95 : i32
        %add3A_97 = arith.constant 2 : i32
        %add3A_98 = arith.addi %mul3A_96, %add3A_97 : i32
        %mul3A_99 = arith.constant 16 : i32
        %mul3A_100 = arith.muli %add3A_98, %mul3A_99 : i32
        %get3A_101 = arith.constant 1 : i32
        %get3A_102 = arith.index_cast %get3A_101 : i32 to index
        %get3A_103 = arith.index_cast %mul3A_100 : i32 to index
        %get3A_104 = tpu.vector_load %arg4[%get3A_102, %get3A_103] {strides = array<i32>} : memref<2x10240xi32, #tpu.memory_space<vmem>>, vector<16xi32>,
        %mul3A_105 = arith.constant 16 : i32
        %mul3A_106 = arith.muli %scan3A_74, %mul3A_105 : i32
        %add3A_107 = arith.constant 3 : i32
        %add3A_108 = arith.addi %mul3A_106, %add3A_107 : i32
        %mul3A_109 = arith.constant 16 : i32
        %mul3A_110 = arith.muli %add3A_108, %mul3A_109 : i32
        %get3A_111 = arith.constant 1 : i32
        %get3A_112 = arith.index_cast %get3A_111 : i32 to index
        %get3A_113 = arith.index_cast %mul3A_110 : i32 to index
        %get3A_114 = tpu.vector_load %arg4[%get3A_112, %get3A_113] {strides = array<i32>} : memref<2x10240xi32, #tpu.memory_space<vmem>>, vector<16xi32>,
        %mul3A_115 = arith.constant 16 : i32
        %mul3A_116 = arith.muli %scan3A_74, %mul3A_115 : i32
        %add3A_117 = arith.constant 4 : i32
        %add3A_118 = arith.addi %mul3A_116, %add3A_117 : i32
        %mul3A_119 = arith.constant 16 : i32
        %mul3A_120 = arith.muli %add3A_118, %mul3A_119 : i32
        %get3A_121 = arith.constant 1 : i32
        %get3A_122 = arith.index_cast %get3A_121 : i32 to index
        %get3A_123 = arith.index_cast %mul3A_120 : i32 to index
        %get3A_124 = tpu.vector_load %arg4[%get3A_122, %get3A_123] {strides = array<i32>} : memref<2x10240xi32, #tpu.memory_space<vmem>>, vector<16xi32>,
        %mul3A_125 = arith.constant 16 : i32
        %mul3A_126 = arith.muli %scan3A_74, %mul3A_125 : i32
        %add3A_127 = arith.constant 5 : i32
        %add3A_128 = arith.addi %mul3A_126, %add3A_127 : i32
        %mul3A_129 = arith.constant 16 : i32
        %mul3A_130 = arith.muli %add3A_128, %mul3A_129 : i32
        %get3A_131 = arith.constant 1 : i32
        %get3A_132 = arith.index_cast %get3A_131 : i32 to index
        %get3A_133 = arith.index_cast %mul3A_130 : i32 to index
        %get3A_134 = tpu.vector_load %arg4[%get3A_132, %get3A_133] {strides = array<i32>} : memref<2x10240xi32, #tpu.memory_space<vmem>>, vector<16xi32>,
        %mul3A_135 = arith.constant 16 : i32
        %mul3A_136 = arith.muli %scan3A_74, %mul3A_135 : i32
        %add3A_137 = arith.constant 6 : i32
        %add3A_138 = arith.addi %mul3A_136, %add3A_137 : i32
        %mul3A_139 = arith.constant 16 : i32
        %mul3A_140 = arith.muli %add3A_138, %mul3A_139 : i32
        %get3A_141 = arith.constant 1 : i32
        %get3A_142 = arith.index_cast %get3A_141 : i32 to index
        %get3A_143 = arith.index_cast %mul3A_140 : i32 to index
        %get3A_144 = tpu.vector_load %arg4[%get3A_142, %get3A_143] {strides = array<i32>} : memref<2x10240xi32, #tpu.memory_space<vmem>>, vector<16xi32>,
        %mul3A_145 = arith.constant 16 : i32
        %mul3A_146 = arith.muli %scan3A_74, %mul3A_145 : i32
        %add3A_147 = arith.constant 7 : i32
        %add3A_148 = arith.addi %mul3A_146, %add3A_147 : i32
        %mul3A_149 = arith.constant 16 : i32
        %mul3A_150 = arith.muli %add3A_148, %mul3A_149 : i32
        %get3A_151 = arith.constant 1 : i32
        %get3A_152 = arith.index_cast %get3A_151 : i32 to index
        %get3A_153 = arith.index_cast %mul3A_150 : i32 to index
        %get3A_154 = tpu.vector_load %arg4[%get3A_152, %get3A_153] {strides = array<i32>} : memref<2x10240xi32, #tpu.memory_space<vmem>>, vector<16xi32>,
        %mul3A_155 = arith.constant 16 : i32
        %mul3A_156 = arith.muli %scan3A_74, %mul3A_155 : i32
        %add3A_157 = arith.constant 8 : i32
        %add3A_158 = arith.addi %mul3A_156, %add3A_157 : i32
        %mul3A_159 = arith.constant 16 : i32
        %mul3A_160 = arith.muli %add3A_158, %mul3A_159 : i32
        %get3A_161 = arith.constant 1 : i32
        %get3A_162 = arith.index_cast %get3A_161 : i32 to index
        %get3A_163 = arith.index_cast %mul3A_160 : i32 to index
        %get3A_164 = tpu.vector_load %arg4[%get3A_162, %get3A_163] {strides = array<i32>} : memref<2x10240xi32, #tpu.memory_space<vmem>>, vector<16xi32>,
        %mul3A_165 = arith.constant 16 : i32
        %mul3A_166 = arith.muli %scan3A_74, %mul3A_165 : i32
        %add3A_167 = arith.constant 9 : i32
        %add3A_168 = arith.addi %mul3A_166, %add3A_167 : i32
        %mul3A_169 = arith.constant 16 : i32
        %mul3A_170 = arith.muli %add3A_168, %mul3A_169 : i32
        %get3A_171 = arith.constant 1 : i32
        %get3A_172 = arith.index_cast %get3A_171 : i32 to index
        %get3A_173 = arith.index_cast %mul3A_170 : i32 to index
        %get3A_174 = tpu.vector_load %arg4[%get3A_172, %get3A_173] {strides = array<i32>} : memref<2x10240xi32, #tpu.memory_space<vmem>>, vector<16xi32>,
        %mul3A_175 = arith.constant 16 : i32
        %mul3A_176 = arith.muli %scan3A_74, %mul3A_175 : i32
        %add3A_177 = arith.constant 10 : i32
        %add3A_178 = arith.addi %mul3A_176, %add3A_177 : i32
        %mul3A_179 = arith.constant 16 : i32
        %mul3A_180 = arith.muli %add3A_178, %mul3A_179 : i32
        %get3A_181 = arith.constant 1 : i32
        %get3A_182 = arith.index_cast %get3A_181 : i32 to index
        %get3A_183 = arith.index_cast %mul3A_180 : i32 to index
        %get3A_184 = tpu.vector_load %arg4[%get3A_182, %get3A_183] {strides = array<i32>} : memref<2x10240xi32, #tpu.memory_space<vmem>>, vector<16xi32>,
        %mul3A_185 = arith.constant 16 : i32
        %mul3A_186 = arith.muli %scan3A_74, %mul3A_185 : i32
        %add3A_187 = arith.constant 11 : i32
        %add3A_188 = arith.addi %mul3A_186, %add3A_187 : i32
        %mul3A_189 = arith.constant 16 : i32
        %mul3A_190 = arith.muli %add3A_188, %mul3A_189 : i32
        %get3A_191 = arith.constant 1 : i32
        %get3A_192 = arith.index_cast %get3A_191 : i32 to index
        %get3A_193 = arith.index_cast %mul3A_190 : i32 to index
        %get3A_194 = tpu.vector_load %arg4[%get3A_192, %get3A_193] {strides = array<i32>} : memref<2x10240xi32, #tpu.memory_space<vmem>>, vector<16xi32>,
        %mul3A_195 = arith.constant 16 : i32
        %mul3A_196 = arith.muli %scan3A_74, %mul3A_195 : i32
        %add3A_197 = arith.constant 12 : i32
        %add3A_198 = arith.addi %mul3A_196, %add3A_197 : i32
        %mul3A_199 = arith.constant 16 : i32
        %mul3A_200 = arith.muli %add3A_198, %mul3A_199 : i32
        %get3A_201 = arith.constant 1 : i32
        %get3A_202 = arith.index_cast %get3A_201 : i32 to index
        %get3A_203 = arith.index_cast %mul3A_200 : i32 to index
        %get3A_204 = tpu.vector_load %arg4[%get3A_202, %get3A_203] {strides = array<i32>} : memref<2x10240xi32, #tpu.memory_space<vmem>>, vector<16xi32>,
        %mul3A_205 = arith.constant 16 : i32
        %mul3A_206 = arith.muli %scan3A_74, %mul3A_205 : i32
        %add3A_207 = arith.constant 13 : i32
        %add3A_208 = arith.addi %mul3A_206, %add3A_207 : i32
        %mul3A_209 = arith.constant 16 : i32
        %mul3A_210 = arith.muli %add3A_208, %mul3A_209 : i32
        %get3A_211 = arith.constant 1 : i32
        %get3A_212 = arith.index_cast %get3A_211 : i32 to index
        %get3A_213 = arith.index_cast %mul3A_210 : i32 to index
        %get3A_214 = tpu.vector_load %arg4[%get3A_212, %get3A_213] {strides = array<i32>} : memref<2x10240xi32, #tpu.memory_space<vmem>>, vector<16xi32>,
        %mul3A_215 = arith.constant 16 : i32
        %mul3A_216 = arith.muli %scan3A_74, %mul3A_215 : i32
        %add3A_217 = arith.constant 14 : i32
        %add3A_218 = arith.addi %mul3A_216, %add3A_217 : i32
        %mul3A_219 = arith.constant 16 : i32
        %mul3A_220 = arith.muli %add3A_218, %mul3A_219 : i32
        %get3A_221 = arith.constant 1 : i32
        %get3A_222 = arith.index_cast %get3A_221 : i32 to index
        %get3A_223 = arith.index_cast %mul3A_220 : i32 to index
        %get3A_224 = tpu.vector_load %arg4[%get3A_222, %get3A_223] {strides = array<i32>} : memref<2x10240xi32, #tpu.memory_space<vmem>>, vector<16xi32>,
        %mul3A_225 = arith.constant 16 : i32
        %mul3A_226 = arith.muli %scan3A_74, %mul3A_225 : i32
        %add3A_227 = arith.constant 15 : i32
        %add3A_228 = arith.addi %mul3A_226, %add3A_227 : i32
        %mul3A_229 = arith.constant 16 : i32
        %mul3A_230 = arith.muli %add3A_228, %mul3A_229 : i32
        %get3A_231 = arith.constant 1 : i32
        %get3A_232 = arith.index_cast %get3A_231 : i32 to index
        %get3A_233 = arith.index_cast %mul3A_230 : i32 to index
        %get3A_234 = tpu.vector_load %arg4[%get3A_232, %get3A_233] {strides = array<i32>} : memref<2x10240xi32, #tpu.memory_space<vmem>>, vector<16xi32>,
        tpu.vector_store_idx %arg5[%get3A_84], %broadcast_in_dim3A_3 {add = true} : memref<10240xi32, #tpu.memory_space<vmem>>[vector<16xi32>], vector<16xi32>,
        tpu.vector_store_idx %arg5[%get3A_94], %broadcast_in_dim3A_3 {add = true} : memref<10240xi32, #tpu.memory_space<vmem>>[vector<16xi32>], vector<16xi32>,
        tpu.vector_store_idx %arg5[%get3A_104], %broadcast_in_dim3A_3 {add = true} : memref<10240xi32, #tpu.memory_space<vmem>>[vector<16xi32>], vector<16xi32>,
        tpu.vector_store_idx %arg5[%get3A_114], %broadcast_in_dim3A_3 {add = true} : memref<10240xi32, #tpu.memory_space<vmem>>[vector<16xi32>], vector<16xi32>,
        tpu.vector_store_idx %arg5[%get3A_124], %broadcast_in_dim3A_3 {add = true} : memref<10240xi32, #tpu.memory_space<vmem>>[vector<16xi32>], vector<16xi32>,
        tpu.vector_store_idx %arg5[%get3A_134], %broadcast_in_dim3A_3 {add = true} : memref<10240xi32, #tpu.memory_space<vmem>>[vector<16xi32>], vector<16xi32>,
        tpu.vector_store_idx %arg5[%get3A_144], %broadcast_in_dim3A_3 {add = true} : memref<10240xi32, #tpu.memory_space<vmem>>[vector<16xi32>], vector<16xi32>,
        tpu.vector_store_idx %arg5[%get3A_154], %broadcast_in_dim3A_3 {add = true} : memref<10240xi32, #tpu.memory_space<vmem>>[vector<16xi32>], vector<16xi32>,
        tpu.vector_store_idx %arg5[%get3A_164], %broadcast_in_dim3A_3 {add = true} : memref<10240xi32, #tpu.memory_space<vmem>>[vector<16xi32>], vector<16xi32>,
        tpu.vector_store_idx %arg5[%get3A_174], %broadcast_in_dim3A_3 {add = true} : memref<10240xi32, #tpu.memory_space<vmem>>[vector<16xi32>], vector<16xi32>,
        tpu.vector_store_idx %arg5[%get3A_184], %broadcast_in_dim3A_3 {add = true} : memref<10240xi32, #tpu.memory_space<vmem>>[vector<16xi32>], vector<16xi32>,
        tpu.vector_store_idx %arg5[%get3A_194], %broadcast_in_dim3A_3 {add = true} : memref<10240xi32, #tpu.memory_space<vmem>>[vector<16xi32>], vector<16xi32>,
        tpu.vector_store_idx %arg5[%get3A_204], %broadcast_in_dim3A_3 {add = true} : memref<10240xi32, #tpu.memory_space<vmem>>[vector<16xi32>], vector<16xi32>,
        tpu.vector_store_idx %arg5[%get3A_214], %broadcast_in_dim3A_3 {add = true} : memref<10240xi32, #tpu.memory_space<vmem>>[vector<16xi32>], vector<16xi32>,
        tpu.vector_store_idx %arg5[%get3A_224], %broadcast_in_dim3A_3 {add = true} : memref<10240xi32, #tpu.memory_space<vmem>>[vector<16xi32>], vector<16xi32>,
        tpu.vector_store_idx %arg5[%get3A_234], %broadcast_in_dim3A_3 {add = true} : memref<10240xi32, #tpu.memory_space<vmem>>[vector<16xi32>], vector<16xi32>,
        %scan3A_235 = arith.constant 0 : i32
        scf.yield %scan3A_235 : i32
      }
      %scan3A_73 = arith.constant 20 : i32
    } else {
    }
    %eq3A = arith.constant 31 : i32
    %eq3A_6 = arith.cmpi eq, %add3A, %eq3A : i32
    %convert_element_type3A_7 = arith.extui %eq3A_6 : i1 to i32
    %cond3A_8 = arith.constant 0 : i32
    %cond3A_9 = arith.cmpi ne, %convert_element_type3A_7, %cond3A_8 : i32
    scf.if %cond3A_9 {
      %mul3A_12 = arith.constant 10240 : i32
      %mul3A_13 = arith.muli %add3A, %mul3A_12 : i32
      %dma_start3A = arith.constant 0 : i32
      %dma_start3A_14 = arith.constant 0 : i32
      %dma_start3A_15 = tpu.memref_slice %arg4[%dma_start3A, %dma_start3A_14] : memref<2x10240xi32, #tpu.memory_space<vmem>> -> memref<2x1280xi32, #tpu.memory_space<vmem>>
      %dma_start3A_16 = arith.constant 0 : i32
      %dma_start3A_17 = tpu.memref_slice %arg2[%dma_start3A_16, %mul3A_13] : memref<2x320000xi32, #tpu.memory_space<hbm>> -> memref<2x1280xi32, #tpu.memory_space<hbm>>
      %dma_start3A_18 = arith.constant 0 : i32
      %dma_start3A_19 = arith.constant 0 : i32
      %dma_start3A_20 = tpu.memref_slice %arg4[%dma_start3A_18, %dma_start3A_19] : memref<2x10240xi32, #tpu.memory_space<vmem>> -> memref<2x1280xi32, #tpu.memory_space<vmem>>
      %dma_start3A_21 = arith.constant 0 : i32
      %dma_start3A_22 = tpu.memref_slice %arg2[%dma_start3A_21, %mul3A_13] : memref<2x320000xi32, #tpu.memory_space<hbm>> -> memref<2x1280xi32, #tpu.memory_space<hbm>>
      tpu.enqueue_dma source(%dma_start3A_22 : memref<2x1280xi32, #tpu.memory_space<hbm>>) target(%dma_start3A_20 : memref<2x1280xi32, #tpu.memory_space<vmem>>) target_semaphore(%arg6 : memref<!tpu.dma_semaphore, #tpu.memory_space<semaphore_mem>>)
      %add3A_23 = arith.constant 1280 : i32
      %add3A_24 = arith.addi %mul3A_13, %add3A_23 : i32
      %dma_start3A_25 = arith.constant 0 : i32
      %dma_start3A_26 = arith.constant 1280 : i32
      %dma_start3A_27 = tpu.memref_slice %arg4[%dma_start3A_25, %dma_start3A_26] : memref<2x10240xi32, #tpu.memory_space<vmem>> -> memref<2x1280xi32, #tpu.memory_space<vmem>>
      %dma_start3A_28 = arith.constant 0 : i32
      %dma_start3A_29 = tpu.memref_slice %arg2[%dma_start3A_28, %add3A_24] : memref<2x320000xi32, #tpu.memory_space<hbm>> -> memref<2x1280xi32, #tpu.memory_space<hbm>>
      %dma_start3A_30 = arith.constant 0 : i32
      %dma_start3A_31 = arith.constant 1280 : i32
      %dma_start3A_32 = tpu.memref_slice %arg4[%dma_start3A_30, %dma_start3A_31] : memref<2x10240xi32, #tpu.memory_space<vmem>> -> memref<2x1280xi32, #tpu.memory_space<vmem>>
      %dma_start3A_33 = arith.constant 0 : i32
      %dma_start3A_34 = tpu.memref_slice %arg2[%dma_start3A_33, %add3A_24] : memref<2x320000xi32, #tpu.memory_space<hbm>> -> memref<2x1280xi32, #tpu.memory_space<hbm>>
      tpu.enqueue_dma source(%dma_start3A_34 : memref<2x1280xi32, #tpu.memory_space<hbm>>) target(%dma_start3A_32 : memref<2x1280xi32, #tpu.memory_space<vmem>>) target_semaphore(%arg6 : memref<!tpu.dma_semaphore, #tpu.memory_space<semaphore_mem>>)
      %scan3A = arith.constant 0 : i32
      %scan3A_35 = arith.constant 0 : i32
      %scan3A_36 = arith.constant 80 : i32
      %scan3A_37 = arith.addi %scan3A_35, %scan3A_36 : i32
      %scan3A_38 = arith.constant 1 : i32
      %scan3A_39 = scf.for %scan3A_74 = %scan3A_35 to %scan3A_37 step %scan3A_38 iter_args(%scan3A_75 = %scan3A) -> (i32)  : i32 {
        %mul3A_76 = arith.constant 8 : i32
        %mul3A_77 = arith.muli %scan3A_74, %mul3A_76 : i32
        %add3A_78 = arith.constant 0 : i32
        %add3A_79 = arith.addi %mul3A_77, %add3A_78 : i32
        %mul3A_80 = arith.constant 16 : i32
        %mul3A_81 = arith.muli %add3A_79, %mul3A_80 : i32
        %swap3A = arith.index_cast %mul3A_81 : i32 to index
        %swap3A_82 = tpu.vector_load %arg5[%swap3A] {strides = array<i32>} : memref<10240xi32, #tpu.memory_space<vmem>>, vector<16xi32>,
        tpu.vector_store %arg5[%swap3A], %broadcast_in_dim3A_1 {strides = array<i32>} : memref<10240xi32, #tpu.memory_space<vmem>>, vector<16xi32>,
        %mul3A_83 = arith.constant 8 : i32
        %mul3A_84 = arith.muli %scan3A_74, %mul3A_83 : i32
        %add3A_85 = arith.constant 1 : i32
        %add3A_86 = arith.addi %mul3A_84, %add3A_85 : i32
        %mul3A_87 = arith.constant 16 : i32
        %mul3A_88 = arith.muli %add3A_86, %mul3A_87 : i32
        %swap3A_89 = arith.index_cast %mul3A_88 : i32 to index
        %swap3A_90 = tpu.vector_load %arg5[%swap3A_89] {strides = array<i32>} : memref<10240xi32, #tpu.memory_space<vmem>>, vector<16xi32>,
        tpu.vector_store %arg5[%swap3A_89], %broadcast_in_dim3A_1 {strides = array<i32>} : memref<10240xi32, #tpu.memory_space<vmem>>, vector<16xi32>,
        %mul3A_91 = arith.constant 8 : i32
        %mul3A_92 = arith.muli %scan3A_74, %mul3A_91 : i32
        %add3A_93 = arith.constant 2 : i32
        %add3A_94 = arith.addi %mul3A_92, %add3A_93 : i32
        %mul3A_95 = arith.constant 16 : i32
        %mul3A_96 = arith.muli %add3A_94, %mul3A_95 : i32
        %swap3A_97 = arith.index_cast %mul3A_96 : i32 to index
        %swap3A_98 = tpu.vector_load %arg5[%swap3A_97] {strides = array<i32>} : memref<10240xi32, #tpu.memory_space<vmem>>, vector<16xi32>,
        tpu.vector_store %arg5[%swap3A_97], %broadcast_in_dim3A_1 {strides = array<i32>} : memref<10240xi32, #tpu.memory_space<vmem>>, vector<16xi32>,
        %mul3A_99 = arith.constant 8 : i32
        %mul3A_100 = arith.muli %scan3A_74, %mul3A_99 : i32
        %add3A_101 = arith.constant 3 : i32
        %add3A_102 = arith.addi %mul3A_100, %add3A_101 : i32
        %mul3A_103 = arith.constant 16 : i32
        %mul3A_104 = arith.muli %add3A_102, %mul3A_103 : i32
        %swap3A_105 = arith.index_cast %mul3A_104 : i32 to index
        %swap3A_106 = tpu.vector_load %arg5[%swap3A_105] {strides = array<i32>} : memref<10240xi32, #tpu.memory_space<vmem>>, vector<16xi32>,
        tpu.vector_store %arg5[%swap3A_105], %broadcast_in_dim3A_1 {strides = array<i32>} : memref<10240xi32, #tpu.memory_space<vmem>>, vector<16xi32>,
        %mul3A_107 = arith.constant 8 : i32
        %mul3A_108 = arith.muli %scan3A_74, %mul3A_107 : i32
        %add3A_109 = arith.constant 4 : i32
        %add3A_110 = arith.addi %mul3A_108, %add3A_109 : i32
        %mul3A_111 = arith.constant 16 : i32
        %mul3A_112 = arith.muli %add3A_110, %mul3A_111 : i32
        %swap3A_113 = arith.index_cast %mul3A_112 : i32 to index
        %swap3A_114 = tpu.vector_load %arg5[%swap3A_113] {strides = array<i32>} : memref<10240xi32, #tpu.memory_space<vmem>>, vector<16xi32>,
        tpu.vector_store %arg5[%swap3A_113], %broadcast_in_dim3A_1 {strides = array<i32>} : memref<10240xi32, #tpu.memory_space<vmem>>, vector<16xi32>,
        %mul3A_115 = arith.constant 8 : i32
        %mul3A_116 = arith.muli %scan3A_74, %mul3A_115 : i32
        %add3A_117 = arith.constant 5 : i32
        %add3A_118 = arith.addi %mul3A_116, %add3A_117 : i32
        %mul3A_119 = arith.constant 16 : i32
        %mul3A_120 = arith.muli %add3A_118, %mul3A_119 : i32
        %swap3A_121 = arith.index_cast %mul3A_120 : i32 to index
        %swap3A_122 = tpu.vector_load %arg5[%swap3A_121] {strides = array<i32>} : memref<10240xi32, #tpu.memory_space<vmem>>, vector<16xi32>,
        tpu.vector_store %arg5[%swap3A_121], %broadcast_in_dim3A_1 {strides = array<i32>} : memref<10240xi32, #tpu.memory_space<vmem>>, vector<16xi32>,
        %mul3A_123 = arith.constant 8 : i32
        %mul3A_124 = arith.muli %scan3A_74, %mul3A_123 : i32
        %add3A_125 = arith.constant 6 : i32
        %add3A_126 = arith.addi %mul3A_124, %add3A_125 : i32
        %mul3A_127 = arith.constant 16 : i32
        %mul3A_128 = arith.muli %add3A_126, %mul3A_127 : i32
        %swap3A_129 = arith.index_cast %mul3A_128 : i32 to index
        %swap3A_130 = tpu.vector_load %arg5[%swap3A_129] {strides = array<i32>} : memref<10240xi32, #tpu.memory_space<vmem>>, vector<16xi32>,
        tpu.vector_store %arg5[%swap3A_129], %broadcast_in_dim3A_1 {strides = array<i32>} : memref<10240xi32, #tpu.memory_space<vmem>>, vector<16xi32>,
        %mul3A_131 = arith.constant 8 : i32
        %mul3A_132 = arith.muli %scan3A_74, %mul3A_131 : i32
        %add3A_133 = arith.constant 7 : i32
        %add3A_134 = arith.addi %mul3A_132, %add3A_133 : i32
        %mul3A_135 = arith.constant 16 : i32
        %mul3A_136 = arith.muli %add3A_134, %mul3A_135 : i32
        %swap3A_137 = arith.index_cast %mul3A_136 : i32 to index
        %swap3A_138 = tpu.vector_load %arg5[%swap3A_137] {strides = array<i32>} : memref<10240xi32, #tpu.memory_space<vmem>>, vector<16xi32>,
        tpu.vector_store %arg5[%swap3A_137], %broadcast_in_dim3A_1 {strides = array<i32>} : memref<10240xi32, #tpu.memory_space<vmem>>, vector<16xi32>,
        %scan3A_139 = arith.constant 0 : i32
        scf.yield %scan3A_139 : i32
      }
      %scan3A_40 = arith.constant 80 : i32
      %dma_wait3A = arith.constant 0 : i32
      %dma_wait3A_41 = arith.constant 0 : i32
      %dma_wait3A_42 = tpu.memref_slice %arg4[%dma_wait3A, %dma_wait3A_41] : memref<2x10240xi32, #tpu.memory_space<vmem>> -> memref<2x1280xi32, #tpu.memory_space<vmem>>
      %dma_wait3A_43 = arith.constant 0 : i32
      %dma_wait3A_44 = tpu.memref_slice %arg2[%dma_wait3A_43, %mul3A_13] : memref<2x320000xi32, #tpu.memory_space<hbm>> -> memref<2x1280xi32, #tpu.memory_space<hbm>>
      %dma_wait3A_45 = arith.constant 0 : i32
      %dma_wait3A_46 = arith.constant 0 : i32
      %dma_wait3A_47 = tpu.memref_slice %arg4[%dma_wait3A_45, %dma_wait3A_46] : memref<2x10240xi32, #tpu.memory_space<vmem>> -> memref<2x1280xi32, #tpu.memory_space<vmem>>
      %dma_wait3A_48 = arith.constant 0 : i32
      %dma_wait3A_49 = tpu.memref_slice %arg2[%dma_wait3A_48, %mul3A_13] : memref<2x320000xi32, #tpu.memory_space<hbm>> -> memref<2x1280xi32, #tpu.memory_space<hbm>>
      tpu.wait_dma2 semaphore(%arg6 : memref<!tpu.dma_semaphore, #tpu.memory_space<semaphore_mem>>) src(%dma_wait3A_49 : memref<2x1280xi32, #tpu.memory_space<hbm>>) dst(%dma_wait3A_47 : memref<2x1280xi32, #tpu.memory_space<vmem>>)
      %scan3A_50 = arith.constant 0 : i32
      %scan3A_51 = arith.constant 0 : i32
      %scan3A_52 = arith.constant 5 : i32
      %scan3A_53 = arith.addi %scan3A_51, %scan3A_52 : i32
      %scan3A_54 = arith.constant 1 : i32
      %scan3A_55 = scf.for %scan3A_74 = %scan3A_51 to %scan3A_53 step %scan3A_54 iter_args(%scan3A_75 = %scan3A_50) -> (i32)  : i32 {
        %mul3A_76 = arith.constant 16 : i32
        %mul3A_77 = arith.muli %scan3A_74, %mul3A_76 : i32
        %add3A_78 = arith.constant 0 : i32
        %add3A_79 = arith.addi %mul3A_77, %add3A_78 : i32
        %mul3A_80 = arith.constant 16 : i32
        %mul3A_81 = arith.muli %add3A_79, %mul3A_80 : i32
        %get3A = arith.constant 1 : i32
        %get3A_82 = arith.index_cast %get3A : i32 to index
        %get3A_83 = arith.index_cast %mul3A_81 : i32 to index
        %get3A_84 = tpu.vector_load %arg4[%get3A_82, %get3A_83] {strides = array<i32>} : memref<2x10240xi32, #tpu.memory_space<vmem>>, vector<16xi32>,
        %mul3A_85 = arith.constant 16 : i32
        %mul3A_86 = arith.muli %scan3A_74, %mul3A_85 : i32
        %add3A_87 = arith.constant 1 : i32
        %add3A_88 = arith.addi %mul3A_86, %add3A_87 : i32
        %mul3A_89 = arith.constant 16 : i32
        %mul3A_90 = arith.muli %add3A_88, %mul3A_89 : i32
        %get3A_91 = arith.constant 1 : i32
        %get3A_92 = arith.index_cast %get3A_91 : i32 to index
        %get3A_93 = arith.index_cast %mul3A_90 : i32 to index
        %get3A_94 = tpu.vector_load %arg4[%get3A_92, %get3A_93] {strides = array<i32>} : memref<2x10240xi32, #tpu.memory_space<vmem>>, vector<16xi32>,
        %mul3A_95 = arith.constant 16 : i32
        %mul3A_96 = arith.muli %scan3A_74, %mul3A_95 : i32
        %add3A_97 = arith.constant 2 : i32
        %add3A_98 = arith.addi %mul3A_96, %add3A_97 : i32
        %mul3A_99 = arith.constant 16 : i32
        %mul3A_100 = arith.muli %add3A_98, %mul3A_99 : i32
        %get3A_101 = arith.constant 1 : i32
        %get3A_102 = arith.index_cast %get3A_101 : i32 to index
        %get3A_103 = arith.index_cast %mul3A_100 : i32 to index
        %get3A_104 = tpu.vector_load %arg4[%get3A_102, %get3A_103] {strides = array<i32>} : memref<2x10240xi32, #tpu.memory_space<vmem>>, vector<16xi32>,
        %mul3A_105 = arith.constant 16 : i32
        %mul3A_106 = arith.muli %scan3A_74, %mul3A_105 : i32
        %add3A_107 = arith.constant 3 : i32
        %add3A_108 = arith.addi %mul3A_106, %add3A_107 : i32
        %mul3A_109 = arith.constant 16 : i32
        %mul3A_110 = arith.muli %add3A_108, %mul3A_109 : i32
        %get3A_111 = arith.constant 1 : i32
        %get3A_112 = arith.index_cast %get3A_111 : i32 to index
        %get3A_113 = arith.index_cast %mul3A_110 : i32 to index
        %get3A_114 = tpu.vector_load %arg4[%get3A_112, %get3A_113] {strides = array<i32>} : memref<2x10240xi32, #tpu.memory_space<vmem>>, vector<16xi32>,
        %mul3A_115 = arith.constant 16 : i32
        %mul3A_116 = arith.muli %scan3A_74, %mul3A_115 : i32
        %add3A_117 = arith.constant 4 : i32
        %add3A_118 = arith.addi %mul3A_116, %add3A_117 : i32
        %mul3A_119 = arith.constant 16 : i32
        %mul3A_120 = arith.muli %add3A_118, %mul3A_119 : i32
        %get3A_121 = arith.constant 1 : i32
        %get3A_122 = arith.index_cast %get3A_121 : i32 to index
        %get3A_123 = arith.index_cast %mul3A_120 : i32 to index
        %get3A_124 = tpu.vector_load %arg4[%get3A_122, %get3A_123] {strides = array<i32>} : memref<2x10240xi32, #tpu.memory_space<vmem>>, vector<16xi32>,
        %mul3A_125 = arith.constant 16 : i32
        %mul3A_126 = arith.muli %scan3A_74, %mul3A_125 : i32
        %add3A_127 = arith.constant 5 : i32
        %add3A_128 = arith.addi %mul3A_126, %add3A_127 : i32
        %mul3A_129 = arith.constant 16 : i32
        %mul3A_130 = arith.muli %add3A_128, %mul3A_129 : i32
        %get3A_131 = arith.constant 1 : i32
        %get3A_132 = arith.index_cast %get3A_131 : i32 to index
        %get3A_133 = arith.index_cast %mul3A_130 : i32 to index
        %get3A_134 = tpu.vector_load %arg4[%get3A_132, %get3A_133] {strides = array<i32>} : memref<2x10240xi32, #tpu.memory_space<vmem>>, vector<16xi32>,
        %mul3A_135 = arith.constant 16 : i32
        %mul3A_136 = arith.muli %scan3A_74, %mul3A_135 : i32
        %add3A_137 = arith.constant 6 : i32
        %add3A_138 = arith.addi %mul3A_136, %add3A_137 : i32
        %mul3A_139 = arith.constant 16 : i32
        %mul3A_140 = arith.muli %add3A_138, %mul3A_139 : i32
        %get3A_141 = arith.constant 1 : i32
        %get3A_142 = arith.index_cast %get3A_141 : i32 to index
        %get3A_143 = arith.index_cast %mul3A_140 : i32 to index
        %get3A_144 = tpu.vector_load %arg4[%get3A_142, %get3A_143] {strides = array<i32>} : memref<2x10240xi32, #tpu.memory_space<vmem>>, vector<16xi32>,
        %mul3A_145 = arith.constant 16 : i32
        %mul3A_146 = arith.muli %scan3A_74, %mul3A_145 : i32
        %add3A_147 = arith.constant 7 : i32
        %add3A_148 = arith.addi %mul3A_146, %add3A_147 : i32
        %mul3A_149 = arith.constant 16 : i32
        %mul3A_150 = arith.muli %add3A_148, %mul3A_149 : i32
        %get3A_151 = arith.constant 1 : i32
        %get3A_152 = arith.index_cast %get3A_151 : i32 to index
        %get3A_153 = arith.index_cast %mul3A_150 : i32 to index
        %get3A_154 = tpu.vector_load %arg4[%get3A_152, %get3A_153] {strides = array<i32>} : memref<2x10240xi32, #tpu.memory_space<vmem>>, vector<16xi32>,
        %mul3A_155 = arith.constant 16 : i32
        %mul3A_156 = arith.muli %scan3A_74, %mul3A_155 : i32
        %add3A_157 = arith.constant 8 : i32
        %add3A_158 = arith.addi %mul3A_156, %add3A_157 : i32
        %mul3A_159 = arith.constant 16 : i32
        %mul3A_160 = arith.muli %add3A_158, %mul3A_159 : i32
        %get3A_161 = arith.constant 1 : i32
        %get3A_162 = arith.index_cast %get3A_161 : i32 to index
        %get3A_163 = arith.index_cast %mul3A_160 : i32 to index
        %get3A_164 = tpu.vector_load %arg4[%get3A_162, %get3A_163] {strides = array<i32>} : memref<2x10240xi32, #tpu.memory_space<vmem>>, vector<16xi32>,
        %mul3A_165 = arith.constant 16 : i32
        %mul3A_166 = arith.muli %scan3A_74, %mul3A_165 : i32
        %add3A_167 = arith.constant 9 : i32
        %add3A_168 = arith.addi %mul3A_166, %add3A_167 : i32
        %mul3A_169 = arith.constant 16 : i32
        %mul3A_170 = arith.muli %add3A_168, %mul3A_169 : i32
        %get3A_171 = arith.constant 1 : i32
        %get3A_172 = arith.index_cast %get3A_171 : i32 to index
        %get3A_173 = arith.index_cast %mul3A_170 : i32 to index
        %get3A_174 = tpu.vector_load %arg4[%get3A_172, %get3A_173] {strides = array<i32>} : memref<2x10240xi32, #tpu.memory_space<vmem>>, vector<16xi32>,
        %mul3A_175 = arith.constant 16 : i32
        %mul3A_176 = arith.muli %scan3A_74, %mul3A_175 : i32
        %add3A_177 = arith.constant 10 : i32
        %add3A_178 = arith.addi %mul3A_176, %add3A_177 : i32
        %mul3A_179 = arith.constant 16 : i32
        %mul3A_180 = arith.muli %add3A_178, %mul3A_179 : i32
        %get3A_181 = arith.constant 1 : i32
        %get3A_182 = arith.index_cast %get3A_181 : i32 to index
        %get3A_183 = arith.index_cast %mul3A_180 : i32 to index
        %get3A_184 = tpu.vector_load %arg4[%get3A_182, %get3A_183] {strides = array<i32>} : memref<2x10240xi32, #tpu.memory_space<vmem>>, vector<16xi32>,
        %mul3A_185 = arith.constant 16 : i32
        %mul3A_186 = arith.muli %scan3A_74, %mul3A_185 : i32
        %add3A_187 = arith.constant 11 : i32
        %add3A_188 = arith.addi %mul3A_186, %add3A_187 : i32
        %mul3A_189 = arith.constant 16 : i32
        %mul3A_190 = arith.muli %add3A_188, %mul3A_189 : i32
        %get3A_191 = arith.constant 1 : i32
        %get3A_192 = arith.index_cast %get3A_191 : i32 to index
        %get3A_193 = arith.index_cast %mul3A_190 : i32 to index
        %get3A_194 = tpu.vector_load %arg4[%get3A_192, %get3A_193] {strides = array<i32>} : memref<2x10240xi32, #tpu.memory_space<vmem>>, vector<16xi32>,
        %mul3A_195 = arith.constant 16 : i32
        %mul3A_196 = arith.muli %scan3A_74, %mul3A_195 : i32
        %add3A_197 = arith.constant 12 : i32
        %add3A_198 = arith.addi %mul3A_196, %add3A_197 : i32
        %mul3A_199 = arith.constant 16 : i32
        %mul3A_200 = arith.muli %add3A_198, %mul3A_199 : i32
        %get3A_201 = arith.constant 1 : i32
        %get3A_202 = arith.index_cast %get3A_201 : i32 to index
        %get3A_203 = arith.index_cast %mul3A_200 : i32 to index
        %get3A_204 = tpu.vector_load %arg4[%get3A_202, %get3A_203] {strides = array<i32>} : memref<2x10240xi32, #tpu.memory_space<vmem>>, vector<16xi32>,
        %mul3A_205 = arith.constant 16 : i32
        %mul3A_206 = arith.muli %scan3A_74, %mul3A_205 : i32
        %add3A_207 = arith.constant 13 : i32
        %add3A_208 = arith.addi %mul3A_206, %add3A_207 : i32
        %mul3A_209 = arith.constant 16 : i32
        %mul3A_210 = arith.muli %add3A_208, %mul3A_209 : i32
        %get3A_211 = arith.constant 1 : i32
        %get3A_212 = arith.index_cast %get3A_211 : i32 to index
        %get3A_213 = arith.index_cast %mul3A_210 : i32 to index
        %get3A_214 = tpu.vector_load %arg4[%get3A_212, %get3A_213] {strides = array<i32>} : memref<2x10240xi32, #tpu.memory_space<vmem>>, vector<16xi32>,
        %mul3A_215 = arith.constant 16 : i32
        %mul3A_216 = arith.muli %scan3A_74, %mul3A_215 : i32
        %add3A_217 = arith.constant 14 : i32
        %add3A_218 = arith.addi %mul3A_216, %add3A_217 : i32
        %mul3A_219 = arith.constant 16 : i32
        %mul3A_220 = arith.muli %add3A_218, %mul3A_219 : i32
        %get3A_221 = arith.constant 1 : i32
        %get3A_222 = arith.index_cast %get3A_221 : i32 to index
        %get3A_223 = arith.index_cast %mul3A_220 : i32 to index
        %get3A_224 = tpu.vector_load %arg4[%get3A_222, %get3A_223] {strides = array<i32>} : memref<2x10240xi32, #tpu.memory_space<vmem>>, vector<16xi32>,
        %mul3A_225 = arith.constant 16 : i32
        %mul3A_226 = arith.muli %scan3A_74, %mul3A_225 : i32
        %add3A_227 = arith.constant 15 : i32
        %add3A_228 = arith.addi %mul3A_226, %add3A_227 : i32
        %mul3A_229 = arith.constant 16 : i32
        %mul3A_230 = arith.muli %add3A_228, %mul3A_229 : i32
        %get3A_231 = arith.constant 1 : i32
        %get3A_232 = arith.index_cast %get3A_231 : i32 to index
        %get3A_233 = arith.index_cast %mul3A_230 : i32 to index
        %get3A_234 = tpu.vector_load %arg4[%get3A_232, %get3A_233] {strides = array<i32>} : memref<2x10240xi32, #tpu.memory_space<vmem>>, vector<16xi32>,
        tpu.vector_store_idx %arg5[%get3A_84], %broadcast_in_dim3A_3 {add = true} : memref<10240xi32, #tpu.memory_space<vmem>>[vector<16xi32>], vector<16xi32>,
        tpu.vector_store_idx %arg5[%get3A_94], %broadcast_in_dim3A_3 {add = true} : memref<10240xi32, #tpu.memory_space<vmem>>[vector<16xi32>], vector<16xi32>,
        tpu.vector_store_idx %arg5[%get3A_104], %broadcast_in_dim3A_3 {add = true} : memref<10240xi32, #tpu.memory_space<vmem>>[vector<16xi32>], vector<16xi32>,
        tpu.vector_store_idx %arg5[%get3A_114], %broadcast_in_dim3A_3 {add = true} : memref<10240xi32, #tpu.memory_space<vmem>>[vector<16xi32>], vector<16xi32>,
        tpu.vector_store_idx %arg5[%get3A_124], %broadcast_in_dim3A_3 {add = true} : memref<10240xi32, #tpu.memory_space<vmem>>[vector<16xi32>], vector<16xi32>,
        tpu.vector_store_idx %arg5[%get3A_134], %broadcast_in_dim3A_3 {add = true} : memref<10240xi32, #tpu.memory_space<vmem>>[vector<16xi32>], vector<16xi32>,
        tpu.vector_store_idx %arg5[%get3A_144], %broadcast_in_dim3A_3 {add = true} : memref<10240xi32, #tpu.memory_space<vmem>>[vector<16xi32>], vector<16xi32>,
        tpu.vector_store_idx %arg5[%get3A_154], %broadcast_in_dim3A_3 {add = true} : memref<10240xi32, #tpu.memory_space<vmem>>[vector<16xi32>], vector<16xi32>,
        tpu.vector_store_idx %arg5[%get3A_164], %broadcast_in_dim3A_3 {add = true} : memref<10240xi32, #tpu.memory_space<vmem>>[vector<16xi32>], vector<16xi32>,
        tpu.vector_store_idx %arg5[%get3A_174], %broadcast_in_dim3A_3 {add = true} : memref<10240xi32, #tpu.memory_space<vmem>>[vector<16xi32>], vector<16xi32>,
        tpu.vector_store_idx %arg5[%get3A_184], %broadcast_in_dim3A_3 {add = true} : memref<10240xi32, #tpu.memory_space<vmem>>[vector<16xi32>], vector<16xi32>,
        tpu.vector_store_idx %arg5[%get3A_194], %broadcast_in_dim3A_3 {add = true} : memref<10240xi32, #tpu.memory_space<vmem>>[vector<16xi32>], vector<16xi32>,
        tpu.vector_store_idx %arg5[%get3A_204], %broadcast_in_dim3A_3 {add = true} : memref<10240xi32, #tpu.memory_space<vmem>>[vector<16xi32>], vector<16xi32>,
        tpu.vector_store_idx %arg5[%get3A_214], %broadcast_in_dim3A_3 {add = true} : memref<10240xi32, #tpu.memory_space<vmem>>[vector<16xi32>], vector<16xi32>,
        tpu.vector_store_idx %arg5[%get3A_224], %broadcast_in_dim3A_3 {add = true} : memref<10240xi32, #tpu.memory_space<vmem>>[vector<16xi32>], vector<16xi32>,
        tpu.vector_store_idx %arg5[%get3A_234], %broadcast_in_dim3A_3 {add = true} : memref<10240xi32, #tpu.memory_space<vmem>>[vector<16xi32>], vector<16xi32>,
        %scan3A_235 = arith.constant 0 : i32
        scf.yield %scan3A_235 : i32
      }
      %scan3A_56 = arith.constant 5 : i32
      %dma_wait3A_57 = arith.constant 0 : i32
      %dma_wait3A_58 = arith.constant 1280 : i32
      %dma_wait3A_59 = tpu.memref_slice %arg4[%dma_wait3A_57, %dma_wait3A_58] : memref<2x10240xi32, #tpu.memory_space<vmem>> -> memref<2x1280xi32, #tpu.memory_space<vmem>>
      %dma_wait3A_60 = arith.constant 0 : i32
      %dma_wait3A_61 = tpu.memref_slice %arg2[%dma_wait3A_60, %add3A_24] : memref<2x320000xi32, #tpu.memory_space<hbm>> -> memref<2x1280xi32, #tpu.memory_space<hbm>>
      %dma_wait3A_62 = arith.constant 0 : i32
      %dma_wait3A_63 = arith.constant 1280 : i32
      %dma_wait3A_64 = tpu.memref_slice %arg4[%dma_wait3A_62, %dma_wait3A_63] : memref<2x10240xi32, #tpu.memory_space<vmem>> -> memref<2x1280xi32, #tpu.memory_space<vmem>>
      %dma_wait3A_65 = arith.constant 0 : i32
      %dma_wait3A_66 = tpu.memref_slice %arg2[%dma_wait3A_65, %add3A_24] : memref<2x320000xi32, #tpu.memory_space<hbm>> -> memref<2x1280xi32, #tpu.memory_space<hbm>>
      tpu.wait_dma2 semaphore(%arg6 : memref<!tpu.dma_semaphore, #tpu.memory_space<semaphore_mem>>) src(%dma_wait3A_66 : memref<2x1280xi32, #tpu.memory_space<hbm>>) dst(%dma_wait3A_64 : memref<2x1280xi32, #tpu.memory_space<vmem>>)
      %scan3A_67 = arith.constant 0 : i32
      %scan3A_68 = arith.constant 5 : i32
      %scan3A_69 = arith.constant 5 : i32
      %scan3A_70 = arith.addi %scan3A_68, %scan3A_69 : i32
      %scan3A_71 = arith.constant 1 : i32
      %scan3A_72 = scf.for %scan3A_74 = %scan3A_68 to %scan3A_70 step %scan3A_71 iter_args(%scan3A_75 = %scan3A_67) -> (i32)  : i32 {
        %mul3A_76 = arith.constant 16 : i32
        %mul3A_77 = arith.muli %scan3A_74, %mul3A_76 : i32
        %add3A_78 = arith.constant 0 : i32
        %add3A_79 = arith.addi %mul3A_77, %add3A_78 : i32
        %mul3A_80 = arith.constant 16 : i32
        %mul3A_81 = arith.muli %add3A_79, %mul3A_80 : i32
        %get3A = arith.constant 1 : i32
        %get3A_82 = arith.index_cast %get3A : i32 to index
        %get3A_83 = arith.index_cast %mul3A_81 : i32 to index
        %get3A_84 = tpu.vector_load %arg4[%get3A_82, %get3A_83] {strides = array<i32>} : memref<2x10240xi32, #tpu.memory_space<vmem>>, vector<16xi32>,
        %mul3A_85 = arith.constant 16 : i32
        %mul3A_86 = arith.muli %scan3A_74, %mul3A_85 : i32
        %add3A_87 = arith.constant 1 : i32
        %add3A_88 = arith.addi %mul3A_86, %add3A_87 : i32
        %mul3A_89 = arith.constant 16 : i32
        %mul3A_90 = arith.muli %add3A_88, %mul3A_89 : i32
        %get3A_91 = arith.constant 1 : i32
        %get3A_92 = arith.index_cast %get3A_91 : i32 to index
        %get3A_93 = arith.index_cast %mul3A_90 : i32 to index
        %get3A_94 = tpu.vector_load %arg4[%get3A_92, %get3A_93] {strides = array<i32>} : memref<2x10240xi32, #tpu.memory_space<vmem>>, vector<16xi32>,
        %mul3A_95 = arith.constant 16 : i32
        %mul3A_96 = arith.muli %scan3A_74, %mul3A_95 : i32
        %add3A_97 = arith.constant 2 : i32
        %add3A_98 = arith.addi %mul3A_96, %add3A_97 : i32
        %mul3A_99 = arith.constant 16 : i32
        %mul3A_100 = arith.muli %add3A_98, %mul3A_99 : i32
        %get3A_101 = arith.constant 1 : i32
        %get3A_102 = arith.index_cast %get3A_101 : i32 to index
        %get3A_103 = arith.index_cast %mul3A_100 : i32 to index
        %get3A_104 = tpu.vector_load %arg4[%get3A_102, %get3A_103] {strides = array<i32>} : memref<2x10240xi32, #tpu.memory_space<vmem>>, vector<16xi32>,
        %mul3A_105 = arith.constant 16 : i32
        %mul3A_106 = arith.muli %scan3A_74, %mul3A_105 : i32
        %add3A_107 = arith.constant 3 : i32
        %add3A_108 = arith.addi %mul3A_106, %add3A_107 : i32
        %mul3A_109 = arith.constant 16 : i32
        %mul3A_110 = arith.muli %add3A_108, %mul3A_109 : i32
        %get3A_111 = arith.constant 1 : i32
        %get3A_112 = arith.index_cast %get3A_111 : i32 to index
        %get3A_113 = arith.index_cast %mul3A_110 : i32 to index
        %get3A_114 = tpu.vector_load %arg4[%get3A_112, %get3A_113] {strides = array<i32>} : memref<2x10240xi32, #tpu.memory_space<vmem>>, vector<16xi32>,
        %mul3A_115 = arith.constant 16 : i32
        %mul3A_116 = arith.muli %scan3A_74, %mul3A_115 : i32
        %add3A_117 = arith.constant 4 : i32
        %add3A_118 = arith.addi %mul3A_116, %add3A_117 : i32
        %mul3A_119 = arith.constant 16 : i32
        %mul3A_120 = arith.muli %add3A_118, %mul3A_119 : i32
        %get3A_121 = arith.constant 1 : i32
        %get3A_122 = arith.index_cast %get3A_121 : i32 to index
        %get3A_123 = arith.index_cast %mul3A_120 : i32 to index
        %get3A_124 = tpu.vector_load %arg4[%get3A_122, %get3A_123] {strides = array<i32>} : memref<2x10240xi32, #tpu.memory_space<vmem>>, vector<16xi32>,
        %mul3A_125 = arith.constant 16 : i32
        %mul3A_126 = arith.muli %scan3A_74, %mul3A_125 : i32
        %add3A_127 = arith.constant 5 : i32
        %add3A_128 = arith.addi %mul3A_126, %add3A_127 : i32
        %mul3A_129 = arith.constant 16 : i32
        %mul3A_130 = arith.muli %add3A_128, %mul3A_129 : i32
        %get3A_131 = arith.constant 1 : i32
        %get3A_132 = arith.index_cast %get3A_131 : i32 to index
        %get3A_133 = arith.index_cast %mul3A_130 : i32 to index
        %get3A_134 = tpu.vector_load %arg4[%get3A_132, %get3A_133] {strides = array<i32>} : memref<2x10240xi32, #tpu.memory_space<vmem>>, vector<16xi32>,
        %mul3A_135 = arith.constant 16 : i32
        %mul3A_136 = arith.muli %scan3A_74, %mul3A_135 : i32
        %add3A_137 = arith.constant 6 : i32
        %add3A_138 = arith.addi %mul3A_136, %add3A_137 : i32
        %mul3A_139 = arith.constant 16 : i32
        %mul3A_140 = arith.muli %add3A_138, %mul3A_139 : i32
        %get3A_141 = arith.constant 1 : i32
        %get3A_142 = arith.index_cast %get3A_141 : i32 to index
        %get3A_143 = arith.index_cast %mul3A_140 : i32 to index
        %get3A_144 = tpu.vector_load %arg4[%get3A_142, %get3A_143] {strides = array<i32>} : memref<2x10240xi32, #tpu.memory_space<vmem>>, vector<16xi32>,
        %mul3A_145 = arith.constant 16 : i32
        %mul3A_146 = arith.muli %scan3A_74, %mul3A_145 : i32
        %add3A_147 = arith.constant 7 : i32
        %add3A_148 = arith.addi %mul3A_146, %add3A_147 : i32
        %mul3A_149 = arith.constant 16 : i32
        %mul3A_150 = arith.muli %add3A_148, %mul3A_149 : i32
        %get3A_151 = arith.constant 1 : i32
        %get3A_152 = arith.index_cast %get3A_151 : i32 to index
        %get3A_153 = arith.index_cast %mul3A_150 : i32 to index
        %get3A_154 = tpu.vector_load %arg4[%get3A_152, %get3A_153] {strides = array<i32>} : memref<2x10240xi32, #tpu.memory_space<vmem>>, vector<16xi32>,
        %mul3A_155 = arith.constant 16 : i32
        %mul3A_156 = arith.muli %scan3A_74, %mul3A_155 : i32
        %add3A_157 = arith.constant 8 : i32
        %add3A_158 = arith.addi %mul3A_156, %add3A_157 : i32
        %mul3A_159 = arith.constant 16 : i32
        %mul3A_160 = arith.muli %add3A_158, %mul3A_159 : i32
        %get3A_161 = arith.constant 1 : i32
        %get3A_162 = arith.index_cast %get3A_161 : i32 to index
        %get3A_163 = arith.index_cast %mul3A_160 : i32 to index
        %get3A_164 = tpu.vector_load %arg4[%get3A_162, %get3A_163] {strides = array<i32>} : memref<2x10240xi32, #tpu.memory_space<vmem>>, vector<16xi32>,
        %mul3A_165 = arith.constant 16 : i32
        %mul3A_166 = arith.muli %scan3A_74, %mul3A_165 : i32
        %add3A_167 = arith.constant 9 : i32
        %add3A_168 = arith.addi %mul3A_166, %add3A_167 : i32
        %mul3A_169 = arith.constant 16 : i32
        %mul3A_170 = arith.muli %add3A_168, %mul3A_169 : i32
        %get3A_171 = arith.constant 1 : i32
        %get3A_172 = arith.index_cast %get3A_171 : i32 to index
        %get3A_173 = arith.index_cast %mul3A_170 : i32 to index
        %get3A_174 = tpu.vector_load %arg4[%get3A_172, %get3A_173] {strides = array<i32>} : memref<2x10240xi32, #tpu.memory_space<vmem>>, vector<16xi32>,
        %mul3A_175 = arith.constant 16 : i32
        %mul3A_176 = arith.muli %scan3A_74, %mul3A_175 : i32
        %add3A_177 = arith.constant 10 : i32
        %add3A_178 = arith.addi %mul3A_176, %add3A_177 : i32
        %mul3A_179 = arith.constant 16 : i32
        %mul3A_180 = arith.muli %add3A_178, %mul3A_179 : i32
        %get3A_181 = arith.constant 1 : i32
        %get3A_182 = arith.index_cast %get3A_181 : i32 to index
        %get3A_183 = arith.index_cast %mul3A_180 : i32 to index
        %get3A_184 = tpu.vector_load %arg4[%get3A_182, %get3A_183] {strides = array<i32>} : memref<2x10240xi32, #tpu.memory_space<vmem>>, vector<16xi32>,
        %mul3A_185 = arith.constant 16 : i32
        %mul3A_186 = arith.muli %scan3A_74, %mul3A_185 : i32
        %add3A_187 = arith.constant 11 : i32
        %add3A_188 = arith.addi %mul3A_186, %add3A_187 : i32
        %mul3A_189 = arith.constant 16 : i32
        %mul3A_190 = arith.muli %add3A_188, %mul3A_189 : i32
        %get3A_191 = arith.constant 1 : i32
        %get3A_192 = arith.index_cast %get3A_191 : i32 to index
        %get3A_193 = arith.index_cast %mul3A_190 : i32 to index
        %get3A_194 = tpu.vector_load %arg4[%get3A_192, %get3A_193] {strides = array<i32>} : memref<2x10240xi32, #tpu.memory_space<vmem>>, vector<16xi32>,
        %mul3A_195 = arith.constant 16 : i32
        %mul3A_196 = arith.muli %scan3A_74, %mul3A_195 : i32
        %add3A_197 = arith.constant 12 : i32
        %add3A_198 = arith.addi %mul3A_196, %add3A_197 : i32
        %mul3A_199 = arith.constant 16 : i32
        %mul3A_200 = arith.muli %add3A_198, %mul3A_199 : i32
        %get3A_201 = arith.constant 1 : i32
        %get3A_202 = arith.index_cast %get3A_201 : i32 to index
        %get3A_203 = arith.index_cast %mul3A_200 : i32 to index
        %get3A_204 = tpu.vector_load %arg4[%get3A_202, %get3A_203] {strides = array<i32>} : memref<2x10240xi32, #tpu.memory_space<vmem>>, vector<16xi32>,
        %mul3A_205 = arith.constant 16 : i32
        %mul3A_206 = arith.muli %scan3A_74, %mul3A_205 : i32
        %add3A_207 = arith.constant 13 : i32
        %add3A_208 = arith.addi %mul3A_206, %add3A_207 : i32
        %mul3A_209 = arith.constant 16 : i32
        %mul3A_210 = arith.muli %add3A_208, %mul3A_209 : i32
        %get3A_211 = arith.constant 1 : i32
        %get3A_212 = arith.index_cast %get3A_211 : i32 to index
        %get3A_213 = arith.index_cast %mul3A_210 : i32 to index
        %get3A_214 = tpu.vector_load %arg4[%get3A_212, %get3A_213] {strides = array<i32>} : memref<2x10240xi32, #tpu.memory_space<vmem>>, vector<16xi32>,
        %mul3A_215 = arith.constant 16 : i32
        %mul3A_216 = arith.muli %scan3A_74, %mul3A_215 : i32
        %add3A_217 = arith.constant 14 : i32
        %add3A_218 = arith.addi %mul3A_216, %add3A_217 : i32
        %mul3A_219 = arith.constant 16 : i32
        %mul3A_220 = arith.muli %add3A_218, %mul3A_219 : i32
        %get3A_221 = arith.constant 1 : i32
        %get3A_222 = arith.index_cast %get3A_221 : i32 to index
        %get3A_223 = arith.index_cast %mul3A_220 : i32 to index
        %get3A_224 = tpu.vector_load %arg4[%get3A_222, %get3A_223] {strides = array<i32>} : memref<2x10240xi32, #tpu.memory_space<vmem>>, vector<16xi32>,
        %mul3A_225 = arith.constant 16 : i32
        %mul3A_226 = arith.muli %scan3A_74, %mul3A_225 : i32
        %add3A_227 = arith.constant 15 : i32
        %add3A_228 = arith.addi %mul3A_226, %add3A_227 : i32
        %mul3A_229 = arith.constant 16 : i32
        %mul3A_230 = arith.muli %add3A_228, %mul3A_229 : i32
        %get3A_231 = arith.constant 1 : i32
        %get3A_232 = arith.index_cast %get3A_231 : i32 to index
        %get3A_233 = arith.index_cast %mul3A_230 : i32 to index
        %get3A_234 = tpu.vector_load %arg4[%get3A_232, %get3A_233] {strides = array<i32>} : memref<2x10240xi32, #tpu.memory_space<vmem>>, vector<16xi32>,
        tpu.vector_store_idx %arg5[%get3A_84], %broadcast_in_dim3A_3 {add = true} : memref<10240xi32, #tpu.memory_space<vmem>>[vector<16xi32>], vector<16xi32>,
        tpu.vector_store_idx %arg5[%get3A_94], %broadcast_in_dim3A_3 {add = true} : memref<10240xi32, #tpu.memory_space<vmem>>[vector<16xi32>], vector<16xi32>,
        tpu.vector_store_idx %arg5[%get3A_104], %broadcast_in_dim3A_3 {add = true} : memref<10240xi32, #tpu.memory_space<vmem>>[vector<16xi32>], vector<16xi32>,
        tpu.vector_store_idx %arg5[%get3A_114], %broadcast_in_dim3A_3 {add = true} : memref<10240xi32, #tpu.memory_space<vmem>>[vector<16xi32>], vector<16xi32>,
        tpu.vector_store_idx %arg5[%get3A_124], %broadcast_in_dim3A_3 {add = true} : memref<10240xi32, #tpu.memory_space<vmem>>[vector<16xi32>], vector<16xi32>,
        tpu.vector_store_idx %arg5[%get3A_134], %broadcast_in_dim3A_3 {add = true} : memref<10240xi32, #tpu.memory_space<vmem>>[vector<16xi32>], vector<16xi32>,
        tpu.vector_store_idx %arg5[%get3A_144], %broadcast_in_dim3A_3 {add = true} : memref<10240xi32, #tpu.memory_space<vmem>>[vector<16xi32>], vector<16xi32>,
        tpu.vector_store_idx %arg5[%get3A_154], %broadcast_in_dim3A_3 {add = true} : memref<10240xi32, #tpu.memory_space<vmem>>[vector<16xi32>], vector<16xi32>,
        tpu.vector_store_idx %arg5[%get3A_164], %broadcast_in_dim3A_3 {add = true} : memref<10240xi32, #tpu.memory_space<vmem>>[vector<16xi32>], vector<16xi32>,
        tpu.vector_store_idx %arg5[%get3A_174], %broadcast_in_dim3A_3 {add = true} : memref<10240xi32, #tpu.memory_space<vmem>>[vector<16xi32>], vector<16xi32>,
        tpu.vector_store_idx %arg5[%get3A_184], %broadcast_in_dim3A_3 {add = true} : memref<10240xi32, #tpu.memory_space<vmem>>[vector<16xi32>], vector<16xi32>,
        tpu.vector_store_idx %arg5[%get3A_194], %broadcast_in_dim3A_3 {add = true} : memref<10240xi32, #tpu.memory_space<vmem>>[vector<16xi32>], vector<16xi32>,
        tpu.vector_store_idx %arg5[%get3A_204], %broadcast_in_dim3A_3 {add = true} : memref<10240xi32, #tpu.memory_space<vmem>>[vector<16xi32>], vector<16xi32>,
        tpu.vector_store_idx %arg5[%get3A_214], %broadcast_in_dim3A_3 {add = true} : memref<10240xi32, #tpu.memory_space<vmem>>[vector<16xi32>], vector<16xi32>,
        tpu.vector_store_idx %arg5[%get3A_224], %broadcast_in_dim3A_3 {add = true} : memref<10240xi32, #tpu.memory_space<vmem>>[vector<16xi32>], vector<16xi32>,
        tpu.vector_store_idx %arg5[%get3A_234], %broadcast_in_dim3A_3 {add = true} : memref<10240xi32, #tpu.memory_space<vmem>>[vector<16xi32>], vector<16xi32>,
        %scan3A_235 = arith.constant 0 : i32
        scf.yield %scan3A_235 : i32
      }
      %scan3A_73 = arith.constant 5 : i32
    } else {
    }
    %mul3A_10 = arith.constant 10240 : i32
    %mul3A_11 = arith.muli %add3A, %mul3A_10 : i32
    "tpu.region"() ({
      %run_scoped3A = tpu.sem_alloc : memref<!tpu.dma_semaphore, #tpu.memory_space<semaphore_mem>>
      %dma_start3A = tpu.memref_slice %arg3[%mul3A_11] : memref<327680xi32, #tpu.memory_space<hbm>> -> memref<10240xi32, #tpu.memory_space<hbm>>
      %dma_start3A_12 = tpu.memref_slice %arg3[%mul3A_11] : memref<327680xi32, #tpu.memory_space<hbm>> -> memref<10240xi32, #tpu.memory_space<hbm>>
      tpu.enqueue_dma source(%arg5 : memref<10240xi32, #tpu.memory_space<vmem>>) target(%dma_start3A_12 : memref<10240xi32, #tpu.memory_space<hbm>>) target_semaphore(%run_scoped3A : memref<!tpu.dma_semaphore, #tpu.memory_space<semaphore_mem>>)
      %dma_wait3A = tpu.memref_slice %arg3[%mul3A_11] : memref<327680xi32, #tpu.memory_space<hbm>> -> memref<10240xi32, #tpu.memory_space<hbm>>
      %dma_wait3A_13 = tpu.memref_slice %arg3[%mul3A_11] : memref<327680xi32, #tpu.memory_space<hbm>> -> memref<10240xi32, #tpu.memory_space<hbm>>
      tpu.wait_dma2 semaphore(%run_scoped3A : memref<!tpu.dma_semaphore, #tpu.memory_space<semaphore_mem>>) src(%arg5 : memref<10240xi32, #tpu.memory_space<vmem>>) dst(%dma_wait3A_13 : memref<10240xi32, #tpu.memory_space<hbm>>)
      tpu.yield
    }) : () -> ()
    return
  }
}

#map = affine_map<(d0, d1) -> (0)>
#map1 = affine_map<(d0, d1) -> (0, 0)>
module attributes {stable_mosaic.version = 14 : i64} {
  func.func @combine_kernel(%arg0: i32, %arg1: i32, %arg2: memref<327680xi32, #tpu.memory_space<hbm>>, %arg3: memref<512x128xf32, #tpu.memory_space<hbm>>, %arg4: memref<10000x128xf32, #tpu.memory_space<hbm>>, %arg5: memref<10000x128xf32, #tpu.memory_space<hbm>>, %arg6: memref<10240xi32, #tpu.memory_space<vmem>>, %arg7: memref<320xi32, #tpu.memory_space<vmem>>, %arg8: memref<320x128xf32, #tpu.memory_space<vmem>>, %arg9: memref<512x128xf32, #tpu.memory_space<vmem_shared>>, %arg10: memref<!tpu.dma_semaphore, #tpu.memory_space<semaphore_mem>>, %arg11: memref<!tpu.dma_semaphore, #tpu.memory_space<semaphore_mem>>, %arg12: memref<!tpu.dma_semaphore, #tpu.memory_space<semaphore_mem>>, %arg13: memref<!tpu.dma_semaphore, #tpu.memory_space<semaphore_mem>>, %arg14: memref<!tpu.dma_semaphore, #tpu.memory_space<semaphore_mem>>, %arg15: memref<!tpu.dma_semaphore, #tpu.memory_space<semaphore_mem>>, %arg16: memref<!tpu.dma_semaphore, #tpu.memory_space<semaphore_mem>>, %arg17: memref<!tpu.dma_semaphore, #tpu.memory_space<semaphore_mem>>, %arg18: memref<!tpu.dma_semaphore, #tpu.memory_space<semaphore_mem>>, %arg19: memref<!tpu.dma_semaphore, #tpu.memory_space<semaphore_mem>>) attributes {dimension_semantics = [#tpu.dimension_semantics<core_parallel>, #tpu.dimension_semantics<subcore_parallel>], iteration_bounds = array<i64: 2, 16>, scalar_prefetch = 0 : i64, scratch_operands = 14 : i64, tpu.core_type = #tpu.core_type<sc_vector_subcore>, window_params = [{transform_indices = #map}, {transform_indices = #map1}, {transform_indices = #map1}, {transform_indices = #map1}]} {
    %mul3A = arith.constant 16 : i32
    %mul3A_0 = arith.muli %arg0, %mul3A : i32
    %add3A = arith.addi %mul3A_0, %arg1 : i32
    %mul3A_1 = arith.constant 320 : i32
    %mul3A_2 = arith.muli %add3A, %mul3A_1 : i32
    %eq3A = arith.constant 31 : i32
    %eq3A_3 = arith.cmpi eq, %add3A, %eq3A : i32
    %add3A_4 = arith.constant 0 : i32
    %add3A_5 = arith.addi %add3A_4, %mul3A_2 : i32
    %dma_start3A = arith.constant 0 : i32
    %dma_start3A_6 = tpu.memref_slice %arg6[%dma_start3A] : memref<10240xi32, #tpu.memory_space<vmem>> -> memref<320xi32, #tpu.memory_space<vmem>>
    %dma_start3A_7 = tpu.memref_slice %arg2[%add3A_5] : memref<327680xi32, #tpu.memory_space<hbm>> -> memref<320xi32, #tpu.memory_space<hbm>>
    %dma_start3A_8 = arith.constant 0 : i32
    %dma_start3A_9 = tpu.memref_slice %arg6[%dma_start3A_8] : memref<10240xi32, #tpu.memory_space<vmem>> -> memref<320xi32, #tpu.memory_space<vmem>>
    %dma_start3A_10 = tpu.memref_slice %arg2[%add3A_5] : memref<327680xi32, #tpu.memory_space<hbm>> -> memref<320xi32, #tpu.memory_space<hbm>>
    tpu.enqueue_dma source(%dma_start3A_10 : memref<320xi32, #tpu.memory_space<hbm>>) target(%dma_start3A_9 : memref<320xi32, #tpu.memory_space<vmem>>) target_semaphore(%arg10 : memref<!tpu.dma_semaphore, #tpu.memory_space<semaphore_mem>>)
    %add3A_11 = arith.constant 10240 : i32
    %add3A_12 = arith.addi %add3A_11, %mul3A_2 : i32
    %dma_start3A_13 = arith.constant 320 : i32
    %dma_start3A_14 = tpu.memref_slice %arg6[%dma_start3A_13] : memref<10240xi32, #tpu.memory_space<vmem>> -> memref<320xi32, #tpu.memory_space<vmem>>
    %dma_start3A_15 = tpu.memref_slice %arg2[%add3A_12] : memref<327680xi32, #tpu.memory_space<hbm>> -> memref<320xi32, #tpu.memory_space<hbm>>
    %dma_start3A_16 = arith.constant 320 : i32
    %dma_start3A_17 = tpu.memref_slice %arg6[%dma_start3A_16] : memref<10240xi32, #tpu.memory_space<vmem>> -> memref<320xi32, #tpu.memory_space<vmem>>
    %dma_start3A_18 = tpu.memref_slice %arg2[%add3A_12] : memref<327680xi32, #tpu.memory_space<hbm>> -> memref<320xi32, #tpu.memory_space<hbm>>
    tpu.enqueue_dma source(%dma_start3A_18 : memref<320xi32, #tpu.memory_space<hbm>>) target(%dma_start3A_17 : memref<320xi32, #tpu.memory_space<vmem>>) target_semaphore(%arg10 : memref<!tpu.dma_semaphore, #tpu.memory_space<semaphore_mem>>)
    %add3A_19 = arith.constant 20480 : i32
    %add3A_20 = arith.addi %add3A_19, %mul3A_2 : i32
    %dma_start3A_21 = arith.constant 640 : i32
    %dma_start3A_22 = tpu.memref_slice %arg6[%dma_start3A_21] : memref<10240xi32, #tpu.memory_space<vmem>> -> memref<320xi32, #tpu.memory_space<vmem>>
    %dma_start3A_23 = tpu.memref_slice %arg2[%add3A_20] : memref<327680xi32, #tpu.memory_space<hbm>> -> memref<320xi32, #tpu.memory_space<hbm>>
    %dma_start3A_24 = arith.constant 640 : i32
    %dma_start3A_25 = tpu.memref_slice %arg6[%dma_start3A_24] : memref<10240xi32, #tpu.memory_space<vmem>> -> memref<320xi32, #tpu.memory_space<vmem>>
    %dma_start3A_26 = tpu.memref_slice %arg2[%add3A_20] : memref<327680xi32, #tpu.memory_space<hbm>> -> memref<320xi32, #tpu.memory_space<hbm>>
    tpu.enqueue_dma source(%dma_start3A_26 : memref<320xi32, #tpu.memory_space<hbm>>) target(%dma_start3A_25 : memref<320xi32, #tpu.memory_space<vmem>>) target_semaphore(%arg10 : memref<!tpu.dma_semaphore, #tpu.memory_space<semaphore_mem>>)
    %add3A_27 = arith.constant 30720 : i32
    %add3A_28 = arith.addi %add3A_27, %mul3A_2 : i32
    %dma_start3A_29 = arith.constant 960 : i32
    %dma_start3A_30 = tpu.memref_slice %arg6[%dma_start3A_29] : memref<10240xi32, #tpu.memory_space<vmem>> -> memref<320xi32, #tpu.memory_space<vmem>>
    %dma_start3A_31 = tpu.memref_slice %arg2[%add3A_28] : memref<327680xi32, #tpu.memory_space<hbm>> -> memref<320xi32, #tpu.memory_space<hbm>>
    %dma_start3A_32 = arith.constant 960 : i32
    %dma_start3A_33 = tpu.memref_slice %arg6[%dma_start3A_32] : memref<10240xi32, #tpu.memory_space<vmem>> -> memref<320xi32, #tpu.memory_space<vmem>>
    %dma_start3A_34 = tpu.memref_slice %arg2[%add3A_28] : memref<327680xi32, #tpu.memory_space<hbm>> -> memref<320xi32, #tpu.memory_space<hbm>>
    tpu.enqueue_dma source(%dma_start3A_34 : memref<320xi32, #tpu.memory_space<hbm>>) target(%dma_start3A_33 : memref<320xi32, #tpu.memory_space<vmem>>) target_semaphore(%arg10 : memref<!tpu.dma_semaphore, #tpu.memory_space<semaphore_mem>>)
    %add3A_35 = arith.constant 40960 : i32
    %add3A_36 = arith.addi %add3A_35, %mul3A_2 : i32
    %dma_start3A_37 = arith.constant 1280 : i32
    %dma_start3A_38 = tpu.memref_slice %arg6[%dma_start3A_37] : memref<10240xi32, #tpu.memory_space<vmem>> -> memref<320xi32, #tpu.memory_space<vmem>>
    %dma_start3A_39 = tpu.memref_slice %arg2[%add3A_36] : memref<327680xi32, #tpu.memory_space<hbm>> -> memref<320xi32, #tpu.memory_space<hbm>>
    %dma_start3A_40 = arith.constant 1280 : i32
    %dma_start3A_41 = tpu.memref_slice %arg6[%dma_start3A_40] : memref<10240xi32, #tpu.memory_space<vmem>> -> memref<320xi32, #tpu.memory_space<vmem>>
    %dma_start3A_42 = tpu.memref_slice %arg2[%add3A_36] : memref<327680xi32, #tpu.memory_space<hbm>> -> memref<320xi32, #tpu.memory_space<hbm>>
    tpu.enqueue_dma source(%dma_start3A_42 : memref<320xi32, #tpu.memory_space<hbm>>) target(%dma_start3A_41 : memref<320xi32, #tpu.memory_space<vmem>>) target_semaphore(%arg10 : memref<!tpu.dma_semaphore, #tpu.memory_space<semaphore_mem>>)
    %add3A_43 = arith.constant 51200 : i32
    %add3A_44 = arith.addi %add3A_43, %mul3A_2 : i32
    %dma_start3A_45 = arith.constant 1600 : i32
    %dma_start3A_46 = tpu.memref_slice %arg6[%dma_start3A_45] : memref<10240xi32, #tpu.memory_space<vmem>> -> memref<320xi32, #tpu.memory_space<vmem>>
    %dma_start3A_47 = tpu.memref_slice %arg2[%add3A_44] : memref<327680xi32, #tpu.memory_space<hbm>> -> memref<320xi32, #tpu.memory_space<hbm>>
    %dma_start3A_48 = arith.constant 1600 : i32
    %dma_start3A_49 = tpu.memref_slice %arg6[%dma_start3A_48] : memref<10240xi32, #tpu.memory_space<vmem>> -> memref<320xi32, #tpu.memory_space<vmem>>
    %dma_start3A_50 = tpu.memref_slice %arg2[%add3A_44] : memref<327680xi32, #tpu.memory_space<hbm>> -> memref<320xi32, #tpu.memory_space<hbm>>
    tpu.enqueue_dma source(%dma_start3A_50 : memref<320xi32, #tpu.memory_space<hbm>>) target(%dma_start3A_49 : memref<320xi32, #tpu.memory_space<vmem>>) target_semaphore(%arg10 : memref<!tpu.dma_semaphore, #tpu.memory_space<semaphore_mem>>)
    %add3A_51 = arith.constant 61440 : i32
    %add3A_52 = arith.addi %add3A_51, %mul3A_2 : i32
    %dma_start3A_53 = arith.constant 1920 : i32
    %dma_start3A_54 = tpu.memref_slice %arg6[%dma_start3A_53] : memref<10240xi32, #tpu.memory_space<vmem>> -> memref<320xi32, #tpu.memory_space<vmem>>
    %dma_start3A_55 = tpu.memref_slice %arg2[%add3A_52] : memref<327680xi32, #tpu.memory_space<hbm>> -> memref<320xi32, #tpu.memory_space<hbm>>
    %dma_start3A_56 = arith.constant 1920 : i32
    %dma_start3A_57 = tpu.memref_slice %arg6[%dma_start3A_56] : memref<10240xi32, #tpu.memory_space<vmem>> -> memref<320xi32, #tpu.memory_space<vmem>>
    %dma_start3A_58 = tpu.memref_slice %arg2[%add3A_52] : memref<327680xi32, #tpu.memory_space<hbm>> -> memref<320xi32, #tpu.memory_space<hbm>>
    tpu.enqueue_dma source(%dma_start3A_58 : memref<320xi32, #tpu.memory_space<hbm>>) target(%dma_start3A_57 : memref<320xi32, #tpu.memory_space<vmem>>) target_semaphore(%arg10 : memref<!tpu.dma_semaphore, #tpu.memory_space<semaphore_mem>>)
    %add3A_59 = arith.constant 71680 : i32
    %add3A_60 = arith.addi %add3A_59, %mul3A_2 : i32
    %dma_start3A_61 = arith.constant 2240 : i32
    %dma_start3A_62 = tpu.memref_slice %arg6[%dma_start3A_61] : memref<10240xi32, #tpu.memory_space<vmem>> -> memref<320xi32, #tpu.memory_space<vmem>>
    %dma_start3A_63 = tpu.memref_slice %arg2[%add3A_60] : memref<327680xi32, #tpu.memory_space<hbm>> -> memref<320xi32, #tpu.memory_space<hbm>>
    %dma_start3A_64 = arith.constant 2240 : i32
    %dma_start3A_65 = tpu.memref_slice %arg6[%dma_start3A_64] : memref<10240xi32, #tpu.memory_space<vmem>> -> memref<320xi32, #tpu.memory_space<vmem>>
    %dma_start3A_66 = tpu.memref_slice %arg2[%add3A_60] : memref<327680xi32, #tpu.memory_space<hbm>> -> memref<320xi32, #tpu.memory_space<hbm>>
    tpu.enqueue_dma source(%dma_start3A_66 : memref<320xi32, #tpu.memory_space<hbm>>) target(%dma_start3A_65 : memref<320xi32, #tpu.memory_space<vmem>>) target_semaphore(%arg10 : memref<!tpu.dma_semaphore, #tpu.memory_space<semaphore_mem>>)
    %add3A_67 = arith.constant 81920 : i32
    %add3A_68 = arith.addi %add3A_67, %mul3A_2 : i32
    %dma_start3A_69 = arith.constant 2560 : i32
    %dma_start3A_70 = tpu.memref_slice %arg6[%dma_start3A_69] : memref<10240xi32, #tpu.memory_space<vmem>> -> memref<320xi32, #tpu.memory_space<vmem>>
    %dma_start3A_71 = tpu.memref_slice %arg2[%add3A_68] : memref<327680xi32, #tpu.memory_space<hbm>> -> memref<320xi32, #tpu.memory_space<hbm>>
    %dma_start3A_72 = arith.constant 2560 : i32
    %dma_start3A_73 = tpu.memref_slice %arg6[%dma_start3A_72] : memref<10240xi32, #tpu.memory_space<vmem>> -> memref<320xi32, #tpu.memory_space<vmem>>
    %dma_start3A_74 = tpu.memref_slice %arg2[%add3A_68] : memref<327680xi32, #tpu.memory_space<hbm>> -> memref<320xi32, #tpu.memory_space<hbm>>
    tpu.enqueue_dma source(%dma_start3A_74 : memref<320xi32, #tpu.memory_space<hbm>>) target(%dma_start3A_73 : memref<320xi32, #tpu.memory_space<vmem>>) target_semaphore(%arg10 : memref<!tpu.dma_semaphore, #tpu.memory_space<semaphore_mem>>)
    %add3A_75 = arith.constant 92160 : i32
    %add3A_76 = arith.addi %add3A_75, %mul3A_2 : i32
    %dma_start3A_77 = arith.constant 2880 : i32
    %dma_start3A_78 = tpu.memref_slice %arg6[%dma_start3A_77] : memref<10240xi32, #tpu.memory_space<vmem>> -> memref<320xi32, #tpu.memory_space<vmem>>
    %dma_start3A_79 = tpu.memref_slice %arg2[%add3A_76] : memref<327680xi32, #tpu.memory_space<hbm>> -> memref<320xi32, #tpu.memory_space<hbm>>
    %dma_start3A_80 = arith.constant 2880 : i32
    %dma_start3A_81 = tpu.memref_slice %arg6[%dma_start3A_80] : memref<10240xi32, #tpu.memory_space<vmem>> -> memref<320xi32, #tpu.memory_space<vmem>>
    %dma_start3A_82 = tpu.memref_slice %arg2[%add3A_76] : memref<327680xi32, #tpu.memory_space<hbm>> -> memref<320xi32, #tpu.memory_space<hbm>>
    tpu.enqueue_dma source(%dma_start3A_82 : memref<320xi32, #tpu.memory_space<hbm>>) target(%dma_start3A_81 : memref<320xi32, #tpu.memory_space<vmem>>) target_semaphore(%arg10 : memref<!tpu.dma_semaphore, #tpu.memory_space<semaphore_mem>>)
    %add3A_83 = arith.constant 102400 : i32
    %add3A_84 = arith.addi %add3A_83, %mul3A_2 : i32
    %dma_start3A_85 = arith.constant 3200 : i32
    %dma_start3A_86 = tpu.memref_slice %arg6[%dma_start3A_85] : memref<10240xi32, #tpu.memory_space<vmem>> -> memref<320xi32, #tpu.memory_space<vmem>>
    %dma_start3A_87 = tpu.memref_slice %arg2[%add3A_84] : memref<327680xi32, #tpu.memory_space<hbm>> -> memref<320xi32, #tpu.memory_space<hbm>>
    %dma_start3A_88 = arith.constant 3200 : i32
    %dma_start3A_89 = tpu.memref_slice %arg6[%dma_start3A_88] : memref<10240xi32, #tpu.memory_space<vmem>> -> memref<320xi32, #tpu.memory_space<vmem>>
    %dma_start3A_90 = tpu.memref_slice %arg2[%add3A_84] : memref<327680xi32, #tpu.memory_space<hbm>> -> memref<320xi32, #tpu.memory_space<hbm>>
    tpu.enqueue_dma source(%dma_start3A_90 : memref<320xi32, #tpu.memory_space<hbm>>) target(%dma_start3A_89 : memref<320xi32, #tpu.memory_space<vmem>>) target_semaphore(%arg10 : memref<!tpu.dma_semaphore, #tpu.memory_space<semaphore_mem>>)
    %add3A_91 = arith.constant 112640 : i32
    %add3A_92 = arith.addi %add3A_91, %mul3A_2 : i32
    %dma_start3A_93 = arith.constant 3520 : i32
    %dma_start3A_94 = tpu.memref_slice %arg6[%dma_start3A_93] : memref<10240xi32, #tpu.memory_space<vmem>> -> memref<320xi32, #tpu.memory_space<vmem>>
    %dma_start3A_95 = tpu.memref_slice %arg2[%add3A_92] : memref<327680xi32, #tpu.memory_space<hbm>> -> memref<320xi32, #tpu.memory_space<hbm>>
    %dma_start3A_96 = arith.constant 3520 : i32
    %dma_start3A_97 = tpu.memref_slice %arg6[%dma_start3A_96] : memref<10240xi32, #tpu.memory_space<vmem>> -> memref<320xi32, #tpu.memory_space<vmem>>
    %dma_start3A_98 = tpu.memref_slice %arg2[%add3A_92] : memref<327680xi32, #tpu.memory_space<hbm>> -> memref<320xi32, #tpu.memory_space<hbm>>
    tpu.enqueue_dma source(%dma_start3A_98 : memref<320xi32, #tpu.memory_space<hbm>>) target(%dma_start3A_97 : memref<320xi32, #tpu.memory_space<vmem>>) target_semaphore(%arg10 : memref<!tpu.dma_semaphore, #tpu.memory_space<semaphore_mem>>)
    %add3A_99 = arith.constant 122880 : i32
    %add3A_100 = arith.addi %add3A_99, %mul3A_2 : i32
    %dma_start3A_101 = arith.constant 3840 : i32
    %dma_start3A_102 = tpu.memref_slice %arg6[%dma_start3A_101] : memref<10240xi32, #tpu.memory_space<vmem>> -> memref<320xi32, #tpu.memory_space<vmem>>
    %dma_start3A_103 = tpu.memref_slice %arg2[%add3A_100] : memref<327680xi32, #tpu.memory_space<hbm>> -> memref<320xi32, #tpu.memory_space<hbm>>
    %dma_start3A_104 = arith.constant 3840 : i32
    %dma_start3A_105 = tpu.memref_slice %arg6[%dma_start3A_104] : memref<10240xi32, #tpu.memory_space<vmem>> -> memref<320xi32, #tpu.memory_space<vmem>>
    %dma_start3A_106 = tpu.memref_slice %arg2[%add3A_100] : memref<327680xi32, #tpu.memory_space<hbm>> -> memref<320xi32, #tpu.memory_space<hbm>>
    tpu.enqueue_dma source(%dma_start3A_106 : memref<320xi32, #tpu.memory_space<hbm>>) target(%dma_start3A_105 : memref<320xi32, #tpu.memory_space<vmem>>) target_semaphore(%arg10 : memref<!tpu.dma_semaphore, #tpu.memory_space<semaphore_mem>>)
    %add3A_107 = arith.constant 133120 : i32
    %add3A_108 = arith.addi %add3A_107, %mul3A_2 : i32
    %dma_start3A_109 = arith.constant 4160 : i32
    %dma_start3A_110 = tpu.memref_slice %arg6[%dma_start3A_109] : memref<10240xi32, #tpu.memory_space<vmem>> -> memref<320xi32, #tpu.memory_space<vmem>>
    %dma_start3A_111 = tpu.memref_slice %arg2[%add3A_108] : memref<327680xi32, #tpu.memory_space<hbm>> -> memref<320xi32, #tpu.memory_space<hbm>>
    %dma_start3A_112 = arith.constant 4160 : i32
    %dma_start3A_113 = tpu.memref_slice %arg6[%dma_start3A_112] : memref<10240xi32, #tpu.memory_space<vmem>> -> memref<320xi32, #tpu.memory_space<vmem>>
    %dma_start3A_114 = tpu.memref_slice %arg2[%add3A_108] : memref<327680xi32, #tpu.memory_space<hbm>> -> memref<320xi32, #tpu.memory_space<hbm>>
    tpu.enqueue_dma source(%dma_start3A_114 : memref<320xi32, #tpu.memory_space<hbm>>) target(%dma_start3A_113 : memref<320xi32, #tpu.memory_space<vmem>>) target_semaphore(%arg10 : memref<!tpu.dma_semaphore, #tpu.memory_space<semaphore_mem>>)
    %add3A_115 = arith.constant 143360 : i32
    %add3A_116 = arith.addi %add3A_115, %mul3A_2 : i32
    %dma_start3A_117 = arith.constant 4480 : i32
    %dma_start3A_118 = tpu.memref_slice %arg6[%dma_start3A_117] : memref<10240xi32, #tpu.memory_space<vmem>> -> memref<320xi32, #tpu.memory_space<vmem>>
    %dma_start3A_119 = tpu.memref_slice %arg2[%add3A_116] : memref<327680xi32, #tpu.memory_space<hbm>> -> memref<320xi32, #tpu.memory_space<hbm>>
    %dma_start3A_120 = arith.constant 4480 : i32
    %dma_start3A_121 = tpu.memref_slice %arg6[%dma_start3A_120] : memref<10240xi32, #tpu.memory_space<vmem>> -> memref<320xi32, #tpu.memory_space<vmem>>
    %dma_start3A_122 = tpu.memref_slice %arg2[%add3A_116] : memref<327680xi32, #tpu.memory_space<hbm>> -> memref<320xi32, #tpu.memory_space<hbm>>
    tpu.enqueue_dma source(%dma_start3A_122 : memref<320xi32, #tpu.memory_space<hbm>>) target(%dma_start3A_121 : memref<320xi32, #tpu.memory_space<vmem>>) target_semaphore(%arg10 : memref<!tpu.dma_semaphore, #tpu.memory_space<semaphore_mem>>)
    %add3A_123 = arith.constant 153600 : i32
    %add3A_124 = arith.addi %add3A_123, %mul3A_2 : i32
    %dma_start3A_125 = arith.constant 4800 : i32
    %dma_start3A_126 = tpu.memref_slice %arg6[%dma_start3A_125] : memref<10240xi32, #tpu.memory_space<vmem>> -> memref<320xi32, #tpu.memory_space<vmem>>
    %dma_start3A_127 = tpu.memref_slice %arg2[%add3A_124] : memref<327680xi32, #tpu.memory_space<hbm>> -> memref<320xi32, #tpu.memory_space<hbm>>
    %dma_start3A_128 = arith.constant 4800 : i32
    %dma_start3A_129 = tpu.memref_slice %arg6[%dma_start3A_128] : memref<10240xi32, #tpu.memory_space<vmem>> -> memref<320xi32, #tpu.memory_space<vmem>>
    %dma_start3A_130 = tpu.memref_slice %arg2[%add3A_124] : memref<327680xi32, #tpu.memory_space<hbm>> -> memref<320xi32, #tpu.memory_space<hbm>>
    tpu.enqueue_dma source(%dma_start3A_130 : memref<320xi32, #tpu.memory_space<hbm>>) target(%dma_start3A_129 : memref<320xi32, #tpu.memory_space<vmem>>) target_semaphore(%arg10 : memref<!tpu.dma_semaphore, #tpu.memory_space<semaphore_mem>>)
    %add3A_131 = arith.constant 163840 : i32
    %add3A_132 = arith.addi %add3A_131, %mul3A_2 : i32
    %dma_start3A_133 = arith.constant 5120 : i32
    %dma_start3A_134 = tpu.memref_slice %arg6[%dma_start3A_133] : memref<10240xi32, #tpu.memory_space<vmem>> -> memref<320xi32, #tpu.memory_space<vmem>>
    %dma_start3A_135 = tpu.memref_slice %arg2[%add3A_132] : memref<327680xi32, #tpu.memory_space<hbm>> -> memref<320xi32, #tpu.memory_space<hbm>>
    %dma_start3A_136 = arith.constant 5120 : i32
    %dma_start3A_137 = tpu.memref_slice %arg6[%dma_start3A_136] : memref<10240xi32, #tpu.memory_space<vmem>> -> memref<320xi32, #tpu.memory_space<vmem>>
    %dma_start3A_138 = tpu.memref_slice %arg2[%add3A_132] : memref<327680xi32, #tpu.memory_space<hbm>> -> memref<320xi32, #tpu.memory_space<hbm>>
    tpu.enqueue_dma source(%dma_start3A_138 : memref<320xi32, #tpu.memory_space<hbm>>) target(%dma_start3A_137 : memref<320xi32, #tpu.memory_space<vmem>>) target_semaphore(%arg10 : memref<!tpu.dma_semaphore, #tpu.memory_space<semaphore_mem>>)
    %add3A_139 = arith.constant 174080 : i32
    %add3A_140 = arith.addi %add3A_139, %mul3A_2 : i32
    %dma_start3A_141 = arith.constant 5440 : i32
    %dma_start3A_142 = tpu.memref_slice %arg6[%dma_start3A_141] : memref<10240xi32, #tpu.memory_space<vmem>> -> memref<320xi32, #tpu.memory_space<vmem>>
    %dma_start3A_143 = tpu.memref_slice %arg2[%add3A_140] : memref<327680xi32, #tpu.memory_space<hbm>> -> memref<320xi32, #tpu.memory_space<hbm>>
    %dma_start3A_144 = arith.constant 5440 : i32
    %dma_start3A_145 = tpu.memref_slice %arg6[%dma_start3A_144] : memref<10240xi32, #tpu.memory_space<vmem>> -> memref<320xi32, #tpu.memory_space<vmem>>
    %dma_start3A_146 = tpu.memref_slice %arg2[%add3A_140] : memref<327680xi32, #tpu.memory_space<hbm>> -> memref<320xi32, #tpu.memory_space<hbm>>
    tpu.enqueue_dma source(%dma_start3A_146 : memref<320xi32, #tpu.memory_space<hbm>>) target(%dma_start3A_145 : memref<320xi32, #tpu.memory_space<vmem>>) target_semaphore(%arg10 : memref<!tpu.dma_semaphore, #tpu.memory_space<semaphore_mem>>)
    %add3A_147 = arith.constant 184320 : i32
    %add3A_148 = arith.addi %add3A_147, %mul3A_2 : i32
    %dma_start3A_149 = arith.constant 5760 : i32
    %dma_start3A_150 = tpu.memref_slice %arg6[%dma_start3A_149] : memref<10240xi32, #tpu.memory_space<vmem>> -> memref<320xi32, #tpu.memory_space<vmem>>
    %dma_start3A_151 = tpu.memref_slice %arg2[%add3A_148] : memref<327680xi32, #tpu.memory_space<hbm>> -> memref<320xi32, #tpu.memory_space<hbm>>
    %dma_start3A_152 = arith.constant 5760 : i32
    %dma_start3A_153 = tpu.memref_slice %arg6[%dma_start3A_152] : memref<10240xi32, #tpu.memory_space<vmem>> -> memref<320xi32, #tpu.memory_space<vmem>>
    %dma_start3A_154 = tpu.memref_slice %arg2[%add3A_148] : memref<327680xi32, #tpu.memory_space<hbm>> -> memref<320xi32, #tpu.memory_space<hbm>>
    tpu.enqueue_dma source(%dma_start3A_154 : memref<320xi32, #tpu.memory_space<hbm>>) target(%dma_start3A_153 : memref<320xi32, #tpu.memory_space<vmem>>) target_semaphore(%arg10 : memref<!tpu.dma_semaphore, #tpu.memory_space<semaphore_mem>>)
    %add3A_155 = arith.constant 194560 : i32
    %add3A_156 = arith.addi %add3A_155, %mul3A_2 : i32
    %dma_start3A_157 = arith.constant 6080 : i32
    %dma_start3A_158 = tpu.memref_slice %arg6[%dma_start3A_157] : memref<10240xi32, #tpu.memory_space<vmem>> -> memref<320xi32, #tpu.memory_space<vmem>>
    %dma_start3A_159 = tpu.memref_slice %arg2[%add3A_156] : memref<327680xi32, #tpu.memory_space<hbm>> -> memref<320xi32, #tpu.memory_space<hbm>>
    %dma_start3A_160 = arith.constant 6080 : i32
    %dma_start3A_161 = tpu.memref_slice %arg6[%dma_start3A_160] : memref<10240xi32, #tpu.memory_space<vmem>> -> memref<320xi32, #tpu.memory_space<vmem>>
    %dma_start3A_162 = tpu.memref_slice %arg2[%add3A_156] : memref<327680xi32, #tpu.memory_space<hbm>> -> memref<320xi32, #tpu.memory_space<hbm>>
    tpu.enqueue_dma source(%dma_start3A_162 : memref<320xi32, #tpu.memory_space<hbm>>) target(%dma_start3A_161 : memref<320xi32, #tpu.memory_space<vmem>>) target_semaphore(%arg10 : memref<!tpu.dma_semaphore, #tpu.memory_space<semaphore_mem>>)
    %add3A_163 = arith.constant 204800 : i32
    %add3A_164 = arith.addi %add3A_163, %mul3A_2 : i32
    %dma_start3A_165 = arith.constant 6400 : i32
    %dma_start3A_166 = tpu.memref_slice %arg6[%dma_start3A_165] : memref<10240xi32, #tpu.memory_space<vmem>> -> memref<320xi32, #tpu.memory_space<vmem>>
    %dma_start3A_167 = tpu.memref_slice %arg2[%add3A_164] : memref<327680xi32, #tpu.memory_space<hbm>> -> memref<320xi32, #tpu.memory_space<hbm>>
    %dma_start3A_168 = arith.constant 6400 : i32
    %dma_start3A_169 = tpu.memref_slice %arg6[%dma_start3A_168] : memref<10240xi32, #tpu.memory_space<vmem>> -> memref<320xi32, #tpu.memory_space<vmem>>
    %dma_start3A_170 = tpu.memref_slice %arg2[%add3A_164] : memref<327680xi32, #tpu.memory_space<hbm>> -> memref<320xi32, #tpu.memory_space<hbm>>
    tpu.enqueue_dma source(%dma_start3A_170 : memref<320xi32, #tpu.memory_space<hbm>>) target(%dma_start3A_169 : memref<320xi32, #tpu.memory_space<vmem>>) target_semaphore(%arg10 : memref<!tpu.dma_semaphore, #tpu.memory_space<semaphore_mem>>)
    %add3A_171 = arith.constant 215040 : i32
    %add3A_172 = arith.addi %add3A_171, %mul3A_2 : i32
    %dma_start3A_173 = arith.constant 6720 : i32
    %dma_start3A_174 = tpu.memref_slice %arg6[%dma_start3A_173] : memref<10240xi32, #tpu.memory_space<vmem>> -> memref<320xi32, #tpu.memory_space<vmem>>
    %dma_start3A_175 = tpu.memref_slice %arg2[%add3A_172] : memref<327680xi32, #tpu.memory_space<hbm>> -> memref<320xi32, #tpu.memory_space<hbm>>
    %dma_start3A_176 = arith.constant 6720 : i32
    %dma_start3A_177 = tpu.memref_slice %arg6[%dma_start3A_176] : memref<10240xi32, #tpu.memory_space<vmem>> -> memref<320xi32, #tpu.memory_space<vmem>>
    %dma_start3A_178 = tpu.memref_slice %arg2[%add3A_172] : memref<327680xi32, #tpu.memory_space<hbm>> -> memref<320xi32, #tpu.memory_space<hbm>>
    tpu.enqueue_dma source(%dma_start3A_178 : memref<320xi32, #tpu.memory_space<hbm>>) target(%dma_start3A_177 : memref<320xi32, #tpu.memory_space<vmem>>) target_semaphore(%arg10 : memref<!tpu.dma_semaphore, #tpu.memory_space<semaphore_mem>>)
    %add3A_179 = arith.constant 225280 : i32
    %add3A_180 = arith.addi %add3A_179, %mul3A_2 : i32
    %dma_start3A_181 = arith.constant 7040 : i32
    %dma_start3A_182 = tpu.memref_slice %arg6[%dma_start3A_181] : memref<10240xi32, #tpu.memory_space<vmem>> -> memref<320xi32, #tpu.memory_space<vmem>>
    %dma_start3A_183 = tpu.memref_slice %arg2[%add3A_180] : memref<327680xi32, #tpu.memory_space<hbm>> -> memref<320xi32, #tpu.memory_space<hbm>>
    %dma_start3A_184 = arith.constant 7040 : i32
    %dma_start3A_185 = tpu.memref_slice %arg6[%dma_start3A_184] : memref<10240xi32, #tpu.memory_space<vmem>> -> memref<320xi32, #tpu.memory_space<vmem>>
    %dma_start3A_186 = tpu.memref_slice %arg2[%add3A_180] : memref<327680xi32, #tpu.memory_space<hbm>> -> memref<320xi32, #tpu.memory_space<hbm>>
    tpu.enqueue_dma source(%dma_start3A_186 : memref<320xi32, #tpu.memory_space<hbm>>) target(%dma_start3A_185 : memref<320xi32, #tpu.memory_space<vmem>>) target_semaphore(%arg10 : memref<!tpu.dma_semaphore, #tpu.memory_space<semaphore_mem>>)
    %add3A_187 = arith.constant 235520 : i32
    %add3A_188 = arith.addi %add3A_187, %mul3A_2 : i32
    %dma_start3A_189 = arith.constant 7360 : i32
    %dma_start3A_190 = tpu.memref_slice %arg6[%dma_start3A_189] : memref<10240xi32, #tpu.memory_space<vmem>> -> memref<320xi32, #tpu.memory_space<vmem>>
    %dma_start3A_191 = tpu.memref_slice %arg2[%add3A_188] : memref<327680xi32, #tpu.memory_space<hbm>> -> memref<320xi32, #tpu.memory_space<hbm>>
    %dma_start3A_192 = arith.constant 7360 : i32
    %dma_start3A_193 = tpu.memref_slice %arg6[%dma_start3A_192] : memref<10240xi32, #tpu.memory_space<vmem>> -> memref<320xi32, #tpu.memory_space<vmem>>
    %dma_start3A_194 = tpu.memref_slice %arg2[%add3A_188] : memref<327680xi32, #tpu.memory_space<hbm>> -> memref<320xi32, #tpu.memory_space<hbm>>
    tpu.enqueue_dma source(%dma_start3A_194 : memref<320xi32, #tpu.memory_space<hbm>>) target(%dma_start3A_193 : memref<320xi32, #tpu.memory_space<vmem>>) target_semaphore(%arg10 : memref<!tpu.dma_semaphore, #tpu.memory_space<semaphore_mem>>)
    %add3A_195 = arith.constant 245760 : i32
    %add3A_196 = arith.addi %add3A_195, %mul3A_2 : i32
    %dma_start3A_197 = arith.constant 7680 : i32
    %dma_start3A_198 = tpu.memref_slice %arg6[%dma_start3A_197] : memref<10240xi32, #tpu.memory_space<vmem>> -> memref<320xi32, #tpu.memory_space<vmem>>
    %dma_start3A_199 = tpu.memref_slice %arg2[%add3A_196] : memref<327680xi32, #tpu.memory_space<hbm>> -> memref<320xi32, #tpu.memory_space<hbm>>
    %dma_start3A_200 = arith.constant 7680 : i32
    %dma_start3A_201 = tpu.memref_slice %arg6[%dma_start3A_200] : memref<10240xi32, #tpu.memory_space<vmem>> -> memref<320xi32, #tpu.memory_space<vmem>>
    %dma_start3A_202 = tpu.memref_slice %arg2[%add3A_196] : memref<327680xi32, #tpu.memory_space<hbm>> -> memref<320xi32, #tpu.memory_space<hbm>>
    tpu.enqueue_dma source(%dma_start3A_202 : memref<320xi32, #tpu.memory_space<hbm>>) target(%dma_start3A_201 : memref<320xi32, #tpu.memory_space<vmem>>) target_semaphore(%arg10 : memref<!tpu.dma_semaphore, #tpu.memory_space<semaphore_mem>>)
    %add3A_203 = arith.constant 256000 : i32
    %add3A_204 = arith.addi %add3A_203, %mul3A_2 : i32
    %dma_start3A_205 = arith.constant 8000 : i32
    %dma_start3A_206 = tpu.memref_slice %arg6[%dma_start3A_205] : memref<10240xi32, #tpu.memory_space<vmem>> -> memref<320xi32, #tpu.memory_space<vmem>>
    %dma_start3A_207 = tpu.memref_slice %arg2[%add3A_204] : memref<327680xi32, #tpu.memory_space<hbm>> -> memref<320xi32, #tpu.memory_space<hbm>>
    %dma_start3A_208 = arith.constant 8000 : i32
    %dma_start3A_209 = tpu.memref_slice %arg6[%dma_start3A_208] : memref<10240xi32, #tpu.memory_space<vmem>> -> memref<320xi32, #tpu.memory_space<vmem>>
    %dma_start3A_210 = tpu.memref_slice %arg2[%add3A_204] : memref<327680xi32, #tpu.memory_space<hbm>> -> memref<320xi32, #tpu.memory_space<hbm>>
    tpu.enqueue_dma source(%dma_start3A_210 : memref<320xi32, #tpu.memory_space<hbm>>) target(%dma_start3A_209 : memref<320xi32, #tpu.memory_space<vmem>>) target_semaphore(%arg10 : memref<!tpu.dma_semaphore, #tpu.memory_space<semaphore_mem>>)
    %add3A_211 = arith.constant 266240 : i32
    %add3A_212 = arith.addi %add3A_211, %mul3A_2 : i32
    %dma_start3A_213 = arith.constant 8320 : i32
    %dma_start3A_214 = tpu.memref_slice %arg6[%dma_start3A_213] : memref<10240xi32, #tpu.memory_space<vmem>> -> memref<320xi32, #tpu.memory_space<vmem>>
    %dma_start3A_215 = tpu.memref_slice %arg2[%add3A_212] : memref<327680xi32, #tpu.memory_space<hbm>> -> memref<320xi32, #tpu.memory_space<hbm>>
    %dma_start3A_216 = arith.constant 8320 : i32
    %dma_start3A_217 = tpu.memref_slice %arg6[%dma_start3A_216] : memref<10240xi32, #tpu.memory_space<vmem>> -> memref<320xi32, #tpu.memory_space<vmem>>
    %dma_start3A_218 = tpu.memref_slice %arg2[%add3A_212] : memref<327680xi32, #tpu.memory_space<hbm>> -> memref<320xi32, #tpu.memory_space<hbm>>
    tpu.enqueue_dma source(%dma_start3A_218 : memref<320xi32, #tpu.memory_space<hbm>>) target(%dma_start3A_217 : memref<320xi32, #tpu.memory_space<vmem>>) target_semaphore(%arg10 : memref<!tpu.dma_semaphore, #tpu.memory_space<semaphore_mem>>)
    %add3A_219 = arith.constant 276480 : i32
    %add3A_220 = arith.addi %add3A_219, %mul3A_2 : i32
    %dma_start3A_221 = arith.constant 8640 : i32
    %dma_start3A_222 = tpu.memref_slice %arg6[%dma_start3A_221] : memref<10240xi32, #tpu.memory_space<vmem>> -> memref<320xi32, #tpu.memory_space<vmem>>
    %dma_start3A_223 = tpu.memref_slice %arg2[%add3A_220] : memref<327680xi32, #tpu.memory_space<hbm>> -> memref<320xi32, #tpu.memory_space<hbm>>
    %dma_start3A_224 = arith.constant 8640 : i32
    %dma_start3A_225 = tpu.memref_slice %arg6[%dma_start3A_224] : memref<10240xi32, #tpu.memory_space<vmem>> -> memref<320xi32, #tpu.memory_space<vmem>>
    %dma_start3A_226 = tpu.memref_slice %arg2[%add3A_220] : memref<327680xi32, #tpu.memory_space<hbm>> -> memref<320xi32, #tpu.memory_space<hbm>>
    tpu.enqueue_dma source(%dma_start3A_226 : memref<320xi32, #tpu.memory_space<hbm>>) target(%dma_start3A_225 : memref<320xi32, #tpu.memory_space<vmem>>) target_semaphore(%arg10 : memref<!tpu.dma_semaphore, #tpu.memory_space<semaphore_mem>>)
    %add3A_227 = arith.constant 286720 : i32
    %add3A_228 = arith.addi %add3A_227, %mul3A_2 : i32
    %dma_start3A_229 = arith.constant 8960 : i32
    %dma_start3A_230 = tpu.memref_slice %arg6[%dma_start3A_229] : memref<10240xi32, #tpu.memory_space<vmem>> -> memref<320xi32, #tpu.memory_space<vmem>>
    %dma_start3A_231 = tpu.memref_slice %arg2[%add3A_228] : memref<327680xi32, #tpu.memory_space<hbm>> -> memref<320xi32, #tpu.memory_space<hbm>>
    %dma_start3A_232 = arith.constant 8960 : i32
    %dma_start3A_233 = tpu.memref_slice %arg6[%dma_start3A_232] : memref<10240xi32, #tpu.memory_space<vmem>> -> memref<320xi32, #tpu.memory_space<vmem>>
    %dma_start3A_234 = tpu.memref_slice %arg2[%add3A_228] : memref<327680xi32, #tpu.memory_space<hbm>> -> memref<320xi32, #tpu.memory_space<hbm>>
    tpu.enqueue_dma source(%dma_start3A_234 : memref<320xi32, #tpu.memory_space<hbm>>) target(%dma_start3A_233 : memref<320xi32, #tpu.memory_space<vmem>>) target_semaphore(%arg10 : memref<!tpu.dma_semaphore, #tpu.memory_space<semaphore_mem>>)
    %add3A_235 = arith.constant 296960 : i32
    %add3A_236 = arith.addi %add3A_235, %mul3A_2 : i32
    %dma_start3A_237 = arith.constant 9280 : i32
    %dma_start3A_238 = tpu.memref_slice %arg6[%dma_start3A_237] : memref<10240xi32, #tpu.memory_space<vmem>> -> memref<320xi32, #tpu.memory_space<vmem>>
    %dma_start3A_239 = tpu.memref_slice %arg2[%add3A_236] : memref<327680xi32, #tpu.memory_space<hbm>> -> memref<320xi32, #tpu.memory_space<hbm>>
    %dma_start3A_240 = arith.constant 9280 : i32
    %dma_start3A_241 = tpu.memref_slice %arg6[%dma_start3A_240] : memref<10240xi32, #tpu.memory_space<vmem>> -> memref<320xi32, #tpu.memory_space<vmem>>
    %dma_start3A_242 = tpu.memref_slice %arg2[%add3A_236] : memref<327680xi32, #tpu.memory_space<hbm>> -> memref<320xi32, #tpu.memory_space<hbm>>
    tpu.enqueue_dma source(%dma_start3A_242 : memref<320xi32, #tpu.memory_space<hbm>>) target(%dma_start3A_241 : memref<320xi32, #tpu.memory_space<vmem>>) target_semaphore(%arg10 : memref<!tpu.dma_semaphore, #tpu.memory_space<semaphore_mem>>)
    %add3A_243 = arith.constant 307200 : i32
    %add3A_244 = arith.addi %add3A_243, %mul3A_2 : i32
    %dma_start3A_245 = arith.constant 9600 : i32
    %dma_start3A_246 = tpu.memref_slice %arg6[%dma_start3A_245] : memref<10240xi32, #tpu.memory_space<vmem>> -> memref<320xi32, #tpu.memory_space<vmem>>
    %dma_start3A_247 = tpu.memref_slice %arg2[%add3A_244] : memref<327680xi32, #tpu.memory_space<hbm>> -> memref<320xi32, #tpu.memory_space<hbm>>
    %dma_start3A_248 = arith.constant 9600 : i32
    %dma_start3A_249 = tpu.memref_slice %arg6[%dma_start3A_248] : memref<10240xi32, #tpu.memory_space<vmem>> -> memref<320xi32, #tpu.memory_space<vmem>>
    %dma_start3A_250 = tpu.memref_slice %arg2[%add3A_244] : memref<327680xi32, #tpu.memory_space<hbm>> -> memref<320xi32, #tpu.memory_space<hbm>>
    tpu.enqueue_dma source(%dma_start3A_250 : memref<320xi32, #tpu.memory_space<hbm>>) target(%dma_start3A_249 : memref<320xi32, #tpu.memory_space<vmem>>) target_semaphore(%arg10 : memref<!tpu.dma_semaphore, #tpu.memory_space<semaphore_mem>>)
    %add3A_251 = arith.constant 317440 : i32
    %add3A_252 = arith.addi %add3A_251, %mul3A_2 : i32
    %dma_start3A_253 = arith.constant 9920 : i32
    %dma_start3A_254 = tpu.memref_slice %arg6[%dma_start3A_253] : memref<10240xi32, #tpu.memory_space<vmem>> -> memref<320xi32, #tpu.memory_space<vmem>>
    %dma_start3A_255 = tpu.memref_slice %arg2[%add3A_252] : memref<327680xi32, #tpu.memory_space<hbm>> -> memref<320xi32, #tpu.memory_space<hbm>>
    %dma_start3A_256 = arith.constant 9920 : i32
    %dma_start3A_257 = tpu.memref_slice %arg6[%dma_start3A_256] : memref<10240xi32, #tpu.memory_space<vmem>> -> memref<320xi32, #tpu.memory_space<vmem>>
    %dma_start3A_258 = tpu.memref_slice %arg2[%add3A_252] : memref<327680xi32, #tpu.memory_space<hbm>> -> memref<320xi32, #tpu.memory_space<hbm>>
    tpu.enqueue_dma source(%dma_start3A_258 : memref<320xi32, #tpu.memory_space<hbm>>) target(%dma_start3A_257 : memref<320xi32, #tpu.memory_space<vmem>>) target_semaphore(%arg10 : memref<!tpu.dma_semaphore, #tpu.memory_space<semaphore_mem>>)
    %add3A_259 = arith.constant 0 : i32
    %add3A_260 = arith.addi %mul3A_2, %add3A_259 : i32
    %dma_start3A_261 = arith.constant 0 : i32
    %dma_start3A_262 = arith.constant 0 : i32
    %dma_start3A_263 = tpu.memref_slice %arg8[%dma_start3A_261, %dma_start3A_262] : memref<320x128xf32, #tpu.memory_space<vmem>> -> memref<40x128xf32, #tpu.memory_space<vmem>>
    %dma_start3A_264 = arith.constant 0 : i32
    %dma_start3A_265 = tpu.memref_slice %arg4[%add3A_260, %dma_start3A_264] : memref<10000x128xf32, #tpu.memory_space<hbm>> -> memref<40x128xf32, #tpu.memory_space<hbm>>
    %dma_start3A_266 = arith.constant 0 : i32
    %dma_start3A_267 = arith.constant 0 : i32
    %dma_start3A_268 = tpu.memref_slice %arg8[%dma_start3A_266, %dma_start3A_267] : memref<320x128xf32, #tpu.memory_space<vmem>> -> memref<40x128xf32, #tpu.memory_space<vmem>>
    %dma_start3A_269 = arith.constant 0 : i32
    %dma_start3A_270 = tpu.memref_slice %arg4[%add3A_260, %dma_start3A_269] : memref<10000x128xf32, #tpu.memory_space<hbm>> -> memref<40x128xf32, #tpu.memory_space<hbm>>
    tpu.enqueue_dma source(%dma_start3A_270 : memref<40x128xf32, #tpu.memory_space<hbm>>) target(%dma_start3A_268 : memref<40x128xf32, #tpu.memory_space<vmem>>) target_semaphore(%arg12 : memref<!tpu.dma_semaphore, #tpu.memory_space<semaphore_mem>>)
    %add3A_271 = arith.constant 40 : i32
    %add3A_272 = arith.addi %mul3A_2, %add3A_271 : i32
    %dma_start3A_273 = arith.constant 40 : i32
    %dma_start3A_274 = arith.constant 0 : i32
    %dma_start3A_275 = tpu.memref_slice %arg8[%dma_start3A_273, %dma_start3A_274] : memref<320x128xf32, #tpu.memory_space<vmem>> -> memref<40x128xf32, #tpu.memory_space<vmem>>
    %dma_start3A_276 = arith.constant 0 : i32
    %dma_start3A_277 = tpu.memref_slice %arg4[%add3A_272, %dma_start3A_276] : memref<10000x128xf32, #tpu.memory_space<hbm>> -> memref<40x128xf32, #tpu.memory_space<hbm>>
    %dma_start3A_278 = arith.constant 40 : i32
    %dma_start3A_279 = arith.constant 0 : i32
    %dma_start3A_280 = tpu.memref_slice %arg8[%dma_start3A_278, %dma_start3A_279] : memref<320x128xf32, #tpu.memory_space<vmem>> -> memref<40x128xf32, #tpu.memory_space<vmem>>
    %dma_start3A_281 = arith.constant 0 : i32
    %dma_start3A_282 = tpu.memref_slice %arg4[%add3A_272, %dma_start3A_281] : memref<10000x128xf32, #tpu.memory_space<hbm>> -> memref<40x128xf32, #tpu.memory_space<hbm>>
    tpu.enqueue_dma source(%dma_start3A_282 : memref<40x128xf32, #tpu.memory_space<hbm>>) target(%dma_start3A_280 : memref<40x128xf32, #tpu.memory_space<vmem>>) target_semaphore(%arg13 : memref<!tpu.dma_semaphore, #tpu.memory_space<semaphore_mem>>)
    %not3A = arith.constant true
    %not3A_283 = arith.xori %eq3A_3, %not3A : i1
    %convert_element_type3A = arith.extui %not3A_283 : i1 to i32
    %cond3A = arith.constant 0 : i32
    %cond3A_284 = arith.cmpi ne, %convert_element_type3A, %cond3A : i32
    scf.if %cond3A_284 {
      %add3A_550 = arith.constant 80 : i32
      %add3A_551 = arith.addi %mul3A_2, %add3A_550 : i32
      %dma_start3A_552 = arith.constant 80 : i32
      %dma_start3A_553 = arith.constant 0 : i32
      %dma_start3A_554 = tpu.memref_slice %arg8[%dma_start3A_552, %dma_start3A_553] : memref<320x128xf32, #tpu.memory_space<vmem>> -> memref<40x128xf32, #tpu.memory_space<vmem>>
      %dma_start3A_555 = arith.constant 0 : i32
      %dma_start3A_556 = tpu.memref_slice %arg4[%add3A_551, %dma_start3A_555] : memref<10000x128xf32, #tpu.memory_space<hbm>> -> memref<40x128xf32, #tpu.memory_space<hbm>>
      %dma_start3A_557 = arith.constant 80 : i32
      %dma_start3A_558 = arith.constant 0 : i32
      %dma_start3A_559 = tpu.memref_slice %arg8[%dma_start3A_557, %dma_start3A_558] : memref<320x128xf32, #tpu.memory_space<vmem>> -> memref<40x128xf32, #tpu.memory_space<vmem>>
      %dma_start3A_560 = arith.constant 0 : i32
      %dma_start3A_561 = tpu.memref_slice %arg4[%add3A_551, %dma_start3A_560] : memref<10000x128xf32, #tpu.memory_space<hbm>> -> memref<40x128xf32, #tpu.memory_space<hbm>>
      tpu.enqueue_dma source(%dma_start3A_561 : memref<40x128xf32, #tpu.memory_space<hbm>>) target(%dma_start3A_559 : memref<40x128xf32, #tpu.memory_space<vmem>>) target_semaphore(%arg14 : memref<!tpu.dma_semaphore, #tpu.memory_space<semaphore_mem>>)
      %add3A_562 = arith.constant 120 : i32
      %add3A_563 = arith.addi %mul3A_2, %add3A_562 : i32
      %dma_start3A_564 = arith.constant 120 : i32
      %dma_start3A_565 = arith.constant 0 : i32
      %dma_start3A_566 = tpu.memref_slice %arg8[%dma_start3A_564, %dma_start3A_565] : memref<320x128xf32, #tpu.memory_space<vmem>> -> memref<40x128xf32, #tpu.memory_space<vmem>>
      %dma_start3A_567 = arith.constant 0 : i32
      %dma_start3A_568 = tpu.memref_slice %arg4[%add3A_563, %dma_start3A_567] : memref<10000x128xf32, #tpu.memory_space<hbm>> -> memref<40x128xf32, #tpu.memory_space<hbm>>
      %dma_start3A_569 = arith.constant 120 : i32
      %dma_start3A_570 = arith.constant 0 : i32
      %dma_start3A_571 = tpu.memref_slice %arg8[%dma_start3A_569, %dma_start3A_570] : memref<320x128xf32, #tpu.memory_space<vmem>> -> memref<40x128xf32, #tpu.memory_space<vmem>>
      %dma_start3A_572 = arith.constant 0 : i32
      %dma_start3A_573 = tpu.memref_slice %arg4[%add3A_563, %dma_start3A_572] : memref<10000x128xf32, #tpu.memory_space<hbm>> -> memref<40x128xf32, #tpu.memory_space<hbm>>
      tpu.enqueue_dma source(%dma_start3A_573 : memref<40x128xf32, #tpu.memory_space<hbm>>) target(%dma_start3A_571 : memref<40x128xf32, #tpu.memory_space<vmem>>) target_semaphore(%arg15 : memref<!tpu.dma_semaphore, #tpu.memory_space<semaphore_mem>>)
      %add3A_574 = arith.constant 160 : i32
      %add3A_575 = arith.addi %mul3A_2, %add3A_574 : i32
      %dma_start3A_576 = arith.constant 160 : i32
      %dma_start3A_577 = arith.constant 0 : i32
      %dma_start3A_578 = tpu.memref_slice %arg8[%dma_start3A_576, %dma_start3A_577] : memref<320x128xf32, #tpu.memory_space<vmem>> -> memref<40x128xf32, #tpu.memory_space<vmem>>
      %dma_start3A_579 = arith.constant 0 : i32
      %dma_start3A_580 = tpu.memref_slice %arg4[%add3A_575, %dma_start3A_579] : memref<10000x128xf32, #tpu.memory_space<hbm>> -> memref<40x128xf32, #tpu.memory_space<hbm>>
      %dma_start3A_581 = arith.constant 160 : i32
      %dma_start3A_582 = arith.constant 0 : i32
      %dma_start3A_583 = tpu.memref_slice %arg8[%dma_start3A_581, %dma_start3A_582] : memref<320x128xf32, #tpu.memory_space<vmem>> -> memref<40x128xf32, #tpu.memory_space<vmem>>
      %dma_start3A_584 = arith.constant 0 : i32
      %dma_start3A_585 = tpu.memref_slice %arg4[%add3A_575, %dma_start3A_584] : memref<10000x128xf32, #tpu.memory_space<hbm>> -> memref<40x128xf32, #tpu.memory_space<hbm>>
      tpu.enqueue_dma source(%dma_start3A_585 : memref<40x128xf32, #tpu.memory_space<hbm>>) target(%dma_start3A_583 : memref<40x128xf32, #tpu.memory_space<vmem>>) target_semaphore(%arg16 : memref<!tpu.dma_semaphore, #tpu.memory_space<semaphore_mem>>)
      %add3A_586 = arith.constant 200 : i32
      %add3A_587 = arith.addi %mul3A_2, %add3A_586 : i32
      %dma_start3A_588 = arith.constant 200 : i32
      %dma_start3A_589 = arith.constant 0 : i32
      %dma_start3A_590 = tpu.memref_slice %arg8[%dma_start3A_588, %dma_start3A_589] : memref<320x128xf32, #tpu.memory_space<vmem>> -> memref<40x128xf32, #tpu.memory_space<vmem>>
      %dma_start3A_591 = arith.constant 0 : i32
      %dma_start3A_592 = tpu.memref_slice %arg4[%add3A_587, %dma_start3A_591] : memref<10000x128xf32, #tpu.memory_space<hbm>> -> memref<40x128xf32, #tpu.memory_space<hbm>>
      %dma_start3A_593 = arith.constant 200 : i32
      %dma_start3A_594 = arith.constant 0 : i32
      %dma_start3A_595 = tpu.memref_slice %arg8[%dma_start3A_593, %dma_start3A_594] : memref<320x128xf32, #tpu.memory_space<vmem>> -> memref<40x128xf32, #tpu.memory_space<vmem>>
      %dma_start3A_596 = arith.constant 0 : i32
      %dma_start3A_597 = tpu.memref_slice %arg4[%add3A_587, %dma_start3A_596] : memref<10000x128xf32, #tpu.memory_space<hbm>> -> memref<40x128xf32, #tpu.memory_space<hbm>>
      tpu.enqueue_dma source(%dma_start3A_597 : memref<40x128xf32, #tpu.memory_space<hbm>>) target(%dma_start3A_595 : memref<40x128xf32, #tpu.memory_space<vmem>>) target_semaphore(%arg17 : memref<!tpu.dma_semaphore, #tpu.memory_space<semaphore_mem>>)
      %add3A_598 = arith.constant 240 : i32
      %add3A_599 = arith.addi %mul3A_2, %add3A_598 : i32
      %dma_start3A_600 = arith.constant 240 : i32
      %dma_start3A_601 = arith.constant 0 : i32
      %dma_start3A_602 = tpu.memref_slice %arg8[%dma_start3A_600, %dma_start3A_601] : memref<320x128xf32, #tpu.memory_space<vmem>> -> memref<40x128xf32, #tpu.memory_space<vmem>>
      %dma_start3A_603 = arith.constant 0 : i32
      %dma_start3A_604 = tpu.memref_slice %arg4[%add3A_599, %dma_start3A_603] : memref<10000x128xf32, #tpu.memory_space<hbm>> -> memref<40x128xf32, #tpu.memory_space<hbm>>
      %dma_start3A_605 = arith.constant 240 : i32
      %dma_start3A_606 = arith.constant 0 : i32
      %dma_start3A_607 = tpu.memref_slice %arg8[%dma_start3A_605, %dma_start3A_606] : memref<320x128xf32, #tpu.memory_space<vmem>> -> memref<40x128xf32, #tpu.memory_space<vmem>>
      %dma_start3A_608 = arith.constant 0 : i32
      %dma_start3A_609 = tpu.memref_slice %arg4[%add3A_599, %dma_start3A_608] : memref<10000x128xf32, #tpu.memory_space<hbm>> -> memref<40x128xf32, #tpu.memory_space<hbm>>
      tpu.enqueue_dma source(%dma_start3A_609 : memref<40x128xf32, #tpu.memory_space<hbm>>) target(%dma_start3A_607 : memref<40x128xf32, #tpu.memory_space<vmem>>) target_semaphore(%arg18 : memref<!tpu.dma_semaphore, #tpu.memory_space<semaphore_mem>>)
      %add3A_610 = arith.constant 280 : i32
      %add3A_611 = arith.addi %mul3A_2, %add3A_610 : i32
      %dma_start3A_612 = arith.constant 280 : i32
      %dma_start3A_613 = arith.constant 0 : i32
      %dma_start3A_614 = tpu.memref_slice %arg8[%dma_start3A_612, %dma_start3A_613] : memref<320x128xf32, #tpu.memory_space<vmem>> -> memref<40x128xf32, #tpu.memory_space<vmem>>
      %dma_start3A_615 = arith.constant 0 : i32
      %dma_start3A_616 = tpu.memref_slice %arg4[%add3A_611, %dma_start3A_615] : memref<10000x128xf32, #tpu.memory_space<hbm>> -> memref<40x128xf32, #tpu.memory_space<hbm>>
      %dma_start3A_617 = arith.constant 280 : i32
      %dma_start3A_618 = arith.constant 0 : i32
      %dma_start3A_619 = tpu.memref_slice %arg8[%dma_start3A_617, %dma_start3A_618] : memref<320x128xf32, #tpu.memory_space<vmem>> -> memref<40x128xf32, #tpu.memory_space<vmem>>
      %dma_start3A_620 = arith.constant 0 : i32
      %dma_start3A_621 = tpu.memref_slice %arg4[%add3A_611, %dma_start3A_620] : memref<10000x128xf32, #tpu.memory_space<hbm>> -> memref<40x128xf32, #tpu.memory_space<hbm>>
      tpu.enqueue_dma source(%dma_start3A_621 : memref<40x128xf32, #tpu.memory_space<hbm>>) target(%dma_start3A_619 : memref<40x128xf32, #tpu.memory_space<vmem>>) target_semaphore(%arg19 : memref<!tpu.dma_semaphore, #tpu.memory_space<semaphore_mem>>)
    } else {
    }
    %mul3A_285 = arith.constant 32 : i32
    %mul3A_286 = arith.muli %arg1, %mul3A_285 : i32
    %mul3A_287 = arith.constant 32 : i32
    %mul3A_288 = arith.muli %arg1, %mul3A_287 : i32
    "tpu.region"() ({
      %run_scoped3A = tpu.sem_alloc : memref<!tpu.dma_semaphore, #tpu.memory_space<semaphore_mem>>
      %dma_start3A_550 = arith.constant 0 : i32
      %dma_start3A_551 = tpu.memref_slice %arg9[%mul3A_288, %dma_start3A_550] : memref<512x128xf32, #tpu.memory_space<vmem_shared>> -> memref<32x128xf32, #tpu.memory_space<vmem_shared>>
      %dma_start3A_552 = arith.constant 0 : i32
      %dma_start3A_553 = tpu.memref_slice %arg3[%mul3A_286, %dma_start3A_552] : memref<512x128xf32, #tpu.memory_space<hbm>> -> memref<32x128xf32, #tpu.memory_space<hbm>>
      tpu.enqueue_dma source(%dma_start3A_553 : memref<32x128xf32, #tpu.memory_space<hbm>>) target(%dma_start3A_551 : memref<32x128xf32, #tpu.memory_space<vmem_shared>>) target_semaphore(%run_scoped3A : memref<!tpu.dma_semaphore, #tpu.memory_space<semaphore_mem>>)
      %dma_wait3A_554 = arith.constant 0 : i32
      %dma_wait3A_555 = tpu.memref_slice %arg9[%mul3A_288, %dma_wait3A_554] : memref<512x128xf32, #tpu.memory_space<vmem_shared>> -> memref<32x128xf32, #tpu.memory_space<vmem_shared>>
      %dma_wait3A_556 = arith.constant 0 : i32
      %dma_wait3A_557 = tpu.memref_slice %arg3[%mul3A_286, %dma_wait3A_556] : memref<512x128xf32, #tpu.memory_space<hbm>> -> memref<32x128xf32, #tpu.memory_space<hbm>>
      tpu.wait_dma2 semaphore(%run_scoped3A : memref<!tpu.dma_semaphore, #tpu.memory_space<semaphore_mem>>) src(%dma_wait3A_557 : memref<32x128xf32, #tpu.memory_space<hbm>>) dst(%dma_wait3A_555 : memref<32x128xf32, #tpu.memory_space<vmem_shared>>)
      tpu.yield
    }) : () -> ()
    %dma_wait3A = arith.constant 0 : i32
    %dma_wait3A_289 = tpu.memref_slice %arg6[%dma_wait3A] : memref<10240xi32, #tpu.memory_space<vmem>> -> memref<320xi32, #tpu.memory_space<vmem>>
    %dma_wait3A_290 = tpu.memref_slice %arg2[%add3A_5] : memref<327680xi32, #tpu.memory_space<hbm>> -> memref<320xi32, #tpu.memory_space<hbm>>
    %dma_wait3A_291 = arith.constant 0 : i32
    %dma_wait3A_292 = tpu.memref_slice %arg6[%dma_wait3A_291] : memref<10240xi32, #tpu.memory_space<vmem>> -> memref<320xi32, #tpu.memory_space<vmem>>
    %dma_wait3A_293 = tpu.memref_slice %arg2[%add3A_5] : memref<327680xi32, #tpu.memory_space<hbm>> -> memref<320xi32, #tpu.memory_space<hbm>>
    tpu.wait_dma2 semaphore(%arg10 : memref<!tpu.dma_semaphore, #tpu.memory_space<semaphore_mem>>) src(%dma_wait3A_293 : memref<320xi32, #tpu.memory_space<hbm>>) dst(%dma_wait3A_292 : memref<320xi32, #tpu.memory_space<vmem>>)
    %dma_wait3A_294 = arith.constant 320 : i32
    %dma_wait3A_295 = tpu.memref_slice %arg6[%dma_wait3A_294] : memref<10240xi32, #tpu.memory_space<vmem>> -> memref<320xi32, #tpu.memory_space<vmem>>
    %dma_wait3A_296 = tpu.memref_slice %arg2[%add3A_12] : memref<327680xi32, #tpu.memory_space<hbm>> -> memref<320xi32, #tpu.memory_space<hbm>>
    %dma_wait3A_297 = arith.constant 320 : i32
    %dma_wait3A_298 = tpu.memref_slice %arg6[%dma_wait3A_297] : memref<10240xi32, #tpu.memory_space<vmem>> -> memref<320xi32, #tpu.memory_space<vmem>>
    %dma_wait3A_299 = tpu.memref_slice %arg2[%add3A_12] : memref<327680xi32, #tpu.memory_space<hbm>> -> memref<320xi32, #tpu.memory_space<hbm>>
    tpu.wait_dma2 semaphore(%arg10 : memref<!tpu.dma_semaphore, #tpu.memory_space<semaphore_mem>>) src(%dma_wait3A_299 : memref<320xi32, #tpu.memory_space<hbm>>) dst(%dma_wait3A_298 : memref<320xi32, #tpu.memory_space<vmem>>)
    %dma_wait3A_300 = arith.constant 640 : i32
    %dma_wait3A_301 = tpu.memref_slice %arg6[%dma_wait3A_300] : memref<10240xi32, #tpu.memory_space<vmem>> -> memref<320xi32, #tpu.memory_space<vmem>>
    %dma_wait3A_302 = tpu.memref_slice %arg2[%add3A_20] : memref<327680xi32, #tpu.memory_space<hbm>> -> memref<320xi32, #tpu.memory_space<hbm>>
    %dma_wait3A_303 = arith.constant 640 : i32
    %dma_wait3A_304 = tpu.memref_slice %arg6[%dma_wait3A_303] : memref<10240xi32, #tpu.memory_space<vmem>> -> memref<320xi32, #tpu.memory_space<vmem>>
    %dma_wait3A_305 = tpu.memref_slice %arg2[%add3A_20] : memref<327680xi32, #tpu.memory_space<hbm>> -> memref<320xi32, #tpu.memory_space<hbm>>
    tpu.wait_dma2 semaphore(%arg10 : memref<!tpu.dma_semaphore, #tpu.memory_space<semaphore_mem>>) src(%dma_wait3A_305 : memref<320xi32, #tpu.memory_space<hbm>>) dst(%dma_wait3A_304 : memref<320xi32, #tpu.memory_space<vmem>>)
    %dma_wait3A_306 = arith.constant 960 : i32
    %dma_wait3A_307 = tpu.memref_slice %arg6[%dma_wait3A_306] : memref<10240xi32, #tpu.memory_space<vmem>> -> memref<320xi32, #tpu.memory_space<vmem>>
    %dma_wait3A_308 = tpu.memref_slice %arg2[%add3A_28] : memref<327680xi32, #tpu.memory_space<hbm>> -> memref<320xi32, #tpu.memory_space<hbm>>
    %dma_wait3A_309 = arith.constant 960 : i32
    %dma_wait3A_310 = tpu.memref_slice %arg6[%dma_wait3A_309] : memref<10240xi32, #tpu.memory_space<vmem>> -> memref<320xi32, #tpu.memory_space<vmem>>
    %dma_wait3A_311 = tpu.memref_slice %arg2[%add3A_28] : memref<327680xi32, #tpu.memory_space<hbm>> -> memref<320xi32, #tpu.memory_space<hbm>>
    tpu.wait_dma2 semaphore(%arg10 : memref<!tpu.dma_semaphore, #tpu.memory_space<semaphore_mem>>) src(%dma_wait3A_311 : memref<320xi32, #tpu.memory_space<hbm>>) dst(%dma_wait3A_310 : memref<320xi32, #tpu.memory_space<vmem>>)
    %dma_wait3A_312 = arith.constant 1280 : i32
    %dma_wait3A_313 = tpu.memref_slice %arg6[%dma_wait3A_312] : memref<10240xi32, #tpu.memory_space<vmem>> -> memref<320xi32, #tpu.memory_space<vmem>>
    %dma_wait3A_314 = tpu.memref_slice %arg2[%add3A_36] : memref<327680xi32, #tpu.memory_space<hbm>> -> memref<320xi32, #tpu.memory_space<hbm>>
    %dma_wait3A_315 = arith.constant 1280 : i32
    %dma_wait3A_316 = tpu.memref_slice %arg6[%dma_wait3A_315] : memref<10240xi32, #tpu.memory_space<vmem>> -> memref<320xi32, #tpu.memory_space<vmem>>
    %dma_wait3A_317 = tpu.memref_slice %arg2[%add3A_36] : memref<327680xi32, #tpu.memory_space<hbm>> -> memref<320xi32, #tpu.memory_space<hbm>>
    tpu.wait_dma2 semaphore(%arg10 : memref<!tpu.dma_semaphore, #tpu.memory_space<semaphore_mem>>) src(%dma_wait3A_317 : memref<320xi32, #tpu.memory_space<hbm>>) dst(%dma_wait3A_316 : memref<320xi32, #tpu.memory_space<vmem>>)
    %dma_wait3A_318 = arith.constant 1600 : i32
    %dma_wait3A_319 = tpu.memref_slice %arg6[%dma_wait3A_318] : memref<10240xi32, #tpu.memory_space<vmem>> -> memref<320xi32, #tpu.memory_space<vmem>>
    %dma_wait3A_320 = tpu.memref_slice %arg2[%add3A_44] : memref<327680xi32, #tpu.memory_space<hbm>> -> memref<320xi32, #tpu.memory_space<hbm>>
    %dma_wait3A_321 = arith.constant 1600 : i32
    %dma_wait3A_322 = tpu.memref_slice %arg6[%dma_wait3A_321] : memref<10240xi32, #tpu.memory_space<vmem>> -> memref<320xi32, #tpu.memory_space<vmem>>
    %dma_wait3A_323 = tpu.memref_slice %arg2[%add3A_44] : memref<327680xi32, #tpu.memory_space<hbm>> -> memref<320xi32, #tpu.memory_space<hbm>>
    tpu.wait_dma2 semaphore(%arg10 : memref<!tpu.dma_semaphore, #tpu.memory_space<semaphore_mem>>) src(%dma_wait3A_323 : memref<320xi32, #tpu.memory_space<hbm>>) dst(%dma_wait3A_322 : memref<320xi32, #tpu.memory_space<vmem>>)
    %dma_wait3A_324 = arith.constant 1920 : i32
    %dma_wait3A_325 = tpu.memref_slice %arg6[%dma_wait3A_324] : memref<10240xi32, #tpu.memory_space<vmem>> -> memref<320xi32, #tpu.memory_space<vmem>>
    %dma_wait3A_326 = tpu.memref_slice %arg2[%add3A_52] : memref<327680xi32, #tpu.memory_space<hbm>> -> memref<320xi32, #tpu.memory_space<hbm>>
    %dma_wait3A_327 = arith.constant 1920 : i32
    %dma_wait3A_328 = tpu.memref_slice %arg6[%dma_wait3A_327] : memref<10240xi32, #tpu.memory_space<vmem>> -> memref<320xi32, #tpu.memory_space<vmem>>
    %dma_wait3A_329 = tpu.memref_slice %arg2[%add3A_52] : memref<327680xi32, #tpu.memory_space<hbm>> -> memref<320xi32, #tpu.memory_space<hbm>>
    tpu.wait_dma2 semaphore(%arg10 : memref<!tpu.dma_semaphore, #tpu.memory_space<semaphore_mem>>) src(%dma_wait3A_329 : memref<320xi32, #tpu.memory_space<hbm>>) dst(%dma_wait3A_328 : memref<320xi32, #tpu.memory_space<vmem>>)
    %dma_wait3A_330 = arith.constant 2240 : i32
    %dma_wait3A_331 = tpu.memref_slice %arg6[%dma_wait3A_330] : memref<10240xi32, #tpu.memory_space<vmem>> -> memref<320xi32, #tpu.memory_space<vmem>>
    %dma_wait3A_332 = tpu.memref_slice %arg2[%add3A_60] : memref<327680xi32, #tpu.memory_space<hbm>> -> memref<320xi32, #tpu.memory_space<hbm>>
    %dma_wait3A_333 = arith.constant 2240 : i32
    %dma_wait3A_334 = tpu.memref_slice %arg6[%dma_wait3A_333] : memref<10240xi32, #tpu.memory_space<vmem>> -> memref<320xi32, #tpu.memory_space<vmem>>
    %dma_wait3A_335 = tpu.memref_slice %arg2[%add3A_60] : memref<327680xi32, #tpu.memory_space<hbm>> -> memref<320xi32, #tpu.memory_space<hbm>>
    tpu.wait_dma2 semaphore(%arg10 : memref<!tpu.dma_semaphore, #tpu.memory_space<semaphore_mem>>) src(%dma_wait3A_335 : memref<320xi32, #tpu.memory_space<hbm>>) dst(%dma_wait3A_334 : memref<320xi32, #tpu.memory_space<vmem>>)
    %dma_wait3A_336 = arith.constant 2560 : i32
    %dma_wait3A_337 = tpu.memref_slice %arg6[%dma_wait3A_336] : memref<10240xi32, #tpu.memory_space<vmem>> -> memref<320xi32, #tpu.memory_space<vmem>>
    %dma_wait3A_338 = tpu.memref_slice %arg2[%add3A_68] : memref<327680xi32, #tpu.memory_space<hbm>> -> memref<320xi32, #tpu.memory_space<hbm>>
    %dma_wait3A_339 = arith.constant 2560 : i32
    %dma_wait3A_340 = tpu.memref_slice %arg6[%dma_wait3A_339] : memref<10240xi32, #tpu.memory_space<vmem>> -> memref<320xi32, #tpu.memory_space<vmem>>
    %dma_wait3A_341 = tpu.memref_slice %arg2[%add3A_68] : memref<327680xi32, #tpu.memory_space<hbm>> -> memref<320xi32, #tpu.memory_space<hbm>>
    tpu.wait_dma2 semaphore(%arg10 : memref<!tpu.dma_semaphore, #tpu.memory_space<semaphore_mem>>) src(%dma_wait3A_341 : memref<320xi32, #tpu.memory_space<hbm>>) dst(%dma_wait3A_340 : memref<320xi32, #tpu.memory_space<vmem>>)
    %dma_wait3A_342 = arith.constant 2880 : i32
    %dma_wait3A_343 = tpu.memref_slice %arg6[%dma_wait3A_342] : memref<10240xi32, #tpu.memory_space<vmem>> -> memref<320xi32, #tpu.memory_space<vmem>>
    %dma_wait3A_344 = tpu.memref_slice %arg2[%add3A_76] : memref<327680xi32, #tpu.memory_space<hbm>> -> memref<320xi32, #tpu.memory_space<hbm>>
    %dma_wait3A_345 = arith.constant 2880 : i32
    %dma_wait3A_346 = tpu.memref_slice %arg6[%dma_wait3A_345] : memref<10240xi32, #tpu.memory_space<vmem>> -> memref<320xi32, #tpu.memory_space<vmem>>
    %dma_wait3A_347 = tpu.memref_slice %arg2[%add3A_76] : memref<327680xi32, #tpu.memory_space<hbm>> -> memref<320xi32, #tpu.memory_space<hbm>>
    tpu.wait_dma2 semaphore(%arg10 : memref<!tpu.dma_semaphore, #tpu.memory_space<semaphore_mem>>) src(%dma_wait3A_347 : memref<320xi32, #tpu.memory_space<hbm>>) dst(%dma_wait3A_346 : memref<320xi32, #tpu.memory_space<vmem>>)
    %dma_wait3A_348 = arith.constant 3200 : i32
    %dma_wait3A_349 = tpu.memref_slice %arg6[%dma_wait3A_348] : memref<10240xi32, #tpu.memory_space<vmem>> -> memref<320xi32, #tpu.memory_space<vmem>>
    %dma_wait3A_350 = tpu.memref_slice %arg2[%add3A_84] : memref<327680xi32, #tpu.memory_space<hbm>> -> memref<320xi32, #tpu.memory_space<hbm>>
    %dma_wait3A_351 = arith.constant 3200 : i32
    %dma_wait3A_352 = tpu.memref_slice %arg6[%dma_wait3A_351] : memref<10240xi32, #tpu.memory_space<vmem>> -> memref<320xi32, #tpu.memory_space<vmem>>
    %dma_wait3A_353 = tpu.memref_slice %arg2[%add3A_84] : memref<327680xi32, #tpu.memory_space<hbm>> -> memref<320xi32, #tpu.memory_space<hbm>>
    tpu.wait_dma2 semaphore(%arg10 : memref<!tpu.dma_semaphore, #tpu.memory_space<semaphore_mem>>) src(%dma_wait3A_353 : memref<320xi32, #tpu.memory_space<hbm>>) dst(%dma_wait3A_352 : memref<320xi32, #tpu.memory_space<vmem>>)
    %dma_wait3A_354 = arith.constant 3520 : i32
    %dma_wait3A_355 = tpu.memref_slice %arg6[%dma_wait3A_354] : memref<10240xi32, #tpu.memory_space<vmem>> -> memref<320xi32, #tpu.memory_space<vmem>>
    %dma_wait3A_356 = tpu.memref_slice %arg2[%add3A_92] : memref<327680xi32, #tpu.memory_space<hbm>> -> memref<320xi32, #tpu.memory_space<hbm>>
    %dma_wait3A_357 = arith.constant 3520 : i32
    %dma_wait3A_358 = tpu.memref_slice %arg6[%dma_wait3A_357] : memref<10240xi32, #tpu.memory_space<vmem>> -> memref<320xi32, #tpu.memory_space<vmem>>
    %dma_wait3A_359 = tpu.memref_slice %arg2[%add3A_92] : memref<327680xi32, #tpu.memory_space<hbm>> -> memref<320xi32, #tpu.memory_space<hbm>>
    tpu.wait_dma2 semaphore(%arg10 : memref<!tpu.dma_semaphore, #tpu.memory_space<semaphore_mem>>) src(%dma_wait3A_359 : memref<320xi32, #tpu.memory_space<hbm>>) dst(%dma_wait3A_358 : memref<320xi32, #tpu.memory_space<vmem>>)
    %dma_wait3A_360 = arith.constant 3840 : i32
    %dma_wait3A_361 = tpu.memref_slice %arg6[%dma_wait3A_360] : memref<10240xi32, #tpu.memory_space<vmem>> -> memref<320xi32, #tpu.memory_space<vmem>>
    %dma_wait3A_362 = tpu.memref_slice %arg2[%add3A_100] : memref<327680xi32, #tpu.memory_space<hbm>> -> memref<320xi32, #tpu.memory_space<hbm>>
    %dma_wait3A_363 = arith.constant 3840 : i32
    %dma_wait3A_364 = tpu.memref_slice %arg6[%dma_wait3A_363] : memref<10240xi32, #tpu.memory_space<vmem>> -> memref<320xi32, #tpu.memory_space<vmem>>
    %dma_wait3A_365 = tpu.memref_slice %arg2[%add3A_100] : memref<327680xi32, #tpu.memory_space<hbm>> -> memref<320xi32, #tpu.memory_space<hbm>>
    tpu.wait_dma2 semaphore(%arg10 : memref<!tpu.dma_semaphore, #tpu.memory_space<semaphore_mem>>) src(%dma_wait3A_365 : memref<320xi32, #tpu.memory_space<hbm>>) dst(%dma_wait3A_364 : memref<320xi32, #tpu.memory_space<vmem>>)
    %dma_wait3A_366 = arith.constant 4160 : i32
    %dma_wait3A_367 = tpu.memref_slice %arg6[%dma_wait3A_366] : memref<10240xi32, #tpu.memory_space<vmem>> -> memref<320xi32, #tpu.memory_space<vmem>>
    %dma_wait3A_368 = tpu.memref_slice %arg2[%add3A_108] : memref<327680xi32, #tpu.memory_space<hbm>> -> memref<320xi32, #tpu.memory_space<hbm>>
    %dma_wait3A_369 = arith.constant 4160 : i32
    %dma_wait3A_370 = tpu.memref_slice %arg6[%dma_wait3A_369] : memref<10240xi32, #tpu.memory_space<vmem>> -> memref<320xi32, #tpu.memory_space<vmem>>
    %dma_wait3A_371 = tpu.memref_slice %arg2[%add3A_108] : memref<327680xi32, #tpu.memory_space<hbm>> -> memref<320xi32, #tpu.memory_space<hbm>>
    tpu.wait_dma2 semaphore(%arg10 : memref<!tpu.dma_semaphore, #tpu.memory_space<semaphore_mem>>) src(%dma_wait3A_371 : memref<320xi32, #tpu.memory_space<hbm>>) dst(%dma_wait3A_370 : memref<320xi32, #tpu.memory_space<vmem>>)
    %dma_wait3A_372 = arith.constant 4480 : i32
    %dma_wait3A_373 = tpu.memref_slice %arg6[%dma_wait3A_372] : memref<10240xi32, #tpu.memory_space<vmem>> -> memref<320xi32, #tpu.memory_space<vmem>>
    %dma_wait3A_374 = tpu.memref_slice %arg2[%add3A_116] : memref<327680xi32, #tpu.memory_space<hbm>> -> memref<320xi32, #tpu.memory_space<hbm>>
    %dma_wait3A_375 = arith.constant 4480 : i32
    %dma_wait3A_376 = tpu.memref_slice %arg6[%dma_wait3A_375] : memref<10240xi32, #tpu.memory_space<vmem>> -> memref<320xi32, #tpu.memory_space<vmem>>
    %dma_wait3A_377 = tpu.memref_slice %arg2[%add3A_116] : memref<327680xi32, #tpu.memory_space<hbm>> -> memref<320xi32, #tpu.memory_space<hbm>>
    tpu.wait_dma2 semaphore(%arg10 : memref<!tpu.dma_semaphore, #tpu.memory_space<semaphore_mem>>) src(%dma_wait3A_377 : memref<320xi32, #tpu.memory_space<hbm>>) dst(%dma_wait3A_376 : memref<320xi32, #tpu.memory_space<vmem>>)
    %dma_wait3A_378 = arith.constant 4800 : i32
    %dma_wait3A_379 = tpu.memref_slice %arg6[%dma_wait3A_378] : memref<10240xi32, #tpu.memory_space<vmem>> -> memref<320xi32, #tpu.memory_space<vmem>>
    %dma_wait3A_380 = tpu.memref_slice %arg2[%add3A_124] : memref<327680xi32, #tpu.memory_space<hbm>> -> memref<320xi32, #tpu.memory_space<hbm>>
    %dma_wait3A_381 = arith.constant 4800 : i32
    %dma_wait3A_382 = tpu.memref_slice %arg6[%dma_wait3A_381] : memref<10240xi32, #tpu.memory_space<vmem>> -> memref<320xi32, #tpu.memory_space<vmem>>
    %dma_wait3A_383 = tpu.memref_slice %arg2[%add3A_124] : memref<327680xi32, #tpu.memory_space<hbm>> -> memref<320xi32, #tpu.memory_space<hbm>>
    tpu.wait_dma2 semaphore(%arg10 : memref<!tpu.dma_semaphore, #tpu.memory_space<semaphore_mem>>) src(%dma_wait3A_383 : memref<320xi32, #tpu.memory_space<hbm>>) dst(%dma_wait3A_382 : memref<320xi32, #tpu.memory_space<vmem>>)
    %dma_wait3A_384 = arith.constant 5120 : i32
    %dma_wait3A_385 = tpu.memref_slice %arg6[%dma_wait3A_384] : memref<10240xi32, #tpu.memory_space<vmem>> -> memref<320xi32, #tpu.memory_space<vmem>>
    %dma_wait3A_386 = tpu.memref_slice %arg2[%add3A_132] : memref<327680xi32, #tpu.memory_space<hbm>> -> memref<320xi32, #tpu.memory_space<hbm>>
    %dma_wait3A_387 = arith.constant 5120 : i32
    %dma_wait3A_388 = tpu.memref_slice %arg6[%dma_wait3A_387] : memref<10240xi32, #tpu.memory_space<vmem>> -> memref<320xi32, #tpu.memory_space<vmem>>
    %dma_wait3A_389 = tpu.memref_slice %arg2[%add3A_132] : memref<327680xi32, #tpu.memory_space<hbm>> -> memref<320xi32, #tpu.memory_space<hbm>>
    tpu.wait_dma2 semaphore(%arg10 : memref<!tpu.dma_semaphore, #tpu.memory_space<semaphore_mem>>) src(%dma_wait3A_389 : memref<320xi32, #tpu.memory_space<hbm>>) dst(%dma_wait3A_388 : memref<320xi32, #tpu.memory_space<vmem>>)
    %dma_wait3A_390 = arith.constant 5440 : i32
    %dma_wait3A_391 = tpu.memref_slice %arg6[%dma_wait3A_390] : memref<10240xi32, #tpu.memory_space<vmem>> -> memref<320xi32, #tpu.memory_space<vmem>>
    %dma_wait3A_392 = tpu.memref_slice %arg2[%add3A_140] : memref<327680xi32, #tpu.memory_space<hbm>> -> memref<320xi32, #tpu.memory_space<hbm>>
    %dma_wait3A_393 = arith.constant 5440 : i32
    %dma_wait3A_394 = tpu.memref_slice %arg6[%dma_wait3A_393] : memref<10240xi32, #tpu.memory_space<vmem>> -> memref<320xi32, #tpu.memory_space<vmem>>
    %dma_wait3A_395 = tpu.memref_slice %arg2[%add3A_140] : memref<327680xi32, #tpu.memory_space<hbm>> -> memref<320xi32, #tpu.memory_space<hbm>>
    tpu.wait_dma2 semaphore(%arg10 : memref<!tpu.dma_semaphore, #tpu.memory_space<semaphore_mem>>) src(%dma_wait3A_395 : memref<320xi32, #tpu.memory_space<hbm>>) dst(%dma_wait3A_394 : memref<320xi32, #tpu.memory_space<vmem>>)
    %dma_wait3A_396 = arith.constant 5760 : i32
    %dma_wait3A_397 = tpu.memref_slice %arg6[%dma_wait3A_396] : memref<10240xi32, #tpu.memory_space<vmem>> -> memref<320xi32, #tpu.memory_space<vmem>>
    %dma_wait3A_398 = tpu.memref_slice %arg2[%add3A_148] : memref<327680xi32, #tpu.memory_space<hbm>> -> memref<320xi32, #tpu.memory_space<hbm>>
    %dma_wait3A_399 = arith.constant 5760 : i32
    %dma_wait3A_400 = tpu.memref_slice %arg6[%dma_wait3A_399] : memref<10240xi32, #tpu.memory_space<vmem>> -> memref<320xi32, #tpu.memory_space<vmem>>
    %dma_wait3A_401 = tpu.memref_slice %arg2[%add3A_148] : memref<327680xi32, #tpu.memory_space<hbm>> -> memref<320xi32, #tpu.memory_space<hbm>>
    tpu.wait_dma2 semaphore(%arg10 : memref<!tpu.dma_semaphore, #tpu.memory_space<semaphore_mem>>) src(%dma_wait3A_401 : memref<320xi32, #tpu.memory_space<hbm>>) dst(%dma_wait3A_400 : memref<320xi32, #tpu.memory_space<vmem>>)
    %dma_wait3A_402 = arith.constant 6080 : i32
    %dma_wait3A_403 = tpu.memref_slice %arg6[%dma_wait3A_402] : memref<10240xi32, #tpu.memory_space<vmem>> -> memref<320xi32, #tpu.memory_space<vmem>>
    %dma_wait3A_404 = tpu.memref_slice %arg2[%add3A_156] : memref<327680xi32, #tpu.memory_space<hbm>> -> memref<320xi32, #tpu.memory_space<hbm>>
    %dma_wait3A_405 = arith.constant 6080 : i32
    %dma_wait3A_406 = tpu.memref_slice %arg6[%dma_wait3A_405] : memref<10240xi32, #tpu.memory_space<vmem>> -> memref<320xi32, #tpu.memory_space<vmem>>
    %dma_wait3A_407 = tpu.memref_slice %arg2[%add3A_156] : memref<327680xi32, #tpu.memory_space<hbm>> -> memref<320xi32, #tpu.memory_space<hbm>>
    tpu.wait_dma2 semaphore(%arg10 : memref<!tpu.dma_semaphore, #tpu.memory_space<semaphore_mem>>) src(%dma_wait3A_407 : memref<320xi32, #tpu.memory_space<hbm>>) dst(%dma_wait3A_406 : memref<320xi32, #tpu.memory_space<vmem>>)
    %dma_wait3A_408 = arith.constant 6400 : i32
    %dma_wait3A_409 = tpu.memref_slice %arg6[%dma_wait3A_408] : memref<10240xi32, #tpu.memory_space<vmem>> -> memref<320xi32, #tpu.memory_space<vmem>>
    %dma_wait3A_410 = tpu.memref_slice %arg2[%add3A_164] : memref<327680xi32, #tpu.memory_space<hbm>> -> memref<320xi32, #tpu.memory_space<hbm>>
    %dma_wait3A_411 = arith.constant 6400 : i32
    %dma_wait3A_412 = tpu.memref_slice %arg6[%dma_wait3A_411] : memref<10240xi32, #tpu.memory_space<vmem>> -> memref<320xi32, #tpu.memory_space<vmem>>
    %dma_wait3A_413 = tpu.memref_slice %arg2[%add3A_164] : memref<327680xi32, #tpu.memory_space<hbm>> -> memref<320xi32, #tpu.memory_space<hbm>>
    tpu.wait_dma2 semaphore(%arg10 : memref<!tpu.dma_semaphore, #tpu.memory_space<semaphore_mem>>) src(%dma_wait3A_413 : memref<320xi32, #tpu.memory_space<hbm>>) dst(%dma_wait3A_412 : memref<320xi32, #tpu.memory_space<vmem>>)
    %dma_wait3A_414 = arith.constant 6720 : i32
    %dma_wait3A_415 = tpu.memref_slice %arg6[%dma_wait3A_414] : memref<10240xi32, #tpu.memory_space<vmem>> -> memref<320xi32, #tpu.memory_space<vmem>>
    %dma_wait3A_416 = tpu.memref_slice %arg2[%add3A_172] : memref<327680xi32, #tpu.memory_space<hbm>> -> memref<320xi32, #tpu.memory_space<hbm>>
    %dma_wait3A_417 = arith.constant 6720 : i32
    %dma_wait3A_418 = tpu.memref_slice %arg6[%dma_wait3A_417] : memref<10240xi32, #tpu.memory_space<vmem>> -> memref<320xi32, #tpu.memory_space<vmem>>
    %dma_wait3A_419 = tpu.memref_slice %arg2[%add3A_172] : memref<327680xi32, #tpu.memory_space<hbm>> -> memref<320xi32, #tpu.memory_space<hbm>>
    tpu.wait_dma2 semaphore(%arg10 : memref<!tpu.dma_semaphore, #tpu.memory_space<semaphore_mem>>) src(%dma_wait3A_419 : memref<320xi32, #tpu.memory_space<hbm>>) dst(%dma_wait3A_418 : memref<320xi32, #tpu.memory_space<vmem>>)
    %dma_wait3A_420 = arith.constant 7040 : i32
    %dma_wait3A_421 = tpu.memref_slice %arg6[%dma_wait3A_420] : memref<10240xi32, #tpu.memory_space<vmem>> -> memref<320xi32, #tpu.memory_space<vmem>>
    %dma_wait3A_422 = tpu.memref_slice %arg2[%add3A_180] : memref<327680xi32, #tpu.memory_space<hbm>> -> memref<320xi32, #tpu.memory_space<hbm>>
    %dma_wait3A_423 = arith.constant 7040 : i32
    %dma_wait3A_424 = tpu.memref_slice %arg6[%dma_wait3A_423] : memref<10240xi32, #tpu.memory_space<vmem>> -> memref<320xi32, #tpu.memory_space<vmem>>
    %dma_wait3A_425 = tpu.memref_slice %arg2[%add3A_180] : memref<327680xi32, #tpu.memory_space<hbm>> -> memref<320xi32, #tpu.memory_space<hbm>>
    tpu.wait_dma2 semaphore(%arg10 : memref<!tpu.dma_semaphore, #tpu.memory_space<semaphore_mem>>) src(%dma_wait3A_425 : memref<320xi32, #tpu.memory_space<hbm>>) dst(%dma_wait3A_424 : memref<320xi32, #tpu.memory_space<vmem>>)
    %dma_wait3A_426 = arith.constant 7360 : i32
    %dma_wait3A_427 = tpu.memref_slice %arg6[%dma_wait3A_426] : memref<10240xi32, #tpu.memory_space<vmem>> -> memref<320xi32, #tpu.memory_space<vmem>>
    %dma_wait3A_428 = tpu.memref_slice %arg2[%add3A_188] : memref<327680xi32, #tpu.memory_space<hbm>> -> memref<320xi32, #tpu.memory_space<hbm>>
    %dma_wait3A_429 = arith.constant 7360 : i32
    %dma_wait3A_430 = tpu.memref_slice %arg6[%dma_wait3A_429] : memref<10240xi32, #tpu.memory_space<vmem>> -> memref<320xi32, #tpu.memory_space<vmem>>
    %dma_wait3A_431 = tpu.memref_slice %arg2[%add3A_188] : memref<327680xi32, #tpu.memory_space<hbm>> -> memref<320xi32, #tpu.memory_space<hbm>>
    tpu.wait_dma2 semaphore(%arg10 : memref<!tpu.dma_semaphore, #tpu.memory_space<semaphore_mem>>) src(%dma_wait3A_431 : memref<320xi32, #tpu.memory_space<hbm>>) dst(%dma_wait3A_430 : memref<320xi32, #tpu.memory_space<vmem>>)
    %dma_wait3A_432 = arith.constant 7680 : i32
    %dma_wait3A_433 = tpu.memref_slice %arg6[%dma_wait3A_432] : memref<10240xi32, #tpu.memory_space<vmem>> -> memref<320xi32, #tpu.memory_space<vmem>>
    %dma_wait3A_434 = tpu.memref_slice %arg2[%add3A_196] : memref<327680xi32, #tpu.memory_space<hbm>> -> memref<320xi32, #tpu.memory_space<hbm>>
    %dma_wait3A_435 = arith.constant 7680 : i32
    %dma_wait3A_436 = tpu.memref_slice %arg6[%dma_wait3A_435] : memref<10240xi32, #tpu.memory_space<vmem>> -> memref<320xi32, #tpu.memory_space<vmem>>
    %dma_wait3A_437 = tpu.memref_slice %arg2[%add3A_196] : memref<327680xi32, #tpu.memory_space<hbm>> -> memref<320xi32, #tpu.memory_space<hbm>>
    tpu.wait_dma2 semaphore(%arg10 : memref<!tpu.dma_semaphore, #tpu.memory_space<semaphore_mem>>) src(%dma_wait3A_437 : memref<320xi32, #tpu.memory_space<hbm>>) dst(%dma_wait3A_436 : memref<320xi32, #tpu.memory_space<vmem>>)
    %dma_wait3A_438 = arith.constant 8000 : i32
    %dma_wait3A_439 = tpu.memref_slice %arg6[%dma_wait3A_438] : memref<10240xi32, #tpu.memory_space<vmem>> -> memref<320xi32, #tpu.memory_space<vmem>>
    %dma_wait3A_440 = tpu.memref_slice %arg2[%add3A_204] : memref<327680xi32, #tpu.memory_space<hbm>> -> memref<320xi32, #tpu.memory_space<hbm>>
    %dma_wait3A_441 = arith.constant 8000 : i32
    %dma_wait3A_442 = tpu.memref_slice %arg6[%dma_wait3A_441] : memref<10240xi32, #tpu.memory_space<vmem>> -> memref<320xi32, #tpu.memory_space<vmem>>
    %dma_wait3A_443 = tpu.memref_slice %arg2[%add3A_204] : memref<327680xi32, #tpu.memory_space<hbm>> -> memref<320xi32, #tpu.memory_space<hbm>>
    tpu.wait_dma2 semaphore(%arg10 : memref<!tpu.dma_semaphore, #tpu.memory_space<semaphore_mem>>) src(%dma_wait3A_443 : memref<320xi32, #tpu.memory_space<hbm>>) dst(%dma_wait3A_442 : memref<320xi32, #tpu.memory_space<vmem>>)
    %dma_wait3A_444 = arith.constant 8320 : i32
    %dma_wait3A_445 = tpu.memref_slice %arg6[%dma_wait3A_444] : memref<10240xi32, #tpu.memory_space<vmem>> -> memref<320xi32, #tpu.memory_space<vmem>>
    %dma_wait3A_446 = tpu.memref_slice %arg2[%add3A_212] : memref<327680xi32, #tpu.memory_space<hbm>> -> memref<320xi32, #tpu.memory_space<hbm>>
    %dma_wait3A_447 = arith.constant 8320 : i32
    %dma_wait3A_448 = tpu.memref_slice %arg6[%dma_wait3A_447] : memref<10240xi32, #tpu.memory_space<vmem>> -> memref<320xi32, #tpu.memory_space<vmem>>
    %dma_wait3A_449 = tpu.memref_slice %arg2[%add3A_212] : memref<327680xi32, #tpu.memory_space<hbm>> -> memref<320xi32, #tpu.memory_space<hbm>>
    tpu.wait_dma2 semaphore(%arg10 : memref<!tpu.dma_semaphore, #tpu.memory_space<semaphore_mem>>) src(%dma_wait3A_449 : memref<320xi32, #tpu.memory_space<hbm>>) dst(%dma_wait3A_448 : memref<320xi32, #tpu.memory_space<vmem>>)
    %dma_wait3A_450 = arith.constant 8640 : i32
    %dma_wait3A_451 = tpu.memref_slice %arg6[%dma_wait3A_450] : memref<10240xi32, #tpu.memory_space<vmem>> -> memref<320xi32, #tpu.memory_space<vmem>>
    %dma_wait3A_452 = tpu.memref_slice %arg2[%add3A_220] : memref<327680xi32, #tpu.memory_space<hbm>> -> memref<320xi32, #tpu.memory_space<hbm>>
    %dma_wait3A_453 = arith.constant 8640 : i32
    %dma_wait3A_454 = tpu.memref_slice %arg6[%dma_wait3A_453] : memref<10240xi32, #tpu.memory_space<vmem>> -> memref<320xi32, #tpu.memory_space<vmem>>
    %dma_wait3A_455 = tpu.memref_slice %arg2[%add3A_220] : memref<327680xi32, #tpu.memory_space<hbm>> -> memref<320xi32, #tpu.memory_space<hbm>>
    tpu.wait_dma2 semaphore(%arg10 : memref<!tpu.dma_semaphore, #tpu.memory_space<semaphore_mem>>) src(%dma_wait3A_455 : memref<320xi32, #tpu.memory_space<hbm>>) dst(%dma_wait3A_454 : memref<320xi32, #tpu.memory_space<vmem>>)
    %dma_wait3A_456 = arith.constant 8960 : i32
    %dma_wait3A_457 = tpu.memref_slice %arg6[%dma_wait3A_456] : memref<10240xi32, #tpu.memory_space<vmem>> -> memref<320xi32, #tpu.memory_space<vmem>>
    %dma_wait3A_458 = tpu.memref_slice %arg2[%add3A_228] : memref<327680xi32, #tpu.memory_space<hbm>> -> memref<320xi32, #tpu.memory_space<hbm>>
    %dma_wait3A_459 = arith.constant 8960 : i32
    %dma_wait3A_460 = tpu.memref_slice %arg6[%dma_wait3A_459] : memref<10240xi32, #tpu.memory_space<vmem>> -> memref<320xi32, #tpu.memory_space<vmem>>
    %dma_wait3A_461 = tpu.memref_slice %arg2[%add3A_228] : memref<327680xi32, #tpu.memory_space<hbm>> -> memref<320xi32, #tpu.memory_space<hbm>>
    tpu.wait_dma2 semaphore(%arg10 : memref<!tpu.dma_semaphore, #tpu.memory_space<semaphore_mem>>) src(%dma_wait3A_461 : memref<320xi32, #tpu.memory_space<hbm>>) dst(%dma_wait3A_460 : memref<320xi32, #tpu.memory_space<vmem>>)
    %dma_wait3A_462 = arith.constant 9280 : i32
    %dma_wait3A_463 = tpu.memref_slice %arg6[%dma_wait3A_462] : memref<10240xi32, #tpu.memory_space<vmem>> -> memref<320xi32, #tpu.memory_space<vmem>>
    %dma_wait3A_464 = tpu.memref_slice %arg2[%add3A_236] : memref<327680xi32, #tpu.memory_space<hbm>> -> memref<320xi32, #tpu.memory_space<hbm>>
    %dma_wait3A_465 = arith.constant 9280 : i32
    %dma_wait3A_466 = tpu.memref_slice %arg6[%dma_wait3A_465] : memref<10240xi32, #tpu.memory_space<vmem>> -> memref<320xi32, #tpu.memory_space<vmem>>
    %dma_wait3A_467 = tpu.memref_slice %arg2[%add3A_236] : memref<327680xi32, #tpu.memory_space<hbm>> -> memref<320xi32, #tpu.memory_space<hbm>>
    tpu.wait_dma2 semaphore(%arg10 : memref<!tpu.dma_semaphore, #tpu.memory_space<semaphore_mem>>) src(%dma_wait3A_467 : memref<320xi32, #tpu.memory_space<hbm>>) dst(%dma_wait3A_466 : memref<320xi32, #tpu.memory_space<vmem>>)
    %dma_wait3A_468 = arith.constant 9600 : i32
    %dma_wait3A_469 = tpu.memref_slice %arg6[%dma_wait3A_468] : memref<10240xi32, #tpu.memory_space<vmem>> -> memref<320xi32, #tpu.memory_space<vmem>>
    %dma_wait3A_470 = tpu.memref_slice %arg2[%add3A_244] : memref<327680xi32, #tpu.memory_space<hbm>> -> memref<320xi32, #tpu.memory_space<hbm>>
    %dma_wait3A_471 = arith.constant 9600 : i32
    %dma_wait3A_472 = tpu.memref_slice %arg6[%dma_wait3A_471] : memref<10240xi32, #tpu.memory_space<vmem>> -> memref<320xi32, #tpu.memory_space<vmem>>
    %dma_wait3A_473 = tpu.memref_slice %arg2[%add3A_244] : memref<327680xi32, #tpu.memory_space<hbm>> -> memref<320xi32, #tpu.memory_space<hbm>>
    tpu.wait_dma2 semaphore(%arg10 : memref<!tpu.dma_semaphore, #tpu.memory_space<semaphore_mem>>) src(%dma_wait3A_473 : memref<320xi32, #tpu.memory_space<hbm>>) dst(%dma_wait3A_472 : memref<320xi32, #tpu.memory_space<vmem>>)
    %dma_wait3A_474 = arith.constant 9920 : i32
    %dma_wait3A_475 = tpu.memref_slice %arg6[%dma_wait3A_474] : memref<10240xi32, #tpu.memory_space<vmem>> -> memref<320xi32, #tpu.memory_space<vmem>>
    %dma_wait3A_476 = tpu.memref_slice %arg2[%add3A_252] : memref<327680xi32, #tpu.memory_space<hbm>> -> memref<320xi32, #tpu.memory_space<hbm>>
    %dma_wait3A_477 = arith.constant 9920 : i32
    %dma_wait3A_478 = tpu.memref_slice %arg6[%dma_wait3A_477] : memref<10240xi32, #tpu.memory_space<vmem>> -> memref<320xi32, #tpu.memory_space<vmem>>
    %dma_wait3A_479 = tpu.memref_slice %arg2[%add3A_252] : memref<327680xi32, #tpu.memory_space<hbm>> -> memref<320xi32, #tpu.memory_space<hbm>>
    tpu.wait_dma2 semaphore(%arg10 : memref<!tpu.dma_semaphore, #tpu.memory_space<semaphore_mem>>) src(%dma_wait3A_479 : memref<320xi32, #tpu.memory_space<hbm>>) dst(%dma_wait3A_478 : memref<320xi32, #tpu.memory_space<vmem>>)
    %scan3A = arith.constant 0 : i32
    %scan3A_480 = arith.constant 0 : i32
    %scan3A_481 = arith.constant 20 : i32
    %scan3A_482 = arith.addi %scan3A_480, %scan3A_481 : i32
    %scan3A_483 = arith.constant 1 : i32
    %scan3A_484 = scf.for %scan3A_550 = %scan3A_480 to %scan3A_482 step %scan3A_483 iter_args(%scan3A_551 = %scan3A) -> (i32)  : i32 {
      %mul3A_552 = arith.constant 16 : i32
      %mul3A_553 = arith.muli %scan3A_550, %mul3A_552 : i32
      %add3A_554 = arith.constant 0 : i32
      %add3A_555 = arith.addi %add3A_554, %mul3A_553 : i32
      %get3A = arith.index_cast %add3A_555 : i32 to index
      %get3A_556 = tpu.vector_load %arg6[%get3A] {strides = array<i32>} : memref<10240xi32, #tpu.memory_space<vmem>>, vector<16xi32>,
      %mul3A_557 = arith.constant 16 : i32
      %mul3A_558 = arith.muli %scan3A_550, %mul3A_557 : i32
      %add3A_559 = arith.constant 320 : i32
      %add3A_560 = arith.addi %add3A_559, %mul3A_558 : i32
      %get3A_561 = arith.index_cast %add3A_560 : i32 to index
      %get3A_562 = tpu.vector_load %arg6[%get3A_561] {strides = array<i32>} : memref<10240xi32, #tpu.memory_space<vmem>>, vector<16xi32>,
      %mul3A_563 = arith.constant 16 : i32
      %mul3A_564 = arith.muli %scan3A_550, %mul3A_563 : i32
      %add3A_565 = arith.constant 640 : i32
      %add3A_566 = arith.addi %add3A_565, %mul3A_564 : i32
      %get3A_567 = arith.index_cast %add3A_566 : i32 to index
      %get3A_568 = tpu.vector_load %arg6[%get3A_567] {strides = array<i32>} : memref<10240xi32, #tpu.memory_space<vmem>>, vector<16xi32>,
      %mul3A_569 = arith.constant 16 : i32
      %mul3A_570 = arith.muli %scan3A_550, %mul3A_569 : i32
      %add3A_571 = arith.constant 960 : i32
      %add3A_572 = arith.addi %add3A_571, %mul3A_570 : i32
      %get3A_573 = arith.index_cast %add3A_572 : i32 to index
      %get3A_574 = tpu.vector_load %arg6[%get3A_573] {strides = array<i32>} : memref<10240xi32, #tpu.memory_space<vmem>>, vector<16xi32>,
      %mul3A_575 = arith.constant 16 : i32
      %mul3A_576 = arith.muli %scan3A_550, %mul3A_575 : i32
      %add3A_577 = arith.constant 1280 : i32
      %add3A_578 = arith.addi %add3A_577, %mul3A_576 : i32
      %get3A_579 = arith.index_cast %add3A_578 : i32 to index
      %get3A_580 = tpu.vector_load %arg6[%get3A_579] {strides = array<i32>} : memref<10240xi32, #tpu.memory_space<vmem>>, vector<16xi32>,
      %mul3A_581 = arith.constant 16 : i32
      %mul3A_582 = arith.muli %scan3A_550, %mul3A_581 : i32
      %add3A_583 = arith.constant 1600 : i32
      %add3A_584 = arith.addi %add3A_583, %mul3A_582 : i32
      %get3A_585 = arith.index_cast %add3A_584 : i32 to index
      %get3A_586 = tpu.vector_load %arg6[%get3A_585] {strides = array<i32>} : memref<10240xi32, #tpu.memory_space<vmem>>, vector<16xi32>,
      %mul3A_587 = arith.constant 16 : i32
      %mul3A_588 = arith.muli %scan3A_550, %mul3A_587 : i32
      %add3A_589 = arith.constant 1920 : i32
      %add3A_590 = arith.addi %add3A_589, %mul3A_588 : i32
      %get3A_591 = arith.index_cast %add3A_590 : i32 to index
      %get3A_592 = tpu.vector_load %arg6[%get3A_591] {strides = array<i32>} : memref<10240xi32, #tpu.memory_space<vmem>>, vector<16xi32>,
      %mul3A_593 = arith.constant 16 : i32
      %mul3A_594 = arith.muli %scan3A_550, %mul3A_593 : i32
      %add3A_595 = arith.constant 2240 : i32
      %add3A_596 = arith.addi %add3A_595, %mul3A_594 : i32
      %get3A_597 = arith.index_cast %add3A_596 : i32 to index
      %get3A_598 = tpu.vector_load %arg6[%get3A_597] {strides = array<i32>} : memref<10240xi32, #tpu.memory_space<vmem>>, vector<16xi32>,
      %mul3A_599 = arith.constant 16 : i32
      %mul3A_600 = arith.muli %scan3A_550, %mul3A_599 : i32
      %add3A_601 = arith.constant 2560 : i32
      %add3A_602 = arith.addi %add3A_601, %mul3A_600 : i32
      %get3A_603 = arith.index_cast %add3A_602 : i32 to index
      %get3A_604 = tpu.vector_load %arg6[%get3A_603] {strides = array<i32>} : memref<10240xi32, #tpu.memory_space<vmem>>, vector<16xi32>,
      %mul3A_605 = arith.constant 16 : i32
      %mul3A_606 = arith.muli %scan3A_550, %mul3A_605 : i32
      %add3A_607 = arith.constant 2880 : i32
      %add3A_608 = arith.addi %add3A_607, %mul3A_606 : i32
      %get3A_609 = arith.index_cast %add3A_608 : i32 to index
      %get3A_610 = tpu.vector_load %arg6[%get3A_609] {strides = array<i32>} : memref<10240xi32, #tpu.memory_space<vmem>>, vector<16xi32>,
      %mul3A_611 = arith.constant 16 : i32
      %mul3A_612 = arith.muli %scan3A_550, %mul3A_611 : i32
      %add3A_613 = arith.constant 3200 : i32
      %add3A_614 = arith.addi %add3A_613, %mul3A_612 : i32
      %get3A_615 = arith.index_cast %add3A_614 : i32 to index
      %get3A_616 = tpu.vector_load %arg6[%get3A_615] {strides = array<i32>} : memref<10240xi32, #tpu.memory_space<vmem>>, vector<16xi32>,
      %mul3A_617 = arith.constant 16 : i32
      %mul3A_618 = arith.muli %scan3A_550, %mul3A_617 : i32
      %add3A_619 = arith.constant 3520 : i32
      %add3A_620 = arith.addi %add3A_619, %mul3A_618 : i32
      %get3A_621 = arith.index_cast %add3A_620 : i32 to index
      %get3A_622 = tpu.vector_load %arg6[%get3A_621] {strides = array<i32>} : memref<10240xi32, #tpu.memory_space<vmem>>, vector<16xi32>,
      %mul3A_623 = arith.constant 16 : i32
      %mul3A_624 = arith.muli %scan3A_550, %mul3A_623 : i32
      %add3A_625 = arith.constant 3840 : i32
      %add3A_626 = arith.addi %add3A_625, %mul3A_624 : i32
      %get3A_627 = arith.index_cast %add3A_626 : i32 to index
      %get3A_628 = tpu.vector_load %arg6[%get3A_627] {strides = array<i32>} : memref<10240xi32, #tpu.memory_space<vmem>>, vector<16xi32>,
      %mul3A_629 = arith.constant 16 : i32
      %mul3A_630 = arith.muli %scan3A_550, %mul3A_629 : i32
      %add3A_631 = arith.constant 4160 : i32
      %add3A_632 = arith.addi %add3A_631, %mul3A_630 : i32
      %get3A_633 = arith.index_cast %add3A_632 : i32 to index
      %get3A_634 = tpu.vector_load %arg6[%get3A_633] {strides = array<i32>} : memref<10240xi32, #tpu.memory_space<vmem>>, vector<16xi32>,
      %mul3A_635 = arith.constant 16 : i32
      %mul3A_636 = arith.muli %scan3A_550, %mul3A_635 : i32
      %add3A_637 = arith.constant 4480 : i32
      %add3A_638 = arith.addi %add3A_637, %mul3A_636 : i32
      %get3A_639 = arith.index_cast %add3A_638 : i32 to index
      %get3A_640 = tpu.vector_load %arg6[%get3A_639] {strides = array<i32>} : memref<10240xi32, #tpu.memory_space<vmem>>, vector<16xi32>,
      %mul3A_641 = arith.constant 16 : i32
      %mul3A_642 = arith.muli %scan3A_550, %mul3A_641 : i32
      %add3A_643 = arith.constant 4800 : i32
      %add3A_644 = arith.addi %add3A_643, %mul3A_642 : i32
      %get3A_645 = arith.index_cast %add3A_644 : i32 to index
      %get3A_646 = tpu.vector_load %arg6[%get3A_645] {strides = array<i32>} : memref<10240xi32, #tpu.memory_space<vmem>>, vector<16xi32>,
      %mul3A_647 = arith.constant 16 : i32
      %mul3A_648 = arith.muli %scan3A_550, %mul3A_647 : i32
      %add3A_649 = arith.constant 5120 : i32
      %add3A_650 = arith.addi %add3A_649, %mul3A_648 : i32
      %get3A_651 = arith.index_cast %add3A_650 : i32 to index
      %get3A_652 = tpu.vector_load %arg6[%get3A_651] {strides = array<i32>} : memref<10240xi32, #tpu.memory_space<vmem>>, vector<16xi32>,
      %mul3A_653 = arith.constant 16 : i32
      %mul3A_654 = arith.muli %scan3A_550, %mul3A_653 : i32
      %add3A_655 = arith.constant 5440 : i32
      %add3A_656 = arith.addi %add3A_655, %mul3A_654 : i32
      %get3A_657 = arith.index_cast %add3A_656 : i32 to index
      %get3A_658 = tpu.vector_load %arg6[%get3A_657] {strides = array<i32>} : memref<10240xi32, #tpu.memory_space<vmem>>, vector<16xi32>,
      %mul3A_659 = arith.constant 16 : i32
      %mul3A_660 = arith.muli %scan3A_550, %mul3A_659 : i32
      %add3A_661 = arith.constant 5760 : i32
      %add3A_662 = arith.addi %add3A_661, %mul3A_660 : i32
      %get3A_663 = arith.index_cast %add3A_662 : i32 to index
      %get3A_664 = tpu.vector_load %arg6[%get3A_663] {strides = array<i32>} : memref<10240xi32, #tpu.memory_space<vmem>>, vector<16xi32>,
      %mul3A_665 = arith.constant 16 : i32
      %mul3A_666 = arith.muli %scan3A_550, %mul3A_665 : i32
      %add3A_667 = arith.constant 6080 : i32
      %add3A_668 = arith.addi %add3A_667, %mul3A_666 : i32
      %get3A_669 = arith.index_cast %add3A_668 : i32 to index
      %get3A_670 = tpu.vector_load %arg6[%get3A_669] {strides = array<i32>} : memref<10240xi32, #tpu.memory_space<vmem>>, vector<16xi32>,
      %mul3A_671 = arith.constant 16 : i32
      %mul3A_672 = arith.muli %scan3A_550, %mul3A_671 : i32
      %add3A_673 = arith.constant 6400 : i32
      %add3A_674 = arith.addi %add3A_673, %mul3A_672 : i32
      %get3A_675 = arith.index_cast %add3A_674 : i32 to index
      %get3A_676 = tpu.vector_load %arg6[%get3A_675] {strides = array<i32>} : memref<10240xi32, #tpu.memory_space<vmem>>, vector<16xi32>,
      %mul3A_677 = arith.constant 16 : i32
      %mul3A_678 = arith.muli %scan3A_550, %mul3A_677 : i32
      %add3A_679 = arith.constant 6720 : i32
      %add3A_680 = arith.addi %add3A_679, %mul3A_678 : i32
      %get3A_681 = arith.index_cast %add3A_680 : i32 to index
      %get3A_682 = tpu.vector_load %arg6[%get3A_681] {strides = array<i32>} : memref<10240xi32, #tpu.memory_space<vmem>>, vector<16xi32>,
      %mul3A_683 = arith.constant 16 : i32
      %mul3A_684 = arith.muli %scan3A_550, %mul3A_683 : i32
      %add3A_685 = arith.constant 7040 : i32
      %add3A_686 = arith.addi %add3A_685, %mul3A_684 : i32
      %get3A_687 = arith.index_cast %add3A_686 : i32 to index
      %get3A_688 = tpu.vector_load %arg6[%get3A_687] {strides = array<i32>} : memref<10240xi32, #tpu.memory_space<vmem>>, vector<16xi32>,
      %mul3A_689 = arith.constant 16 : i32
      %mul3A_690 = arith.muli %scan3A_550, %mul3A_689 : i32
      %add3A_691 = arith.constant 7360 : i32
      %add3A_692 = arith.addi %add3A_691, %mul3A_690 : i32
      %get3A_693 = arith.index_cast %add3A_692 : i32 to index
      %get3A_694 = tpu.vector_load %arg6[%get3A_693] {strides = array<i32>} : memref<10240xi32, #tpu.memory_space<vmem>>, vector<16xi32>,
      %mul3A_695 = arith.constant 16 : i32
      %mul3A_696 = arith.muli %scan3A_550, %mul3A_695 : i32
      %add3A_697 = arith.constant 7680 : i32
      %add3A_698 = arith.addi %add3A_697, %mul3A_696 : i32
      %get3A_699 = arith.index_cast %add3A_698 : i32 to index
      %get3A_700 = tpu.vector_load %arg6[%get3A_699] {strides = array<i32>} : memref<10240xi32, #tpu.memory_space<vmem>>, vector<16xi32>,
      %mul3A_701 = arith.constant 16 : i32
      %mul3A_702 = arith.muli %scan3A_550, %mul3A_701 : i32
      %add3A_703 = arith.constant 8000 : i32
      %add3A_704 = arith.addi %add3A_703, %mul3A_702 : i32
      %get3A_705 = arith.index_cast %add3A_704 : i32 to index
      %get3A_706 = tpu.vector_load %arg6[%get3A_705] {strides = array<i32>} : memref<10240xi32, #tpu.memory_space<vmem>>, vector<16xi32>,
      %mul3A_707 = arith.constant 16 : i32
      %mul3A_708 = arith.muli %scan3A_550, %mul3A_707 : i32
      %add3A_709 = arith.constant 8320 : i32
      %add3A_710 = arith.addi %add3A_709, %mul3A_708 : i32
      %get3A_711 = arith.index_cast %add3A_710 : i32 to index
      %get3A_712 = tpu.vector_load %arg6[%get3A_711] {strides = array<i32>} : memref<10240xi32, #tpu.memory_space<vmem>>, vector<16xi32>,
      %mul3A_713 = arith.constant 16 : i32
      %mul3A_714 = arith.muli %scan3A_550, %mul3A_713 : i32
      %add3A_715 = arith.constant 8640 : i32
      %add3A_716 = arith.addi %add3A_715, %mul3A_714 : i32
      %get3A_717 = arith.index_cast %add3A_716 : i32 to index
      %get3A_718 = tpu.vector_load %arg6[%get3A_717] {strides = array<i32>} : memref<10240xi32, #tpu.memory_space<vmem>>, vector<16xi32>,
      %mul3A_719 = arith.constant 16 : i32
      %mul3A_720 = arith.muli %scan3A_550, %mul3A_719 : i32
      %add3A_721 = arith.constant 8960 : i32
      %add3A_722 = arith.addi %add3A_721, %mul3A_720 : i32
      %get3A_723 = arith.index_cast %add3A_722 : i32 to index
      %get3A_724 = tpu.vector_load %arg6[%get3A_723] {strides = array<i32>} : memref<10240xi32, #tpu.memory_space<vmem>>, vector<16xi32>,
      %mul3A_725 = arith.constant 16 : i32
      %mul3A_726 = arith.muli %scan3A_550, %mul3A_725 : i32
      %add3A_727 = arith.constant 9280 : i32
      %add3A_728 = arith.addi %add3A_727, %mul3A_726 : i32
      %get3A_729 = arith.index_cast %add3A_728 : i32 to index
      %get3A_730 = tpu.vector_load %arg6[%get3A_729] {strides = array<i32>} : memref<10240xi32, #tpu.memory_space<vmem>>, vector<16xi32>,
      %mul3A_731 = arith.constant 16 : i32
      %mul3A_732 = arith.muli %scan3A_550, %mul3A_731 : i32
      %add3A_733 = arith.constant 9600 : i32
      %add3A_734 = arith.addi %add3A_733, %mul3A_732 : i32
      %get3A_735 = arith.index_cast %add3A_734 : i32 to index
      %get3A_736 = tpu.vector_load %arg6[%get3A_735] {strides = array<i32>} : memref<10240xi32, #tpu.memory_space<vmem>>, vector<16xi32>,
      %mul3A_737 = arith.constant 16 : i32
      %mul3A_738 = arith.muli %scan3A_550, %mul3A_737 : i32
      %add3A_739 = arith.constant 9920 : i32
      %add3A_740 = arith.addi %add3A_739, %mul3A_738 : i32
      %get3A_741 = arith.index_cast %add3A_740 : i32 to index
      %get3A_742 = tpu.vector_load %arg6[%get3A_741] {strides = array<i32>} : memref<10240xi32, #tpu.memory_space<vmem>>, vector<16xi32>,
      %add3A_743 = arith.addi %get3A_556, %get3A_562 : vector<16xi32>
      %add3A_744 = arith.addi %get3A_568, %get3A_574 : vector<16xi32>
      %add3A_745 = arith.addi %get3A_580, %get3A_586 : vector<16xi32>
      %add3A_746 = arith.addi %get3A_592, %get3A_598 : vector<16xi32>
      %add3A_747 = arith.addi %get3A_604, %get3A_610 : vector<16xi32>
      %add3A_748 = arith.addi %get3A_616, %get3A_622 : vector<16xi32>
      %add3A_749 = arith.addi %get3A_628, %get3A_634 : vector<16xi32>
      %add3A_750 = arith.addi %get3A_640, %get3A_646 : vector<16xi32>
      %add3A_751 = arith.addi %get3A_652, %get3A_658 : vector<16xi32>
      %add3A_752 = arith.addi %get3A_664, %get3A_670 : vector<16xi32>
      %add3A_753 = arith.addi %get3A_676, %get3A_682 : vector<16xi32>
      %add3A_754 = arith.addi %get3A_688, %get3A_694 : vector<16xi32>
      %add3A_755 = arith.addi %get3A_700, %get3A_706 : vector<16xi32>
      %add3A_756 = arith.addi %get3A_712, %get3A_718 : vector<16xi32>
      %add3A_757 = arith.addi %get3A_724, %get3A_730 : vector<16xi32>
      %add3A_758 = arith.addi %get3A_736, %get3A_742 : vector<16xi32>
      %add3A_759 = arith.addi %add3A_743, %add3A_744 : vector<16xi32>
      %add3A_760 = arith.addi %add3A_745, %add3A_746 : vector<16xi32>
      %add3A_761 = arith.addi %add3A_747, %add3A_748 : vector<16xi32>
      %add3A_762 = arith.addi %add3A_749, %add3A_750 : vector<16xi32>
      %add3A_763 = arith.addi %add3A_751, %add3A_752 : vector<16xi32>
      %add3A_764 = arith.addi %add3A_753, %add3A_754 : vector<16xi32>
      %add3A_765 = arith.addi %add3A_755, %add3A_756 : vector<16xi32>
      %add3A_766 = arith.addi %add3A_757, %add3A_758 : vector<16xi32>
      %add3A_767 = arith.addi %add3A_759, %add3A_760 : vector<16xi32>
      %add3A_768 = arith.addi %add3A_761, %add3A_762 : vector<16xi32>
      %add3A_769 = arith.addi %add3A_763, %add3A_764 : vector<16xi32>
      %add3A_770 = arith.addi %add3A_765, %add3A_766 : vector<16xi32>
      %add3A_771 = arith.addi %add3A_767, %add3A_768 : vector<16xi32>
      %add3A_772 = arith.addi %add3A_769, %add3A_770 : vector<16xi32>
      %add3A_773 = arith.addi %add3A_771, %add3A_772 : vector<16xi32>
      %min3A = arith.constant 511 : i32
      %min3A_774 = vector.broadcast %min3A : i32 to vector<16xi32>
      %min3A_775 = arith.minsi %add3A_773, %min3A_774 : vector<16xi32>
      %mul3A_776 = arith.constant 16 : i32
      %mul3A_777 = arith.muli %scan3A_550, %mul3A_776 : i32
      %swap3A = arith.index_cast %mul3A_777 : i32 to index
      %swap3A_778 = tpu.vector_load %arg7[%swap3A] {strides = array<i32>} : memref<320xi32, #tpu.memory_space<vmem>>, vector<16xi32>,
      tpu.vector_store %arg7[%swap3A], %min3A_775 {strides = array<i32>} : memref<320xi32, #tpu.memory_space<vmem>>, vector<16xi32>,
      %scan3A_779 = arith.constant 0 : i32
      scf.yield %scan3A_779 : i32
    }
    %scan3A_485 = arith.constant 20 : i32
    %barrier3A = arith.constant 0 : index
    tpu.barrier barrier_id(%barrier3A)
    %dma_wait3A_486 = arith.constant 0 : i32
    %dma_wait3A_487 = arith.constant 0 : i32
    %dma_wait3A_488 = tpu.memref_slice %arg8[%dma_wait3A_486, %dma_wait3A_487] : memref<320x128xf32, #tpu.memory_space<vmem>> -> memref<40x128xf32, #tpu.memory_space<vmem>>
    %dma_wait3A_489 = arith.constant 0 : i32
    %dma_wait3A_490 = tpu.memref_slice %arg4[%add3A_260, %dma_wait3A_489] : memref<10000x128xf32, #tpu.memory_space<hbm>> -> memref<40x128xf32, #tpu.memory_space<hbm>>
    %dma_wait3A_491 = arith.constant 0 : i32
    %dma_wait3A_492 = arith.constant 0 : i32
    %dma_wait3A_493 = tpu.memref_slice %arg8[%dma_wait3A_491, %dma_wait3A_492] : memref<320x128xf32, #tpu.memory_space<vmem>> -> memref<40x128xf32, #tpu.memory_space<vmem>>
    %dma_wait3A_494 = arith.constant 0 : i32
    %dma_wait3A_495 = tpu.memref_slice %arg4[%add3A_260, %dma_wait3A_494] : memref<10000x128xf32, #tpu.memory_space<hbm>> -> memref<40x128xf32, #tpu.memory_space<hbm>>
    tpu.wait_dma2 semaphore(%arg12 : memref<!tpu.dma_semaphore, #tpu.memory_space<semaphore_mem>>) src(%dma_wait3A_495 : memref<40x128xf32, #tpu.memory_space<hbm>>) dst(%dma_wait3A_493 : memref<40x128xf32, #tpu.memory_space<vmem>>)
    %dma_start3A_496 = arith.constant 0 : i32
    %dma_start3A_497 = arith.constant 0 : i32
    %dma_start3A_498 = tpu.memref_slice %arg8[%dma_start3A_496, %dma_start3A_497] : memref<320x128xf32, #tpu.memory_space<vmem>> -> memref<40x128xf32, #tpu.memory_space<vmem>>
    %dma_start3A_499 = arith.constant 0 : i32
    %dma_start3A_500 = tpu.memref_slice %arg7[%dma_start3A_499] : memref<320xi32, #tpu.memory_space<vmem>> -> memref<40xi32, #tpu.memory_space<vmem>>
    %dma_start3A_501 = arith.constant 0 : i32
    %dma_start3A_502 = arith.constant 0 : i32
    %dma_start3A_503 = tpu.memref_slice %arg9[%dma_start3A_501, %dma_start3A_502] : memref<512x128xf32, #tpu.memory_space<vmem_shared>> -> memref<512x128xf32, #tpu.memory_space<vmem_shared>>
    tpu.enqueue_indirect_dma source(%dma_start3A_503 : memref<512x128xf32, #tpu.memory_space<vmem_shared>>) target(%dma_start3A_498 : memref<40x128xf32, #tpu.memory_space<vmem>>) offsets(%dma_start3A_500 : memref<40xi32, #tpu.memory_space<vmem>>) semaphore(%arg12 : memref<!tpu.dma_semaphore, #tpu.memory_space<semaphore_mem>>) {add = true}
    %dma_wait3A_504 = arith.constant 40 : i32
    %dma_wait3A_505 = arith.constant 0 : i32
    %dma_wait3A_506 = tpu.memref_slice %arg8[%dma_wait3A_504, %dma_wait3A_505] : memref<320x128xf32, #tpu.memory_space<vmem>> -> memref<40x128xf32, #tpu.memory_space<vmem>>
    %dma_wait3A_507 = arith.constant 0 : i32
    %dma_wait3A_508 = tpu.memref_slice %arg4[%add3A_272, %dma_wait3A_507] : memref<10000x128xf32, #tpu.memory_space<hbm>> -> memref<40x128xf32, #tpu.memory_space<hbm>>
    %dma_wait3A_509 = arith.constant 40 : i32
    %dma_wait3A_510 = arith.constant 0 : i32
    %dma_wait3A_511 = tpu.memref_slice %arg8[%dma_wait3A_509, %dma_wait3A_510] : memref<320x128xf32, #tpu.memory_space<vmem>> -> memref<40x128xf32, #tpu.memory_space<vmem>>
    %dma_wait3A_512 = arith.constant 0 : i32
    %dma_wait3A_513 = tpu.memref_slice %arg4[%add3A_272, %dma_wait3A_512] : memref<10000x128xf32, #tpu.memory_space<hbm>> -> memref<40x128xf32, #tpu.memory_space<hbm>>
    tpu.wait_dma2 semaphore(%arg13 : memref<!tpu.dma_semaphore, #tpu.memory_space<semaphore_mem>>) src(%dma_wait3A_513 : memref<40x128xf32, #tpu.memory_space<hbm>>) dst(%dma_wait3A_511 : memref<40x128xf32, #tpu.memory_space<vmem>>)
    %dma_start3A_514 = arith.constant 40 : i32
    %dma_start3A_515 = arith.constant 0 : i32
    %dma_start3A_516 = tpu.memref_slice %arg8[%dma_start3A_514, %dma_start3A_515] : memref<320x128xf32, #tpu.memory_space<vmem>> -> memref<40x128xf32, #tpu.memory_space<vmem>>
    %dma_start3A_517 = arith.constant 40 : i32
    %dma_start3A_518 = tpu.memref_slice %arg7[%dma_start3A_517] : memref<320xi32, #tpu.memory_space<vmem>> -> memref<40xi32, #tpu.memory_space<vmem>>
    %dma_start3A_519 = arith.constant 0 : i32
    %dma_start3A_520 = arith.constant 0 : i32
    %dma_start3A_521 = tpu.memref_slice %arg9[%dma_start3A_519, %dma_start3A_520] : memref<512x128xf32, #tpu.memory_space<vmem_shared>> -> memref<512x128xf32, #tpu.memory_space<vmem_shared>>
    tpu.enqueue_indirect_dma source(%dma_start3A_521 : memref<512x128xf32, #tpu.memory_space<vmem_shared>>) target(%dma_start3A_516 : memref<40x128xf32, #tpu.memory_space<vmem>>) offsets(%dma_start3A_518 : memref<40xi32, #tpu.memory_space<vmem>>) semaphore(%arg13 : memref<!tpu.dma_semaphore, #tpu.memory_space<semaphore_mem>>) {add = true}
    %dma_wait3A_522 = arith.constant 0 : i32
    %dma_wait3A_523 = arith.constant 0 : i32
    %dma_wait3A_524 = tpu.memref_slice %arg8[%dma_wait3A_522, %dma_wait3A_523] : memref<320x128xf32, #tpu.memory_space<vmem>> -> memref<40x128xf32, #tpu.memory_space<vmem>>
    %dma_wait3A_525 = arith.constant 0 : i32
    %dma_wait3A_526 = tpu.memref_slice %arg7[%dma_wait3A_525] : memref<320xi32, #tpu.memory_space<vmem>> -> memref<40xi32, #tpu.memory_space<vmem>>
    %dma_wait3A_527 = arith.constant 0 : i32
    %dma_wait3A_528 = arith.constant 0 : i32
    %dma_wait3A_529 = tpu.memref_slice %arg9[%dma_wait3A_527, %dma_wait3A_528] : memref<512x128xf32, #tpu.memory_space<vmem_shared>> -> memref<512x128xf32, #tpu.memory_space<vmem_shared>>
    tpu.wait_indirect_dma semaphore(%arg12 : memref<!tpu.dma_semaphore, #tpu.memory_space<semaphore_mem>>) src(%dma_wait3A_529 : memref<512x128xf32, #tpu.memory_space<vmem_shared>>) dst(%dma_wait3A_524 : memref<40x128xf32, #tpu.memory_space<vmem>>)
    %add3A_530 = arith.constant 0 : i32
    %add3A_531 = arith.addi %mul3A_2, %add3A_530 : i32
    %dma_start3A_532 = arith.constant 0 : i32
    %dma_start3A_533 = arith.constant 0 : i32
    %dma_start3A_534 = tpu.memref_slice %arg8[%dma_start3A_532, %dma_start3A_533] : memref<320x128xf32, #tpu.memory_space<vmem>> -> memref<40x128xf32, #tpu.memory_space<vmem>>
    %dma_start3A_535 = arith.constant 0 : i32
    %dma_start3A_536 = tpu.memref_slice %arg5[%add3A_531, %dma_start3A_535] : memref<10000x128xf32, #tpu.memory_space<hbm>> -> memref<40x128xf32, #tpu.memory_space<hbm>>
    %dma_start3A_537 = arith.constant 0 : i32
    %dma_start3A_538 = tpu.memref_slice %arg5[%add3A_531, %dma_start3A_537] : memref<10000x128xf32, #tpu.memory_space<hbm>> -> memref<40x128xf32, #tpu.memory_space<hbm>>
    %dma_start3A_539 = arith.constant 0 : i32
    %dma_start3A_540 = arith.constant 0 : i32
    %dma_start3A_541 = tpu.memref_slice %arg8[%dma_start3A_539, %dma_start3A_540] : memref<320x128xf32, #tpu.memory_space<vmem>> -> memref<40x128xf32, #tpu.memory_space<vmem>>
    tpu.enqueue_dma source(%dma_start3A_541 : memref<40x128xf32, #tpu.memory_space<vmem>>) target(%dma_start3A_538 : memref<40x128xf32, #tpu.memory_space<hbm>>) target_semaphore(%arg11 : memref<!tpu.dma_semaphore, #tpu.memory_space<semaphore_mem>>)
    %not3A_542 = arith.constant true
    %not3A_543 = arith.xori %eq3A_3, %not3A_542 : i1
    %convert_element_type3A_544 = arith.extui %not3A_543 : i1 to i32
    %cond3A_545 = arith.constant 0 : i32
    %cond3A_546 = arith.cmpi ne, %convert_element_type3A_544, %cond3A_545 : i32
    scf.if %cond3A_546 {
      %add3A_550 = arith.constant 80 : i32
      %add3A_551 = arith.addi %mul3A_2, %add3A_550 : i32
      %dma_wait3A_552 = arith.constant 80 : i32
      %dma_wait3A_553 = arith.constant 0 : i32
      %dma_wait3A_554 = tpu.memref_slice %arg8[%dma_wait3A_552, %dma_wait3A_553] : memref<320x128xf32, #tpu.memory_space<vmem>> -> memref<40x128xf32, #tpu.memory_space<vmem>>
      %dma_wait3A_555 = arith.constant 0 : i32
      %dma_wait3A_556 = tpu.memref_slice %arg4[%add3A_551, %dma_wait3A_555] : memref<10000x128xf32, #tpu.memory_space<hbm>> -> memref<40x128xf32, #tpu.memory_space<hbm>>
      %dma_wait3A_557 = arith.constant 80 : i32
      %dma_wait3A_558 = arith.constant 0 : i32
      %dma_wait3A_559 = tpu.memref_slice %arg8[%dma_wait3A_557, %dma_wait3A_558] : memref<320x128xf32, #tpu.memory_space<vmem>> -> memref<40x128xf32, #tpu.memory_space<vmem>>
      %dma_wait3A_560 = arith.constant 0 : i32
      %dma_wait3A_561 = tpu.memref_slice %arg4[%add3A_551, %dma_wait3A_560] : memref<10000x128xf32, #tpu.memory_space<hbm>> -> memref<40x128xf32, #tpu.memory_space<hbm>>
      tpu.wait_dma2 semaphore(%arg14 : memref<!tpu.dma_semaphore, #tpu.memory_space<semaphore_mem>>) src(%dma_wait3A_561 : memref<40x128xf32, #tpu.memory_space<hbm>>) dst(%dma_wait3A_559 : memref<40x128xf32, #tpu.memory_space<vmem>>)
      %dma_start3A_562 = arith.constant 80 : i32
      %dma_start3A_563 = arith.constant 0 : i32
      %dma_start3A_564 = tpu.memref_slice %arg8[%dma_start3A_562, %dma_start3A_563] : memref<320x128xf32, #tpu.memory_space<vmem>> -> memref<40x128xf32, #tpu.memory_space<vmem>>
      %dma_start3A_565 = arith.constant 80 : i32
      %dma_start3A_566 = tpu.memref_slice %arg7[%dma_start3A_565] : memref<320xi32, #tpu.memory_space<vmem>> -> memref<40xi32, #tpu.memory_space<vmem>>
      %dma_start3A_567 = arith.constant 0 : i32
      %dma_start3A_568 = arith.constant 0 : i32
      %dma_start3A_569 = tpu.memref_slice %arg9[%dma_start3A_567, %dma_start3A_568] : memref<512x128xf32, #tpu.memory_space<vmem_shared>> -> memref<512x128xf32, #tpu.memory_space<vmem_shared>>
      tpu.enqueue_indirect_dma source(%dma_start3A_569 : memref<512x128xf32, #tpu.memory_space<vmem_shared>>) target(%dma_start3A_564 : memref<40x128xf32, #tpu.memory_space<vmem>>) offsets(%dma_start3A_566 : memref<40xi32, #tpu.memory_space<vmem>>) semaphore(%arg14 : memref<!tpu.dma_semaphore, #tpu.memory_space<semaphore_mem>>) {add = true}
      %dma_wait3A_570 = arith.constant 40 : i32
      %dma_wait3A_571 = arith.constant 0 : i32
      %dma_wait3A_572 = tpu.memref_slice %arg8[%dma_wait3A_570, %dma_wait3A_571] : memref<320x128xf32, #tpu.memory_space<vmem>> -> memref<40x128xf32, #tpu.memory_space<vmem>>
      %dma_wait3A_573 = arith.constant 40 : i32
      %dma_wait3A_574 = tpu.memref_slice %arg7[%dma_wait3A_573] : memref<320xi32, #tpu.memory_space<vmem>> -> memref<40xi32, #tpu.memory_space<vmem>>
      %dma_wait3A_575 = arith.constant 0 : i32
      %dma_wait3A_576 = arith.constant 0 : i32
      %dma_wait3A_577 = tpu.memref_slice %arg9[%dma_wait3A_575, %dma_wait3A_576] : memref<512x128xf32, #tpu.memory_space<vmem_shared>> -> memref<512x128xf32, #tpu.memory_space<vmem_shared>>
      tpu.wait_indirect_dma semaphore(%arg13 : memref<!tpu.dma_semaphore, #tpu.memory_space<semaphore_mem>>) src(%dma_wait3A_577 : memref<512x128xf32, #tpu.memory_space<vmem_shared>>) dst(%dma_wait3A_572 : memref<40x128xf32, #tpu.memory_space<vmem>>)
      %add3A_578 = arith.constant 40 : i32
      %add3A_579 = arith.addi %mul3A_2, %add3A_578 : i32
      %dma_start3A_580 = arith.constant 40 : i32
      %dma_start3A_581 = arith.constant 0 : i32
      %dma_start3A_582 = tpu.memref_slice %arg8[%dma_start3A_580, %dma_start3A_581] : memref<320x128xf32, #tpu.memory_space<vmem>> -> memref<40x128xf32, #tpu.memory_space<vmem>>
      %dma_start3A_583 = arith.constant 0 : i32
      %dma_start3A_584 = tpu.memref_slice %arg5[%add3A_579, %dma_start3A_583] : memref<10000x128xf32, #tpu.memory_space<hbm>> -> memref<40x128xf32, #tpu.memory_space<hbm>>
      %dma_start3A_585 = arith.constant 0 : i32
      %dma_start3A_586 = tpu.memref_slice %arg5[%add3A_579, %dma_start3A_585] : memref<10000x128xf32, #tpu.memory_space<hbm>> -> memref<40x128xf32, #tpu.memory_space<hbm>>
      %dma_start3A_587 = arith.constant 40 : i32
      %dma_start3A_588 = arith.constant 0 : i32
      %dma_start3A_589 = tpu.memref_slice %arg8[%dma_start3A_587, %dma_start3A_588] : memref<320x128xf32, #tpu.memory_space<vmem>> -> memref<40x128xf32, #tpu.memory_space<vmem>>
      tpu.enqueue_dma source(%dma_start3A_589 : memref<40x128xf32, #tpu.memory_space<vmem>>) target(%dma_start3A_586 : memref<40x128xf32, #tpu.memory_space<hbm>>) target_semaphore(%arg11 : memref<!tpu.dma_semaphore, #tpu.memory_space<semaphore_mem>>)
      %add3A_590 = arith.constant 120 : i32
      %add3A_591 = arith.addi %mul3A_2, %add3A_590 : i32
      %dma_wait3A_592 = arith.constant 120 : i32
      %dma_wait3A_593 = arith.constant 0 : i32
      %dma_wait3A_594 = tpu.memref_slice %arg8[%dma_wait3A_592, %dma_wait3A_593] : memref<320x128xf32, #tpu.memory_space<vmem>> -> memref<40x128xf32, #tpu.memory_space<vmem>>
      %dma_wait3A_595 = arith.constant 0 : i32
      %dma_wait3A_596 = tpu.memref_slice %arg4[%add3A_591, %dma_wait3A_595] : memref<10000x128xf32, #tpu.memory_space<hbm>> -> memref<40x128xf32, #tpu.memory_space<hbm>>
      %dma_wait3A_597 = arith.constant 120 : i32
      %dma_wait3A_598 = arith.constant 0 : i32
      %dma_wait3A_599 = tpu.memref_slice %arg8[%dma_wait3A_597, %dma_wait3A_598] : memref<320x128xf32, #tpu.memory_space<vmem>> -> memref<40x128xf32, #tpu.memory_space<vmem>>
      %dma_wait3A_600 = arith.constant 0 : i32
      %dma_wait3A_601 = tpu.memref_slice %arg4[%add3A_591, %dma_wait3A_600] : memref<10000x128xf32, #tpu.memory_space<hbm>> -> memref<40x128xf32, #tpu.memory_space<hbm>>
      tpu.wait_dma2 semaphore(%arg15 : memref<!tpu.dma_semaphore, #tpu.memory_space<semaphore_mem>>) src(%dma_wait3A_601 : memref<40x128xf32, #tpu.memory_space<hbm>>) dst(%dma_wait3A_599 : memref<40x128xf32, #tpu.memory_space<vmem>>)
      %dma_start3A_602 = arith.constant 120 : i32
      %dma_start3A_603 = arith.constant 0 : i32
      %dma_start3A_604 = tpu.memref_slice %arg8[%dma_start3A_602, %dma_start3A_603] : memref<320x128xf32, #tpu.memory_space<vmem>> -> memref<40x128xf32, #tpu.memory_space<vmem>>
      %dma_start3A_605 = arith.constant 120 : i32
      %dma_start3A_606 = tpu.memref_slice %arg7[%dma_start3A_605] : memref<320xi32, #tpu.memory_space<vmem>> -> memref<40xi32, #tpu.memory_space<vmem>>
      %dma_start3A_607 = arith.constant 0 : i32
      %dma_start3A_608 = arith.constant 0 : i32
      %dma_start3A_609 = tpu.memref_slice %arg9[%dma_start3A_607, %dma_start3A_608] : memref<512x128xf32, #tpu.memory_space<vmem_shared>> -> memref<512x128xf32, #tpu.memory_space<vmem_shared>>
      tpu.enqueue_indirect_dma source(%dma_start3A_609 : memref<512x128xf32, #tpu.memory_space<vmem_shared>>) target(%dma_start3A_604 : memref<40x128xf32, #tpu.memory_space<vmem>>) offsets(%dma_start3A_606 : memref<40xi32, #tpu.memory_space<vmem>>) semaphore(%arg15 : memref<!tpu.dma_semaphore, #tpu.memory_space<semaphore_mem>>) {add = true}
      %dma_wait3A_610 = arith.constant 80 : i32
      %dma_wait3A_611 = arith.constant 0 : i32
      %dma_wait3A_612 = tpu.memref_slice %arg8[%dma_wait3A_610, %dma_wait3A_611] : memref<320x128xf32, #tpu.memory_space<vmem>> -> memref<40x128xf32, #tpu.memory_space<vmem>>
      %dma_wait3A_613 = arith.constant 80 : i32
      %dma_wait3A_614 = tpu.memref_slice %arg7[%dma_wait3A_613] : memref<320xi32, #tpu.memory_space<vmem>> -> memref<40xi32, #tpu.memory_space<vmem>>
      %dma_wait3A_615 = arith.constant 0 : i32
      %dma_wait3A_616 = arith.constant 0 : i32
      %dma_wait3A_617 = tpu.memref_slice %arg9[%dma_wait3A_615, %dma_wait3A_616] : memref<512x128xf32, #tpu.memory_space<vmem_shared>> -> memref<512x128xf32, #tpu.memory_space<vmem_shared>>
      tpu.wait_indirect_dma semaphore(%arg14 : memref<!tpu.dma_semaphore, #tpu.memory_space<semaphore_mem>>) src(%dma_wait3A_617 : memref<512x128xf32, #tpu.memory_space<vmem_shared>>) dst(%dma_wait3A_612 : memref<40x128xf32, #tpu.memory_space<vmem>>)
      %add3A_618 = arith.constant 80 : i32
      %add3A_619 = arith.addi %mul3A_2, %add3A_618 : i32
      %dma_start3A_620 = arith.constant 80 : i32
      %dma_start3A_621 = arith.constant 0 : i32
      %dma_start3A_622 = tpu.memref_slice %arg8[%dma_start3A_620, %dma_start3A_621] : memref<320x128xf32, #tpu.memory_space<vmem>> -> memref<40x128xf32, #tpu.memory_space<vmem>>
      %dma_start3A_623 = arith.constant 0 : i32
      %dma_start3A_624 = tpu.memref_slice %arg5[%add3A_619, %dma_start3A_623] : memref<10000x128xf32, #tpu.memory_space<hbm>> -> memref<40x128xf32, #tpu.memory_space<hbm>>
      %dma_start3A_625 = arith.constant 0 : i32
      %dma_start3A_626 = tpu.memref_slice %arg5[%add3A_619, %dma_start3A_625] : memref<10000x128xf32, #tpu.memory_space<hbm>> -> memref<40x128xf32, #tpu.memory_space<hbm>>
      %dma_start3A_627 = arith.constant 80 : i32
      %dma_start3A_628 = arith.constant 0 : i32
      %dma_start3A_629 = tpu.memref_slice %arg8[%dma_start3A_627, %dma_start3A_628] : memref<320x128xf32, #tpu.memory_space<vmem>> -> memref<40x128xf32, #tpu.memory_space<vmem>>
      tpu.enqueue_dma source(%dma_start3A_629 : memref<40x128xf32, #tpu.memory_space<vmem>>) target(%dma_start3A_626 : memref<40x128xf32, #tpu.memory_space<hbm>>) target_semaphore(%arg11 : memref<!tpu.dma_semaphore, #tpu.memory_space<semaphore_mem>>)
      %add3A_630 = arith.constant 160 : i32
      %add3A_631 = arith.addi %mul3A_2, %add3A_630 : i32
      %dma_wait3A_632 = arith.constant 160 : i32
      %dma_wait3A_633 = arith.constant 0 : i32
      %dma_wait3A_634 = tpu.memref_slice %arg8[%dma_wait3A_632, %dma_wait3A_633] : memref<320x128xf32, #tpu.memory_space<vmem>> -> memref<40x128xf32, #tpu.memory_space<vmem>>
      %dma_wait3A_635 = arith.constant 0 : i32
      %dma_wait3A_636 = tpu.memref_slice %arg4[%add3A_631, %dma_wait3A_635] : memref<10000x128xf32, #tpu.memory_space<hbm>> -> memref<40x128xf32, #tpu.memory_space<hbm>>
      %dma_wait3A_637 = arith.constant 160 : i32
      %dma_wait3A_638 = arith.constant 0 : i32
      %dma_wait3A_639 = tpu.memref_slice %arg8[%dma_wait3A_637, %dma_wait3A_638] : memref<320x128xf32, #tpu.memory_space<vmem>> -> memref<40x128xf32, #tpu.memory_space<vmem>>
      %dma_wait3A_640 = arith.constant 0 : i32
      %dma_wait3A_641 = tpu.memref_slice %arg4[%add3A_631, %dma_wait3A_640] : memref<10000x128xf32, #tpu.memory_space<hbm>> -> memref<40x128xf32, #tpu.memory_space<hbm>>
      tpu.wait_dma2 semaphore(%arg16 : memref<!tpu.dma_semaphore, #tpu.memory_space<semaphore_mem>>) src(%dma_wait3A_641 : memref<40x128xf32, #tpu.memory_space<hbm>>) dst(%dma_wait3A_639 : memref<40x128xf32, #tpu.memory_space<vmem>>)
      %dma_start3A_642 = arith.constant 160 : i32
      %dma_start3A_643 = arith.constant 0 : i32
      %dma_start3A_644 = tpu.memref_slice %arg8[%dma_start3A_642, %dma_start3A_643] : memref<320x128xf32, #tpu.memory_space<vmem>> -> memref<40x128xf32, #tpu.memory_space<vmem>>
      %dma_start3A_645 = arith.constant 160 : i32
      %dma_start3A_646 = tpu.memref_slice %arg7[%dma_start3A_645] : memref<320xi32, #tpu.memory_space<vmem>> -> memref<40xi32, #tpu.memory_space<vmem>>
      %dma_start3A_647 = arith.constant 0 : i32
      %dma_start3A_648 = arith.constant 0 : i32
      %dma_start3A_649 = tpu.memref_slice %arg9[%dma_start3A_647, %dma_start3A_648] : memref<512x128xf32, #tpu.memory_space<vmem_shared>> -> memref<512x128xf32, #tpu.memory_space<vmem_shared>>
      tpu.enqueue_indirect_dma source(%dma_start3A_649 : memref<512x128xf32, #tpu.memory_space<vmem_shared>>) target(%dma_start3A_644 : memref<40x128xf32, #tpu.memory_space<vmem>>) offsets(%dma_start3A_646 : memref<40xi32, #tpu.memory_space<vmem>>) semaphore(%arg16 : memref<!tpu.dma_semaphore, #tpu.memory_space<semaphore_mem>>) {add = true}
      %dma_wait3A_650 = arith.constant 120 : i32
      %dma_wait3A_651 = arith.constant 0 : i32
      %dma_wait3A_652 = tpu.memref_slice %arg8[%dma_wait3A_650, %dma_wait3A_651] : memref<320x128xf32, #tpu.memory_space<vmem>> -> memref<40x128xf32, #tpu.memory_space<vmem>>
      %dma_wait3A_653 = arith.constant 120 : i32
      %dma_wait3A_654 = tpu.memref_slice %arg7[%dma_wait3A_653] : memref<320xi32, #tpu.memory_space<vmem>> -> memref<40xi32, #tpu.memory_space<vmem>>
      %dma_wait3A_655 = arith.constant 0 : i32
      %dma_wait3A_656 = arith.constant 0 : i32
      %dma_wait3A_657 = tpu.memref_slice %arg9[%dma_wait3A_655, %dma_wait3A_656] : memref<512x128xf32, #tpu.memory_space<vmem_shared>> -> memref<512x128xf32, #tpu.memory_space<vmem_shared>>
      tpu.wait_indirect_dma semaphore(%arg15 : memref<!tpu.dma_semaphore, #tpu.memory_space<semaphore_mem>>) src(%dma_wait3A_657 : memref<512x128xf32, #tpu.memory_space<vmem_shared>>) dst(%dma_wait3A_652 : memref<40x128xf32, #tpu.memory_space<vmem>>)
      %add3A_658 = arith.constant 120 : i32
      %add3A_659 = arith.addi %mul3A_2, %add3A_658 : i32
      %dma_start3A_660 = arith.constant 120 : i32
      %dma_start3A_661 = arith.constant 0 : i32
      %dma_start3A_662 = tpu.memref_slice %arg8[%dma_start3A_660, %dma_start3A_661] : memref<320x128xf32, #tpu.memory_space<vmem>> -> memref<40x128xf32, #tpu.memory_space<vmem>>
      %dma_start3A_663 = arith.constant 0 : i32
      %dma_start3A_664 = tpu.memref_slice %arg5[%add3A_659, %dma_start3A_663] : memref<10000x128xf32, #tpu.memory_space<hbm>> -> memref<40x128xf32, #tpu.memory_space<hbm>>
      %dma_start3A_665 = arith.constant 0 : i32
      %dma_start3A_666 = tpu.memref_slice %arg5[%add3A_659, %dma_start3A_665] : memref<10000x128xf32, #tpu.memory_space<hbm>> -> memref<40x128xf32, #tpu.memory_space<hbm>>
      %dma_start3A_667 = arith.constant 120 : i32
      %dma_start3A_668 = arith.constant 0 : i32
      %dma_start3A_669 = tpu.memref_slice %arg8[%dma_start3A_667, %dma_start3A_668] : memref<320x128xf32, #tpu.memory_space<vmem>> -> memref<40x128xf32, #tpu.memory_space<vmem>>
      tpu.enqueue_dma source(%dma_start3A_669 : memref<40x128xf32, #tpu.memory_space<vmem>>) target(%dma_start3A_666 : memref<40x128xf32, #tpu.memory_space<hbm>>) target_semaphore(%arg11 : memref<!tpu.dma_semaphore, #tpu.memory_space<semaphore_mem>>)
      %add3A_670 = arith.constant 200 : i32
      %add3A_671 = arith.addi %mul3A_2, %add3A_670 : i32
      %dma_wait3A_672 = arith.constant 200 : i32
      %dma_wait3A_673 = arith.constant 0 : i32
      %dma_wait3A_674 = tpu.memref_slice %arg8[%dma_wait3A_672, %dma_wait3A_673] : memref<320x128xf32, #tpu.memory_space<vmem>> -> memref<40x128xf32, #tpu.memory_space<vmem>>
      %dma_wait3A_675 = arith.constant 0 : i32
      %dma_wait3A_676 = tpu.memref_slice %arg4[%add3A_671, %dma_wait3A_675] : memref<10000x128xf32, #tpu.memory_space<hbm>> -> memref<40x128xf32, #tpu.memory_space<hbm>>
      %dma_wait3A_677 = arith.constant 200 : i32
      %dma_wait3A_678 = arith.constant 0 : i32
      %dma_wait3A_679 = tpu.memref_slice %arg8[%dma_wait3A_677, %dma_wait3A_678] : memref<320x128xf32, #tpu.memory_space<vmem>> -> memref<40x128xf32, #tpu.memory_space<vmem>>
      %dma_wait3A_680 = arith.constant 0 : i32
      %dma_wait3A_681 = tpu.memref_slice %arg4[%add3A_671, %dma_wait3A_680] : memref<10000x128xf32, #tpu.memory_space<hbm>> -> memref<40x128xf32, #tpu.memory_space<hbm>>
      tpu.wait_dma2 semaphore(%arg17 : memref<!tpu.dma_semaphore, #tpu.memory_space<semaphore_mem>>) src(%dma_wait3A_681 : memref<40x128xf32, #tpu.memory_space<hbm>>) dst(%dma_wait3A_679 : memref<40x128xf32, #tpu.memory_space<vmem>>)
      %dma_start3A_682 = arith.constant 200 : i32
      %dma_start3A_683 = arith.constant 0 : i32
      %dma_start3A_684 = tpu.memref_slice %arg8[%dma_start3A_682, %dma_start3A_683] : memref<320x128xf32, #tpu.memory_space<vmem>> -> memref<40x128xf32, #tpu.memory_space<vmem>>
      %dma_start3A_685 = arith.constant 200 : i32
      %dma_start3A_686 = tpu.memref_slice %arg7[%dma_start3A_685] : memref<320xi32, #tpu.memory_space<vmem>> -> memref<40xi32, #tpu.memory_space<vmem>>
      %dma_start3A_687 = arith.constant 0 : i32
      %dma_start3A_688 = arith.constant 0 : i32
      %dma_start3A_689 = tpu.memref_slice %arg9[%dma_start3A_687, %dma_start3A_688] : memref<512x128xf32, #tpu.memory_space<vmem_shared>> -> memref<512x128xf32, #tpu.memory_space<vmem_shared>>
      tpu.enqueue_indirect_dma source(%dma_start3A_689 : memref<512x128xf32, #tpu.memory_space<vmem_shared>>) target(%dma_start3A_684 : memref<40x128xf32, #tpu.memory_space<vmem>>) offsets(%dma_start3A_686 : memref<40xi32, #tpu.memory_space<vmem>>) semaphore(%arg17 : memref<!tpu.dma_semaphore, #tpu.memory_space<semaphore_mem>>) {add = true}
      %dma_wait3A_690 = arith.constant 160 : i32
      %dma_wait3A_691 = arith.constant 0 : i32
      %dma_wait3A_692 = tpu.memref_slice %arg8[%dma_wait3A_690, %dma_wait3A_691] : memref<320x128xf32, #tpu.memory_space<vmem>> -> memref<40x128xf32, #tpu.memory_space<vmem>>
      %dma_wait3A_693 = arith.constant 160 : i32
      %dma_wait3A_694 = tpu.memref_slice %arg7[%dma_wait3A_693] : memref<320xi32, #tpu.memory_space<vmem>> -> memref<40xi32, #tpu.memory_space<vmem>>
      %dma_wait3A_695 = arith.constant 0 : i32
      %dma_wait3A_696 = arith.constant 0 : i32
      %dma_wait3A_697 = tpu.memref_slice %arg9[%dma_wait3A_695, %dma_wait3A_696] : memref<512x128xf32, #tpu.memory_space<vmem_shared>> -> memref<512x128xf32, #tpu.memory_space<vmem_shared>>
      tpu.wait_indirect_dma semaphore(%arg16 : memref<!tpu.dma_semaphore, #tpu.memory_space<semaphore_mem>>) src(%dma_wait3A_697 : memref<512x128xf32, #tpu.memory_space<vmem_shared>>) dst(%dma_wait3A_692 : memref<40x128xf32, #tpu.memory_space<vmem>>)
      %add3A_698 = arith.constant 160 : i32
      %add3A_699 = arith.addi %mul3A_2, %add3A_698 : i32
      %dma_start3A_700 = arith.constant 160 : i32
      %dma_start3A_701 = arith.constant 0 : i32
      %dma_start3A_702 = tpu.memref_slice %arg8[%dma_start3A_700, %dma_start3A_701] : memref<320x128xf32, #tpu.memory_space<vmem>> -> memref<40x128xf32, #tpu.memory_space<vmem>>
      %dma_start3A_703 = arith.constant 0 : i32
      %dma_start3A_704 = tpu.memref_slice %arg5[%add3A_699, %dma_start3A_703] : memref<10000x128xf32, #tpu.memory_space<hbm>> -> memref<40x128xf32, #tpu.memory_space<hbm>>
      %dma_start3A_705 = arith.constant 0 : i32
      %dma_start3A_706 = tpu.memref_slice %arg5[%add3A_699, %dma_start3A_705] : memref<10000x128xf32, #tpu.memory_space<hbm>> -> memref<40x128xf32, #tpu.memory_space<hbm>>
      %dma_start3A_707 = arith.constant 160 : i32
      %dma_start3A_708 = arith.constant 0 : i32
      %dma_start3A_709 = tpu.memref_slice %arg8[%dma_start3A_707, %dma_start3A_708] : memref<320x128xf32, #tpu.memory_space<vmem>> -> memref<40x128xf32, #tpu.memory_space<vmem>>
      tpu.enqueue_dma source(%dma_start3A_709 : memref<40x128xf32, #tpu.memory_space<vmem>>) target(%dma_start3A_706 : memref<40x128xf32, #tpu.memory_space<hbm>>) target_semaphore(%arg11 : memref<!tpu.dma_semaphore, #tpu.memory_space<semaphore_mem>>)
      %add3A_710 = arith.constant 240 : i32
      %add3A_711 = arith.addi %mul3A_2, %add3A_710 : i32
      %dma_wait3A_712 = arith.constant 240 : i32
      %dma_wait3A_713 = arith.constant 0 : i32
      %dma_wait3A_714 = tpu.memref_slice %arg8[%dma_wait3A_712, %dma_wait3A_713] : memref<320x128xf32, #tpu.memory_space<vmem>> -> memref<40x128xf32, #tpu.memory_space<vmem>>
      %dma_wait3A_715 = arith.constant 0 : i32
      %dma_wait3A_716 = tpu.memref_slice %arg4[%add3A_711, %dma_wait3A_715] : memref<10000x128xf32, #tpu.memory_space<hbm>> -> memref<40x128xf32, #tpu.memory_space<hbm>>
      %dma_wait3A_717 = arith.constant 240 : i32
      %dma_wait3A_718 = arith.constant 0 : i32
      %dma_wait3A_719 = tpu.memref_slice %arg8[%dma_wait3A_717, %dma_wait3A_718] : memref<320x128xf32, #tpu.memory_space<vmem>> -> memref<40x128xf32, #tpu.memory_space<vmem>>
      %dma_wait3A_720 = arith.constant 0 : i32
      %dma_wait3A_721 = tpu.memref_slice %arg4[%add3A_711, %dma_wait3A_720] : memref<10000x128xf32, #tpu.memory_space<hbm>> -> memref<40x128xf32, #tpu.memory_space<hbm>>
      tpu.wait_dma2 semaphore(%arg18 : memref<!tpu.dma_semaphore, #tpu.memory_space<semaphore_mem>>) src(%dma_wait3A_721 : memref<40x128xf32, #tpu.memory_space<hbm>>) dst(%dma_wait3A_719 : memref<40x128xf32, #tpu.memory_space<vmem>>)
      %dma_start3A_722 = arith.constant 240 : i32
      %dma_start3A_723 = arith.constant 0 : i32
      %dma_start3A_724 = tpu.memref_slice %arg8[%dma_start3A_722, %dma_start3A_723] : memref<320x128xf32, #tpu.memory_space<vmem>> -> memref<40x128xf32, #tpu.memory_space<vmem>>
      %dma_start3A_725 = arith.constant 240 : i32
      %dma_start3A_726 = tpu.memref_slice %arg7[%dma_start3A_725] : memref<320xi32, #tpu.memory_space<vmem>> -> memref<40xi32, #tpu.memory_space<vmem>>
      %dma_start3A_727 = arith.constant 0 : i32
      %dma_start3A_728 = arith.constant 0 : i32
      %dma_start3A_729 = tpu.memref_slice %arg9[%dma_start3A_727, %dma_start3A_728] : memref<512x128xf32, #tpu.memory_space<vmem_shared>> -> memref<512x128xf32, #tpu.memory_space<vmem_shared>>
      tpu.enqueue_indirect_dma source(%dma_start3A_729 : memref<512x128xf32, #tpu.memory_space<vmem_shared>>) target(%dma_start3A_724 : memref<40x128xf32, #tpu.memory_space<vmem>>) offsets(%dma_start3A_726 : memref<40xi32, #tpu.memory_space<vmem>>) semaphore(%arg18 : memref<!tpu.dma_semaphore, #tpu.memory_space<semaphore_mem>>) {add = true}
      %dma_wait3A_730 = arith.constant 200 : i32
      %dma_wait3A_731 = arith.constant 0 : i32
      %dma_wait3A_732 = tpu.memref_slice %arg8[%dma_wait3A_730, %dma_wait3A_731] : memref<320x128xf32, #tpu.memory_space<vmem>> -> memref<40x128xf32, #tpu.memory_space<vmem>>
      %dma_wait3A_733 = arith.constant 200 : i32
      %dma_wait3A_734 = tpu.memref_slice %arg7[%dma_wait3A_733] : memref<320xi32, #tpu.memory_space<vmem>> -> memref<40xi32, #tpu.memory_space<vmem>>
      %dma_wait3A_735 = arith.constant 0 : i32
      %dma_wait3A_736 = arith.constant 0 : i32
      %dma_wait3A_737 = tpu.memref_slice %arg9[%dma_wait3A_735, %dma_wait3A_736] : memref<512x128xf32, #tpu.memory_space<vmem_shared>> -> memref<512x128xf32, #tpu.memory_space<vmem_shared>>
      tpu.wait_indirect_dma semaphore(%arg17 : memref<!tpu.dma_semaphore, #tpu.memory_space<semaphore_mem>>) src(%dma_wait3A_737 : memref<512x128xf32, #tpu.memory_space<vmem_shared>>) dst(%dma_wait3A_732 : memref<40x128xf32, #tpu.memory_space<vmem>>)
      %add3A_738 = arith.constant 200 : i32
      %add3A_739 = arith.addi %mul3A_2, %add3A_738 : i32
      %dma_start3A_740 = arith.constant 200 : i32
      %dma_start3A_741 = arith.constant 0 : i32
      %dma_start3A_742 = tpu.memref_slice %arg8[%dma_start3A_740, %dma_start3A_741] : memref<320x128xf32, #tpu.memory_space<vmem>> -> memref<40x128xf32, #tpu.memory_space<vmem>>
      %dma_start3A_743 = arith.constant 0 : i32
      %dma_start3A_744 = tpu.memref_slice %arg5[%add3A_739, %dma_start3A_743] : memref<10000x128xf32, #tpu.memory_space<hbm>> -> memref<40x128xf32, #tpu.memory_space<hbm>>
      %dma_start3A_745 = arith.constant 0 : i32
      %dma_start3A_746 = tpu.memref_slice %arg5[%add3A_739, %dma_start3A_745] : memref<10000x128xf32, #tpu.memory_space<hbm>> -> memref<40x128xf32, #tpu.memory_space<hbm>>
      %dma_start3A_747 = arith.constant 200 : i32
      %dma_start3A_748 = arith.constant 0 : i32
      %dma_start3A_749 = tpu.memref_slice %arg8[%dma_start3A_747, %dma_start3A_748] : memref<320x128xf32, #tpu.memory_space<vmem>> -> memref<40x128xf32, #tpu.memory_space<vmem>>
      tpu.enqueue_dma source(%dma_start3A_749 : memref<40x128xf32, #tpu.memory_space<vmem>>) target(%dma_start3A_746 : memref<40x128xf32, #tpu.memory_space<hbm>>) target_semaphore(%arg11 : memref<!tpu.dma_semaphore, #tpu.memory_space<semaphore_mem>>)
      %add3A_750 = arith.constant 280 : i32
      %add3A_751 = arith.addi %mul3A_2, %add3A_750 : i32
      %dma_wait3A_752 = arith.constant 280 : i32
      %dma_wait3A_753 = arith.constant 0 : i32
      %dma_wait3A_754 = tpu.memref_slice %arg8[%dma_wait3A_752, %dma_wait3A_753] : memref<320x128xf32, #tpu.memory_space<vmem>> -> memref<40x128xf32, #tpu.memory_space<vmem>>
      %dma_wait3A_755 = arith.constant 0 : i32
      %dma_wait3A_756 = tpu.memref_slice %arg4[%add3A_751, %dma_wait3A_755] : memref<10000x128xf32, #tpu.memory_space<hbm>> -> memref<40x128xf32, #tpu.memory_space<hbm>>
      %dma_wait3A_757 = arith.constant 280 : i32
      %dma_wait3A_758 = arith.constant 0 : i32
      %dma_wait3A_759 = tpu.memref_slice %arg8[%dma_wait3A_757, %dma_wait3A_758] : memref<320x128xf32, #tpu.memory_space<vmem>> -> memref<40x128xf32, #tpu.memory_space<vmem>>
      %dma_wait3A_760 = arith.constant 0 : i32
      %dma_wait3A_761 = tpu.memref_slice %arg4[%add3A_751, %dma_wait3A_760] : memref<10000x128xf32, #tpu.memory_space<hbm>> -> memref<40x128xf32, #tpu.memory_space<hbm>>
      tpu.wait_dma2 semaphore(%arg19 : memref<!tpu.dma_semaphore, #tpu.memory_space<semaphore_mem>>) src(%dma_wait3A_761 : memref<40x128xf32, #tpu.memory_space<hbm>>) dst(%dma_wait3A_759 : memref<40x128xf32, #tpu.memory_space<vmem>>)
      %dma_start3A_762 = arith.constant 280 : i32
      %dma_start3A_763 = arith.constant 0 : i32
      %dma_start3A_764 = tpu.memref_slice %arg8[%dma_start3A_762, %dma_start3A_763] : memref<320x128xf32, #tpu.memory_space<vmem>> -> memref<40x128xf32, #tpu.memory_space<vmem>>
      %dma_start3A_765 = arith.constant 280 : i32
      %dma_start3A_766 = tpu.memref_slice %arg7[%dma_start3A_765] : memref<320xi32, #tpu.memory_space<vmem>> -> memref<40xi32, #tpu.memory_space<vmem>>
      %dma_start3A_767 = arith.constant 0 : i32
      %dma_start3A_768 = arith.constant 0 : i32
      %dma_start3A_769 = tpu.memref_slice %arg9[%dma_start3A_767, %dma_start3A_768] : memref<512x128xf32, #tpu.memory_space<vmem_shared>> -> memref<512x128xf32, #tpu.memory_space<vmem_shared>>
      tpu.enqueue_indirect_dma source(%dma_start3A_769 : memref<512x128xf32, #tpu.memory_space<vmem_shared>>) target(%dma_start3A_764 : memref<40x128xf32, #tpu.memory_space<vmem>>) offsets(%dma_start3A_766 : memref<40xi32, #tpu.memory_space<vmem>>) semaphore(%arg19 : memref<!tpu.dma_semaphore, #tpu.memory_space<semaphore_mem>>) {add = true}
      %dma_wait3A_770 = arith.constant 240 : i32
      %dma_wait3A_771 = arith.constant 0 : i32
      %dma_wait3A_772 = tpu.memref_slice %arg8[%dma_wait3A_770, %dma_wait3A_771] : memref<320x128xf32, #tpu.memory_space<vmem>> -> memref<40x128xf32, #tpu.memory_space<vmem>>
      %dma_wait3A_773 = arith.constant 240 : i32
      %dma_wait3A_774 = tpu.memref_slice %arg7[%dma_wait3A_773] : memref<320xi32, #tpu.memory_space<vmem>> -> memref<40xi32, #tpu.memory_space<vmem>>
      %dma_wait3A_775 = arith.constant 0 : i32
      %dma_wait3A_776 = arith.constant 0 : i32
      %dma_wait3A_777 = tpu.memref_slice %arg9[%dma_wait3A_775, %dma_wait3A_776] : memref<512x128xf32, #tpu.memory_space<vmem_shared>> -> memref<512x128xf32, #tpu.memory_space<vmem_shared>>
      tpu.wait_indirect_dma semaphore(%arg18 : memref<!tpu.dma_semaphore, #tpu.memory_space<semaphore_mem>>) src(%dma_wait3A_777 : memref<512x128xf32, #tpu.memory_space<vmem_shared>>) dst(%dma_wait3A_772 : memref<40x128xf32, #tpu.memory_space<vmem>>)
      %add3A_778 = arith.constant 240 : i32
      %add3A_779 = arith.addi %mul3A_2, %add3A_778 : i32
      %dma_start3A_780 = arith.constant 240 : i32
      %dma_start3A_781 = arith.constant 0 : i32
      %dma_start3A_782 = tpu.memref_slice %arg8[%dma_start3A_780, %dma_start3A_781] : memref<320x128xf32, #tpu.memory_space<vmem>> -> memref<40x128xf32, #tpu.memory_space<vmem>>
      %dma_start3A_783 = arith.constant 0 : i32
      %dma_start3A_784 = tpu.memref_slice %arg5[%add3A_779, %dma_start3A_783] : memref<10000x128xf32, #tpu.memory_space<hbm>> -> memref<40x128xf32, #tpu.memory_space<hbm>>
      %dma_start3A_785 = arith.constant 0 : i32
      %dma_start3A_786 = tpu.memref_slice %arg5[%add3A_779, %dma_start3A_785] : memref<10000x128xf32, #tpu.memory_space<hbm>> -> memref<40x128xf32, #tpu.memory_space<hbm>>
      %dma_start3A_787 = arith.constant 240 : i32
      %dma_start3A_788 = arith.constant 0 : i32
      %dma_start3A_789 = tpu.memref_slice %arg8[%dma_start3A_787, %dma_start3A_788] : memref<320x128xf32, #tpu.memory_space<vmem>> -> memref<40x128xf32, #tpu.memory_space<vmem>>
      tpu.enqueue_dma source(%dma_start3A_789 : memref<40x128xf32, #tpu.memory_space<vmem>>) target(%dma_start3A_786 : memref<40x128xf32, #tpu.memory_space<hbm>>) target_semaphore(%arg11 : memref<!tpu.dma_semaphore, #tpu.memory_space<semaphore_mem>>)
      %dma_wait3A_790 = arith.constant 280 : i32
      %dma_wait3A_791 = arith.constant 0 : i32
      %dma_wait3A_792 = tpu.memref_slice %arg8[%dma_wait3A_790, %dma_wait3A_791] : memref<320x128xf32, #tpu.memory_space<vmem>> -> memref<40x128xf32, #tpu.memory_space<vmem>>
      %dma_wait3A_793 = arith.constant 280 : i32
      %dma_wait3A_794 = tpu.memref_slice %arg7[%dma_wait3A_793] : memref<320xi32, #tpu.memory_space<vmem>> -> memref<40xi32, #tpu.memory_space<vmem>>
      %dma_wait3A_795 = arith.constant 0 : i32
      %dma_wait3A_796 = arith.constant 0 : i32
      %dma_wait3A_797 = tpu.memref_slice %arg9[%dma_wait3A_795, %dma_wait3A_796] : memref<512x128xf32, #tpu.memory_space<vmem_shared>> -> memref<512x128xf32, #tpu.memory_space<vmem_shared>>
      tpu.wait_indirect_dma semaphore(%arg19 : memref<!tpu.dma_semaphore, #tpu.memory_space<semaphore_mem>>) src(%dma_wait3A_797 : memref<512x128xf32, #tpu.memory_space<vmem_shared>>) dst(%dma_wait3A_792 : memref<40x128xf32, #tpu.memory_space<vmem>>)
      %add3A_798 = arith.constant 280 : i32
      %add3A_799 = arith.addi %mul3A_2, %add3A_798 : i32
      %dma_start3A_800 = arith.constant 280 : i32
      %dma_start3A_801 = arith.constant 0 : i32
      %dma_start3A_802 = tpu.memref_slice %arg8[%dma_start3A_800, %dma_start3A_801] : memref<320x128xf32, #tpu.memory_space<vmem>> -> memref<40x128xf32, #tpu.memory_space<vmem>>
      %dma_start3A_803 = arith.constant 0 : i32
      %dma_start3A_804 = tpu.memref_slice %arg5[%add3A_799, %dma_start3A_803] : memref<10000x128xf32, #tpu.memory_space<hbm>> -> memref<40x128xf32, #tpu.memory_space<hbm>>
      %dma_start3A_805 = arith.constant 0 : i32
      %dma_start3A_806 = tpu.memref_slice %arg5[%add3A_799, %dma_start3A_805] : memref<10000x128xf32, #tpu.memory_space<hbm>> -> memref<40x128xf32, #tpu.memory_space<hbm>>
      %dma_start3A_807 = arith.constant 280 : i32
      %dma_start3A_808 = arith.constant 0 : i32
      %dma_start3A_809 = tpu.memref_slice %arg8[%dma_start3A_807, %dma_start3A_808] : memref<320x128xf32, #tpu.memory_space<vmem>> -> memref<40x128xf32, #tpu.memory_space<vmem>>
      tpu.enqueue_dma source(%dma_start3A_809 : memref<40x128xf32, #tpu.memory_space<vmem>>) target(%dma_start3A_806 : memref<40x128xf32, #tpu.memory_space<hbm>>) target_semaphore(%arg11 : memref<!tpu.dma_semaphore, #tpu.memory_space<semaphore_mem>>)
      %add3A_810 = arith.constant 0 : i32
      %add3A_811 = arith.addi %mul3A_2, %add3A_810 : i32
      %dma_wait3A_812 = arith.constant 0 : i32
      %dma_wait3A_813 = arith.constant 0 : i32
      %dma_wait3A_814 = tpu.memref_slice %arg8[%dma_wait3A_812, %dma_wait3A_813] : memref<320x128xf32, #tpu.memory_space<vmem>> -> memref<40x128xf32, #tpu.memory_space<vmem>>
      %dma_wait3A_815 = arith.constant 0 : i32
      %dma_wait3A_816 = tpu.memref_slice %arg5[%add3A_811, %dma_wait3A_815] : memref<10000x128xf32, #tpu.memory_space<hbm>> -> memref<40x128xf32, #tpu.memory_space<hbm>>
      %dma_wait3A_817 = arith.constant 0 : i32
      %dma_wait3A_818 = tpu.memref_slice %arg5[%add3A_811, %dma_wait3A_817] : memref<10000x128xf32, #tpu.memory_space<hbm>> -> memref<40x128xf32, #tpu.memory_space<hbm>>
      %dma_wait3A_819 = arith.constant 0 : i32
      %dma_wait3A_820 = arith.constant 0 : i32
      %dma_wait3A_821 = tpu.memref_slice %arg8[%dma_wait3A_819, %dma_wait3A_820] : memref<320x128xf32, #tpu.memory_space<vmem>> -> memref<40x128xf32, #tpu.memory_space<vmem>>
      tpu.wait_dma2 semaphore(%arg11 : memref<!tpu.dma_semaphore, #tpu.memory_space<semaphore_mem>>) src(%dma_wait3A_821 : memref<40x128xf32, #tpu.memory_space<vmem>>) dst(%dma_wait3A_818 : memref<40x128xf32, #tpu.memory_space<hbm>>)
      %add3A_822 = arith.constant 40 : i32
      %add3A_823 = arith.addi %mul3A_2, %add3A_822 : i32
      %dma_wait3A_824 = arith.constant 40 : i32
      %dma_wait3A_825 = arith.constant 0 : i32
      %dma_wait3A_826 = tpu.memref_slice %arg8[%dma_wait3A_824, %dma_wait3A_825] : memref<320x128xf32, #tpu.memory_space<vmem>> -> memref<40x128xf32, #tpu.memory_space<vmem>>
      %dma_wait3A_827 = arith.constant 0 : i32
      %dma_wait3A_828 = tpu.memref_slice %arg5[%add3A_823, %dma_wait3A_827] : memref<10000x128xf32, #tpu.memory_space<hbm>> -> memref<40x128xf32, #tpu.memory_space<hbm>>
      %dma_wait3A_829 = arith.constant 0 : i32
      %dma_wait3A_830 = tpu.memref_slice %arg5[%add3A_823, %dma_wait3A_829] : memref<10000x128xf32, #tpu.memory_space<hbm>> -> memref<40x128xf32, #tpu.memory_space<hbm>>
      %dma_wait3A_831 = arith.constant 40 : i32
      %dma_wait3A_832 = arith.constant 0 : i32
      %dma_wait3A_833 = tpu.memref_slice %arg8[%dma_wait3A_831, %dma_wait3A_832] : memref<320x128xf32, #tpu.memory_space<vmem>> -> memref<40x128xf32, #tpu.memory_space<vmem>>
      tpu.wait_dma2 semaphore(%arg11 : memref<!tpu.dma_semaphore, #tpu.memory_space<semaphore_mem>>) src(%dma_wait3A_833 : memref<40x128xf32, #tpu.memory_space<vmem>>) dst(%dma_wait3A_830 : memref<40x128xf32, #tpu.memory_space<hbm>>)
      %add3A_834 = arith.constant 80 : i32
      %add3A_835 = arith.addi %mul3A_2, %add3A_834 : i32
      %dma_wait3A_836 = arith.constant 80 : i32
      %dma_wait3A_837 = arith.constant 0 : i32
      %dma_wait3A_838 = tpu.memref_slice %arg8[%dma_wait3A_836, %dma_wait3A_837] : memref<320x128xf32, #tpu.memory_space<vmem>> -> memref<40x128xf32, #tpu.memory_space<vmem>>
      %dma_wait3A_839 = arith.constant 0 : i32
      %dma_wait3A_840 = tpu.memref_slice %arg5[%add3A_835, %dma_wait3A_839] : memref<10000x128xf32, #tpu.memory_space<hbm>> -> memref<40x128xf32, #tpu.memory_space<hbm>>
      %dma_wait3A_841 = arith.constant 0 : i32
      %dma_wait3A_842 = tpu.memref_slice %arg5[%add3A_835, %dma_wait3A_841] : memref<10000x128xf32, #tpu.memory_space<hbm>> -> memref<40x128xf32, #tpu.memory_space<hbm>>
      %dma_wait3A_843 = arith.constant 80 : i32
      %dma_wait3A_844 = arith.constant 0 : i32
      %dma_wait3A_845 = tpu.memref_slice %arg8[%dma_wait3A_843, %dma_wait3A_844] : memref<320x128xf32, #tpu.memory_space<vmem>> -> memref<40x128xf32, #tpu.memory_space<vmem>>
      tpu.wait_dma2 semaphore(%arg11 : memref<!tpu.dma_semaphore, #tpu.memory_space<semaphore_mem>>) src(%dma_wait3A_845 : memref<40x128xf32, #tpu.memory_space<vmem>>) dst(%dma_wait3A_842 : memref<40x128xf32, #tpu.memory_space<hbm>>)
      %add3A_846 = arith.constant 120 : i32
      %add3A_847 = arith.addi %mul3A_2, %add3A_846 : i32
      %dma_wait3A_848 = arith.constant 120 : i32
      %dma_wait3A_849 = arith.constant 0 : i32
      %dma_wait3A_850 = tpu.memref_slice %arg8[%dma_wait3A_848, %dma_wait3A_849] : memref<320x128xf32, #tpu.memory_space<vmem>> -> memref<40x128xf32, #tpu.memory_space<vmem>>
      %dma_wait3A_851 = arith.constant 0 : i32
      %dma_wait3A_852 = tpu.memref_slice %arg5[%add3A_847, %dma_wait3A_851] : memref<10000x128xf32, #tpu.memory_space<hbm>> -> memref<40x128xf32, #tpu.memory_space<hbm>>
      %dma_wait3A_853 = arith.constant 0 : i32
      %dma_wait3A_854 = tpu.memref_slice %arg5[%add3A_847, %dma_wait3A_853] : memref<10000x128xf32, #tpu.memory_space<hbm>> -> memref<40x128xf32, #tpu.memory_space<hbm>>
      %dma_wait3A_855 = arith.constant 120 : i32
      %dma_wait3A_856 = arith.constant 0 : i32
      %dma_wait3A_857 = tpu.memref_slice %arg8[%dma_wait3A_855, %dma_wait3A_856] : memref<320x128xf32, #tpu.memory_space<vmem>> -> memref<40x128xf32, #tpu.memory_space<vmem>>
      tpu.wait_dma2 semaphore(%arg11 : memref<!tpu.dma_semaphore, #tpu.memory_space<semaphore_mem>>) src(%dma_wait3A_857 : memref<40x128xf32, #tpu.memory_space<vmem>>) dst(%dma_wait3A_854 : memref<40x128xf32, #tpu.memory_space<hbm>>)
      %add3A_858 = arith.constant 160 : i32
      %add3A_859 = arith.addi %mul3A_2, %add3A_858 : i32
      %dma_wait3A_860 = arith.constant 160 : i32
      %dma_wait3A_861 = arith.constant 0 : i32
      %dma_wait3A_862 = tpu.memref_slice %arg8[%dma_wait3A_860, %dma_wait3A_861] : memref<320x128xf32, #tpu.memory_space<vmem>> -> memref<40x128xf32, #tpu.memory_space<vmem>>
      %dma_wait3A_863 = arith.constant 0 : i32
      %dma_wait3A_864 = tpu.memref_slice %arg5[%add3A_859, %dma_wait3A_863] : memref<10000x128xf32, #tpu.memory_space<hbm>> -> memref<40x128xf32, #tpu.memory_space<hbm>>
      %dma_wait3A_865 = arith.constant 0 : i32
      %dma_wait3A_866 = tpu.memref_slice %arg5[%add3A_859, %dma_wait3A_865] : memref<10000x128xf32, #tpu.memory_space<hbm>> -> memref<40x128xf32, #tpu.memory_space<hbm>>
      %dma_wait3A_867 = arith.constant 160 : i32
      %dma_wait3A_868 = arith.constant 0 : i32
      %dma_wait3A_869 = tpu.memref_slice %arg8[%dma_wait3A_867, %dma_wait3A_868] : memref<320x128xf32, #tpu.memory_space<vmem>> -> memref<40x128xf32, #tpu.memory_space<vmem>>
      tpu.wait_dma2 semaphore(%arg11 : memref<!tpu.dma_semaphore, #tpu.memory_space<semaphore_mem>>) src(%dma_wait3A_869 : memref<40x128xf32, #tpu.memory_space<vmem>>) dst(%dma_wait3A_866 : memref<40x128xf32, #tpu.memory_space<hbm>>)
      %add3A_870 = arith.constant 200 : i32
      %add3A_871 = arith.addi %mul3A_2, %add3A_870 : i32
      %dma_wait3A_872 = arith.constant 200 : i32
      %dma_wait3A_873 = arith.constant 0 : i32
      %dma_wait3A_874 = tpu.memref_slice %arg8[%dma_wait3A_872, %dma_wait3A_873] : memref<320x128xf32, #tpu.memory_space<vmem>> -> memref<40x128xf32, #tpu.memory_space<vmem>>
      %dma_wait3A_875 = arith.constant 0 : i32
      %dma_wait3A_876 = tpu.memref_slice %arg5[%add3A_871, %dma_wait3A_875] : memref<10000x128xf32, #tpu.memory_space<hbm>> -> memref<40x128xf32, #tpu.memory_space<hbm>>
      %dma_wait3A_877 = arith.constant 0 : i32
      %dma_wait3A_878 = tpu.memref_slice %arg5[%add3A_871, %dma_wait3A_877] : memref<10000x128xf32, #tpu.memory_space<hbm>> -> memref<40x128xf32, #tpu.memory_space<hbm>>
      %dma_wait3A_879 = arith.constant 200 : i32
      %dma_wait3A_880 = arith.constant 0 : i32
      %dma_wait3A_881 = tpu.memref_slice %arg8[%dma_wait3A_879, %dma_wait3A_880] : memref<320x128xf32, #tpu.memory_space<vmem>> -> memref<40x128xf32, #tpu.memory_space<vmem>>
      tpu.wait_dma2 semaphore(%arg11 : memref<!tpu.dma_semaphore, #tpu.memory_space<semaphore_mem>>) src(%dma_wait3A_881 : memref<40x128xf32, #tpu.memory_space<vmem>>) dst(%dma_wait3A_878 : memref<40x128xf32, #tpu.memory_space<hbm>>)
      %add3A_882 = arith.constant 240 : i32
      %add3A_883 = arith.addi %mul3A_2, %add3A_882 : i32
      %dma_wait3A_884 = arith.constant 240 : i32
      %dma_wait3A_885 = arith.constant 0 : i32
      %dma_wait3A_886 = tpu.memref_slice %arg8[%dma_wait3A_884, %dma_wait3A_885] : memref<320x128xf32, #tpu.memory_space<vmem>> -> memref<40x128xf32, #tpu.memory_space<vmem>>
      %dma_wait3A_887 = arith.constant 0 : i32
      %dma_wait3A_888 = tpu.memref_slice %arg5[%add3A_883, %dma_wait3A_887] : memref<10000x128xf32, #tpu.memory_space<hbm>> -> memref<40x128xf32, #tpu.memory_space<hbm>>
      %dma_wait3A_889 = arith.constant 0 : i32
      %dma_wait3A_890 = tpu.memref_slice %arg5[%add3A_883, %dma_wait3A_889] : memref<10000x128xf32, #tpu.memory_space<hbm>> -> memref<40x128xf32, #tpu.memory_space<hbm>>
      %dma_wait3A_891 = arith.constant 240 : i32
      %dma_wait3A_892 = arith.constant 0 : i32
      %dma_wait3A_893 = tpu.memref_slice %arg8[%dma_wait3A_891, %dma_wait3A_892] : memref<320x128xf32, #tpu.memory_space<vmem>> -> memref<40x128xf32, #tpu.memory_space<vmem>>
      tpu.wait_dma2 semaphore(%arg11 : memref<!tpu.dma_semaphore, #tpu.memory_space<semaphore_mem>>) src(%dma_wait3A_893 : memref<40x128xf32, #tpu.memory_space<vmem>>) dst(%dma_wait3A_890 : memref<40x128xf32, #tpu.memory_space<hbm>>)
      %add3A_894 = arith.constant 280 : i32
      %add3A_895 = arith.addi %mul3A_2, %add3A_894 : i32
      %dma_wait3A_896 = arith.constant 280 : i32
      %dma_wait3A_897 = arith.constant 0 : i32
      %dma_wait3A_898 = tpu.memref_slice %arg8[%dma_wait3A_896, %dma_wait3A_897] : memref<320x128xf32, #tpu.memory_space<vmem>> -> memref<40x128xf32, #tpu.memory_space<vmem>>
      %dma_wait3A_899 = arith.constant 0 : i32
      %dma_wait3A_900 = tpu.memref_slice %arg5[%add3A_895, %dma_wait3A_899] : memref<10000x128xf32, #tpu.memory_space<hbm>> -> memref<40x128xf32, #tpu.memory_space<hbm>>
      %dma_wait3A_901 = arith.constant 0 : i32
      %dma_wait3A_902 = tpu.memref_slice %arg5[%add3A_895, %dma_wait3A_901] : memref<10000x128xf32, #tpu.memory_space<hbm>> -> memref<40x128xf32, #tpu.memory_space<hbm>>
      %dma_wait3A_903 = arith.constant 280 : i32
      %dma_wait3A_904 = arith.constant 0 : i32
      %dma_wait3A_905 = tpu.memref_slice %arg8[%dma_wait3A_903, %dma_wait3A_904] : memref<320x128xf32, #tpu.memory_space<vmem>> -> memref<40x128xf32, #tpu.memory_space<vmem>>
      tpu.wait_dma2 semaphore(%arg11 : memref<!tpu.dma_semaphore, #tpu.memory_space<semaphore_mem>>) src(%dma_wait3A_905 : memref<40x128xf32, #tpu.memory_space<vmem>>) dst(%dma_wait3A_902 : memref<40x128xf32, #tpu.memory_space<hbm>>)
    } else {
    }
    %convert_element_type3A_547 = arith.extui %eq3A_3 : i1 to i32
    %cond3A_548 = arith.constant 0 : i32
    %cond3A_549 = arith.cmpi ne, %convert_element_type3A_547, %cond3A_548 : i32
    scf.if %cond3A_549 {
      %dma_wait3A_550 = arith.constant 40 : i32
      %dma_wait3A_551 = arith.constant 0 : i32
      %dma_wait3A_552 = tpu.memref_slice %arg8[%dma_wait3A_550, %dma_wait3A_551] : memref<320x128xf32, #tpu.memory_space<vmem>> -> memref<40x128xf32, #tpu.memory_space<vmem>>
      %dma_wait3A_553 = arith.constant 40 : i32
      %dma_wait3A_554 = tpu.memref_slice %arg7[%dma_wait3A_553] : memref<320xi32, #tpu.memory_space<vmem>> -> memref<40xi32, #tpu.memory_space<vmem>>
      %dma_wait3A_555 = arith.constant 0 : i32
      %dma_wait3A_556 = arith.constant 0 : i32
      %dma_wait3A_557 = tpu.memref_slice %arg9[%dma_wait3A_555, %dma_wait3A_556] : memref<512x128xf32, #tpu.memory_space<vmem_shared>> -> memref<512x128xf32, #tpu.memory_space<vmem_shared>>
      tpu.wait_indirect_dma semaphore(%arg13 : memref<!tpu.dma_semaphore, #tpu.memory_space<semaphore_mem>>) src(%dma_wait3A_557 : memref<512x128xf32, #tpu.memory_space<vmem_shared>>) dst(%dma_wait3A_552 : memref<40x128xf32, #tpu.memory_space<vmem>>)
      %add3A_558 = arith.constant 40 : i32
      %add3A_559 = arith.addi %mul3A_2, %add3A_558 : i32
      %dma_start3A_560 = arith.constant 40 : i32
      %dma_start3A_561 = arith.constant 0 : i32
      %dma_start3A_562 = tpu.memref_slice %arg8[%dma_start3A_560, %dma_start3A_561] : memref<320x128xf32, #tpu.memory_space<vmem>> -> memref<40x128xf32, #tpu.memory_space<vmem>>
      %dma_start3A_563 = arith.constant 0 : i32
      %dma_start3A_564 = tpu.memref_slice %arg5[%add3A_559, %dma_start3A_563] : memref<10000x128xf32, #tpu.memory_space<hbm>> -> memref<40x128xf32, #tpu.memory_space<hbm>>
      %dma_start3A_565 = arith.constant 0 : i32
      %dma_start3A_566 = tpu.memref_slice %arg5[%add3A_559, %dma_start3A_565] : memref<10000x128xf32, #tpu.memory_space<hbm>> -> memref<40x128xf32, #tpu.memory_space<hbm>>
      %dma_start3A_567 = arith.constant 40 : i32
      %dma_start3A_568 = arith.constant 0 : i32
      %dma_start3A_569 = tpu.memref_slice %arg8[%dma_start3A_567, %dma_start3A_568] : memref<320x128xf32, #tpu.memory_space<vmem>> -> memref<40x128xf32, #tpu.memory_space<vmem>>
      tpu.enqueue_dma source(%dma_start3A_569 : memref<40x128xf32, #tpu.memory_space<vmem>>) target(%dma_start3A_566 : memref<40x128xf32, #tpu.memory_space<hbm>>) target_semaphore(%arg11 : memref<!tpu.dma_semaphore, #tpu.memory_space<semaphore_mem>>)
      %add3A_570 = arith.constant 0 : i32
      %add3A_571 = arith.addi %mul3A_2, %add3A_570 : i32
      %dma_wait3A_572 = arith.constant 0 : i32
      %dma_wait3A_573 = arith.constant 0 : i32
      %dma_wait3A_574 = tpu.memref_slice %arg8[%dma_wait3A_572, %dma_wait3A_573] : memref<320x128xf32, #tpu.memory_space<vmem>> -> memref<40x128xf32, #tpu.memory_space<vmem>>
      %dma_wait3A_575 = arith.constant 0 : i32
      %dma_wait3A_576 = tpu.memref_slice %arg5[%add3A_571, %dma_wait3A_575] : memref<10000x128xf32, #tpu.memory_space<hbm>> -> memref<40x128xf32, #tpu.memory_space<hbm>>
      %dma_wait3A_577 = arith.constant 0 : i32
      %dma_wait3A_578 = tpu.memref_slice %arg5[%add3A_571, %dma_wait3A_577] : memref<10000x128xf32, #tpu.memory_space<hbm>> -> memref<40x128xf32, #tpu.memory_space<hbm>>
      %dma_wait3A_579 = arith.constant 0 : i32
      %dma_wait3A_580 = arith.constant 0 : i32
      %dma_wait3A_581 = tpu.memref_slice %arg8[%dma_wait3A_579, %dma_wait3A_580] : memref<320x128xf32, #tpu.memory_space<vmem>> -> memref<40x128xf32, #tpu.memory_space<vmem>>
      tpu.wait_dma2 semaphore(%arg11 : memref<!tpu.dma_semaphore, #tpu.memory_space<semaphore_mem>>) src(%dma_wait3A_581 : memref<40x128xf32, #tpu.memory_space<vmem>>) dst(%dma_wait3A_578 : memref<40x128xf32, #tpu.memory_space<hbm>>)
      %add3A_582 = arith.constant 40 : i32
      %add3A_583 = arith.addi %mul3A_2, %add3A_582 : i32
      %dma_wait3A_584 = arith.constant 40 : i32
      %dma_wait3A_585 = arith.constant 0 : i32
      %dma_wait3A_586 = tpu.memref_slice %arg8[%dma_wait3A_584, %dma_wait3A_585] : memref<320x128xf32, #tpu.memory_space<vmem>> -> memref<40x128xf32, #tpu.memory_space<vmem>>
      %dma_wait3A_587 = arith.constant 0 : i32
      %dma_wait3A_588 = tpu.memref_slice %arg5[%add3A_583, %dma_wait3A_587] : memref<10000x128xf32, #tpu.memory_space<hbm>> -> memref<40x128xf32, #tpu.memory_space<hbm>>
      %dma_wait3A_589 = arith.constant 0 : i32
      %dma_wait3A_590 = tpu.memref_slice %arg5[%add3A_583, %dma_wait3A_589] : memref<10000x128xf32, #tpu.memory_space<hbm>> -> memref<40x128xf32, #tpu.memory_space<hbm>>
      %dma_wait3A_591 = arith.constant 40 : i32
      %dma_wait3A_592 = arith.constant 0 : i32
      %dma_wait3A_593 = tpu.memref_slice %arg8[%dma_wait3A_591, %dma_wait3A_592] : memref<320x128xf32, #tpu.memory_space<vmem>> -> memref<40x128xf32, #tpu.memory_space<vmem>>
      tpu.wait_dma2 semaphore(%arg11 : memref<!tpu.dma_semaphore, #tpu.memory_space<semaphore_mem>>) src(%dma_wait3A_593 : memref<40x128xf32, #tpu.memory_space<vmem>>) dst(%dma_wait3A_590 : memref<40x128xf32, #tpu.memory_space<hbm>>)
    } else {
    }
    return
  }
}

module attributes {stable_mosaic.version = 14 : i64} {
  func.func @body(%arg0: i32, %arg1: memref<2000x128xf32, #tpu.memory_space<vmem>>, %arg2: memref<128x128xf32, #tpu.memory_space<vmem>>, %arg3: memref<1x128xf32, #tpu.memory_space<vmem>>, %arg4: memref<2000x128xf32, #tpu.memory_space<vmem>>) attributes {dimension_semantics = [#tpu.dimension_semantics<arbitrary>], iteration_bounds = array<i64: 5>, scalar_prefetch = 0 : i64, scratch_operands = 0 : i64, tpu.core_type = #tpu.core_type<tc>, window_params = [{transform_indices = @transform_0, window_bounds = array<i64: 2000, 128>}, {pipeline_mode = #tpu.pipeline_mode<synchronous>, transform_indices = @transform_1, window_bounds = array<i64: 128, 128>}, {pipeline_mode = #tpu.pipeline_mode<synchronous>, transform_indices = @transform_2, window_bounds = array<i64: 1, 128>}, {transform_indices = @transform_3, window_bounds = array<i64: 2000, 128>}]} {
    %get3A = arith.constant 0 : index
    %get3A_0 = arith.constant 0 : index
    %get3A_1 = vector.load %arg1[%get3A, %get3A_0] : memref<2000x128xf32, #tpu.memory_space<vmem>>, vector<2000x128xf32>
    %get3A_2 = arith.constant 0 : index
    %get3A_3 = arith.constant 0 : index
    %get3A_4 = vector.load %arg2[%get3A_2, %get3A_3] : memref<128x128xf32, #tpu.memory_space<vmem>>, vector<128x128xf32>
    %dot_general3A = arith.constant dense<0.000000e+00> : vector<2000x128xf32>
    %dot_general3A_5 = tpu.matmul %get3A_1, %get3A_4, %dot_general3A {dimension_numbers = #tpu.dot_dimension_numbers<[1], [1], [0], [0], [0, 0, 1, 0], [], []>, transpose_lhs_hint = false} : vector<2000x128xf32>, vector<128x128xf32>, vector<2000x128xf32> -> vector<2000x128xf32>
    %get3A_6 = arith.constant 0 : index
    %get3A_7 = arith.constant 0 : index
    %get3A_8 = vector.load %arg3[%get3A_6, %get3A_7] : memref<1x128xf32, #tpu.memory_space<vmem>>, vector<1x128xf32>
    %add3A = vector.broadcast %get3A_8 : vector<1x128xf32> to vector<2000x128xf32>
    %add3A_9 = arith.addf %dot_general3A_5, %add3A : vector<2000x128xf32>
    %swap3A = arith.constant 0 : index
    %swap3A_10 = arith.constant 0 : index
    %swap3A_11 = vector.load %arg4[%swap3A, %swap3A_10] : memref<2000x128xf32, #tpu.memory_space<vmem>>, vector<2000x128xf32>
    tpu.vector_store %arg4[%swap3A, %swap3A_10], %add3A_9 {strides = array<i32>} : memref<2000x128xf32, #tpu.memory_space<vmem>>, vector<2000x128xf32>,
    return
  }
  func.func @transform_0(%arg0: i32) -> (i32, i32) {
    %c0_i32 = arith.constant 0 : i32
    %c0_i32_0 = arith.constant 0 : i32
    return %arg0, %c0_i32 : i32, i32
  }
  func.func @transform_1(%arg0: i32) -> (i32, i32) {
    %c0_i32 = arith.constant 0 : i32
    %c0_i32_0 = arith.constant 0 : i32
    %c0_i32_1 = arith.constant 0 : i32
    return %c0_i32, %c0_i32_0 : i32, i32
  }
  func.func @transform_2(%arg0: i32) -> (i32, i32) {
    %c0_i32 = arith.constant 0 : i32
    %c0_i32_0 = arith.constant 0 : i32
    %c0_i32_1 = arith.constant 0 : i32
    return %c0_i32, %c0_i32_0 : i32, i32
  }
  func.func @transform_3(%arg0: i32) -> (i32, i32) {
    %c0_i32 = arith.constant 0 : i32
    %c0_i32_0 = arith.constant 0 : i32
    return %arg0, %c0_i32 : i32, i32
  }
}

</mosaic_0001>

<sc_bundles>
// kernel: kernel.5.cloned.1.call-start
scs
__scs_entry_jumppad:
0x0: {  	(pc) =	sbr.rel $0x88, $3  }
0x1: {  	(tag) =	ssettag $0x0;
	lr =	simm.s32 $0x1  }
0x2: {  	[smem:$0x3F9C] =	sst lr;
	_ =	strace $0xD0000000  }
0x3: {  	_ = 	snop  }
0x4: {  	_ = 	snop  }
0x5: {  	_ = 	snop  }
0x6: {  	_ = 	snop  }
0x7: {  	_ = 	snop  }
__scs_overlays_trampoline_lowered:
0x8: {  	[smem:$0x3FAB] =	sst s0  }
0x9: {  	[smem:$0x3FAC] =	sst s1  }
0xa: {  	[smem:$0x3FAD] =	sst s2  }
0xb: {  	[smem:$0x3FAE] =	sst s3  }
0xc: {  	[smem:$0x3FAF] =	sst s4  }
0xd: {  	[smem:$0x3FB0] =	sst s5  }
0xe: {  	[smem:$0x3FB1] =	sst s6  }
0xf: {  	[smem:$0x3FB2] =	sst s7  }
0x10: {  	[smem:$0x3FB3] =	sst s8  }
0x11: {  	[smem:$0x3FB4] =	sst s9;
	s0 =	simm.s32 @!p0 $0x0  }
0x12: {  	s1 =	sld [smem:$0x3F9A];
	s0 =	simm.s32 @p0 $0x1  }
0x13: {  	[smem:$0x3FB5] =	sst s0;
	s0 =	simm.s32 @!p1 $0x0  }
0x14: {  	s2 =	sld [smem:$0x3F99];
	s0 =	simm.s32 @p1 $0x1  }
0x15: {  	[smem:$0x3FB6] =	sst s0;
	s0 =	simm.s32 @!p2 $0x0  }
0x16: {  	s3 =	sld [smem:$0x3FDB];
	s0 =	simm.s32 @p2 $0x1  }
0x17: {  	s4 =	simm.s32 $0x1BF5;
	[smem:$0x3FB8] =	sst s0  }
0x18: {  	s0 =	sld [smem:$0x3F9B];
	_ =	swait.ge [sflag:s4], $0x0  }
0x19: {  	s7 =	sld [smem:$0x3F9C]  }
0x1a: {  	s8 =	sadd.s32 $0xFFFFE003, lr  }
0x1b: {  	s9 =	sadd.s32 $0xFFFFFEF7, lr;
	s5 =	simm.s32 $0xFFFFFFFF;
	p2 =	slt.u32 s8, $0xFFFFF086  }
0x1c: {  	p1 =	slt.u32 s9, $0xF7A;
	s5 =	simm.s32 @!p2 $0x0  }
0x1d: {  	s5 =	simm.s32 @p1 $0x1;
	p0 =	seq.s32 s7, s2  }
0x1e: {  	s7 =	smul.u32 @!p0 $0xF7A, s2;
	p2 =	seq.s32 @!p0 s5, $0x0  }
0x1f: {  	s9 =	smul.u32 $0xF7A, s1;
	s8 =	simm.s32 @!p0 $0x1BF5;
	p2 =	por !p2, p0  }
0x20: {  	[sflag:s8] =	ssyncset.s32 @!p0 $0xFFFFF086;
	s6 =	sadd.s32 @!p0 s3, s7;
	s7 =	simm.s32 @!p0 $0x108  }
0x21: {  	s3 =	sadd.s32 s3, s9;
	s6 =	sadd.s32 @!p0 $0x88, s6;
	s7 =	simm.s32 @p2 $0x1082  }
0x22: {  	[simem:s7], [sflag:s8] =	dma.local @!p0 [hbm:s6], $0xF7A  }
0x23: {  	s9 =	sor.u32 $0xD0000000, s2;
	s6 =	simm.s32 $0x108;
	_ =	swait.ge @!p0 [sflag:s8], $0x0  }
0x24: {  	s3 =	sadd.s32 $0x88, s3;
	s6 =	simm.s32 @!p1 $0x1082;
	[sflag:s4] =	ssyncset.s32 $0xFFFFF086  }
0x25: {  	[simem:s6], [sflag:s4] =	dma.local [hbm:s3], $0xF7A  }
0x26: {  	[smem:$0x3F9C] =	sst s1;
	(tag) =	ssettag s2;
	_ =	strace s9  }
0x27: {  	s1 =	sld [smem:$0x3FAC]  }
0x28: {  	s2 =	sld [smem:$0x3FAD]  }
0x29: {  	s4 =	sld [smem:$0x3FAF]  }
0x2a: {  	p0 =	seq.s32 s5, $0x0;
	s5 =	sld [smem:$0x3FB0]  }
0x2b: {  	s6 =	sld [smem:$0x3FB1]  }
0x2c: {  	s7 =	sld [smem:$0x3FB2]  }
0x2d: {  	s3 =	simm.s32 $0x108;
	s8 =	sld [smem:$0x3FB3]  }
0x2e: {  	s3 =	simm.s32 @!p0 $0x1082;
	s9 =	sld [smem:$0x3FB4]  }
0x2f: {  	lr =	sadd.s32 s0, s3;
	s0 =	sld [smem:$0x3FAB]  }
0x30: {  	s3 =	sld [smem:$0x3FAE]  }
0x31: {  	[smem:$0x3FB7] =	sst s10  }
0x32: {  	s10 =	sld [smem:$0x3FB5];
	_ =	sdelay $0x3  }
0x33: {  	p0 =	seq.s32 s10, $0x1;
	s10 =	sld [smem:$0x3FB7];
	_ =	sdelay $0x3  }
0x34: {  	[smem:$0x3FB7] =	sst s10  }
0x35: {  	s10 =	sld [smem:$0x3FB6];
	_ =	sdelay $0x3  }
0x36: {  	p1 =	seq.s32 s10, $0x1;
	s10 =	sld [smem:$0x3FB7];
	_ =	sdelay $0x3  }
0x37: {  	[smem:$0x3FB7] =	sst s10  }
0x38: {  	s10 =	sld [smem:$0x3FB8]  }
0x39: {  	_ = 	snop;
	(pc) =	sbr.ind lr, $3  }
0x3a: {  	_ = 	snop  }
0x3b: {  	_ = 	snop  }
0x3c: {  	p2 =	seq.s32 s10, $0x1;
	s10 =	sld [smem:$0x3FB7]  }
0x3d: {  	_ =	shalt  }
0x3e: {  	_ =	shalt  }
0x3f: {  	_ =	shalt  }
0x40: {  	_ =	shalt  }
0x41: {  	_ =	shalt  }
0x42: {  	_ =	shalt  }
0x43: {  	_ =	shalt  }
0x44: {  	_ =	shalt  }
0x45: {  	_ =	shalt  }
0x46: {  	_ =	shalt  }
0x47: {  	_ =	shalt  }
0x48: {  	_ =	shalt  }
0x49: {  	_ =	shalt  }
0x4a: {  	_ =	shalt  }
0x4b: {  	_ =	shalt  }
0x4c: {  	_ =	shalt  }
0x4d: {  	_ =	shalt  }
0x4e: {  	_ =	shalt  }
0x4f: {  	_ =	shalt  }
0x50: {  	_ =	shalt  }
0x51: {  	_ =	shalt  }
0x52: {  	_ =	shalt  }
0x53: {  	_ =	shalt  }
0x54: {  	_ =	shalt  }
0x55: {  	_ =	shalt  }
0x56: {  	_ =	shalt  }
0x57: {  	_ =	shalt  }
0x58: {  	_ =	shalt  }
0x59: {  	_ =	shalt  }
0x5a: {  	_ =	shalt  }
0x5b: {  	_ =	shalt  }
0x5c: {  	_ =	shalt  }
0x5d: {  	_ =	shalt  }
0x5e: {  	_ =	shalt  }
0x5f: {  	_ =	shalt  }
0x60: {  	_ =	shalt  }
0x61: {  	_ =	shalt  }
0x62: {  	_ =	shalt  }
0x63: {  	_ =	shalt  }
0x64: {  	_ =	shalt  }
0x65: {  	_ =	shalt  }
0x66: {  	_ =	shalt  }
0x67: {  	_ =	shalt  }
0x68: {  	_ =	shalt  }
0x69: {  	_ =	shalt  }
0x6a: {  	_ =	shalt  }
0x6b: {  	_ =	shalt  }
0x6c: {  	_ =	shalt  }
0x6d: {  	_ =	shalt  }
0x6e: {  	_ =	shalt  }
0x6f: {  	_ =	shalt  }
0x70: {  	_ =	shalt  }
0x71: {  	_ =	shalt  }
0x72: {  	_ =	shalt  }
0x73: {  	_ =	shalt  }
0x74: {  	_ =	shalt  }
0x75: {  	_ =	shalt  }
0x76: {  	_ =	shalt  }
0x77: {  	_ =	shalt  }
0x78: {  	_ =	shalt  }
0x79: {  	_ =	shalt  }
0x7a: {  	_ =	shalt  }
0x7b: {  	_ =	shalt  }
0x7c: {  	_ =	shalt  }
0x7d: {  	_ =	shalt  }
0x7e: {  	_ =	shalt  }
0x7f: {  	_ =	shalt  }
0x80: {  	_ =	shalt  }
0x81: {  	_ =	shalt  }
0x82: {  	_ =	shalt  }
0x83: {  	_ =	shalt  }
0x84: {  	_ =	shalt  }
0x85: {  	_ =	shalt  }
0x86: {  	_ =	shalt  }
0x87: {  	_ =	shalt  }
.Lfunc_end0:
.L_simem_size_0:
called_computation_lowered:
.L_overlay_start_0:
0x88: {  	s2 =	sld [smem:$0x3FD9]  }
0x89: {  	s3 =	sld [smem:$0x3FFE];
	_ =	sdelay $0x1  }
0x8a: {  	s1 =	srdreg.scid  }
0x8b: {  	s0 =	sand.u32 $0x1, s1  }
0x8c: {  	s17 =	sshll.u32 s0, $0xA;
	s2 =	sadd.s32 s3, s2  }
0x8d: {  	s2 =	sadd.s32 s2, s17  }
0x8e: {  	[smem:$0x3FC3] =	sst s2  }
0x8f: {  	_ = 	snop  }
0x90: {  	s2 =	sld [smem:$0x3FC8];
	(tm) =	ssettm $0x1  }
0x91: {  	s18 =	sld [smem:$0x3FFB];
	_ =	sdelay $0x3  }
0x92: {  	_ =	strace s18  }
0x93: {  	s3 =	sld [smem:$0x3FFC];
	_ =	sdelay $0x3  }
0x94: {  	_ =	strace s3  }
0x95: {  	s3 =	sld [smem:$0x3FFD];
	_ =	sdelay $0x3  }
0x96: {  	_ =	strace s3  }
0x97: {  	_ =	strace $0x8FFFFFFF  }
0x98: {  	s19 =	sld [smem:$0x3FDB];
	_ =	sdelay $0x1  }
0x99: {  	s4 =	simm.s32 $_scs_section_size  }
0x9a: {  	s5 =	simm.s32 $_size__tile_overlayer_lowered;
	s6 =	simm.s32 $_tile_overlayer_lowered  }
0x9b: {  	s22 =	simm.s32 $0x1BFF;
	s21 =	sshll.u32 s6, $0x1;
	s3 =	sadd.s32 s4, s19  }
0x9c: {  	s7 =	simm.s32 $0x0;
	s20 =	sshll.u32 s5, $0x1;
	s5 =	sadd.s32 s21, s3  }
0x9d: {  	[timem:s7], [sflag:s22] =	dma.local [hbm:s5], s20  }
0x9e: {  	_ =	swait.ge [sflag:s22], s20  }
0x9f: {  	s4 =	ssub.s32 $0x0, s20;
	[sflag:s22] =	ssyncset.done $0x0  }
0xa0: {  	[sflag:s22] =	ssyncadd.s32 s4;
	_ =	sdelay $0x1  }
0xa1: {  	s23 =	simm.s32 $0x1B8B  }
0xa2: {  	_ =	swait.ge [sflag:s23], $0x1  }
0xa3: {  	[sflag:s23] =	ssyncset.done $0x0  }
0xa4: {  	s25 =	simm.s32 $0x1B8E;
	s24 =	sld [smem:$0x3FFE];
	[sflag:s23] =	ssyncadd.s32 $0xFFFFFFFF  }
0xa5: {  	s26 =	simm.s32 $execute0_lowered;
	[smem:$0x3FD2] =	sst s25  }
0xa6: {  	s5 =	sshll.u32 s26, $0x1;
	_ =	strace $0x80000046;
	[dreg:$0x1] =	wrdreg $0xFFFFFFFF  }
0xa7: {  	s28 =	simm.s32 $_size_execute0_lowered;
	s3 =	sadd.s32 s3, s5;
	[dreg:$0x0] =	wrdreg $0x0  }
0xa8: {  	s5 =	sshll.u32 s28, $0x1;
	[dreg:$0x2] =	wrdreg s3  }
0xa9: {  	[dreg:$0x3] =	wrdreg s5  }
0xaa: {  	[dreg:$0x4] =	wrdreg $0xC0  }
0xab: {  	_ =	task [dreg:s7], $0x5FFFF  }
0xac: {  	[dreg:$0x1] =	wrdreg $0xFFFFFFFF  }
0xad: {  	[dreg:$0x0] =	wrdreg $0x60  }
0xae: {  	[dreg:$0x2] =	wrdreg s2  }
0xaf: {  	[dreg:$0x3] =	wrdreg s24  }
0xb0: {  	[dreg:$0x4] =	wrdreg $0x9  }
0xb1: {  	_ =	task.clear_ibuf [dreg:s7], $0x5FFFF;
	_ =	strace $0x90000046  }
0xb2: {  	s29 =	simm.s32 $0x9;
	_ =	strace $0x80000048  }
0xb3: {  	_ =	swait.ge [sflag:s29], $0x1  }
0xb4: {  	[sflag:s29] =	ssyncadd.s32 $0xFFFFFFFF  }
0xb5: {  	_ =	strace $0x90000048  }
0xb6: {  	_ =	sfence  }
0xb7: {  	s30 =	sld [smem:$0x0];
	_ =	sdelay $0x2  }
0xb8: {  	s31 =	sshll.u32 s1, $0xD;
	s1 =	sshrl.u32 s1, $0x2  }
0xb9: {  	s3 =	sand.u32 $0x4000, s31;
	s1 =	sadd.s32 s1, s30  }
0xba: {  	s0 =	sor.u32 s3, s0;
	s1 =	sshll.u32 s1, $0x11  }
0xbb: {  	s0 =	sor.u32 s1, s0  }
0xbc: {  	s0 =	sadd.s32 $0x8F2B, s0  }
0xbd: {  	[sflag:s0] =	ssyncadd.remote.s32 $0x1  }
0xbe: {  	_ =	sfence.sel $0xFFFF  }
0xbf: {  	[dreg:$0x0] =	wrdreg $0xFFFFFFFF;
	(pc) =	sbr.abs _section_cstart, $3  }
0xc0: {  	[dreg:$0x1] =	wrdreg $0xFFFFFFFF  }
0xc1: {  	_ =	task.clear_ibuf [dreg:s7], $0x2FFFF;
	_ =	strace $0x9FFFFFFF  }
0xc2: {  	(tm) =	ssettm $0x7FFFFFFF  }
0xc3: {  	_ =	shalt  }
tec
execute0_lowered:
.L_overlay_start_1:
0x0: {  	(tag) =	ssettag $0x1  }
0x1: {  	s0 =	srdreg.scid;
	s6 =	rddreg [dreg:$0x0]  }
0x2: {  	s4 =	rddreg [dreg:$0x1];
	s3 =	sand.u32 $0x1, s0  }
0x3: {  	s2 =	simm.s32 $0x0;
	s0 =	stileid.u32;
	s1 =	sshll.u32 s3, $0x4  }
0x4: {  	s12 =	simm.s32 $0x2;
	s13 =	simm.s32 $0x2800;
	s9 =	sor.u32 s0, s1  }
0x5: {  	s14 =	simm.s32 $0x0;
	[smem:$0x7FF] =	sst s2;
	s5 =	smul.u32 $0x500, s9  }
0x6: {  	s3 =	ssub.s32 $0x2, s3;
	s1 =	rddreg [dreg:$0x2];
	s7 =	smul.u32 $0x5000, s9  }
0x7: {  	_ =	strace $0x80000047;
	s29 =	sshrl.u32 s3, $0x1;
	s8 =	smul.u32 $0xA00, s9  }
.Ltmp0:
0x8: {  	s11 =	ssub.s32 s3, s29;
	p0 =	seq.s32 s9, $0x1F;
	(pc) =	sbr.rel .LBB2_1-.Ltmp0, $4  }
0x9: {  	s9 =	simm.s32 $0xA00;
	s10 =	sadd.s32 s5, s4;
	s30 =	sshrl.u32 s7, $0x3  }
0xa: {  	s3 =	sadd.s32 s6, s8;
	s5 =	sadd.s32 $0x13600, s6;
	s8 =	smax.u32 s11, $0x1  }
0xb: {  	s11 =	simm.s32 $0x5000;
	s31 =	sadd.s32 s6, s30;
	s6 =	sadd.s32 $0x13740, s6  }
0xc: {  	v0 =	vimm.s32 $0x0;
	v1 =	vimm.s32 $0x1;
	s7 =	sadd.s32 $0x1000, s10;
	s10 =	simm.s32 $0x1;
	s4 =	sadd.s32 $0x500, s31  }
.LBB2_11:
0xd: {  	[tilespmem:s15+$0x5070] =	vst v0  }
0xe: {  	[tilespmem:s15+$0x5000] =	vst v0  }
0xf: {  	[tilespmem:s15+$0x5010] =	vst v0  }
0x10: {  	[tilespmem:s15+$0x5020] =	vst v0  }
0x11: {  	[tilespmem:s15+$0x5030] =	vst v0  }
0x12: {  	[tilespmem:s15+$0x5040] =	vst v0  }
0x13: {  	[tilespmem:s15+$0x5050] =	vst v0  }
0x14: {  	[tilespmem:s15+$0x5060] =	vst v0  }
0x15: {  	_ =	swait.ge [sflag:s10], $0xA00  }
0x16: {  	[sflag:s10] =	ssyncset.done $0x0  }
0x17: {  	[sflag:s10] =	ssyncadd.s32 $0xFFFFF600  }
0x18: {  	v2 =	vld [tilespmem:$0x80]  }
0x19: {  	v3 =	vld [tilespmem:$0x90]  }
0x1a: {  	v4 =	vld [tilespmem:$0xA0]  }
0x1b: {  	v5 =	vld [tilespmem:$0xB0]  }
0x1c: {  	v6 =	vld [tilespmem:$0xC0]  }
0x1d: {  	v7 =	vld [tilespmem:$0xD0]  }
0x1e: {  	v8 =	vld [tilespmem:$0xE0]  }
0x1f: {  	v9 =	vld [tilespmem:$0xF0]  }
0x20: {  	v10 =	vld [tilespmem:$0x180]  }
0x21: {  	v11 =	vld [tilespmem:$0x190]  }
0x22: {  	v12 =	vld [tilespmem:$0x1A0]  }
0x23: {  	v13 =	vld [tilespmem:$0x1B0]  }
0x24: {  	v14 =	vld [tilespmem:$0x1C0]  }
0x25: {  	v15 =	vld [tilespmem:$0x1D0]  }
0x26: {  	v16 =	vld [tilespmem:$0x1E0]  }
0x27: {  	v17 =	vld [tilespmem:$0x1F0]  }
0x28: {  	[tilespmem:v2+s11+$0x0] =	vst.idx.add.s32.msk $0xffff, v1  }
0x29: {  	[tilespmem:v3+s11+$0x0] =	vst.idx.add.s32.msk $0xffff, v1  }
0x2a: {  	[tilespmem:v4+s11+$0x0] =	vst.idx.add.s32.msk $0xffff, v1  }
0x2b: {  	[tilespmem:v5+s11+$0x0] =	vst.idx.add.s32.msk $0xffff, v1  }
0x2c: {  	[tilespmem:v6+s11+$0x0] =	vst.idx.add.s32.msk $0xffff, v1  }
0x2d: {  	[tilespmem:v7+s11+$0x0] =	vst.idx.add.s32.msk $0xffff, v1  }
0x2e: {  	[tilespmem:v8+s11+$0x0] =	vst.idx.add.s32.msk $0xffff, v1  }
0x2f: {  	[tilespmem:v9+s11+$0x0] =	vst.idx.add.s32.msk $0xffff, v1  }
0x30: {  	[tilespmem:v10+s11+$0x0] =	vst.idx.add.s32.msk $0xffff, v1  }
0x31: {  	[tilespmem:v11+s11+$0x0] =	vst.idx.add.s32.msk $0xffff, v1  }
0x32: {  	[tilespmem:v12+s11+$0x0] =	vst.idx.add.s32.msk $0xffff, v1  }
0x33: {  	[tilespmem:v13+s11+$0x0] =	vst.idx.add.s32.msk $0xffff, v1  }
0x34: {  	[tilespmem:v14+s11+$0x0] =	vst.idx.add.s32.msk $0xffff, v1  }
0x35: {  	[tilespmem:v15+s11+$0x0] =	vst.idx.add.s32.msk $0xffff, v1  }
0x36: {  	[tilespmem:v16+s11+$0x0] =	vst.idx.add.s32.msk $0xffff, v1  }
0x37: {  	[tilespmem:v17+s11+$0x0] =	vst.idx.add.s32.msk $0xffff, v1  }
0x38: {  	v2 =	vld [tilespmem:$0x280]  }
0x39: {  	v3 =	vld [tilespmem:$0x290]  }
0x3a: {  	v4 =	vld [tilespmem:$0x2A0]  }
0x3b: {  	v5 =	vld [tilespmem:$0x2B0]  }
0x3c: {  	v6 =	vld [tilespmem:$0x2C0]  }
0x3d: {  	v7 =	vld [tilespmem:$0x2D0]  }
0x3e: {  	v8 =	vld [tilespmem:$0x2E0]  }
0x3f: {  	v9 =	vld [tilespmem:$0x2F0]  }
0x40: {  	v10 =	vld [tilespmem:$0x380]  }
0x41: {  	v11 =	vld [tilespmem:$0x390]  }
0x42: {  	v12 =	vld [tilespmem:$0x3A0]  }
0x43: {  	v13 =	vld [tilespmem:$0x3B0]  }
0x44: {  	v14 =	vld [tilespmem:$0x3C0]  }
0x45: {  	v15 =	vld [tilespmem:$0x3D0]  }
0x46: {  	v16 =	vld [tilespmem:$0x3E0]  }
0x47: {  	v17 =	vld [tilespmem:$0x3F0]  }
0x48: {  	[tilespmem:v2+s11+$0x0] =	vst.idx.add.s32.msk $0xffff, v1  }
0x49: {  	[tilespmem:v3+s11+$0x0] =	vst.idx.add.s32.msk $0xffff, v1  }
0x4a: {  	[tilespmem:v4+s11+$0x0] =	vst.idx.add.s32.msk $0xffff, v1  }
0x4b: {  	[tilespmem:v5+s11+$0x0] =	vst.idx.add.s32.msk $0xffff, v1  }
0x4c: {  	[tilespmem:v6+s11+$0x0] =	vst.idx.add.s32.msk $0xffff, v1  }
0x4d: {  	[tilespmem:v7+s11+$0x0] =	vst.idx.add.s32.msk $0xffff, v1  }
0x4e: {  	[tilespmem:v8+s11+$0x0] =	vst.idx.add.s32.msk $0xffff, v1  }
0x4f: {  	[tilespmem:v9+s11+$0x0] =	vst.idx.add.s32.msk $0xffff, v1  }
0x50: {  	[tilespmem:v10+s11+$0x0] =	vst.idx.add.s32.msk $0xffff, v1  }
0x51: {  	[tilespmem:v11+s11+$0x0] =	vst.idx.add.s32.msk $0xffff, v1  }
0x52: {  	[tilespmem:v12+s11+$0x0] =	vst.idx.add.s32.msk $0xffff, v1  }
0x53: {  	[tilespmem:v13+s11+$0x0] =	vst.idx.add.s32.msk $0xffff, v1  }
0x54: {  	[tilespmem:v14+s11+$0x0] =	vst.idx.add.s32.msk $0xffff, v1  }
0x55: {  	[tilespmem:v15+s11+$0x0] =	vst.idx.add.s32.msk $0xffff, v1  }
0x56: {  	[tilespmem:v16+s11+$0x0] =	vst.idx.add.s32.msk $0xffff, v1  }
0x57: {  	[tilespmem:v17+s11+$0x0] =	vst.idx.add.s32.msk $0xffff, v1  }
0x58: {  	v2 =	vld [tilespmem:$0x480]  }
0x59: {  	v3 =	vld [tilespmem:$0x490]  }
0x5a: {  	v4 =	vld [tilespmem:$0x4A0]  }
0x5b: {  	v5 =	vld [tilespmem:$0x4B0]  }
0x5c: {  	v6 =	vld [tilespmem:$0x4C0]  }
0x5d: {  	v7 =	vld [tilespmem:$0x4D0]  }
0x5e: {  	v8 =	vld [tilespmem:$0x4E0]  }
0x5f: {  	v9 =	vld [tilespmem:$0x4F0]  }
0x60: {  	v10 =	vld [tilespmem:$0x580]  }
0x61: {  	v11 =	vld [tilespmem:$0x590]  }
0x62: {  	v12 =	vld [tilespmem:$0x5A0]  }
0x63: {  	v13 =	vld [tilespmem:$0x5B0]  }
0x64: {  	v14 =	vld [tilespmem:$0x5C0]  }
0x65: {  	v15 =	vld [tilespmem:$0x5D0]  }
0x66: {  	v16 =	vld [tilespmem:$0x5E0]  }
0x67: {  	v17 =	vld [tilespmem:$0x5F0]  }
0x68: {  	[tilespmem:v2+s11+$0x0] =	vst.idx.add.s32.msk $0xffff, v1  }
0x69: {  	[tilespmem:v3+s11+$0x0] =	vst.idx.add.s32.msk $0xffff, v1  }
0x6a: {  	[tilespmem:v4+s11+$0x0] =	vst.idx.add.s32.msk $0xffff, v1  }
0x6b: {  	[tilespmem:v5+s11+$0x0] =	vst.idx.add.s32.msk $0xffff, v1  }
0x6c: {  	[tilespmem:v6+s11+$0x0] =	vst.idx.add.s32.msk $0xffff, v1  }
0x6d: {  	[tilespmem:v7+s11+$0x0] =	vst.idx.add.s32.msk $0xffff, v1  }
0x6e: {  	[tilespmem:v8+s11+$0x0] =	vst.idx.add.s32.msk $0xffff, v1  }
0x6f: {  	[tilespmem:v9+s11+$0x0] =	vst.idx.add.s32.msk $0xffff, v1  }
0x70: {  	[tilespmem:v10+s11+$0x0] =	vst.idx.add.s32.msk $0xffff, v1  }
0x71: {  	[tilespmem:v11+s11+$0x0] =	vst.idx.add.s32.msk $0xffff, v1  }
0x72: {  	[tilespmem:v12+s11+$0x0] =	vst.idx.add.s32.msk $0xffff, v1  }
0x73: {  	[tilespmem:v13+s11+$0x0] =	vst.idx.add.s32.msk $0xffff, v1  }
0x74: {  	[tilespmem:v14+s11+$0x0] =	vst.idx.add.s32.msk $0xffff, v1  }
0x75: {  	[tilespmem:v15+s11+$0x0] =	vst.idx.add.s32.msk $0xffff, v1  }
0x76: {  	[tilespmem:v16+s11+$0x0] =	vst.idx.add.s32.msk $0xffff, v1  }
0x77: {  	[tilespmem:v17+s11+$0x0] =	vst.idx.add.s32.msk $0xffff, v1  }
0x78: {  	v2 =	vld [tilespmem:$0x680]  }
0x79: {  	v3 =	vld [tilespmem:$0x690]  }
0x7a: {  	v4 =	vld [tilespmem:$0x6A0]  }
0x7b: {  	v5 =	vld [tilespmem:$0x6B0]  }
0x7c: {  	v6 =	vld [tilespmem:$0x6C0]  }
0x7d: {  	v7 =	vld [tilespmem:$0x6D0]  }
0x7e: {  	v8 =	vld [tilespmem:$0x6E0]  }
0x7f: {  	v9 =	vld [tilespmem:$0x6F0]  }
0x80: {  	v10 =	vld [tilespmem:$0x780]  }
0x81: {  	v11 =	vld [tilespmem:$0x790]  }
0x82: {  	v12 =	vld [tilespmem:$0x7A0]  }
0x83: {  	v13 =	vld [tilespmem:$0x7B0]  }
0x84: {  	v14 =	vld [tilespmem:$0x7C0]  }
0x85: {  	v15 =	vld [tilespmem:$0x7D0]  }
0x86: {  	v16 =	vld [tilespmem:$0x7E0]  }
0x87: {  	v17 =	vld [tilespmem:$0x7F0]  }
0x88: {  	[tilespmem:v2+s11+$0x0] =	vst.idx.add.s32.msk $0xffff, v1  }
0x89: {  	[tilespmem:v3+s11+$0x0] =	vst.idx.add.s32.msk $0xffff, v1  }
0x8a: {  	[tilespmem:v4+s11+$0x0] =	vst.idx.add.s32.msk $0xffff, v1  }
0x8b: {  	[tilespmem:v5+s11+$0x0] =	vst.idx.add.s32.msk $0xffff, v1  }
0x8c: {  	[tilespmem:v6+s11+$0x0] =	vst.idx.add.s32.msk $0xffff, v1  }
0x8d: {  	[tilespmem:v7+s11+$0x0] =	vst.idx.add.s32.msk $0xffff, v1  }
0x8e: {  	[tilespmem:v8+s11+$0x0] =	vst.idx.add.s32.msk $0xffff, v1  }
0x8f: {  	[tilespmem:v9+s11+$0x0] =	vst.idx.add.s32.msk $0xffff, v1  }
0x90: {  	[tilespmem:v10+s11+$0x0] =	vst.idx.add.s32.msk $0xffff, v1  }
0x91: {  	[tilespmem:v11+s11+$0x0] =	vst.idx.add.s32.msk $0xffff, v1  }
0x92: {  	[tilespmem:v12+s11+$0x0] =	vst.idx.add.s32.msk $0xffff, v1  }
0x93: {  	[tilespmem:v13+s11+$0x0] =	vst.idx.add.s32.msk $0xffff, v1  }
0x94: {  	[tilespmem:v14+s11+$0x0] =	vst.idx.add.s32.msk $0xffff, v1  }
0x95: {  	[tilespmem:v15+s11+$0x0] =	vst.idx.add.s32.msk $0xffff, v1  }
0x96: {  	[tilespmem:v16+s11+$0x0] =	vst.idx.add.s32.msk $0xffff, v1  }
0x97: {  	[tilespmem:v17+s11+$0x0] =	vst.idx.add.s32.msk $0xffff, v1  }
0x98: {  	v2 =	vld [tilespmem:$0x880]  }
0x99: {  	v3 =	vld [tilespmem:$0x890]  }
0x9a: {  	v4 =	vld [tilespmem:$0x8A0]  }
0x9b: {  	v5 =	vld [tilespmem:$0x8B0]  }
0x9c: {  	v6 =	vld [tilespmem:$0x8C0]  }
0x9d: {  	v7 =	vld [tilespmem:$0x8D0]  }
0x9e: {  	v8 =	vld [tilespmem:$0x8E0]  }
0x9f: {  	v9 =	vld [tilespmem:$0x8F0]  }
0xa0: {  	v10 =	vld [tilespmem:$0x980]  }
0xa1: {  	v11 =	vld [tilespmem:$0x990]  }
0xa2: {  	v12 =	vld [tilespmem:$0x9A0]  }
0xa3: {  	v13 =	vld [tilespmem:$0x9B0]  }
0xa4: {  	v14 =	vld [tilespmem:$0x9C0]  }
0xa5: {  	v15 =	vld [tilespmem:$0x9D0]  }
0xa6: {  	v16 =	vld [tilespmem:$0x9E0]  }
0xa7: {  	v17 =	vld [tilespmem:$0x9F0]  }
0xa8: {  	[tilespmem:v2+s11+$0x0] =	vst.idx.add.s32.msk $0xffff, v1  }
0xa9: {  	[tilespmem:v3+s11+$0x0] =	vst.idx.add.s32.msk $0xffff, v1  }
0xaa: {  	[tilespmem:v4+s11+$0x0] =	vst.idx.add.s32.msk $0xffff, v1  }
0xab: {  	[tilespmem:v5+s11+$0x0] =	vst.idx.add.s32.msk $0xffff, v1  }
0xac: {  	[tilespmem:v6+s11+$0x0] =	vst.idx.add.s32.msk $0xffff, v1  }
0xad: {  	[tilespmem:v7+s11+$0x0] =	vst.idx.add.s32.msk $0xffff, v1  }
0xae: {  	[tilespmem:v8+s11+$0x0] =	vst.idx.add.s32.msk $0xffff, v1  }
0xaf: {  	[tilespmem:v9+s11+$0x0] =	vst.idx.add.s32.msk $0xffff, v1  }
0xb0: {  	[tilespmem:v10+s11+$0x0] =	vst.idx.add.s32.msk $0xffff, v1  }
0xb1: {  	[tilespmem:v11+s11+$0x0] =	vst.idx.add.s32.msk $0xffff, v1  }
0xb2: {  	[tilespmem:v12+s11+$0x0] =	vst.idx.add.s32.msk $0xffff, v1  }
0xb3: {  	[tilespmem:v13+s11+$0x0] =	vst.idx.add.s32.msk $0xffff, v1  }
0xb4: {  	[tilespmem:v14+s11+$0x0] =	vst.idx.add.s32.msk $0xffff, v1  }
0xb5: {  	[tilespmem:v15+s11+$0x0] =	vst.idx.add.s32.msk $0xffff, v1  }
0xb6: {  	[tilespmem:v16+s11+$0x0] =	vst.idx.add.s32.msk $0xffff, v1  }
0xb7: {  	[tilespmem:v17+s11+$0x0] =	vst.idx.add.s32.msk $0xffff, v1  }
0xb8: {  	_ =	swait.ge [sflag:s10], $0xA00  }
0xb9: {  	[sflag:s10] =	ssyncset.done $0x0  }
0xba: {  	[sflag:s10] =	ssyncadd.s32 $0xFFFFF600  }
0xbb: {  	v2 =	vld [tilespmem:$0xA80]  }
0xbc: {  	v3 =	vld [tilespmem:$0xA90]  }
0xbd: {  	v50 =	vld [tilespmem:$0xAA0]  }
0xbe: {  	v51 =	vld [tilespmem:$0xAB0]  }
0xbf: {  	v52 =	vld [tilespmem:$0xAC0]  }
0xc0: {  	v53 =	vld [tilespmem:$0xAD0]  }
0xc1: {  	v54 =	vld [tilespmem:$0xAE0]  }
0xc2: {  	v55 =	vld [tilespmem:$0xAF0]  }
0xc3: {  	v56 =	vld [tilespmem:$0xB80]  }
0xc4: {  	v57 =	vld [tilespmem:$0xB90]  }
0xc5: {  	v58 =	vld [tilespmem:$0xBA0]  }
0xc6: {  	v59 =	vld [tilespmem:$0xBB0]  }
0xc7: {  	v60 =	vld [tilespmem:$0xBC0]  }
0xc8: {  	v61 =	vld [tilespmem:$0xBD0]  }
0xc9: {  	v62 =	vld [tilespmem:$0xBE0]  }
0xca: {  	v63 =	vld [tilespmem:$0xBF0]  }
0xcb: {  	[tilespmem:v2+s11+$0x0] =	vst.idx.add.s32.msk $0xffff, v1  }
0xcc: {  	[tilespmem:v3+s11+$0x0] =	vst.idx.add.s32.msk $0xffff, v1  }
0xcd: {  	[tilespmem:v50+s11+$0x0] =	vst.idx.add.s32.msk $0xffff, v1  }
0xce: {  	[tilespmem:v51+s11+$0x0] =	vst.idx.add.s32.msk $0xffff, v1  }
0xcf: {  	[tilespmem:v52+s11+$0x0] =	vst.idx.add.s32.msk $0xffff, v1  }
0xd0: {  	[tilespmem:v53+s11+$0x0] =	vst.idx.add.s32.msk $0xffff, v1  }
0xd1: {  	[tilespmem:v54+s11+$0x0] =	vst.idx.add.s32.msk $0xffff, v1  }
0xd2: {  	[tilespmem:v55+s11+$0x0] =	vst.idx.add.s32.msk $0xffff, v1  }
0xd3: {  	[tilespmem:v56+s11+$0x0] =	vst.idx.add.s32.msk $0xffff, v1  }
0xd4: {  	[tilespmem:v57+s11+$0x0] =	vst.idx.add.s32.msk $0xffff, v1  }
0xd5: {  	[tilespmem:v58+s11+$0x0] =	vst.idx.add.s32.msk $0xffff, v1  }
0xd6: {  	[tilespmem:v59+s11+$0x0] =	vst.idx.add.s32.msk $0xffff, v1  }
0xd7: {  	[tilespmem:v60+s11+$0x0] =	vst.idx.add.s32.msk $0xffff, v1  }
0xd8: {  	[tilespmem:v61+s11+$0x0] =	vst.idx.add.s32.msk $0xffff, v1  }
0xd9: {  	[tilespmem:v62+s11+$0x0] =	vst.idx.add.s32.msk $0xffff, v1  }
0xda: {  	[tilespmem:v63+s11+$0x0] =	vst.idx.add.s32.msk $0xffff, v1  }
0xdb: {  	v2 =	vld [tilespmem:$0xC80]  }
0xdc: {  	v3 =	vld [tilespmem:$0xC90]  }
0xdd: {  	v4 =	vld [tilespmem:$0xCA0]  }
0xde: {  	v5 =	vld [tilespmem:$0xCB0]  }
0xdf: {  	v6 =	vld [tilespmem:$0xCC0]  }
0xe0: {  	v7 =	vld [tilespmem:$0xCD0]  }
0xe1: {  	v8 =	vld [tilespmem:$0xCE0]  }
0xe2: {  	v9 =	vld [tilespmem:$0xCF0]  }
0xe3: {  	v10 =	vld [tilespmem:$0xD80]  }
0xe4: {  	v11 =	vld [tilespmem:$0xD90]  }
0xe5: {  	v12 =	vld [tilespmem:$0xDA0]  }
0xe6: {  	v13 =	vld [tilespmem:$0xDB0]  }
0xe7: {  	v14 =	vld [tilespmem:$0xDC0]  }
0xe8: {  	v15 =	vld [tilespmem:$0xDD0]  }
0xe9: {  	v16 =	vld [tilespmem:$0xDE0]  }
0xea: {  	v17 =	vld [tilespmem:$0xDF0]  }
0xeb: {  	[tilespmem:v2+s11+$0x0] =	vst.idx.add.s32.msk $0xffff, v1  }
0xec: {  	[tilespmem:v3+s11+$0x0] =	vst.idx.add.s32.msk $0xffff, v1  }
0xed: {  	[tilespmem:v4+s11+$0x0] =	vst.idx.add.s32.msk $0xffff, v1  }
0xee: {  	[tilespmem:v5+s11+$0x0] =	vst.idx.add.s32.msk $0xffff, v1  }
0xef: {  	[tilespmem:v6+s11+$0x0] =	vst.idx.add.s32.msk $0xffff, v1  }
0xf0: {  	[tilespmem:v7+s11+$0x0] =	vst.idx.add.s32.msk $0xffff, v1  }
0xf1: {  	[tilespmem:v8+s11+$0x0] =	vst.idx.add.s32.msk $0xffff, v1  }
0xf2: {  	[tilespmem:v9+s11+$0x0] =	vst.idx.add.s32.msk $0xffff, v1  }
0xf3: {  	[tilespmem:v10+s11+$0x0] =	vst.idx.add.s32.msk $0xffff, v1  }
0xf4: {  	[tilespmem:v11+s11+$0x0] =	vst.idx.add.s32.msk $0xffff, v1  }
0xf5: {  	[tilespmem:v12+s11+$0x0] =	vst.idx.add.s32.msk $0xffff, v1  }
0xf6: {  	[tilespmem:v13+s11+$0x0] =	vst.idx.add.s32.msk $0xffff, v1  }
0xf7: {  	[tilespmem:v14+s11+$0x0] =	vst.idx.add.s32.msk $0xffff, v1  }
0xf8: {  	[tilespmem:v15+s11+$0x0] =	vst.idx.add.s32.msk $0xffff, v1  }
0xf9: {  	[tilespmem:v16+s11+$0x0] =	vst.idx.add.s32.msk $0xffff, v1  }
0xfa: {  	[tilespmem:v17+s11+$0x0] =	vst.idx.add.s32.msk $0xffff, v1  }
0xfb: {  	v2 =	vld [tilespmem:$0xE80]  }
0xfc: {  	v3 =	vld [tilespmem:$0xE90]  }
0xfd: {  	v4 =	vld [tilespmem:$0xEA0]  }
0xfe: {  	v5 =	vld [tilespmem:$0xEB0]  }
0xff: {  	v6 =	vld [tilespmem:$0xEC0]  }
0x100: {  	v7 =	vld [tilespmem:$0xED0]  }
0x101: {  	v8 =	vld [tilespmem:$0xEE0]  }
0x102: {  	v9 =	vld [tilespmem:$0xEF0]  }
0x103: {  	v10 =	vld [tilespmem:$0xF80]  }
0x104: {  	v11 =	vld [tilespmem:$0xF90]  }
0x105: {  	v12 =	vld [tilespmem:$0xFA0]  }
0x106: {  	v13 =	vld [tilespmem:$0xFB0]  }
0x107: {  	v14 =	vld [tilespmem:$0xFC0]  }
0x108: {  	v15 =	vld [tilespmem:$0xFD0]  }
0x109: {  	v16 =	vld [tilespmem:$0xFE0]  }
0x10a: {  	v17 =	vld [tilespmem:$0xFF0]  }
0x10b: {  	[tilespmem:v2+s11+$0x0] =	vst.idx.add.s32.msk $0xffff, v1  }
0x10c: {  	[tilespmem:v3+s11+$0x0] =	vst.idx.add.s32.msk $0xffff, v1  }
0x10d: {  	[tilespmem:v4+s11+$0x0] =	vst.idx.add.s32.msk $0xffff, v1  }
0x10e: {  	[tilespmem:v5+s11+$0x0] =	vst.idx.add.s32.msk $0xffff, v1  }
0x10f: {  	[tilespmem:v6+s11+$0x0] =	vst.idx.add.s32.msk $0xffff, v1  }
0x110: {  	[tilespmem:v7+s11+$0x0] =	vst.idx.add.s32.msk $0xffff, v1  }
0x111: {  	[tilespmem:v8+s11+$0x0] =	vst.idx.add.s32.msk $0xffff, v1  }
0x112: {  	[tilespmem:v9+s11+$0x0] =	vst.idx.add.s32.msk $0xffff, v1  }
0x113: {  	[tilespmem:v10+s11+$0x0] =	vst.idx.add.s32.msk $0xffff, v1  }
0x114: {  	[tilespmem:v11+s11+$0x0] =	vst.idx.add.s32.msk $0xffff, v1  }
0x115: {  	[tilespmem:v12+s11+$0x0] =	vst.idx.add.s32.msk $0xffff, v1  }
0x116: {  	[tilespmem:v13+s11+$0x0] =	vst.idx.add.s32.msk $0xffff, v1  }
0x117: {  	[tilespmem:v14+s11+$0x0] =	vst.idx.add.s32.msk $0xffff, v1  }
0x118: {  	[tilespmem:v15+s11+$0x0] =	vst.idx.add.s32.msk $0xffff, v1  }
0x119: {  	[tilespmem:v16+s11+$0x0] =	vst.idx.add.s32.msk $0xffff, v1  }
0x11a: {  	[tilespmem:v17+s11+$0x0] =	vst.idx.add.s32.msk $0xffff, v1  }
0x11b: {  	v2 =	vld [tilespmem:$0x1080]  }
0x11c: {  	v3 =	vld [tilespmem:$0x1090]  }
0x11d: {  	v4 =	vld [tilespmem:$0x10A0]  }
0x11e: {  	v5 =	vld [tilespmem:$0x10B0]  }
0x11f: {  	v6 =	vld [tilespmem:$0x10C0]  }
0x120: {  	v7 =	vld [tilespmem:$0x10D0]  }
0x121: {  	v8 =	vld [tilespmem:$0x10E0]  }
0x122: {  	v9 =	vld [tilespmem:$0x10F0]  }
0x123: {  	v10 =	vld [tilespmem:$0x1180]  }
0x124: {  	v11 =	vld [tilespmem:$0x1190]  }
0x125: {  	v12 =	vld [tilespmem:$0x11A0]  }
0x126: {  	v13 =	vld [tilespmem:$0x11B0]  }
0x127: {  	v14 =	vld [tilespmem:$0x11C0]  }
0x128: {  	v15 =	vld [tilespmem:$0x11D0]  }
0x129: {  	v16 =	vld [tilespmem:$0x11E0]  }
0x12a: {  	v17 =	vld [tilespmem:$0x11F0]  }
0x12b: {  	[tilespmem:v2+s11+$0x0] =	vst.idx.add.s32.msk $0xffff, v1  }
0x12c: {  	[tilespmem:v3+s11+$0x0] =	vst.idx.add.s32.msk $0xffff, v1  }
0x12d: {  	[tilespmem:v4+s11+$0x0] =	vst.idx.add.s32.msk $0xffff, v1  }
0x12e: {  	[tilespmem:v5+s11+$0x0] =	vst.idx.add.s32.msk $0xffff, v1  }
0x12f: {  	[tilespmem:v6+s11+$0x0] =	vst.idx.add.s32.msk $0xffff, v1  }
0x130: {  	[tilespmem:v7+s11+$0x0] =	vst.idx.add.s32.msk $0xffff, v1  }
0x131: {  	[tilespmem:v8+s11+$0x0] =	vst.idx.add.s32.msk $0xffff, v1  }
0x132: {  	[tilespmem:v9+s11+$0x0] =	vst.idx.add.s32.msk $0xffff, v1  }
0x133: {  	[tilespmem:v10+s11+$0x0] =	vst.idx.add.s32.msk $0xffff, v1  }
0x134: {  	[tilespmem:v11+s11+$0x0] =	vst.idx.add.s32.msk $0xffff, v1  }
0x135: {  	[tilespmem:v12+s11+$0x0] =	vst.idx.add.s32.msk $0xffff, v1  }
0x136: {  	[tilespmem:v13+s11+$0x0] =	vst.idx.add.s32.msk $0xffff, v1  }
0x137: {  	[tilespmem:v14+s11+$0x0] =	vst.idx.add.s32.msk $0xffff, v1  }
0x138: {  	[tilespmem:v15+s11+$0x0] =	vst.idx.add.s32.msk $0xffff, v1  }
0x139: {  	[tilespmem:v16+s11+$0x0] =	vst.idx.add.s32.msk $0xffff, v1  }
0x13a: {  	[tilespmem:v17+s11+$0x0] =	vst.idx.add.s32.msk $0xffff, v1  }
0x13b: {  	v2 =	vld [tilespmem:$0x1280]  }
0x13c: {  	v3 =	vld [tilespmem:$0x1290]  }
0x13d: {  	v4 =	vld [tilespmem:$0x12A0]  }
0x13e: {  	v5 =	vld [tilespmem:$0x12B0]  }
0x13f: {  	v6 =	vld [tilespmem:$0x12C0]  }
0x140: {  	v7 =	vld [tilespmem:$0x12D0]  }
0x141: {  	v8 =	vld [tilespmem:$0x12E0]  }
0x142: {  	v9 =	vld [tilespmem:$0x12F0]  }
0x143: {  	v10 =	vld [tilespmem:$0x1380]  }
0x144: {  	v11 =	vld [tilespmem:$0x1390]  }
0x145: {  	v12 =	vld [tilespmem:$0x13A0]  }
0x146: {  	v13 =	vld [tilespmem:$0x13B0]  }
0x147: {  	v14 =	vld [tilespmem:$0x13C0]  }
0x148: {  	v15 =	vld [tilespmem:$0x13D0]  }
0x149: {  	v16 =	vld [tilespmem:$0x13E0]  }
0x14a: {  	v17 =	vld [tilespmem:$0x13F0]  }
0x14b: {  	[tilespmem:v2+s11+$0x0] =	vst.idx.add.s32.msk $0xffff, v1  }
0x14c: {  	[tilespmem:v3+s11+$0x0] =	vst.idx.add.s32.msk $0xffff, v1  }
0x14d: {  	[tilespmem:v4+s11+$0x0] =	vst.idx.add.s32.msk $0xffff, v1  }
0x14e: {  	[tilespmem:v5+s11+$0x0] =	vst.idx.add.s32.msk $0xffff, v1  }
0x14f: {  	[tilespmem:v6+s11+$0x0] =	vst.idx.add.s32.msk $0xffff, v1  }
0x150: {  	[tilespmem:v7+s11+$0x0] =	vst.idx.add.s32.msk $0xffff, v1  }
0x151: {  	[tilespmem:v8+s11+$0x0] =	vst.idx.add.s32.msk $0xffff, v1  }
0x152: {  	[tilespmem:v9+s11+$0x0] =	vst.idx.add.s32.msk $0xffff, v1  }
0x153: {  	[tilespmem:v10+s11+$0x0] =	vst.idx.add.s32.msk $0xffff, v1  }
0x154: {  	[tilespmem:v11+s11+$0x0] =	vst.idx.add.s32.msk $0xffff, v1  }
0x155: {  	[tilespmem:v12+s11+$0x0] =	vst.idx.add.s32.msk $0xffff, v1  }
0x156: {  	[tilespmem:v13+s11+$0x0] =	vst.idx.add.s32.msk $0xffff, v1  }
0x157: {  	[tilespmem:v14+s11+$0x0] =	vst.idx.add.s32.msk $0xffff, v1  }
0x158: {  	[tilespmem:v15+s11+$0x0] =	vst.idx.add.s32.msk $0xffff, v1  }
0x159: {  	[tilespmem:v16+s11+$0x0] =	vst.idx.add.s32.msk $0xffff, v1  }
0x15a: {  	[tilespmem:v17+s11+$0x0] =	vst.idx.add.s32.msk $0xffff, v1  }
.LBB2_12:
0x15b: {  	s14 =	sadd.s32 $0x1, s14  }
0x15c: {  	p1 =	sne.s32 s14, s8  }
.Ltmp1:
0x15d: {  	_ = 	snop;
	(pc) =	sbr.rel @!p1 .LBB2_13-.Ltmp1, $4  }
0x15e: {  	[hbm4b:s7+s2] =	stream.linear.scatter [tilespmem:s11], [sflag:$0x2], $0x2800, $0x38;
	[tilespmem:$0x7800] =	vst v63  }
0x15f: {  	_ =	swait.ge [sflag:s12], $0x2800  }
0x160: {  	[sflag:s12] =	ssyncset.done $0x0  }
0x161: {  	[sflag:s12] =	ssyncadd.s32 $0xFFFFD800  }
.LBB2_1:
.Ltmp2:
0x162: {  	(pc) =	sbr.rel @!p0 .LBB2_2-.Ltmp2, $2  }
0x163: {  	_ =	sdelay $0x2  }
0x164: {  	s15 =	simm.s32 $0x0  }
0x165: {  	[tilespmem:s15], [sflag:$0x1] =	stream.linear.gather [hbm4b:s5+s15], $0xA00, $0x38;
	[tilespmem:$0x7800] =	vst v63  }
0x166: {  	_ = 	snop  }
0x167: {  	[tilespmem:s9], [sflag:$0x1] =	stream.linear.gather [hbm4b:s6+s15], $0xA00, $0x38;
	[tilespmem:$0x7800] =	vst v63  }
0x168: {  	s16 =	simm.s32 $0x200;
	s15 =	simm.s32 $0x0  }
.LBB2_10:
0x169: {  	p1 =	sne.s32 s16, $0x9E00;
	[tilespmem:s15+$0x5070] =	vst v0  }
0x16a: {  	[tilespmem:s15+$0x5000] =	vst v0  }
0x16b: {  	[tilespmem:s15+$0x5010] =	vst v0  }
.Ltmp3:
0x16c: {  	[tilespmem:s15+$0x5020] =	vst v0;
	(pc) =	sbr.rel @p1 .LBB2_10-.Ltmp3, $4  }
0x16d: {  	[tilespmem:s15+$0x5030] =	vst v0  }
0x16e: {  	[tilespmem:s15+$0x5040] =	vst v0  }
0x16f: {  	[tilespmem:s15+$0x5050] =	vst v0  }
0x170: {  	[tilespmem:s15+$0x5060] =	vst v0;
	s15 =	sshra.s32 s16, $0x2;
	s16 =	sadd.s32 $0x200, s16  }
.Ltmp4:
0x171: {  	_ = 	snop;
	(pc) =	sbr.rel .LBB2_11-.Ltmp4, $1  }
0x172: {  	_ =	sdelay $0x3  }
.LBB2_2:
0x173: {  	[tilespmem:s15], [sflag:$0x1] =	stream.linear.gather [hbm4b:s3+s15], $0x2800, $0x38;
	[tilespmem:$0x7800] =	vst v63  }
0x174: {  	_ = 	snop  }
0x175: {  	[tilespmem:s13], [sflag:$0x1] =	stream.linear.gather [hbm4b:s4+s15], $0x2800, $0x38;
	[tilespmem:$0x7800] =	vst v63  }
0x176: {  	s16 =	simm.s32 $0x200;
	s15 =	simm.s32 $0x0  }
.LBB2_3:
0x177: {  	p1 =	sne.s32 s16, $0x9E00;
	[tilespmem:s15+$0x5070] =	vst v0  }
0x178: {  	[tilespmem:s15+$0x5000] =	vst v0  }
0x179: {  	[tilespmem:s15+$0x5010] =	vst v0  }
.Ltmp5:
0x17a: {  	[tilespmem:s15+$0x5020] =	vst v0;
	(pc) =	sbr.rel @p1 .LBB2_3-.Ltmp5, $4  }
0x17b: {  	[tilespmem:s15+$0x5030] =	vst v0  }
0x17c: {  	[tilespmem:s15+$0x5040] =	vst v0  }
0x17d: {  	[tilespmem:s15+$0x5050] =	vst v0  }
0x17e: {  	[tilespmem:s15+$0x5060] =	vst v0;
	s15 =	sshra.s32 s16, $0x2;
	s16 =	sadd.s32 $0x200, s16  }
0x17f: {  	[tilespmem:s15+$0x5070] =	vst v0  }
0x180: {  	[tilespmem:s15+$0x5000] =	vst v0  }
0x181: {  	[tilespmem:s15+$0x5010] =	vst v0  }
0x182: {  	[tilespmem:s15+$0x5020] =	vst v0  }
0x183: {  	[tilespmem:s15+$0x5030] =	vst v0  }
0x184: {  	[tilespmem:s15+$0x5040] =	vst v0  }
0x185: {  	[tilespmem:s15+$0x5050] =	vst v0  }
0x186: {  	[tilespmem:s15+$0x5060] =	vst v0  }
0x187: {  	_ =	swait.ge [sflag:s10], $0x2800  }
0x188: {  	[sflag:s10] =	ssyncset.done $0x0  }
0x189: {  	s31 =	simm.s32 $0x0;
	[sflag:s10] =	ssyncadd.s32 $0xFFFFD800  }
0x18a: {  	v2 =	vld [tilespmem:s31+$0x1F0]  }
0x18b: {  	v3 =	vld [tilespmem:s31+$0xD0]  }
0x18c: {  	v4 =	vld [tilespmem:s31+$0x1D0]  }
0x18d: {  	v5 =	vld [tilespmem:s31+$0x1B0]  }
0x18e: {  	v6 =	vld [tilespmem:s31+$0xB0]  }
0x18f: {  	v7 =	vld [tilespmem:s31+$0xC0]  }
0x190: {  	v8 =	vld [tilespmem:s31+$0x90]  }
0x191: {  	v9 =	vld [tilespmem:s31+$0xA0]  }
0x192: {  	v10 =	vld [tilespmem:s31+$0x80]  }
0x193: {  	v11 =	vld [tilespmem:s31+$0x190]  }
0x194: {  	v12 =	vld [tilespmem:s31+$0xE0]  }
0x195: {  	v13 =	vld [tilespmem:s31+$0xF0]  }
0x196: {  	v14 =	vld [tilespmem:s31+$0x1C0]  }
0x197: {  	v15 =	vld [tilespmem:s31+$0x180]  }
0x198: {  	v16 =	vld [tilespmem:s31+$0x1E0]  }
0x199: {  	v17 =	vld [tilespmem:s31+$0x1A0]  }
0x19a: {  	[tilespmem:v10+s11+$0x0] =	vst.idx.add.s32.msk $0xffff, v1  }
0x19b: {  	[tilespmem:v8+s11+$0x0] =	vst.idx.add.s32.msk $0xffff, v1  }
0x19c: {  	[tilespmem:v9+s11+$0x0] =	vst.idx.add.s32.msk $0xffff, v1  }
0x19d: {  	[tilespmem:v6+s11+$0x0] =	vst.idx.add.s32.msk $0xffff, v1  }
0x19e: {  	[tilespmem:v7+s11+$0x0] =	vst.idx.add.s32.msk $0xffff, v1  }
0x19f: {  	[tilespmem:v3+s11+$0x0] =	vst.idx.add.s32.msk $0xffff, v1  }
0x1a0: {  	[tilespmem:v12+s11+$0x0] =	vst.idx.add.s32.msk $0xffff, v1  }
0x1a1: {  	[tilespmem:v13+s11+$0x0] =	vst.idx.add.s32.msk $0xffff, v1  }
0x1a2: {  	[tilespmem:v15+s11+$0x0] =	vst.idx.add.s32.msk $0xffff, v1  }
0x1a3: {  	[tilespmem:v11+s11+$0x0] =	vst.idx.add.s32.msk $0xffff, v1  }
0x1a4: {  	[tilespmem:v17+s11+$0x0] =	vst.idx.add.s32.msk $0xffff, v1  }
0x1a5: {  	[tilespmem:v5+s11+$0x0] =	vst.idx.add.s32.msk $0xffff, v1  }
0x1a6: {  	[tilespmem:v14+s11+$0x0] =	vst.idx.add.s32.msk $0xffff, v1  }
0x1a7: {  	[tilespmem:v4+s11+$0x0] =	vst.idx.add.s32.msk $0xffff, v1  }
0x1a8: {  	s15 =	simm.s32 $0x800;
	[tilespmem:v16+s11+$0x0] =	vst.idx.add.s32.msk $0xffff, v1  }
.LBB2_5:
0x1a9: {  	s16 =	sshra.s32 s15, $0x2;
	p1 =	sne.s32 s15, $0x9800;
	s15 =	sadd.s32 $0x800, s15;
	[tilespmem:v2+s11+$0x0] =	vst.idx.add.s32.msk $0xffff, v1  }
0x1aa: {  	v2 =	vld [tilespmem:s16+$0x1F0]  }
0x1ab: {  	v3 =	vld [tilespmem:s16+$0xD0]  }
0x1ac: {  	v4 =	vld [tilespmem:s16+$0x1D0]  }
0x1ad: {  	v5 =	vld [tilespmem:s16+$0x1B0]  }
0x1ae: {  	v6 =	vld [tilespmem:s16+$0xB0]  }
0x1af: {  	v7 =	vld [tilespmem:s16+$0xC0]  }
0x1b0: {  	v8 =	vld [tilespmem:s16+$0x90]  }
0x1b1: {  	v9 =	vld [tilespmem:s16+$0xA0]  }
0x1b2: {  	v10 =	vld [tilespmem:s16+$0x80]  }
0x1b3: {  	v11 =	vld [tilespmem:s16+$0x190]  }
0x1b4: {  	v12 =	vld [tilespmem:s16+$0xE0]  }
0x1b5: {  	v13 =	vld [tilespmem:s16+$0xF0]  }
0x1b6: {  	v14 =	vld [tilespmem:s16+$0x1C0]  }
0x1b7: {  	v15 =	vld [tilespmem:s16+$0x180]  }
0x1b8: {  	v16 =	vld [tilespmem:s16+$0x1E0]  }
0x1b9: {  	v17 =	vld [tilespmem:s16+$0x1A0]  }
0x1ba: {  	[tilespmem:v10+s11+$0x0] =	vst.idx.add.s32.msk $0xffff, v1  }
0x1bb: {  	[tilespmem:v8+s11+$0x0] =	vst.idx.add.s32.msk $0xffff, v1  }
0x1bc: {  	[tilespmem:v9+s11+$0x0] =	vst.idx.add.s32.msk $0xffff, v1  }
0x1bd: {  	[tilespmem:v6+s11+$0x0] =	vst.idx.add.s32.msk $0xffff, v1  }
0x1be: {  	[tilespmem:v7+s11+$0x0] =	vst.idx.add.s32.msk $0xffff, v1  }
0x1bf: {  	[tilespmem:v3+s11+$0x0] =	vst.idx.add.s32.msk $0xffff, v1  }
0x1c0: {  	[tilespmem:v12+s11+$0x0] =	vst.idx.add.s32.msk $0xffff, v1  }
0x1c1: {  	[tilespmem:v13+s11+$0x0] =	vst.idx.add.s32.msk $0xffff, v1  }
0x1c2: {  	[tilespmem:v15+s11+$0x0] =	vst.idx.add.s32.msk $0xffff, v1  }
0x1c3: {  	[tilespmem:v11+s11+$0x0] =	vst.idx.add.s32.msk $0xffff, v1  }
.Ltmp6:
0x1c4: {  	[tilespmem:v17+s11+$0x0] =	vst.idx.add.s32.msk $0xffff, v1;
	(pc) =	sbr.rel @p1 .LBB2_5-.Ltmp6, $4  }
0x1c5: {  	[tilespmem:v5+s11+$0x0] =	vst.idx.add.s32.msk $0xffff, v1  }
0x1c6: {  	[tilespmem:v14+s11+$0x0] =	vst.idx.add.s32.msk $0xffff, v1  }
0x1c7: {  	[tilespmem:v4+s11+$0x0] =	vst.idx.add.s32.msk $0xffff, v1  }
0x1c8: {  	[tilespmem:v16+s11+$0x0] =	vst.idx.add.s32.msk $0xffff, v1  }
0x1c9: {  	_ =	sdelay $0x3  }
0x1ca: {  	[tilespmem:v2+s11+$0x0] =	vst.idx.add.s32.msk $0xffff, v1  }
0x1cb: {  	_ =	swait.ge [sflag:s10], $0x2800  }
0x1cc: {  	[sflag:s10] =	ssyncset.done $0x0  }
0x1cd: {  	s15 =	simm.s32 $0x0;
	[sflag:s10] =	ssyncadd.s32 $0xFFFFD800  }
0x1ce: {  	v2 =	vld [tilespmem:s15+$0x29F0]  }
0x1cf: {  	v3 =	vld [tilespmem:s15+$0x28D0]  }
0x1d0: {  	v4 =	vld [tilespmem:s15+$0x29D0]  }
0x1d1: {  	v5 =	vld [tilespmem:s15+$0x29B0]  }
0x1d2: {  	v6 =	vld [tilespmem:s15+$0x28B0]  }
0x1d3: {  	v7 =	vld [tilespmem:s15+$0x28C0]  }
0x1d4: {  	v8 =	vld [tilespmem:s15+$0x2890]  }
0x1d5: {  	v9 =	vld [tilespmem:s15+$0x28A0]  }
0x1d6: {  	v10 =	vld [tilespmem:s15+$0x2880]  }
0x1d7: {  	v11 =	vld [tilespmem:s15+$0x2990]  }
0x1d8: {  	v12 =	vld [tilespmem:s15+$0x28E0]  }
0x1d9: {  	v13 =	vld [tilespmem:s15+$0x28F0]  }
0x1da: {  	v14 =	vld [tilespmem:s15+$0x29C0]  }
0x1db: {  	v15 =	vld [tilespmem:s15+$0x2980]  }
0x1dc: {  	v16 =	vld [tilespmem:s15+$0x29E0]  }
0x1dd: {  	v17 =	vld [tilespmem:s15+$0x29A0]  }
0x1de: {  	[tilespmem:v10+s11+$0x0] =	vst.idx.add.s32.msk $0xffff, v1  }
0x1df: {  	[tilespmem:v8+s11+$0x0] =	vst.idx.add.s32.msk $0xffff, v1  }
0x1e0: {  	[tilespmem:v9+s11+$0x0] =	vst.idx.add.s32.msk $0xffff, v1  }
0x1e1: {  	[tilespmem:v6+s11+$0x0] =	vst.idx.add.s32.msk $0xffff, v1  }
0x1e2: {  	[tilespmem:v7+s11+$0x0] =	vst.idx.add.s32.msk $0xffff, v1  }
0x1e3: {  	[tilespmem:v3+s11+$0x0] =	vst.idx.add.s32.msk $0xffff, v1  }
0x1e4: {  	[tilespmem:v12+s11+$0x0] =	vst.idx.add.s32.msk $0xffff, v1  }
0x1e5: {  	[tilespmem:v13+s11+$0x0] =	vst.idx.add.s32.msk $0xffff, v1  }
0x1e6: {  	[tilespmem:v15+s11+$0x0] =	vst.idx.add.s32.msk $0xffff, v1  }
0x1e7: {  	[tilespmem:v11+s11+$0x0] =	vst.idx.add.s32.msk $0xffff, v1  }
0x1e8: {  	[tilespmem:v17+s11+$0x0] =	vst.idx.add.s32.msk $0xffff, v1  }
0x1e9: {  	[tilespmem:v5+s11+$0x0] =	vst.idx.add.s32.msk $0xffff, v1  }
0x1ea: {  	[tilespmem:v14+s11+$0x0] =	vst.idx.add.s32.msk $0xffff, v1  }
0x1eb: {  	[tilespmem:v4+s11+$0x0] =	vst.idx.add.s32.msk $0xffff, v1  }
0x1ec: {  	s15 =	simm.s32 $0x800;
	[tilespmem:v16+s11+$0x0] =	vst.idx.add.s32.msk $0xffff, v1  }
.LBB2_7:
0x1ed: {  	s16 =	sshra.s32 s15, $0x2;
	p1 =	seq.s32 s15, $0x9800;
	s15 =	sadd.s32 $0x800, s15;
	[tilespmem:v2+s11+$0x0] =	vst.idx.add.s32.msk $0xffff, v1  }
0x1ee: {  	v2 =	vld [tilespmem:s16+$0x29F0]  }
0x1ef: {  	v3 =	vld [tilespmem:s16+$0x28D0]  }
0x1f0: {  	v4 =	vld [tilespmem:s16+$0x29D0]  }
0x1f1: {  	v5 =	vld [tilespmem:s16+$0x29B0]  }
0x1f2: {  	v6 =	vld [tilespmem:s16+$0x28B0]  }
0x1f3: {  	v7 =	vld [tilespmem:s16+$0x28C0]  }
0x1f4: {  	v8 =	vld [tilespmem:s16+$0x2890]  }
0x1f5: {  	v9 =	vld [tilespmem:s16+$0x28A0]  }
0x1f6: {  	v10 =	vld [tilespmem:s16+$0x2880]  }
0x1f7: {  	v11 =	vld [tilespmem:s16+$0x2990]  }
0x1f8: {  	v12 =	vld [tilespmem:s16+$0x28E0]  }
0x1f9: {  	v13 =	vld [tilespmem:s16+$0x28F0]  }
0x1fa: {  	v14 =	vld [tilespmem:s16+$0x29C0]  }
0x1fb: {  	v15 =	vld [tilespmem:s16+$0x2980]  }
0x1fc: {  	v16 =	vld [tilespmem:s16+$0x29E0]  }
0x1fd: {  	v17 =	vld [tilespmem:s16+$0x29A0]  }
0x1fe: {  	[tilespmem:v10+s11+$0x0] =	vst.idx.add.s32.msk $0xffff, v1  }
0x1ff: {  	[tilespmem:v8+s11+$0x0] =	vst.idx.add.s32.msk $0xffff, v1  }
0x200: {  	[tilespmem:v9+s11+$0x0] =	vst.idx.add.s32.msk $0xffff, v1  }
0x201: {  	[tilespmem:v6+s11+$0x0] =	vst.idx.add.s32.msk $0xffff, v1  }
0x202: {  	[tilespmem:v7+s11+$0x0] =	vst.idx.add.s32.msk $0xffff, v1  }
0x203: {  	[tilespmem:v3+s11+$0x0] =	vst.idx.add.s32.msk $0xffff, v1  }
0x204: {  	[tilespmem:v12+s11+$0x0] =	vst.idx.add.s32.msk $0xffff, v1  }
0x205: {  	[tilespmem:v13+s11+$0x0] =	vst.idx.add.s32.msk $0xffff, v1  }
0x206: {  	[tilespmem:v15+s11+$0x0] =	vst.idx.add.s32.msk $0xffff, v1  }
0x207: {  	[tilespmem:v11+s11+$0x0] =	vst.idx.add.s32.msk $0xffff, v1  }
.Ltmp7:
0x208: {  	[tilespmem:v17+s11+$0x0] =	vst.idx.add.s32.msk $0xffff, v1;
	(pc) =	sbr.rel @!p1 .LBB2_7-.Ltmp7, $4  }
0x209: {  	[tilespmem:v5+s11+$0x0] =	vst.idx.add.s32.msk $0xffff, v1  }
0x20a: {  	[tilespmem:v14+s11+$0x0] =	vst.idx.add.s32.msk $0xffff, v1  }
0x20b: {  	[tilespmem:v4+s11+$0x0] =	vst.idx.add.s32.msk $0xffff, v1  }
0x20c: {  	[tilespmem:v16+s11+$0x0] =	vst.idx.add.s32.msk $0xffff, v1  }
.Ltmp8:
0x20d: {  	_ = 	snop;
	(pc) =	sbr.rel .LBB2_12-.Ltmp8, $2  }
0x20e: {  	_ =	sdelay $0x2  }
0x20f: {  	[tilespmem:v2+s11+$0x0] =	vst.idx.add.s32.msk $0xffff, v1  }
.LBB2_13:
0x210: {  	_ =	sfence.sel $0x180000  }
0x211: {  	[bflag:$0x0] =	sbarrier.arrive $0xFFFF  }
0x212: {  	p0 =	sne.s32 s0, $0x0;
	_ =	strace $0x90000047  }
0x213: {  	s0 =	sadd.s32 @!p0 $0x100000, s1;
	[bflag:$0x2] =	sbarrier.arrive $0xFFFF  }
0x214: {  	[sflag:s0] =	ssyncadd.tile.s32 @!p0 $0x1;
	_ =	shalt  }
.Lfunc_end2:
_tile_overlayer_lowered:
.L_overlay_start_2:
0x215: {  	(tag) =	ssettag $0x2  }
0x216: {  	s0 =	rddreg [dreg:$0x0];
	s2 =	stileid.u32  }
0x217: {  	s1 =	rddreg [dreg:$0x1];
	p0 =	sne.s32 s2, $0x0  }
0x218: {  	s3 =	rddreg [dreg:$0x2];
	[bflag:$0x3] =	sbarrier.arrive $0xFFFF;
	s2 =	simm.s32 @!p0 $0x1C02  }
0x219: {  	[timem:s3], [sflag:s2] =	dma.local @!p0 [hbm:s0], s1  }
0x21a: {  	s0 =	simm.s32 @!p0 $0x2  }
0x21b: {  	_ =	swait.ge @!p0 [sflag:s0], s1  }
0x21c: {  	s1 =	ssub.s32 @!p0 $0x0, s1;
	[sflag:s0] =	ssyncset.done @!p0 $0x0  }
0x21d: {  	[sflag:s0] =	ssyncadd.s32 @!p0 s1  }
0x21e: {  	[bflag:$0x3] =	sbarrier.arrive $0xFFFF  }
0x21f: {  	_ =	shalt  }

// kernel: kernel.8.cloned.1.call-start
scs
__scs_entry_jumppad:
0x0: {  	(pc) =	sbr.rel $0x88, $3  }
0x1: {  	(tag) =	ssettag $0x0;
	lr =	simm.s32 $0x1  }
0x2: {  	[smem:$0x3F9C] =	sst lr;
	_ =	strace $0xD0000000  }
0x3: {  	_ = 	snop  }
0x4: {  	_ = 	snop  }
0x5: {  	_ = 	snop  }
0x6: {  	_ = 	snop  }
0x7: {  	_ = 	snop  }
__scs_overlays_trampoline_lowered:
0x8: {  	[smem:$0x3FAB] =	sst s0  }
0x9: {  	[smem:$0x3FAC] =	sst s1  }
0xa: {  	[smem:$0x3FAD] =	sst s2  }
0xb: {  	[smem:$0x3FAE] =	sst s3  }
0xc: {  	[smem:$0x3FAF] =	sst s4  }
0xd: {  	[smem:$0x3FB0] =	sst s5  }
0xe: {  	[smem:$0x3FB1] =	sst s6  }
0xf: {  	[smem:$0x3FB2] =	sst s7  }
0x10: {  	[smem:$0x3FB3] =	sst s8  }
0x11: {  	[smem:$0x3FB4] =	sst s9;
	s0 =	simm.s32 @!p0 $0x0  }
0x12: {  	s1 =	sld [smem:$0x3F9A];
	s0 =	simm.s32 @p0 $0x1  }
0x13: {  	[smem:$0x3FB5] =	sst s0;
	s0 =	simm.s32 @!p1 $0x0  }
0x14: {  	s2 =	sld [smem:$0x3F99];
	s0 =	simm.s32 @p1 $0x1  }
0x15: {  	[smem:$0x3FB6] =	sst s0;
	s0 =	simm.s32 @!p2 $0x0  }
0x16: {  	s3 =	sld [smem:$0x3FDB];
	s0 =	simm.s32 @p2 $0x1  }
0x17: {  	s4 =	simm.s32 $0x1BF5;
	[smem:$0x3FB8] =	sst s0  }
0x18: {  	s0 =	sld [smem:$0x3F9B];
	_ =	swait.ge [sflag:s4], $0x0  }
0x19: {  	s7 =	sld [smem:$0x3F9C]  }
0x1a: {  	s8 =	sadd.s32 $0xFFFFE003, lr  }
0x1b: {  	s9 =	sadd.s32 $0xFFFFFEF7, lr;
	s5 =	simm.s32 $0xFFFFFFFF;
	p2 =	slt.u32 s8, $0xFFFFF086  }
0x1c: {  	p1 =	slt.u32 s9, $0xF7A;
	s5 =	simm.s32 @!p2 $0x0  }
0x1d: {  	s5 =	simm.s32 @p1 $0x1;
	p0 =	seq.s32 s7, s2  }
0x1e: {  	s7 =	smul.u32 @!p0 $0xF7A, s2;
	p2 =	seq.s32 @!p0 s5, $0x0  }
0x1f: {  	s9 =	smul.u32 $0xF7A, s1;
	s8 =	simm.s32 @!p0 $0x1BF5;
	p2 =	por !p2, p0  }
0x20: {  	[sflag:s8] =	ssyncset.s32 @!p0 $0xFFFFF086;
	s6 =	sadd.s32 @!p0 s3, s7;
	s7 =	simm.s32 @!p0 $0x108  }
0x21: {  	s3 =	sadd.s32 s3, s9;
	s6 =	sadd.s32 @!p0 $0x88, s6;
	s7 =	simm.s32 @p2 $0x1082  }
0x22: {  	[simem:s7], [sflag:s8] =	dma.local @!p0 [hbm:s6], $0xF7A  }
0x23: {  	s9 =	sor.u32 $0xD0000000, s2;
	s6 =	simm.s32 $0x108;
	_ =	swait.ge @!p0 [sflag:s8], $0x0  }
0x24: {  	s3 =	sadd.s32 $0x88, s3;
	s6 =	simm.s32 @!p1 $0x1082;
	[sflag:s4] =	ssyncset.s32 $0xFFFFF086  }
0x25: {  	[simem:s6], [sflag:s4] =	dma.local [hbm:s3], $0xF7A  }
0x26: {  	[smem:$0x3F9C] =	sst s1;
	(tag) =	ssettag s2;
	_ =	strace s9  }
0x27: {  	s1 =	sld [smem:$0x3FAC]  }
0x28: {  	s2 =	sld [smem:$0x3FAD]  }
0x29: {  	s4 =	sld [smem:$0x3FAF]  }
0x2a: {  	p0 =	seq.s32 s5, $0x0;
	s5 =	sld [smem:$0x3FB0]  }
0x2b: {  	s6 =	sld [smem:$0x3FB1]  }
0x2c: {  	s7 =	sld [smem:$0x3FB2]  }
0x2d: {  	s3 =	simm.s32 $0x108;
	s8 =	sld [smem:$0x3FB3]  }
0x2e: {  	s3 =	simm.s32 @!p0 $0x1082;
	s9 =	sld [smem:$0x3FB4]  }
0x2f: {  	lr =	sadd.s32 s0, s3;
	s0 =	sld [smem:$0x3FAB]  }
0x30: {  	s3 =	sld [smem:$0x3FAE]  }
0x31: {  	[smem:$0x3FB7] =	sst s10  }
0x32: {  	s10 =	sld [smem:$0x3FB5];
	_ =	sdelay $0x3  }
0x33: {  	p0 =	seq.s32 s10, $0x1;
	s10 =	sld [smem:$0x3FB7];
	_ =	sdelay $0x3  }
0x34: {  	[smem:$0x3FB7] =	sst s10  }
0x35: {  	s10 =	sld [smem:$0x3FB6];
	_ =	sdelay $0x3  }
0x36: {  	p1 =	seq.s32 s10, $0x1;
	s10 =	sld [smem:$0x3FB7];
	_ =	sdelay $0x3  }
0x37: {  	[smem:$0x3FB7] =	sst s10  }
0x38: {  	s10 =	sld [smem:$0x3FB8]  }
0x39: {  	_ = 	snop;
	(pc) =	sbr.ind lr, $3  }
0x3a: {  	_ = 	snop  }
0x3b: {  	_ = 	snop  }
0x3c: {  	p2 =	seq.s32 s10, $0x1;
	s10 =	sld [smem:$0x3FB7]  }
0x3d: {  	_ =	shalt  }
0x3e: {  	_ =	shalt  }
0x3f: {  	_ =	shalt  }
0x40: {  	_ =	shalt  }
0x41: {  	_ =	shalt  }
0x42: {  	_ =	shalt  }
0x43: {  	_ =	shalt  }
0x44: {  	_ =	shalt  }
0x45: {  	_ =	shalt  }
0x46: {  	_ =	shalt  }
0x47: {  	_ =	shalt  }
0x48: {  	_ =	shalt  }
0x49: {  	_ =	shalt  }
0x4a: {  	_ =	shalt  }
0x4b: {  	_ =	shalt  }
0x4c: {  	_ =	shalt  }
0x4d: {  	_ =	shalt  }
0x4e: {  	_ =	shalt  }
0x4f: {  	_ =	shalt  }
0x50: {  	_ =	shalt  }
0x51: {  	_ =	shalt  }
0x52: {  	_ =	shalt  }
0x53: {  	_ =	shalt  }
0x54: {  	_ =	shalt  }
0x55: {  	_ =	shalt  }
0x56: {  	_ =	shalt  }
0x57: {  	_ =	shalt  }
0x58: {  	_ =	shalt  }
0x59: {  	_ =	shalt  }
0x5a: {  	_ =	shalt  }
0x5b: {  	_ =	shalt  }
0x5c: {  	_ =	shalt  }
0x5d: {  	_ =	shalt  }
0x5e: {  	_ =	shalt  }
0x5f: {  	_ =	shalt  }
0x60: {  	_ =	shalt  }
0x61: {  	_ =	shalt  }
0x62: {  	_ =	shalt  }
0x63: {  	_ =	shalt  }
0x64: {  	_ =	shalt  }
0x65: {  	_ =	shalt  }
0x66: {  	_ =	shalt  }
0x67: {  	_ =	shalt  }
0x68: {  	_ =	shalt  }
0x69: {  	_ =	shalt  }
0x6a: {  	_ =	shalt  }
0x6b: {  	_ =	shalt  }
0x6c: {  	_ =	shalt  }
0x6d: {  	_ =	shalt  }
0x6e: {  	_ =	shalt  }
0x6f: {  	_ =	shalt  }
0x70: {  	_ =	shalt  }
0x71: {  	_ =	shalt  }
0x72: {  	_ =	shalt  }
0x73: {  	_ =	shalt  }
0x74: {  	_ =	shalt  }
0x75: {  	_ =	shalt  }
0x76: {  	_ =	shalt  }
0x77: {  	_ =	shalt  }
0x78: {  	_ =	shalt  }
0x79: {  	_ =	shalt  }
0x7a: {  	_ =	shalt  }
0x7b: {  	_ =	shalt  }
0x7c: {  	_ =	shalt  }
0x7d: {  	_ =	shalt  }
0x7e: {  	_ =	shalt  }
0x7f: {  	_ =	shalt  }
0x80: {  	_ =	shalt  }
0x81: {  	_ =	shalt  }
0x82: {  	_ =	shalt  }
0x83: {  	_ =	shalt  }
0x84: {  	_ =	shalt  }
0x85: {  	_ =	shalt  }
0x86: {  	_ =	shalt  }
0x87: {  	_ =	shalt  }
.Lfunc_end0:
.L_simem_size_0:
called_computation.1_lowered:
.L_overlay_start_0:
0x88: {  	s2 =	sld [smem:$0x3FD9]  }
0x89: {  	s3 =	sld [smem:$0x3FFE];
	_ =	sdelay $0x1  }
0x8a: {  	s1 =	srdreg.scid  }
0x8b: {  	s0 =	sand.u32 $0x1, s1  }
0x8c: {  	s17 =	sshll.u32 s0, $0xA;
	s2 =	sadd.s32 s3, s2  }
0x8d: {  	s2 =	sadd.s32 s2, s17  }
0x8e: {  	[smem:$0x3FC3] =	sst s2  }
0x8f: {  	_ = 	snop  }
0x90: {  	s2 =	sld [smem:$0x3FC5]  }
0x91: {  	s18 =	sld [smem:$0x3FD0];
	(tm) =	ssettm $0x1  }
0x92: {  	s4 =	sld [smem:$0x3FFB];
	_ =	sdelay $0x3  }
0x93: {  	_ =	strace s4  }
0x94: {  	s4 =	sld [smem:$0x3FFC];
	_ =	sdelay $0x3  }
0x95: {  	_ =	strace s4  }
0x96: {  	s4 =	sld [smem:$0x3FFD];
	_ =	sdelay $0x3  }
0x97: {  	_ =	strace s4  }
0x98: {  	_ =	strace $0x8FFFFFFF  }
0x99: {  	s19 =	sld [smem:$0x3FDB];
	_ =	sdelay $0x1  }
0x9a: {  	s5 =	simm.s32 $_scs_section_size  }
0x9b: {  	s6 =	simm.s32 $_size__tile_overlayer_lowered;
	s7 =	simm.s32 $_tile_overlayer_lowered  }
0x9c: {  	s22 =	simm.s32 $0x1BFF;
	s21 =	sshll.u32 s7, $0x1;
	s4 =	sadd.s32 s5, s19  }
0x9d: {  	s8 =	simm.s32 $0x0;
	s20 =	sshll.u32 s6, $0x1;
	s6 =	sadd.s32 s21, s4  }
0x9e: {  	[timem:s8], [sflag:s22] =	dma.local [hbm:s6], s20  }
0x9f: {  	_ =	swait.ge [sflag:s22], s20  }
0xa0: {  	s5 =	ssub.s32 $0x0, s20;
	[sflag:s22] =	ssyncset.done $0x0  }
0xa1: {  	[sflag:s22] =	ssyncadd.s32 s5;
	_ =	sdelay $0x1  }
0xa2: {  	s23 =	simm.s32 $0x1B8B  }
0xa3: {  	_ =	swait.ge [sflag:s23], $0x1  }
0xa4: {  	[sflag:s23] =	ssyncset.done $0x0  }
0xa5: {  	s25 =	simm.s32 $0x1B8E;
	s24 =	sld [smem:$0x3FFE];
	[sflag:s23] =	ssyncadd.s32 $0xFFFFFFFF  }
0xa6: {  	s26 =	simm.s32 $execute0_lowered;
	[smem:$0x3FD2] =	sst s25  }
0xa7: {  	s6 =	sshll.u32 s26, $0x1;
	_ =	strace $0x80000049;
	[dreg:$0x1] =	wrdreg $0xFFFFFFFF  }
0xa8: {  	s28 =	simm.s32 $_size_execute0_lowered;
	s4 =	sadd.s32 s4, s6;
	[dreg:$0x0] =	wrdreg $0x0  }
0xa9: {  	s6 =	sshll.u32 s28, $0x1;
	[dreg:$0x2] =	wrdreg s4  }
0xaa: {  	[dreg:$0x3] =	wrdreg s6  }
0xab: {  	[dreg:$0x4] =	wrdreg $0xC0  }
0xac: {  	_ =	task [dreg:s8], $0x5FFFF  }
0xad: {  	[dreg:$0x1] =	wrdreg $0xFFFFFFFF  }
0xae: {  	[dreg:$0x0] =	wrdreg $0x60  }
0xaf: {  	[dreg:$0x2] =	wrdreg s24  }
0xb0: {  	[dreg:$0x3] =	wrdreg s2  }
0xb1: {  	[dreg:$0x4] =	wrdreg s18  }
0xb2: {  	[dreg:$0x5] =	wrdreg $0xC9800  }
0xb3: {  	[dreg:$0x6] =	wrdreg $0x9  }
0xb4: {  	_ =	task.clear_ibuf [dreg:s8], $0x7FFFF;
	_ =	strace $0x90000049  }
0xb5: {  	s29 =	simm.s32 $0x9;
	_ =	strace $0x8000004B  }
0xb6: {  	_ =	swait.ge [sflag:s29], $0x1  }
0xb7: {  	[sflag:s29] =	ssyncadd.s32 $0xFFFFFFFF  }
0xb8: {  	_ =	strace $0x9000004B  }
0xb9: {  	_ =	sfence  }
0xba: {  	s30 =	sld [smem:$0x0];
	_ =	sdelay $0x2  }
0xbb: {  	s31 =	sshll.u32 s1, $0xD;
	s1 =	sshrl.u32 s1, $0x2  }
0xbc: {  	s3 =	sand.u32 $0x4000, s31;
	s1 =	sadd.s32 s1, s30  }
0xbd: {  	s0 =	sor.u32 s3, s0;
	s1 =	sshll.u32 s1, $0x11  }
0xbe: {  	s0 =	sor.u32 s1, s0  }
0xbf: {  	s0 =	sadd.s32 $0x8F2B, s0  }
0xc0: {  	[sflag:s0] =	ssyncadd.remote.s32 $0x1  }
0xc1: {  	_ =	sfence.sel $0xFFFF  }
0xc2: {  	[dreg:$0x0] =	wrdreg $0xFFFFFFFF;
	(pc) =	sbr.abs _section_cstart, $3  }
0xc3: {  	[dreg:$0x1] =	wrdreg $0xFFFFFFFF  }
0xc4: {  	_ =	task.clear_ibuf [dreg:s8], $0x2FFFF;
	_ =	strace $0x9FFFFFFF  }
0xc5: {  	(tm) =	ssettm $0x7FFFFFFF  }
tec
execute0_lowered:
.L_overlay_start_1:
0x0: {  	(tag) =	ssettag $0x1  }
0x1: {  	s0 =	srdreg.scid  }
0x2: {  	s0 =	sand.u32 $0x1, s0  }
0x3: {  	s1 =	rddreg [dreg:$0x0];
	s17 =	stileid.u32;
	s6 =	sshll.u32 s0, $0x4  }
0x4: {  	s4 =	rddreg [dreg:$0x1];
	s6 =	sor.u32 s17, s6  }
0x5: {  	s5 =	rddreg [dreg:$0x2];
	s3 =	simm.s32 $0x0;
	s7 =	smul.u32 $0x140, s6  }
0x6: {  	[smem:$0x7FF] =	sst s3;
	s10 =	smul.u32 $0xA000, s6  }
0x7: {  	s2 =	rddreg [dreg:$0x3];
	_ =	strace $0x8000004A;
	s9 =	smul.u32 $0x1400, s6  }
0x8: {  	s8 =	ssub.s32 $0x2, s0;
	s14 =	sshrl.u32 s7, $0x3;
	s10 =	sshrl.u32 s10, $0x3  }
0x9: {  	s18 =	sor.u32 $0x280, s9;
	s0 =	sadd.s32 s14, s1;
	s20 =	sadd.s32 $0x500, s10  }
0xa: {  	s21 =	sadd.s32 $0x780, s10;
	s13 =	sadd.s32 $0xA00, s10;
	s23 =	sadd.s32 $0xC80, s10  }
0xb: {  	s24 =	sadd.s32 $0xF00, s10;
	s26 =	sadd.s32 $0x1180, s10;
	s10 =	sadd.s32 s5, s18  }
0xc: {  	s1 =	sadd.s32 $0xB000, s1;
	s16 =	sadd.s32 $0x1000, s0;
	[dreg:$0x10] =	wrdreg s10  }
0xd: {  	s11 =	sadd.s32 s1, s9;
	[dreg:$0x5] =	wrdreg s16  }
0xe: {  	s19 =	sadd.s32 s1, s18;
	[dreg:$0x6] =	wrdreg s11  }
0xf: {  	s12 =	sadd.s32 s1, s20;
	[dreg:$0x7] =	wrdreg s19  }
0x10: {  	s14 =	sadd.s32 s1, s21;
	[dreg:$0x8] =	wrdreg s12  }
0x11: {  	s15 =	sshrl.u32 s8, $0x1;
	s22 =	sadd.s32 s1, s13;
	[dreg:$0x9] =	wrdreg s14  }
0x12: {  	s7 =	ssub.s32 s8, s15;
	s15 =	sadd.s32 s1, s23;
	[dreg:$0xa] =	wrdreg s22  }
0x13: {  	s25 =	sadd.s32 s1, s24;
	[dreg:$0xb] =	wrdreg s15  }
0x14: {  	s1 =	sadd.s32 s1, s26;
	[dreg:$0xd] =	wrdreg s25  }
0x15: {  	s9 =	sadd.s32 s5, s9;
	[dreg:$0xe] =	wrdreg s1  }
0x16: {  	s18 =	sadd.s32 s5, s13;
	[dreg:$0xf] =	wrdreg s9  }
0x17: {  	p0 =	seq.s32 s6, $0x1F;
	s6 =	sadd.s32 $0x2E00, s0;
	[dreg:$0x13] =	wrdreg s18  }
0x18: {  	s8 =	sadd.s32 $0x3300, s0;
	[dreg:$0x1c] =	wrdreg s6  }
0x19: {  	s10 =	sadd.s32 $0x3D00, s0;
	[dreg:$0x1d] =	wrdreg s8  }
0x1a: {  	s13 =	sadd.s32 $0x4C00, s0;
	[dreg:$0x1f] =	wrdreg s10  }
0x1b: {  	s11 =	sadd.s32 s5, s20;
	[smem:$0x7F0] =	sst s13  }
0x1c: {  	s19 =	sadd.s32 s5, s23;
	[dreg:$0x11] =	wrdreg s11  }
0x1d: {  	s20 =	sadd.s32 s5, s24;
	[dreg:$0x14] =	wrdreg s19  }
0x1e: {  	s22 =	sadd.s32 $0x1500, s0;
	[dreg:$0x15] =	wrdreg s20  }
0x1f: {  	s24 =	sadd.s32 $0x1A00, s0;
	[dreg:$0x17] =	wrdreg s22  }
0x20: {  	s25 =	sadd.s32 $0x1F00, s0;
	[dreg:$0x18] =	wrdreg s24  }
0x21: {  	s9 =	sadd.s32 $0x3800, s0;
	[dreg:$0x19] =	wrdreg s25  }
0x22: {  	s12 =	sadd.s32 $0x4700, s0;
	[dreg:$0x1e] =	wrdreg s9  }
0x23: {  	s14 =	sadd.s32 $0x5100, s0;
	[smem:$0x7EF] =	sst s12  }
0x24: {  	s16 =	sshll.u32 s17, $0x9;
	s15 =	sadd.s32 $0x5600, s0;
	[smem:$0x7F1] =	sst s14  }
0x25: {  	s23 =	sshll.u32 s17, $0xC;
	s17 =	sadd.s32 $0x6000, s0;
	[smem:$0x7F2] =	sst s15  }
0x26: {  	s28 =	simm.s32 $0x2980;
	s18 =	sadd.s32 $0x6500, s0;
	[smem:$0x7F4] =	sst s17  }
0x27: {  	s29 =	simm.s32 $0x3D80;
	s4 =	sadd.s32 s4, s16;
	[smem:$0x7F5] =	sst s18  }
0x28: {  	s30 =	simm.s32 $0xB;
	s16 =	sadd.s32 s5, s21;
	[dreg:$0xc] =	wrdreg s4  }
0x29: {  	s31 =	simm.s32 $0x1;
	s21 =	sadd.s32 s5, s26;
	[dreg:$0x12] =	wrdreg s16  }
0x2a: {  	s13 =	sadd.s32 $0x9700, s0;
	s26 =	sadd.s32 $0x2400, s0;
	[dreg:$0x16] =	wrdreg s21  }
0x2b: {  	s6 =	simm.s32 $0xA;
	s5 =	sadd.s32 $0x2900, s0;
	[dreg:$0x1a] =	wrdreg s26  }
0x2c: {  	s1 =	sadd.s32 s23, s2;
	s11 =	sadd.s32 $0x4200, s0;
	[dreg:$0x1b] =	wrdreg s5  }
0x2d: {  	s19 =	sadd.s32 $0x6A00, s0;
	s20 =	sadd.s32 $0x6F00, s0;
	[smem:$0x7EE] =	sst s11  }
0x2e: {  	s22 =	sadd.s32 $0x7900, s0;
	s23 =	sadd.s32 $0x7E00, s0;
	[smem:$0x7F6] =	sst s19  }
0x2f: {  	s24 =	sadd.s32 $0x8300, s0;
	s25 =	sadd.s32 $0x8800, s0;
	[smem:$0x7F7] =	sst s20  }
0x30: {  	s12 =	sadd.s32 $0x9200, s0;
	s14 =	sadd.s32 $0x9C00, s0;
	[smem:$0x7F9] =	sst s22  }
0x31: {  	s15 =	sadd.s32 $0xA100, s0;
	s17 =	simm.s32 $0x2800;
	[smem:$0x7FA] =	sst s23  }
0x32: {  	s18 =	simm.s32 $0x4;
	s16 =	sadd.s32 $0x5B00, s0;
	[smem:$0x7FB] =	sst s24  }
0x33: {  	s21 =	sadd.s32 $0x7400, s0;
	[smem:$0x7FC] =	sst s25;
	s26 =	sadd.s32 $0x8D00, s0  }
0x34: {  	s22 =	sadd.s32 $0xA600, s0;
	s23 =	sadd.s32 $0xAB00, s0;
	s24 =	smax.u32 s7, $0x1  }
.Ltmp0:
0x35: {  	s25 =	sshrl.u32 s1, $0x3;
	s0 =	simm.s32 $0x3;
	(pc) =	sbr.rel .LBB2_1-.Ltmp0, $4  }
0x36: {  	s19 =	simm.s32 $0x2;
	s20 =	simm.s32 $0x5;
	[smem:$0x7F3] =	sst s16  }
0x37: {  	s1 =	simm.s32 $0x7;
	s4 =	simm.s32 $0x8;
	[smem:$0x7F8] =	sst s21  }
0x38: {  	s5 =	simm.s32 $0x9;
	s7 =	simm.s32 $0x0;
	[smem:$0x7FD] =	sst s26  }
0x39: {  	s26 =	simm.s32 $0x1540;
	s16 =	simm.s32 $0x28;
	s21 =	simm.s32 $0x6  }
.LBB2_5:
0x3a: {  	_ =	swait.ge [sflag:s18], $0x1400  }
0x3b: {  	[sflag:s18] =	ssyncset.done $0x0  }
0x3c: {  	s8 =	rddreg [dreg:$0x10];
	[sflag:s18] =	ssyncadd.s32 $0xFFFFEC00  }
0x3d: {  	[hbm4b:s8+s3] =	stream.linear.scatter [tilespmem:s29], [sflag:$0x2], $0x1400, $0x38;
	[tilespmem:$0xD980] =	vst v63  }
.LBB2_6:
0x3e: {  	s7 =	sadd.s32 $0x1, s7  }
0x3f: {  	_ =	swait.ge [sflag:s19], $0x1400;
	p1 =	sne.s32 s7, s24  }
.Ltmp1:
0x40: {  	[sflag:s19] =	ssyncset.done $0x0;
	(pc) =	sbr.rel @!p1 .LBB2_7-.Ltmp1, $4  }
0x41: {  	[sflag:s19] =	ssyncadd.s32 $0xFFFFEC00  }
0x42: {  	_ =	swait.ge [sflag:s19], $0x1400  }
0x43: {  	[sflag:s19] =	ssyncset.done $0x0  }
0x44: {  	[sflag:s19] =	ssyncadd.s32 $0xFFFFEC00  }
.LBB2_1:
0x45: {  	s8 =	rddreg [dreg:$0x5]  }
0x46: {  	[tilespmem:s3], [sflag:$0x1] =	stream.linear.gather [hbm4b:s8+s3], $0x140, $0x38;
	[tilespmem:$0xD980] =	vst v63  }
0x47: {  	s11 =	rddreg [dreg:$0x17];
	s9 =	simm.s32 $0x140  }
0x48: {  	[tilespmem:s9], [sflag:$0x1] =	stream.linear.gather [hbm4b:s11+s3], $0x140, $0x38;
	[tilespmem:$0xD980] =	vst v63  }
0x49: {  	s10 =	rddreg [dreg:$0x18];
	s11 =	simm.s32 $0x280  }
0x4a: {  	[tilespmem:s11], [sflag:$0x1] =	stream.linear.gather [hbm4b:s10+s3], $0x140, $0x38;
	[tilespmem:$0xD980] =	vst v63  }
0x4b: {  	s10 =	rddreg [dreg:$0x19];
	s11 =	simm.s32 $0x3C0  }
0x4c: {  	[tilespmem:s11], [sflag:$0x1] =	stream.linear.gather [hbm4b:s10+s3], $0x140, $0x38;
	[tilespmem:$0xD980] =	vst v63  }
0x4d: {  	s10 =	rddreg [dreg:$0x1a];
	s11 =	simm.s32 $0x500  }
0x4e: {  	[tilespmem:s11], [sflag:$0x1] =	stream.linear.gather [hbm4b:s10+s3], $0x140, $0x38;
	[tilespmem:$0xD980] =	vst v63  }
0x4f: {  	s10 =	rddreg [dreg:$0x1b];
	s11 =	simm.s32 $0x640  }
0x50: {  	[tilespmem:s11], [sflag:$0x1] =	stream.linear.gather [hbm4b:s10+s3], $0x140, $0x38;
	[tilespmem:$0xD980] =	vst v63  }
0x51: {  	s10 =	rddreg [dreg:$0x1c];
	s11 =	simm.s32 $0x780  }
0x52: {  	[tilespmem:s11], [sflag:$0x1] =	stream.linear.gather [hbm4b:s10+s3], $0x140, $0x38;
	[tilespmem:$0xD980] =	vst v63  }
0x53: {  	s10 =	rddreg [dreg:$0x1d];
	s11 =	simm.s32 $0x8C0  }
0x54: {  	[tilespmem:s11], [sflag:$0x1] =	stream.linear.gather [hbm4b:s10+s3], $0x140, $0x38;
	[tilespmem:$0xD980] =	vst v63  }
0x55: {  	s10 =	rddreg [dreg:$0x1e];
	s11 =	simm.s32 $0xA00  }
0x56: {  	[tilespmem:s11], [sflag:$0x1] =	stream.linear.gather [hbm4b:s10+s3], $0x140, $0x38;
	[tilespmem:$0xD980] =	vst v63  }
0x57: {  	s10 =	rddreg [dreg:$0x1f];
	s11 =	simm.s32 $0xB40  }
0x58: {  	[tilespmem:s11], [sflag:$0x1] =	stream.linear.gather [hbm4b:s10+s3], $0x140, $0x38;
	[tilespmem:$0xD980] =	vst v63  }
0x59: {  	s10 =	sld [smem:$0x7EE];
	_ =	sdelay $0x1  }
0x5a: {  	s11 =	simm.s32 $0xC80  }
0x5b: {  	[tilespmem:s11], [sflag:$0x1] =	stream.linear.gather [hbm4b:s10+s3], $0x140, $0x38;
	[tilespmem:$0xD980] =	vst v63  }
0x5c: {  	s10 =	sld [smem:$0x7EF];
	_ =	sdelay $0x1  }
0x5d: {  	s11 =	simm.s32 $0xDC0  }
0x5e: {  	[tilespmem:s11], [sflag:$0x1] =	stream.linear.gather [hbm4b:s10+s3], $0x140, $0x38;
	[tilespmem:$0xD980] =	vst v63  }
0x5f: {  	s10 =	sld [smem:$0x7F0];
	_ =	sdelay $0x1  }
0x60: {  	s11 =	simm.s32 $0xF00  }
0x61: {  	[tilespmem:s11], [sflag:$0x1] =	stream.linear.gather [hbm4b:s10+s3], $0x140, $0x38;
	[tilespmem:$0xD980] =	vst v63  }
0x62: {  	s10 =	sld [smem:$0x7F1];
	_ =	sdelay $0x1  }
0x63: {  	s11 =	simm.s32 $0x1040  }
0x64: {  	[tilespmem:s11], [sflag:$0x1] =	stream.linear.gather [hbm4b:s10+s3], $0x140, $0x38;
	[tilespmem:$0xD980] =	vst v63  }
0x65: {  	s10 =	sld [smem:$0x7F2];
	_ =	sdelay $0x1  }
0x66: {  	s11 =	simm.s32 $0x1180  }
0x67: {  	[tilespmem:s11], [sflag:$0x1] =	stream.linear.gather [hbm4b:s10+s3], $0x140, $0x38;
	[tilespmem:$0xD980] =	vst v63  }
0x68: {  	s10 =	sld [smem:$0x7F3];
	_ =	sdelay $0x1  }
0x69: {  	s11 =	simm.s32 $0x12C0  }
0x6a: {  	[tilespmem:s11], [sflag:$0x1] =	stream.linear.gather [hbm4b:s10+s3], $0x140, $0x38;
	[tilespmem:$0xD980] =	vst v63  }
0x6b: {  	s10 =	sld [smem:$0x7F4];
	_ =	sdelay $0x1  }
0x6c: {  	s9 =	sld [smem:$0x7F5];
	s11 =	simm.s32 $0x1400  }
0x6d: {  	[tilespmem:s11], [sflag:$0x1] =	stream.linear.gather [hbm4b:s10+s3], $0x140, $0x38;
	[tilespmem:$0xD980] =	vst v63  }
0x6e: {  	s10 =	sld [smem:$0x7F6]  }
0x6f: {  	[tilespmem:s26], [sflag:$0x1] =	stream.linear.gather [hbm4b:s9+s3], $0x140, $0x38;
	[tilespmem:$0xD980] =	vst v63  }
0x70: {  	s11 =	simm.s32 $0x1680  }
0x71: {  	[tilespmem:s11], [sflag:$0x1] =	stream.linear.gather [hbm4b:s10+s3], $0x140, $0x38;
	[tilespmem:$0xD980] =	vst v63  }
0x72: {  	s10 =	sld [smem:$0x7F7];
	_ =	sdelay $0x1  }
0x73: {  	s11 =	simm.s32 $0x17C0  }
0x74: {  	[tilespmem:s11], [sflag:$0x1] =	stream.linear.gather [hbm4b:s10+s3], $0x140, $0x38;
	[tilespmem:$0xD980] =	vst v63  }
0x75: {  	s10 =	sld [smem:$0x7F8];
	_ =	sdelay $0x1  }
0x76: {  	s11 =	simm.s32 $0x1900  }
0x77: {  	[tilespmem:s11], [sflag:$0x1] =	stream.linear.gather [hbm4b:s10+s3], $0x140, $0x38;
	[tilespmem:$0xD980] =	vst v63  }
0x78: {  	s10 =	sld [smem:$0x7F9];
	_ =	sdelay $0x1  }
0x79: {  	s11 =	simm.s32 $0x1A40  }
0x7a: {  	[tilespmem:s11], [sflag:$0x1] =	stream.linear.gather [hbm4b:s10+s3], $0x140, $0x38;
	[tilespmem:$0xD980] =	vst v63  }
0x7b: {  	s10 =	sld [smem:$0x7FA];
	_ =	sdelay $0x1  }
0x7c: {  	s11 =	simm.s32 $0x1B80  }
0x7d: {  	[tilespmem:s11], [sflag:$0x1] =	stream.linear.gather [hbm4b:s10+s3], $0x140, $0x38;
	[tilespmem:$0xD980] =	vst v63  }
0x7e: {  	s10 =	sld [smem:$0x7FB];
	_ =	sdelay $0x1  }
0x7f: {  	s11 =	simm.s32 $0x1CC0  }
0x80: {  	[tilespmem:s11], [sflag:$0x1] =	stream.linear.gather [hbm4b:s10+s3], $0x140, $0x38;
	[tilespmem:$0xD980] =	vst v63  }
0x81: {  	s10 =	sld [smem:$0x7FC];
	_ =	sdelay $0x1  }
0x82: {  	s9 =	sld [smem:$0x7FD];
	s11 =	simm.s32 $0x1E00  }
0x83: {  	[tilespmem:s11], [sflag:$0x1] =	stream.linear.gather [hbm4b:s10+s3], $0x140, $0x38;
	[tilespmem:$0xD980] =	vst v63  }
0x84: {  	s10 =	simm.s32 $0x1F40  }
0x85: {  	[tilespmem:s10], [sflag:$0x1] =	stream.linear.gather [hbm4b:s9+s3], $0x140, $0x38;
	[tilespmem:$0xD980] =	vst v63  }
0x86: {  	s11 =	simm.s32 $0x2080  }
0x87: {  	[tilespmem:s11], [sflag:$0x1] =	stream.linear.gather [hbm4b:s12+s3], $0x140, $0x38;
	[tilespmem:$0xD980] =	vst v63  }
0x88: {  	s9 =	simm.s32 $0x21C0  }
0x89: {  	[tilespmem:s9], [sflag:$0x1] =	stream.linear.gather [hbm4b:s13+s3], $0x140, $0x38;
	[tilespmem:$0xD980] =	vst v63  }
0x8a: {  	s10 =	simm.s32 $0x2300  }
0x8b: {  	[tilespmem:s10], [sflag:$0x1] =	stream.linear.gather [hbm4b:s14+s3], $0x140, $0x38;
	[tilespmem:$0xD980] =	vst v63  }
0x8c: {  	s11 =	simm.s32 $0x2440  }
0x8d: {  	[tilespmem:s11], [sflag:$0x1] =	stream.linear.gather [hbm4b:s15+s3], $0x140, $0x38;
	[tilespmem:$0xD980] =	vst v63  }
0x8e: {  	s9 =	simm.s32 $0x2580  }
0x8f: {  	[tilespmem:s9], [sflag:$0x1] =	stream.linear.gather [hbm4b:s22+s3], $0x140, $0x38;
	[tilespmem:$0xD980] =	vst v63  }
0x90: {  	s10 =	simm.s32 $0x26C0  }
0x91: {  	[tilespmem:s10], [sflag:$0x1] =	stream.linear.gather [hbm4b:s23+s3], $0x140, $0x38;
	[tilespmem:$0xD980] =	vst v63  }
0x92: {  	s11 =	rddreg [dreg:$0x6]  }
0x93: {  	[tilespmem:s28], [sflag:$0x3] =	stream.linear.gather [hbm4b:s11+s3], $0x1400, $0x38;
	[tilespmem:$0xD980] =	vst v63  }
0x94: {  	s9 =	rddreg [dreg:$0x7]  }
0x95: {  	[tilespmem:s29], [sflag:$0x4] =	stream.linear.gather [hbm4b:s9+s3], $0x1400, $0x38;
	[tilespmem:$0xD980] =	vst v63  }
0x96: {  	s8 =	simm.s32 @!p0 $0x0;
	s10 =	rddreg [dreg:$0x8];
	s9 =	simm.s32 @!p0 $0x5180  }
0x97: {  	[tilespmem:s9], [sflag:$0x5] =	stream.linear.gather @!p0 [hbm4b:s10+s8], $0x1400, $0x38;
	[tilespmem:$0xD980] =	vst v63  }
0x98: {  	s9 =	simm.s32 @!p0 $0x6580;
	s10 =	rddreg [dreg:$0x9]  }
0x99: {  	[tilespmem:s9], [sflag:$0x6] =	stream.linear.gather @!p0 [hbm4b:s10+s8], $0x1400, $0x38;
	[tilespmem:$0xD980] =	vst v63  }
0x9a: {  	s9 =	simm.s32 @!p0 $0x7980;
	s10 =	rddreg [dreg:$0xa]  }
0x9b: {  	[tilespmem:s9], [sflag:$0x7] =	stream.linear.gather @!p0 [hbm4b:s10+s8], $0x1400, $0x38;
	[tilespmem:$0xD980] =	vst v63  }
0x9c: {  	s9 =	simm.s32 @!p0 $0x8D80;
	s10 =	rddreg [dreg:$0xb]  }
0x9d: {  	[tilespmem:s9], [sflag:$0x8] =	stream.linear.gather @!p0 [hbm4b:s10+s8], $0x1400, $0x38;
	[tilespmem:$0xD980] =	vst v63  }
0x9e: {  	s9 =	simm.s32 @!p0 $0xA180;
	s10 =	rddreg [dreg:$0xd]  }
0x9f: {  	[tilespmem:s9], [sflag:$0x9] =	stream.linear.gather @!p0 [hbm4b:s10+s8], $0x1400, $0x38;
	[tilespmem:$0xD980] =	vst v63  }
0xa0: {  	s9 =	simm.s32 @!p0 $0xB580;
	s10 =	rddreg [dreg:$0xe]  }
0xa1: {  	[tilespmem:s9], [sflag:$0xA] =	stream.linear.gather @!p0 [hbm4b:s10+s8], $0x1400, $0x38;
	[tilespmem:$0xD980] =	vst v63  }
0xa2: {  	s10 =	stileid.u32  }
0xa3: {  	s8 =	sshll.u32 s10, $0x6  }
0xa4: {  	s11 =	rddreg [dreg:$0xc];
	s8 =	sor.u32 $0x1C0B, s8  }
0xa5: {  	[spmem:s25], [sflag:s8] =	dma.local [hbm:s11], $0x200  }
0xa6: {  	_ =	swait.ge [sflag:s30], $0x200  }
0xa7: {  	[sflag:s30] =	ssyncset.done $0x0  }
0xa8: {  	[sflag:s30] =	ssyncadd.s32 $0xFFFFFE00  }
0xa9: {  	_ =	swait.ge [sflag:s31], $0x140  }
0xaa: {  	[sflag:s31] =	ssyncset.done $0x0  }
0xab: {  	[sflag:s31] =	ssyncadd.s32 $0xFFFFFEC0  }
0xac: {  	_ =	swait.ge [sflag:s31], $0x140  }
0xad: {  	[sflag:s31] =	ssyncset.done $0x0  }
0xae: {  	[sflag:s31] =	ssyncadd.s32 $0xFFFFFEC0  }
0xaf: {  	_ =	swait.ge [sflag:s31], $0x140  }
0xb0: {  	[sflag:s31] =	ssyncset.done $0x0  }
0xb1: {  	[sflag:s31] =	ssyncadd.s32 $0xFFFFFEC0  }
0xb2: {  	_ =	swait.ge [sflag:s31], $0x140  }
0xb3: {  	[sflag:s31] =	ssyncset.done $0x0  }
0xb4: {  	[sflag:s31] =	ssyncadd.s32 $0xFFFFFEC0  }
0xb5: {  	_ =	swait.ge [sflag:s31], $0x140  }
0xb6: {  	[sflag:s31] =	ssyncset.done $0x0  }
0xb7: {  	[sflag:s31] =	ssyncadd.s32 $0xFFFFFEC0  }
0xb8: {  	_ =	swait.ge [sflag:s31], $0x140  }
0xb9: {  	[sflag:s31] =	ssyncset.done $0x0  }
0xba: {  	[sflag:s31] =	ssyncadd.s32 $0xFFFFFEC0  }
0xbb: {  	_ =	swait.ge [sflag:s31], $0x140  }
0xbc: {  	[sflag:s31] =	ssyncset.done $0x0  }
0xbd: {  	[sflag:s31] =	ssyncadd.s32 $0xFFFFFEC0  }
0xbe: {  	_ =	swait.ge [sflag:s31], $0x140  }
0xbf: {  	[sflag:s31] =	ssyncset.done $0x0  }
0xc0: {  	[sflag:s31] =	ssyncadd.s32 $0xFFFFFEC0  }
0xc1: {  	_ =	swait.ge [sflag:s31], $0x140  }
0xc2: {  	[sflag:s31] =	ssyncset.done $0x0  }
0xc3: {  	[sflag:s31] =	ssyncadd.s32 $0xFFFFFEC0  }
0xc4: {  	_ =	swait.ge [sflag:s31], $0x140  }
0xc5: {  	[sflag:s31] =	ssyncset.done $0x0  }
0xc6: {  	[sflag:s31] =	ssyncadd.s32 $0xFFFFFEC0  }
0xc7: {  	_ =	swait.ge [sflag:s31], $0x140  }
0xc8: {  	[sflag:s31] =	ssyncset.done $0x0  }
0xc9: {  	[sflag:s31] =	ssyncadd.s32 $0xFFFFFEC0  }
0xca: {  	_ =	swait.ge [sflag:s31], $0x140  }
0xcb: {  	[sflag:s31] =	ssyncset.done $0x0  }
0xcc: {  	[sflag:s31] =	ssyncadd.s32 $0xFFFFFEC0  }
0xcd: {  	_ =	swait.ge [sflag:s31], $0x140  }
0xce: {  	[sflag:s31] =	ssyncset.done $0x0  }
0xcf: {  	[sflag:s31] =	ssyncadd.s32 $0xFFFFFEC0  }
0xd0: {  	_ =	swait.ge [sflag:s31], $0x140  }
0xd1: {  	[sflag:s31] =	ssyncset.done $0x0  }
0xd2: {  	[sflag:s31] =	ssyncadd.s32 $0xFFFFFEC0  }
0xd3: {  	_ =	swait.ge [sflag:s31], $0x140  }
0xd4: {  	[sflag:s31] =	ssyncset.done $0x0  }
0xd5: {  	[sflag:s31] =	ssyncadd.s32 $0xFFFFFEC0  }
0xd6: {  	_ =	swait.ge [sflag:s31], $0x140  }
0xd7: {  	[sflag:s31] =	ssyncset.done $0x0  }
0xd8: {  	[sflag:s31] =	ssyncadd.s32 $0xFFFFFEC0  }
0xd9: {  	_ =	swait.ge [sflag:s31], $0x140  }
0xda: {  	[sflag:s31] =	ssyncset.done $0x0  }
0xdb: {  	[sflag:s31] =	ssyncadd.s32 $0xFFFFFEC0  }
0xdc: {  	_ =	swait.ge [sflag:s31], $0x140  }
0xdd: {  	[sflag:s31] =	ssyncset.done $0x0  }
0xde: {  	[sflag:s31] =	ssyncadd.s32 $0xFFFFFEC0  }
0xdf: {  	_ =	swait.ge [sflag:s31], $0x140  }
0xe0: {  	[sflag:s31] =	ssyncset.done $0x0  }
0xe1: {  	[sflag:s31] =	ssyncadd.s32 $0xFFFFFEC0  }
0xe2: {  	_ =	swait.ge [sflag:s31], $0x140  }
0xe3: {  	[sflag:s31] =	ssyncset.done $0x0  }
0xe4: {  	[sflag:s31] =	ssyncadd.s32 $0xFFFFFEC0  }
0xe5: {  	_ =	swait.ge [sflag:s31], $0x140  }
0xe6: {  	[sflag:s31] =	ssyncset.done $0x0  }
0xe7: {  	[sflag:s31] =	ssyncadd.s32 $0xFFFFFEC0  }
0xe8: {  	_ =	swait.ge [sflag:s31], $0x140  }
0xe9: {  	[sflag:s31] =	ssyncset.done $0x0  }
0xea: {  	[sflag:s31] =	ssyncadd.s32 $0xFFFFFEC0  }
0xeb: {  	_ =	swait.ge [sflag:s31], $0x140  }
0xec: {  	[sflag:s31] =	ssyncset.done $0x0  }
0xed: {  	[sflag:s31] =	ssyncadd.s32 $0xFFFFFEC0  }
0xee: {  	_ =	swait.ge [sflag:s31], $0x140  }
0xef: {  	[sflag:s31] =	ssyncset.done $0x0  }
0xf0: {  	[sflag:s31] =	ssyncadd.s32 $0xFFFFFEC0  }
0xf1: {  	_ =	swait.ge [sflag:s31], $0x140  }
0xf2: {  	[sflag:s31] =	ssyncset.done $0x0  }
0xf3: {  	[sflag:s31] =	ssyncadd.s32 $0xFFFFFEC0  }
0xf4: {  	_ =	swait.ge [sflag:s31], $0x140  }
0xf5: {  	[sflag:s31] =	ssyncset.done $0x0  }
0xf6: {  	[sflag:s31] =	ssyncadd.s32 $0xFFFFFEC0  }
0xf7: {  	_ =	swait.ge [sflag:s31], $0x140  }
0xf8: {  	[sflag:s31] =	ssyncset.done $0x0  }
0xf9: {  	[sflag:s31] =	ssyncadd.s32 $0xFFFFFEC0  }
0xfa: {  	_ =	swait.ge [sflag:s31], $0x140  }
0xfb: {  	[sflag:s31] =	ssyncset.done $0x0  }
0xfc: {  	[sflag:s31] =	ssyncadd.s32 $0xFFFFFEC0  }
0xfd: {  	_ =	swait.ge [sflag:s31], $0x140  }
0xfe: {  	[sflag:s31] =	ssyncset.done $0x0  }
0xff: {  	[sflag:s31] =	ssyncadd.s32 $0xFFFFFEC0  }
0x100: {  	_ =	swait.ge [sflag:s31], $0x140  }
0x101: {  	[sflag:s31] =	ssyncset.done $0x0  }
0x102: {  	[sflag:s31] =	ssyncadd.s32 $0xFFFFFEC0  }
0x103: {  	_ =	swait.ge [sflag:s31], $0x140  }
0x104: {  	[sflag:s31] =	ssyncset.done $0x0  }
0x105: {  	[sflag:s31] =	ssyncadd.s32 $0xFFFFFEC0  }
0x106: {  	_ =	swait.ge [sflag:s31], $0x140  }
0x107: {  	[sflag:s31] =	ssyncset.done $0x0  }
0x108: {  	[sflag:s31] =	ssyncadd.s32 $0xFFFFFEC0  }
0x109: {  	v0 =	vld [tilespmem:s26+$0xFFFFEC00]  }
0x10a: {  	s10 =	sand.u32 $0x1F0, s3;
	v1 =	vld [tilespmem:s26+$0xFFFFEAC0]  }
0x10b: {  	v2 =	vld [tilespmem:s10+$0x280]  }
0x10c: {  	v3 =	vld [tilespmem:s26+$0xFFFFEE80]  }
0x10d: {  	v4 =	vld [tilespmem:s10+$0x500]  }
0x10e: {  	v5 =	vld [tilespmem:s26+$0xFFFFF100]  }
0x10f: {  	v6 =	vld [tilespmem:s10+$0x780];
	v0 =	vadd.s32 v1, v0  }
0x110: {  	v1 =	vld [tilespmem:s26+$0xFFFFF380];
	v0 =	vadd.s32 v2, v0  }
0x111: {  	v2 =	vld [tilespmem:s10+$0xA00];
	v0 =	vadd.s32 v3, v0  }
0x112: {  	v3 =	vld [tilespmem:s26+$0xFFFFF600];
	v0 =	vadd.s32 v4, v0  }
0x113: {  	v52 =	vld [tilespmem:s10+$0xC80];
	v0 =	vadd.s32 v5, v0  }
0x114: {  	v53 =	vld [tilespmem:s26+$0xFFFFF880];
	v0 =	vadd.s32 v6, v0  }
0x115: {  	v54 =	vld [tilespmem:s10+$0xF00];
	v0 =	vadd.s32 v1, v0  }
0x116: {  	v1 =	vld [tilespmem:s26+$0xFFFFFB00];
	v0 =	vadd.s32 v2, v0  }
0x117: {  	v2 =	vld [tilespmem:s10+$0x1180];
	v0 =	vadd.s32 v3, v0  }
0x118: {  	v3 =	vld [tilespmem:s26+$0xFFFFFD80];
	v0 =	vadd.s32 v52, v0  }
0x119: {  	v55 =	vld [tilespmem:s10+$0x1400];
	v0 =	vadd.s32 v53, v0  }
0x11a: {  	v56 =	vld [tilespmem:s26+$0x0];
	v0 =	vadd.s32 v54, v0  }
0x11b: {  	v57 =	vld [tilespmem:s10+$0x1680];
	v0 =	vadd.s32 v1, v0  }
0x11c: {  	v1 =	vld [tilespmem:s26+$0x280];
	v0 =	vadd.s32 v2, v0  }
0x11d: {  	v2 =	vld [tilespmem:s10+$0x1900];
	v0 =	vadd.s32 v3, v0  }
0x11e: {  	v3 =	vld [tilespmem:s26+$0x500];
	v0 =	vadd.s32 v55, v0  }
0x11f: {  	v58 =	vld [tilespmem:s10+$0x1B80];
	v0 =	vadd.s32 v56, v0  }
0x120: {  	v59 =	vld [tilespmem:s26+$0x780];
	v0 =	vadd.s32 v57, v0  }
0x121: {  	v60 =	vld [tilespmem:s10+$0x1E00];
	v0 =	vadd.s32 v1, v0  }
0x122: {  	v1 =	vld [tilespmem:s26+$0xA00];
	v0 =	vadd.s32 v2, v0  }
0x123: {  	v2 =	vld [tilespmem:s10+$0x2080];
	v0 =	vadd.s32 v3, v0  }
0x124: {  	v3 =	vld [tilespmem:s26+$0xC80];
	v0 =	vadd.s32 v58, v0  }
0x125: {  	v61 =	vld [tilespmem:s10+$0x2300];
	v0 =	vadd.s32 v59, v0  }
0x126: {  	v62 =	vld [tilespmem:s26+$0xF00];
	v0 =	vadd.s32 v60, v0  }
0x127: {  	v63 =	vld [tilespmem:s10+$0x2580];
	v0 =	vadd.s32 v1, v0  }
0x128: {  	v1 =	vld [tilespmem:s26+$0x1180];
	v0 =	vadd.s32 v2, v0  }
0x129: {  	v0 =	vadd.s32 v3, v0  }
0x12a: {  	v0 =	vadd.s32 v61, v0  }
0x12b: {  	v0 =	vadd.s32 v62, v0  }
0x12c: {  	v0 =	vadd.s32 v63, v0  }
0x12d: {  	v0 =	vadd.s32 v1, v0  }
0x12e: {  	vm0 =	vlt.s32 v0, $0x1FF  }
0x12f: {  	v0 =	vnsel vm0, $0x1FF, v0  }
0x130: {  	s9 =	simm.s32 $0x1550;
	[tilespmem:s17+$0x0] =	vst v0  }
0x131: {  	s11 =	simm.s32 $0x10;
	v0 =	vld [tilespmem:s9+$0xFFFFEC00]  }
0x132: {  	s8 =	simm.s32 $0x2800;
	s10 =	sand.u32 $0x1F0, s11;
	s11 =	simm.s32 $0x20;
	v1 =	vld [tilespmem:s9+$0xFFFFEAC0]  }
.LBB2_2:
0x133: {  	p1 =	sne.s32 s11, $0x130;
	v2 =	vld [tilespmem:s10+$0x280]  }
0x134: {  	v3 =	vld [tilespmem:s9+$0xFFFFEE80]  }
0x135: {  	v4 =	vld [tilespmem:s10+$0x500]  }
0x136: {  	v5 =	vld [tilespmem:s9+$0xFFFFF100]  }
0x137: {  	v6 =	vld [tilespmem:s10+$0x780];
	v0 =	vadd.s32 v1, v0  }
0x138: {  	v1 =	vld [tilespmem:s9+$0xFFFFF380];
	v0 =	vadd.s32 v2, v0  }
0x139: {  	v2 =	vld [tilespmem:s10+$0xA00];
	v0 =	vadd.s32 v3, v0  }
0x13a: {  	v3 =	vld [tilespmem:s9+$0xFFFFF600];
	v0 =	vadd.s32 v4, v0  }
0x13b: {  	v4 =	vld [tilespmem:s10+$0xC80];
	v0 =	vadd.s32 v5, v0  }
0x13c: {  	v5 =	vld [tilespmem:s9+$0xFFFFF880];
	v0 =	vadd.s32 v6, v0  }
0x13d: {  	v6 =	vld [tilespmem:s10+$0xF00];
	v0 =	vadd.s32 v1, v0  }
0x13e: {  	v1 =	vld [tilespmem:s9+$0xFFFFFB00];
	v0 =	vadd.s32 v2, v0  }
0x13f: {  	v2 =	vld [tilespmem:s10+$0x1180];
	v0 =	vadd.s32 v3, v0  }
0x140: {  	v3 =	vld [tilespmem:s9+$0xFFFFFD80];
	v0 =	vadd.s32 v4, v0  }
0x141: {  	v4 =	vld [tilespmem:s10+$0x1400];
	v0 =	vadd.s32 v5, v0  }
0x142: {  	v5 =	vld [tilespmem:s9+$0x0];
	v0 =	vadd.s32 v6, v0  }
0x143: {  	v6 =	vld [tilespmem:s10+$0x1680];
	v0 =	vadd.s32 v1, v0  }
0x144: {  	v1 =	vld [tilespmem:s9+$0x280];
	v0 =	vadd.s32 v2, v0  }
0x145: {  	v2 =	vld [tilespmem:s10+$0x1900];
	v0 =	vadd.s32 v3, v0  }
0x146: {  	v3 =	vld [tilespmem:s9+$0x500];
	v0 =	vadd.s32 v4, v0  }
0x147: {  	v4 =	vld [tilespmem:s10+$0x1B80];
	v0 =	vadd.s32 v5, v0  }
0x148: {  	v5 =	vld [tilespmem:s9+$0x780];
	v0 =	vadd.s32 v6, v0  }
0x149: {  	v6 =	vld [tilespmem:s10+$0x1E00];
	v0 =	vadd.s32 v1, v0  }
0x14a: {  	v1 =	vld [tilespmem:s9+$0xA00];
	v0 =	vadd.s32 v2, v0  }
0x14b: {  	v2 =	vld [tilespmem:s10+$0x2080];
	v0 =	vadd.s32 v3, v0  }
0x14c: {  	v3 =	vld [tilespmem:s9+$0xC80];
	v0 =	vadd.s32 v4, v0  }
0x14d: {  	v4 =	vld [tilespmem:s10+$0x2300];
	v0 =	vadd.s32 v5, v0  }
0x14e: {  	v5 =	vld [tilespmem:s9+$0xF00];
	v0 =	vadd.s32 v6, v0  }
0x14f: {  	v6 =	vld [tilespmem:s10+$0x2580];
	v0 =	vadd.s32 v1, v0  }
0x150: {  	v1 =	vld [tilespmem:s9+$0x1180];
	v0 =	vadd.s32 v2, v0  }
0x151: {  	v0 =	vadd.s32 v3, v0  }
0x152: {  	v0 =	vadd.s32 v4, v0  }
0x153: {  	v0 =	vadd.s32 v5, v0  }
0x154: {  	v0 =	vadd.s32 v6, v0  }
0x155: {  	v0 =	vadd.s32 v1, v0  }
.Ltmp2:
0x156: {  	vm0 =	vlt.s32 v0, $0x1FF;
	(pc) =	sbr.rel @p1 .LBB2_2-.Ltmp2, $4  }
0x157: {  	s8 =	sadd.s32 $0x10, s8;
	v0 =	vnsel vm0, $0x1FF, v0  }
0x158: {  	s9 =	sadd.s32 $0x10, s9;
	[tilespmem:s8+$0x0] =	vst v0  }
0x159: {  	v0 =	vld [tilespmem:s9+$0xFFFFEC00]  }
0x15a: {  	s10 =	sand.u32 $0x1F0, s11;
	s11 =	sadd.s32 $0x10, s11;
	v1 =	vld [tilespmem:s9+$0xFFFFEAC0]  }
0x15b: {  	v2 =	vld [tilespmem:s10+$0x280]  }
0x15c: {  	v3 =	vld [tilespmem:s9+$0xFFFFEE80]  }
0x15d: {  	v4 =	vld [tilespmem:s10+$0x500]  }
0x15e: {  	v5 =	vld [tilespmem:s9+$0xFFFFF100]  }
0x15f: {  	v6 =	vld [tilespmem:s10+$0x780];
	v0 =	vadd.s32 v1, v0  }
0x160: {  	v39 =	vld [tilespmem:s9+$0xFFFFF380];
	v0 =	vadd.s32 v2, v0  }
0x161: {  	v40 =	vld [tilespmem:s10+$0xA00];
	v0 =	vadd.s32 v3, v0  }
0x162: {  	v41 =	vld [tilespmem:s9+$0xFFFFF600];
	v0 =	vadd.s32 v4, v0  }
0x163: {  	v42 =	vld [tilespmem:s10+$0xC80];
	v0 =	vadd.s32 v5, v0  }
0x164: {  	v43 =	vld [tilespmem:s9+$0xFFFFF880];
	v0 =	vadd.s32 v6, v0  }
0x165: {  	v44 =	vld [tilespmem:s10+$0xF00];
	v0 =	vadd.s32 v39, v0  }
0x166: {  	v45 =	vld [tilespmem:s9+$0xFFFFFB00];
	v0 =	vadd.s32 v40, v0  }
0x167: {  	v46 =	vld [tilespmem:s10+$0x1180];
	v0 =	vadd.s32 v41, v0  }
0x168: {  	v47 =	vld [tilespmem:s9+$0xFFFFFD80];
	v0 =	vadd.s32 v42, v0  }
0x169: {  	v48 =	vld [tilespmem:s10+$0x1400];
	v0 =	vadd.s32 v43, v0  }
0x16a: {  	v49 =	vld [tilespmem:s9+$0x0];
	v0 =	vadd.s32 v44, v0  }
0x16b: {  	v50 =	vld [tilespmem:s10+$0x1680];
	v0 =	vadd.s32 v45, v0  }
0x16c: {  	v51 =	vld [tilespmem:s9+$0x280];
	v0 =	vadd.s32 v46, v0  }
0x16d: {  	v52 =	vld [tilespmem:s10+$0x1900];
	v0 =	vadd.s32 v47, v0  }
0x16e: {  	v53 =	vld [tilespmem:s9+$0x500];
	v0 =	vadd.s32 v48, v0  }
0x16f: {  	v54 =	vld [tilespmem:s10+$0x1B80];
	v0 =	vadd.s32 v49, v0  }
0x170: {  	v55 =	vld [tilespmem:s9+$0x780];
	v0 =	vadd.s32 v50, v0  }
0x171: {  	v56 =	vld [tilespmem:s10+$0x1E00];
	v0 =	vadd.s32 v51, v0  }
0x172: {  	v57 =	vld [tilespmem:s9+$0xA00];
	v0 =	vadd.s32 v52, v0  }
0x173: {  	v58 =	vld [tilespmem:s10+$0x2080];
	v0 =	vadd.s32 v53, v0  }
0x174: {  	v59 =	vld [tilespmem:s9+$0xC80];
	v0 =	vadd.s32 v54, v0  }
0x175: {  	v60 =	vld [tilespmem:s10+$0x2300];
	v0 =	vadd.s32 v55, v0  }
0x176: {  	v61 =	vld [tilespmem:s9+$0xF00];
	v0 =	vadd.s32 v56, v0  }
0x177: {  	v62 =	vld [tilespmem:s10+$0x2580];
	v0 =	vadd.s32 v57, v0  }
0x178: {  	v63 =	vld [tilespmem:s9+$0x1180];
	v0 =	vadd.s32 v58, v0  }
0x179: {  	v0 =	vadd.s32 v59, v0  }
0x17a: {  	v0 =	vadd.s32 v60, v0  }
0x17b: {  	v0 =	vadd.s32 v61, v0  }
0x17c: {  	v0 =	vadd.s32 v62, v0  }
0x17d: {  	v0 =	vadd.s32 v63, v0  }
0x17e: {  	vm0 =	vlt.s32 v0, $0x1FF  }
0x17f: {  	s8 =	sadd.s32 $0x10, s8;
	v0 =	vnsel vm0, $0x1FF, v0  }
0x180: {  	[tilespmem:s8+$0x0] =	vst v0  }
0x181: {  	[bflag:$0x0] =	sbarrier.arrive $0xFFFF  }
0x182: {  	_ =	swait.ge [sflag:s0], $0x1400  }
0x183: {  	[sflag:s0] =	ssyncset.done $0x0  }
0x184: {  	[sflag:s0] =	ssyncadd.s32 $0xFFFFEC00  }
0x185: {  	[tilespmem:s28], [sflag:$0x3] =	stream.indirect.gather.add.f32 [spmem:s2], $0x80, s17, s16, $0xb8;
	[tilespmem:$0xD980] =	vst v63  }
0x186: {  	_ =	swait.ge [sflag:s18], $0x1400  }
0x187: {  	[sflag:s18] =	ssyncset.done $0x0  }
0x188: {  	s10 =	simm.s32 $0x2828;
	[sflag:s18] =	ssyncadd.s32 $0xFFFFEC00  }
0x189: {  	[tilespmem:s29], [sflag:$0x4] =	stream.indirect.gather.add.f32 [spmem:s2], $0x80, s10, s16, $0xb8;
	[tilespmem:$0xD980] =	vst v63  }
.Ltmp3:
0x18a: {  	_ = 	snop;
	(pc) =	sbr.rel @p0 .LBB2_5-.Ltmp3, $4  }
0x18b: {  	_ =	swait.ge [sflag:s0], $0x1400  }
0x18c: {  	[sflag:s0] =	ssyncset.done $0x0  }
0x18d: {  	s11 =	rddreg [dreg:$0xf];
	[sflag:s0] =	ssyncadd.s32 $0xFFFFEC00  }
0x18e: {  	[hbm4b:s11+s3] =	stream.linear.scatter [tilespmem:s28], [sflag:$0x2], $0x1400, $0x38;
	[tilespmem:$0xD980] =	vst v63  }
0x18f: {  	_ =	swait.ge [sflag:s20], $0x1400  }
0x190: {  	[sflag:s20] =	ssyncset.done $0x0  }
0x191: {  	s8 =	simm.s32 $0x2850;
	s9 =	simm.s32 $0x5180;
	[sflag:s20] =	ssyncadd.s32 $0xFFFFEC00  }
0x192: {  	[tilespmem:s9], [sflag:$0x5] =	stream.indirect.gather.add.f32 [spmem:s2], $0x80, s8, s16, $0xb8;
	[tilespmem:$0xD980] =	vst v63  }
0x193: {  	_ =	swait.ge [sflag:s18], $0x1400  }
0x194: {  	[sflag:s18] =	ssyncset.done $0x0  }
0x195: {  	s10 =	rddreg [dreg:$0x10];
	[sflag:s18] =	ssyncadd.s32 $0xFFFFEC00  }
0x196: {  	[hbm4b:s10+s3] =	stream.linear.scatter [tilespmem:s29], [sflag:$0x2], $0x1400, $0x38;
	[tilespmem:$0xD980] =	vst v63  }
0x197: {  	_ =	swait.ge [sflag:s21], $0x1400  }
0x198: {  	[sflag:s21] =	ssyncset.done $0x0  }
0x199: {  	s11 =	simm.s32 $0x2878;
	s10 =	simm.s32 $0x6580;
	[sflag:s21] =	ssyncadd.s32 $0xFFFFEC00  }
0x19a: {  	[tilespmem:s10], [sflag:$0x6] =	stream.indirect.gather.add.f32 [spmem:s2], $0x80, s11, s16, $0xb8;
	[tilespmem:$0xD980] =	vst v63  }
0x19b: {  	_ =	swait.ge [sflag:s20], $0x1400  }
0x19c: {  	[sflag:s20] =	ssyncset.done $0x0  }
0x19d: {  	s11 =	rddreg [dreg:$0x11];
	[sflag:s20] =	ssyncadd.s32 $0xFFFFEC00  }
0x19e: {  	[hbm4b:s11+s3] =	stream.linear.scatter [tilespmem:s9], [sflag:$0x2], $0x1400, $0x38;
	[tilespmem:$0xD980] =	vst v63  }
0x19f: {  	_ =	swait.ge [sflag:s1], $0x1400  }
0x1a0: {  	[sflag:s1] =	ssyncset.done $0x0  }
0x1a1: {  	s11 =	simm.s32 $0x28A0;
	s9 =	simm.s32 $0x7980;
	[sflag:s1] =	ssyncadd.s32 $0xFFFFEC00  }
0x1a2: {  	[tilespmem:s9], [sflag:$0x7] =	stream.indirect.gather.add.f32 [spmem:s2], $0x80, s11, s16, $0xb8;
	[tilespmem:$0xD980] =	vst v63  }
0x1a3: {  	_ =	swait.ge [sflag:s21], $0x1400  }
0x1a4: {  	[sflag:s21] =	ssyncset.done $0x0  }
0x1a5: {  	s11 =	rddreg [dreg:$0x12];
	[sflag:s21] =	ssyncadd.s32 $0xFFFFEC00  }
0x1a6: {  	[hbm4b:s11+s3] =	stream.linear.scatter [tilespmem:s10], [sflag:$0x2], $0x1400, $0x38;
	[tilespmem:$0xD980] =	vst v63  }
0x1a7: {  	_ =	swait.ge [sflag:s4], $0x1400  }
0x1a8: {  	[sflag:s4] =	ssyncset.done $0x0  }
0x1a9: {  	s11 =	simm.s32 $0x28C8;
	s10 =	simm.s32 $0x8D80;
	[sflag:s4] =	ssyncadd.s32 $0xFFFFEC00  }
0x1aa: {  	[tilespmem:s10], [sflag:$0x8] =	stream.indirect.gather.add.f32 [spmem:s2], $0x80, s11, s16, $0xb8;
	[tilespmem:$0xD980] =	vst v63  }
0x1ab: {  	_ =	swait.ge [sflag:s1], $0x1400  }
0x1ac: {  	[sflag:s1] =	ssyncset.done $0x0  }
0x1ad: {  	s11 =	rddreg [dreg:$0x13];
	[sflag:s1] =	ssyncadd.s32 $0xFFFFEC00  }
0x1ae: {  	[hbm4b:s11+s3] =	stream.linear.scatter [tilespmem:s9], [sflag:$0x2], $0x1400, $0x38;
	[tilespmem:$0xD980] =	vst v63  }
0x1af: {  	_ =	swait.ge [sflag:s5], $0x1400  }
0x1b0: {  	[sflag:s5] =	ssyncset.done $0x0  }
0x1b1: {  	s11 =	simm.s32 $0x28F0;
	s9 =	simm.s32 $0xA180;
	[sflag:s5] =	ssyncadd.s32 $0xFFFFEC00  }
0x1b2: {  	[tilespmem:s9], [sflag:$0x9] =	stream.indirect.gather.add.f32 [spmem:s2], $0x80, s11, s16, $0xb8;
	[tilespmem:$0xD980] =	vst v63  }
0x1b3: {  	_ =	swait.ge [sflag:s4], $0x1400  }
0x1b4: {  	[sflag:s4] =	ssyncset.done $0x0  }
0x1b5: {  	s11 =	rddreg [dreg:$0x14];
	[sflag:s4] =	ssyncadd.s32 $0xFFFFEC00  }
0x1b6: {  	[hbm4b:s11+s3] =	stream.linear.scatter [tilespmem:s10], [sflag:$0x2], $0x1400, $0x38;
	[tilespmem:$0xD980] =	vst v63  }
0x1b7: {  	_ =	swait.ge [sflag:s6], $0x1400  }
0x1b8: {  	[sflag:s6] =	ssyncset.done $0x0  }
0x1b9: {  	s11 =	simm.s32 $0x2918;
	s10 =	simm.s32 $0xB580;
	[sflag:s6] =	ssyncadd.s32 $0xFFFFEC00  }
0x1ba: {  	[tilespmem:s10], [sflag:$0xA] =	stream.indirect.gather.add.f32 [spmem:s2], $0x80, s11, s16, $0xb8;
	[tilespmem:$0xD980] =	vst v63  }
0x1bb: {  	_ =	swait.ge [sflag:s5], $0x1400  }
0x1bc: {  	[sflag:s5] =	ssyncset.done $0x0  }
0x1bd: {  	s11 =	rddreg [dreg:$0x15];
	[sflag:s5] =	ssyncadd.s32 $0xFFFFEC00  }
0x1be: {  	[hbm4b:s11+s3] =	stream.linear.scatter [tilespmem:s9], [sflag:$0x2], $0x1400, $0x38;
	[tilespmem:$0xD980] =	vst v63  }
0x1bf: {  	_ =	swait.ge [sflag:s6], $0x1400  }
0x1c0: {  	[sflag:s6] =	ssyncset.done $0x0  }
0x1c1: {  	s11 =	rddreg [dreg:$0x16];
	[sflag:s6] =	ssyncadd.s32 $0xFFFFEC00  }
0x1c2: {  	[hbm4b:s11+s3] =	stream.linear.scatter [tilespmem:s10], [sflag:$0x2], $0x1400, $0x38;
	[tilespmem:$0xD980] =	vst v63  }
0x1c3: {  	_ =	swait.ge [sflag:s19], $0x1400  }
0x1c4: {  	[sflag:s19] =	ssyncset.done $0x0  }
0x1c5: {  	[sflag:s19] =	ssyncadd.s32 $0xFFFFEC00  }
0x1c6: {  	_ =	swait.ge [sflag:s19], $0x1400  }
0x1c7: {  	[sflag:s19] =	ssyncset.done $0x0  }
0x1c8: {  	[sflag:s19] =	ssyncadd.s32 $0xFFFFEC00  }
0x1c9: {  	_ =	swait.ge [sflag:s19], $0x1400  }
0x1ca: {  	[sflag:s19] =	ssyncset.done $0x0  }
0x1cb: {  	[sflag:s19] =	ssyncadd.s32 $0xFFFFEC00  }
0x1cc: {  	_ =	swait.ge [sflag:s19], $0x1400  }
0x1cd: {  	[sflag:s19] =	ssyncset.done $0x0  }
0x1ce: {  	[sflag:s19] =	ssyncadd.s32 $0xFFFFEC00  }
0x1cf: {  	_ =	swait.ge [sflag:s19], $0x1400  }
.Ltmp4:
0x1d0: {  	[sflag:s19] =	ssyncset.done $0x0;
	(pc) =	sbr.rel .LBB2_6-.Ltmp4, $4  }
0x1d1: {  	[sflag:s19] =	ssyncadd.s32 $0xFFFFEC00  }
0x1d2: {  	_ =	swait.ge [sflag:s19], $0x1400  }
0x1d3: {  	[sflag:s19] =	ssyncset.done $0x0  }
0x1d4: {  	[sflag:s19] =	ssyncadd.s32 $0xFFFFEC00  }
.LBB2_7:
0x1d5: {  	_ =	sfence.sel $0x180000  }
0x1d6: {  	[bflag:$0x0] =	sbarrier.arrive $0xFFFF  }
0x1d7: {  	_ =	strace $0x9000004A  }
0x1d8: {  	s0 =	stileid.u32;
	[bflag:$0x2] =	sbarrier.arrive $0xFFFF  }
0x1d9: {  	p0 =	sne.s32 s0, $0x0;
	s0 =	rddreg [dreg:$0x4]  }
0x1da: {  	s0 =	sadd.s32 @!p0 $0x100000, s0  }
0x1db: {  	[sflag:s0] =	ssyncadd.tile.s32 @!p0 $0x1;
	_ =	shalt  }
.Lfunc_end2:
_tile_overlayer_lowered:
.L_overlay_start_2:
0x1dc: {  	(tag) =	ssettag $0x2  }
0x1dd: {  	s0 =	rddreg [dreg:$0x0];
	s2 =	stileid.u32  }
0x1de: {  	s1 =	rddreg [dreg:$0x1];
	p0 =	sne.s32 s2, $0x0  }
0x1df: {  	s3 =	rddreg [dreg:$0x2];
	[bflag:$0x3] =	sbarrier.arrive $0xFFFF;
	s2 =	simm.s32 @!p0 $0x1C0B  }
0x1e0: {  	[timem:s3], [sflag:s2] =	dma.local @!p0 [hbm:s0], s1  }
0x1e1: {  	s0 =	simm.s32 @!p0 $0xB  }
0x1e2: {  	_ =	swait.ge @!p0 [sflag:s0], s1  }
0x1e3: {  	s1 =	ssub.s32 @!p0 $0x0, s1;
	[sflag:s0] =	ssyncset.done @!p0 $0x0  }
0x1e4: {  	[sflag:s0] =	ssyncadd.s32 @!p0 s1  }
0x1e5: {  	[bflag:$0x3] =	sbarrier.arrive $0xFFFF  }
0x1e6: {  	_ =	shalt  }

</sc_bundles>
